<compile_context>
chip_gen: v7x
topology: tpu7x:2x2x1
jax: 0.10.2.dev20260603
libtpu: 0.0.44.dev20260713+nightly
codegen_flags: <defaults>
</compile_context>

<pallas_src>
import functools

import jax
import jax.numpy as jnp
from jax import lax
from jax.experimental import pallas as pl
from jax.experimental.pallas import tpu as pltpu
from jax.experimental.pallas import tpu_sc as plsc

N = 100000
E = 6400000
NTILES = 16
NCORES = 2
NPAD = 100352
SLICE = NPAD // NTILES
R = NPAD // 128
CH = 2048
NCH = E // CH
CORE0 = (NCH + 1) // 2


def _chunk_range(cid, sid):
    per = jnp.where(cid == 0, CORE0, NCH - CORE0)
    base = cid * CORE0
    b = per // NTILES
    ex = per - b * NTILES
    start = base + sid * b + jnp.minimum(sid, ex)
    n = jnp.where(sid < ex, b + 1, b)
    return start, n


_SC_MESH = plsc.VectorSubcoreMesh(core_axis_name="c", subcore_axis_name="s")
_SC_PARAMS = pltpu.CompilerParams(use_tc_tiling_on_sc=False)


@functools.partial(
    pl.kernel,
    out_type=jax.ShapeDtypeStruct((NCORES, NPAD), jnp.float32),
    mesh=_SC_MESH,
    compiler_params=_SC_PARAMS,
    scratch_types=[
        pltpu.VMEM((CH,), jnp.int32),
        pltpu.VMEM((CH,), jnp.int32),
        pltpu.VMEM((CH,), jnp.int32),
        pltpu.VMEM((CH,), jnp.float32),
        pltpu.VMEM_SHARED((NPAD,), jnp.float32),
        pltpu.SemaphoreType.DMA,
        pltpu.SemaphoreType.DMA,
        pltpu.SemaphoreType.DMA,
        pltpu.SemaphoreType.DMA,
        pltpu.SemaphoreType.DMA,
        pltpu.SemaphoreType.DMA,
    ],
)
def _deg_pass(ei_h, zero_h, out_h, di0, di1, di2, ones_v, acc_s,
              semi0, semi1, semi2, sems0, sems1, sems2):
    didx = [di0, di1, di2]
    semi = [semi0, semi1, semi2]
    sems = [sems0, sems1, sems2]
    cid = lax.axis_index("c")
    sid = lax.axis_index("s")
    for i in range(CH // 16):
        ones_v[pl.ds(i * 16, 16)] = jnp.ones((16,), jnp.float32)
    sl = pl.ds(sid * SLICE, SLICE)
    pltpu.sync_copy(zero_h.at[sl], acc_s.at[sl])
    plsc.subcore_barrier()
    start, n = _chunk_range(cid, sid)

    def issue_idx(i, k):
        pltpu.async_copy(ei_h.at[1, pl.ds((start + i) * CH, CH)], didx[k], semi[k])

    issue_idx(0, 0)

    def body(g, carry):
        for k in range(3):
            i = g * 3 + k
            k2 = (k + 1) % 3

            @pl.when(i < n)
            def _(i=i, k=k, k2=k2):
                @pl.when(i >= 2)
                def _():
                    pltpu.make_async_copy(ones_v, acc_s.at[didx[k2]], sems[k2]).wait()

                @pl.when(i + 1 < n)
                def _():
                    issue_idx(i + 1, k2)

                pltpu.make_async_copy(ei_h.at[1, pl.ds(0, CH)], didx[k], semi[k]).wait()
                pltpu.async_copy(ones_v, acc_s.at[didx[k]], sems[k], add=True)

        return carry

    lax.fori_loop(0, (n + 2) // 3, body, 0)
    nm = n % 3
    for k in range(3):
        @pl.when(nm != k)
        def _(k=k):
            pltpu.make_async_copy(ones_v, acc_s.at[didx[k]], sems[k]).wait()
    plsc.subcore_barrier()
    pltpu.sync_copy(acc_s.at[sl], out_h.at[cid, sl])


@functools.partial(
    pl.kernel,
    out_type=jax.ShapeDtypeStruct((NCORES, NPAD), jnp.float32),
    mesh=_SC_MESH,
    compiler_params=_SC_PARAMS,
    scratch_types=[
        pltpu.VMEM((CH,), jnp.int32),
        pltpu.VMEM((CH,), jnp.int32),
        pltpu.VMEM((CH,), jnp.int32),
        pltpu.VMEM((CH,), jnp.int32),
        pltpu.VMEM((CH,), jnp.int32),
        pltpu.VMEM((CH,), jnp.int32),
        pltpu.VMEM((CH,), jnp.float32),
        pltpu.VMEM((CH,), jnp.float32),
        pltpu.VMEM((CH,), jnp.float32),
        pltpu.VMEM_SHARED((NPAD,), jnp.float32),
        pltpu.VMEM_SHARED((NPAD,), jnp.float32),
        pltpu.SemaphoreType.DMA,
        pltpu.SemaphoreType.DMA,
        pltpu.SemaphoreType.DMA,
        pltpu.SemaphoreType.DMA,
        pltpu.SemaphoreType.DMA,
        pltpu.SemaphoreType.DMA,
    ],
)
def _agg1_pass(ei_h, u_h, zero_h, out_h,
               si0, si1, si2, di0, di1, di2, va0, va1, va2, u_s, acc_s,
               semi0, semi1, semi2, sems0, sems1, sems2):
    sidx = [si0, si1, si2]
    didx = [di0, di1, di2]
    vals = [va0, va1, va2]
    semi = [semi0, semi1, semi2]
    sems = [sems0, sems1, sems2]
    cid = lax.axis_index("c")
    sid = lax.axis_index("s")
    sl = pl.ds(sid * SLICE, SLICE)
    pltpu.sync_copy(u_h.at[sl], u_s.at[sl])
    pltpu.sync_copy(zero_h.at[sl], acc_s.at[sl])
    plsc.subcore_barrier()
    start, n = _chunk_range(cid, sid)

    def issue_idx(i, k):
        off = (start + i) * CH
        pltpu.async_copy(ei_h.at[0, pl.ds(off, CH)], sidx[k], semi[k])
        pltpu.async_copy(ei_h.at[1, pl.ds(off, CH)], didx[k], semi[k])

    issue_idx(0, 0)

    def body(g, carry):
        for k in range(3):
            i = g * 3 + k
            k2 = (k + 1) % 3

            @pl.when(i < n)
            def _(i=i, k=k, k2=k2):
                @pl.when(i >= 2)
                def _():
                    pltpu.make_async_copy(vals[k2], acc_s.at[didx[k2]], sems[k2]).wait()

                @pl.when(i + 1 < n)
                def _():
                    issue_idx(i + 1, k2)

                pltpu.make_async_copy(ei_h.at[0, pl.ds(0, CH)], sidx[k], semi[k]).wait()
                pltpu.make_async_copy(ei_h.at[1, pl.ds(0, CH)], didx[k], semi[k]).wait()
                pltpu.sync_copy(u_s.at[sidx[k]], vals[k])
                pltpu.async_copy(vals[k], acc_s.at[didx[k]], sems[k], add=True)

        return carry

    lax.fori_loop(0, (n + 2) // 3, body, 0)
    nm = n % 3
    for k in range(3):
        @pl.when(nm != k)
        def _(k=k):
            pltpu.make_async_copy(vals[k], acc_s.at[didx[k]], sems[k]).wait()
    plsc.subcore_barrier()
    pltpu.sync_copy(acc_s.at[sl], out_h.at[cid, sl])


@functools.partial(
    pl.kernel,
    out_type=jax.ShapeDtypeStruct((NCORES, 2, NPAD), jnp.float32),
    mesh=_SC_MESH,
    compiler_params=_SC_PARAMS,
    scratch_types=[
        pltpu.VMEM((CH,), jnp.int32),
        pltpu.VMEM((CH,), jnp.int32),
        pltpu.VMEM((CH,), jnp.int32),
        pltpu.VMEM((CH,), jnp.int32),
        pltpu.VMEM((CH,), jnp.int32),
        pltpu.VMEM((CH,), jnp.int32),
        pltpu.VMEM((CH,), jnp.float32),
        pltpu.VMEM((CH,), jnp.float32),
        pltpu.VMEM((CH,), jnp.float32),
        pltpu.VMEM((CH,), jnp.float32),
        pltpu.VMEM((CH,), jnp.float32),
        pltpu.VMEM((CH,), jnp.float32),
        pltpu.VMEM_SHARED((NPAD,), jnp.float32),
        pltpu.VMEM_SHARED((NPAD,), jnp.float32),
        pltpu.VMEM_SHARED((NPAD,), jnp.float32),
        pltpu.VMEM_SHARED((NPAD,), jnp.float32),
        pltpu.SemaphoreType.DMA,
        pltpu.SemaphoreType.DMA,
        pltpu.SemaphoreType.DMA,
        pltpu.SemaphoreType.DMA,
        pltpu.SemaphoreType.DMA,
        pltpu.SemaphoreType.DMA,
        pltpu.SemaphoreType.DMA,
    ],
)
def _agg2_pass(ei_h, v_h, zero_h, out_h,
               si0, si1, si2, di0, di1, di2,
               va00, va01, va02, va10, va11, va12,
               v0_s, v1_s, acc0_s, acc1_s,
               semi0, semi1, semi2, sems0, sems1, sems2, semg):
    sidx = [si0, si1, si2]
    didx = [di0, di1, di2]
    vals0 = [va00, va01, va02]
    vals1 = [va10, va11, va12]
    semi = [semi0, semi1, semi2]
    sems = [sems0, sems1, sems2]
    cid = lax.axis_index("c")
    sid = lax.axis_index("s")
    sl = pl.ds(sid * SLICE, SLICE)
    pltpu.sync_copy(v_h.at[0, sl], v0_s.at[sl])
    pltpu.sync_copy(v_h.at[1, sl], v1_s.at[sl])
    pltpu.sync_copy(zero_h.at[sl], acc0_s.at[sl])
    pltpu.sync_copy(zero_h.at[sl], acc1_s.at[sl])
    plsc.subcore_barrier()
    start, n = _chunk_range(cid, sid)

    def issue_idx(i, k):
        off = (start + i) * CH
        pltpu.async_copy(ei_h.at[0, pl.ds(off, CH)], sidx[k], semi[k])
        pltpu.async_copy(ei_h.at[1, pl.ds(off, CH)], didx[k], semi[k])

    def wait_scatter(k):
        pltpu.make_async_copy(vals0[k], acc0_s.at[didx[k]], sems[k]).wait()
        pltpu.make_async_copy(vals1[k], acc1_s.at[didx[k]], sems[k]).wait()

    issue_idx(0, 0)

    def body(g, carry):
        for k in range(3):
            i = g * 3 + k
            k2 = (k + 1) % 3

            @pl.when(i < n)
            def _(i=i, k=k, k2=k2):
                @pl.when(i >= 2)
                def _():
                    wait_scatter(k2)

                @pl.when(i + 1 < n)
                def _():
                    issue_idx(i + 1, k2)

                pltpu.make_async_copy(ei_h.at[0, pl.ds(0, CH)], sidx[k], semi[k]).wait()
                pltpu.make_async_copy(ei_h.at[1, pl.ds(0, CH)], didx[k], semi[k]).wait()
                pltpu.async_copy(v0_s.at[sidx[k]], vals0[k], semg)
                pltpu.async_copy(v1_s.at[sidx[k]], vals1[k], semg)
                pltpu.make_async_copy(v0_s.at[sidx[k]], vals0[k], semg).wait()
                pltpu.make_async_copy(v1_s.at[sidx[k]], vals1[k], semg).wait()
                pltpu.async_copy(vals0[k], acc0_s.at[didx[k]], sems[k], add=True)
                pltpu.async_copy(vals1[k], acc1_s.at[didx[k]], sems[k], add=True)

        return carry

    lax.fori_loop(0, (n + 2) // 3, body, 0)
    nm = n % 3
    for k in range(3):
        @pl.when(nm != k)
        def _(k=k):
            wait_scatter(k)
    plsc.subcore_barrier()
    pltpu.sync_copy(acc0_s.at[sl], out_h.at[cid, 0, sl])
    pltpu.sync_copy(acc1_s.at[sl], out_h.at[cid, 1, sl])


def _dense1_body(degp_ref, x_ref, d_ref, u_ref):
    dp = degp_ref[...]
    deg = dp[0] + dp[1] + 1.0
    d = lax.rsqrt(deg)
    d_ref[...] = d
    u_ref[...] = d * x_ref[...]


def _dense1(degp3, xp3):
    return pl.pallas_call(
        _dense1_body,
        grid=(1,),
        in_specs=[
            pl.BlockSpec((NCORES, R, 128), lambda i: (0, 0, 0)),
            pl.BlockSpec((R, 128), lambda i: (0, 0)),
        ],
        out_specs=[
            pl.BlockSpec((R, 128), lambda i: (0, 0)),
            pl.BlockSpec((R, 128), lambda i: (0, 0)),
        ],
        out_shape=[
            jax.ShapeDtypeStruct((R, 128), jnp.float32),
            jax.ShapeDtypeStruct((R, 128), jnp.float32),
        ],
    )(degp3, xp3)


def _dense2_body(tp_ref, u_ref, d_ref, w1_ref, b1_ref, w2_ref, v_ref):
    tp = tp_ref[...]
    d = d_ref[...]
    s = d * (tp[0] + tp[1] + u_ref[...])
    z0 = jnp.zeros_like(s)
    z1 = jnp.zeros_like(s)
    for k in range(16):
        h = jnp.maximum(s * w1_ref[0, k] + b1_ref[k], 0.0)
        z0 = z0 + h * w2_ref[k, 0]
        z1 = z1 + h * w2_ref[k, 1]
    v_ref[0] = d * z0
    v_ref[1] = d * z1


def _dense2(tp3, u3, d3, w1, b1, w2):
    return pl.pallas_call(
        _dense2_body,
        grid=(1,),
        in_specs=[
            pl.BlockSpec((NCORES, R, 128), lambda i: (0, 0, 0)),
            pl.BlockSpec((R, 128), lambda i: (0, 0)),
            pl.BlockSpec((R, 128), lambda i: (0, 0)),
            pl.BlockSpec(memory_space=pltpu.SMEM),
            pl.BlockSpec(memory_space=pltpu.SMEM),
            pl.BlockSpec(memory_space=pltpu.SMEM),
        ],
        out_specs=pl.BlockSpec((2, R, 128), lambda i: (0, 0, 0)),
        out_shape=jax.ShapeDtypeStruct((2, R, 128), jnp.float32),
    )(tp3, u3, d3, w1, b1, w2)


def _dense3_body(t2p_ref, v_ref, d_ref, b2_ref, o0_ref, o1_ref):
    t2p = t2p_ref[...]
    v = v_ref[...]
    d = d_ref[...]
    o0_ref[...] = d * (t2p[0, 0] + t2p[1, 0] + v[0]) + b2_ref[0]
    o1_ref[...] = d * (t2p[0, 1] + t2p[1, 1] + v[1]) + b2_ref[1]


def _dense3(t2p4, vp, d3, b2):
    return pl.pallas_call(
        _dense3_body,
        grid=(1,),
        in_specs=[
            pl.BlockSpec((NCORES, 2, R, 128), lambda i: (0, 0, 0, 0)),
            pl.BlockSpec((2, R, 128), lambda i: (0, 0, 0)),
            pl.BlockSpec((R, 128), lambda i: (0, 0)),
            pl.BlockSpec(memory_space=pltpu.SMEM),
        ],
        out_specs=[
            pl.BlockSpec((R, 128), lambda i: (0, 0)),
            pl.BlockSpec((R, 128), lambda i: (0, 0)),
        ],
        out_shape=[
            jax.ShapeDtypeStruct((R, 128), jnp.float32),
            jax.ShapeDtypeStruct((R, 128), jnp.float32),
        ],
    )(t2p4, vp, d3, b2)


def kernel(x, edge_index, W1, b1, W2, b2):
    ei = edge_index.astype(jnp.int32)
    xp = jnp.pad(x[:, 0], (0, NPAD - N))
    zero1 = jnp.zeros((NPAD,), jnp.float32)

    degp = _deg_pass(ei, zero1)
    d3, u3 = _dense1(degp.reshape(NCORES, R, 128), xp.reshape(R, 128))

    tp = _agg1_pass(ei, u3.reshape(NPAD), zero1)
    vp = _dense2(tp.reshape(NCORES, R, 128), u3, d3, W1, b1, W2)

    t2p = _agg2_pass(ei, vp.reshape(2, NPAD), zero1)

    o0, o1 = _dense3(t2p.reshape(NCORES, 2, R, 128), vp, d3, b2)
    out = jnp.stack([o0.reshape(NPAD), o1.reshape(NPAD)], axis=-1)
    return out[:N]

# --- scband reference (transcript-rebuilt; emitter-appended) ---
"""Pipeline reference for scband-gcn-50663434223878 (READ-ONLY COPY).

The authoritative reference and input builder live on the scoring server;
editing this copy changes nothing except your own understanding.
"""

import jax, jax.numpy as jnp
import numpy as np

N_NODES = 100000

def gcn_conv(x, edge_index, W, b, num_nodes):
    src = edge_index[0]
    dst = edge_index[1]
    loop = jnp.arange(num_nodes, dtype=src.dtype)
    src = jnp.concatenate([src, loop])
    dst = jnp.concatenate([dst, loop])
    deg = jnp.zeros((num_nodes,), dtype=x.dtype).at[dst].add(1.0)
    inv_sqrt_deg = jnp.where(deg > 0, jax.lax.rsqrt(jnp.maximum(deg, 1e-12)), 0.0)
    coef = inv_sqrt_deg[src] * inv_sqrt_deg[dst]
    h = x @ W
    msg = h[src] * coef[:, None]
    out = jnp.zeros((num_nodes, W.shape[1]), dtype=x.dtype).at[dst].add(msg)
    return out + b

def setup_inputs(seed: int = 0) -> dict:
    key = jax.random.key(seed)
    k1, k2, k3, k4, k5, k6 = jax.random.split(key, 6)
    x = jax.random.normal(k1, (N_NODES, 1), dtype=jnp.float32)
    edge_index = jax.random.randint(k2, (2, 6400000), 0, N_NODES, dtype=jnp.int64)
    W1 = jax.random.normal(k3, (1, 16), dtype=jnp.float32) * (1.0 / np.sqrt(1))
    b1 = jnp.zeros((16,), dtype=jnp.float32)
    W2 = jax.random.normal(k4, (16, 2), dtype=jnp.float32) * (1.0 / np.sqrt(16))
    b2 = jnp.zeros((2,), dtype=jnp.float32)
    return {"x": x, "edge_index": edge_index, "W1": W1, "b1": b1, "W2": W2, "b2": b2}

def reference(x, edge_index, W1, b1, W2, b2):
    h = gcn_conv(x, edge_index, W1, b1, N_NODES)
    h = jax.nn.relu(h)
    out = gcn_conv(h, edge_index, W2, b2, N_NODES)
    return out

if __name__ == "__main__":
    import jax
    _d = setup_inputs()
    print(jax.jit(kernel)(*tuple(_d.values())))

</pallas_src>

<mosaic_0001>
#map = affine_map<(d0, d1) -> (0, 0)>
#map1 = affine_map<(d0, d1) -> (0)>
#map2 = affine_map<(d0, d1) -> (0, 0, 0)>
module attributes {stable_mosaic.version = 14 : i64} {
  func.func @_agg2_pass(%arg0: i32, %arg1: i32, %arg2: memref<2x6400000xi32, #tpu.memory_space<hbm>>, %arg3: memref<2x100352xf32, #tpu.memory_space<hbm>>, %arg4: memref<100352xf32, #tpu.memory_space<hbm>>, %arg5: memref<2x2x100352xf32, #tpu.memory_space<hbm>>, %arg6: memref<2048xi32, #tpu.memory_space<vmem>>, %arg7: memref<2048xi32, #tpu.memory_space<vmem>>, %arg8: memref<2048xi32, #tpu.memory_space<vmem>>, %arg9: memref<2048xi32, #tpu.memory_space<vmem>>, %arg10: memref<2048xi32, #tpu.memory_space<vmem>>, %arg11: memref<2048xi32, #tpu.memory_space<vmem>>, %arg12: memref<2048xf32, #tpu.memory_space<vmem>>, %arg13: memref<2048xf32, #tpu.memory_space<vmem>>, %arg14: memref<2048xf32, #tpu.memory_space<vmem>>, %arg15: memref<2048xf32, #tpu.memory_space<vmem>>, %arg16: memref<2048xf32, #tpu.memory_space<vmem>>, %arg17: memref<2048xf32, #tpu.memory_space<vmem>>, %arg18: memref<100352xf32, #tpu.memory_space<vmem_shared>>, %arg19: memref<100352xf32, #tpu.memory_space<vmem_shared>>, %arg20: memref<100352xf32, #tpu.memory_space<vmem_shared>>, %arg21: memref<100352xf32, #tpu.memory_space<vmem_shared>>, %arg22: memref<!tpu.dma_semaphore, #tpu.memory_space<semaphore_mem>>, %arg23: memref<!tpu.dma_semaphore, #tpu.memory_space<semaphore_mem>>, %arg24: memref<!tpu.dma_semaphore, #tpu.memory_space<semaphore_mem>>, %arg25: memref<!tpu.dma_semaphore, #tpu.memory_space<semaphore_mem>>, %arg26: memref<!tpu.dma_semaphore, #tpu.memory_space<semaphore_mem>>, %arg27: memref<!tpu.dma_semaphore, #tpu.memory_space<semaphore_mem>>, %arg28: memref<!tpu.dma_semaphore, #tpu.memory_space<semaphore_mem>>) attributes {dimension_semantics = [#tpu.dimension_semantics<core_parallel>, #tpu.dimension_semantics<subcore_parallel>], iteration_bounds = array<i64: 2, 16>, scalar_prefetch = 0 : i64, scratch_operands = 23 : i64, tpu.core_type = #tpu.core_type<sc_vector_subcore>, window_params = [{transform_indices = #map}, {transform_indices = #map}, {transform_indices = #map1}, {transform_indices = #map2}]} {
    %mul3A = arith.constant 6272 : i32
    %mul3A_0 = arith.muli %arg1, %mul3A : i32
    %run_scoped3A = arith.constant 0 : i32
    "tpu.region"() ({
      %run_scoped3A_112 = tpu.sem_alloc : memref<!tpu.dma_semaphore, #tpu.memory_space<semaphore_mem>>
      %dma_start3A_113 = tpu.memref_slice %arg18[%mul3A_0] : memref<100352xf32, #tpu.memory_space<vmem_shared>> -> memref<6272xf32, #tpu.memory_space<vmem_shared>>
      %dma_start3A_114 = tpu.memref_slice %arg3[%run_scoped3A, %mul3A_0] : memref<2x100352xf32, #tpu.memory_space<hbm>> -> memref<1x6272xf32, #tpu.memory_space<hbm>>
      %dma_start3A_115 = tpu.memref_squeeze %dma_start3A_114 : memref<1x6272xf32, #tpu.memory_space<hbm>> -> memref<6272xf32, #tpu.memory_space<hbm>>
      tpu.enqueue_dma source(%dma_start3A_115 : memref<6272xf32, #tpu.memory_space<hbm>>) target(%dma_start3A_113 : memref<6272xf32, #tpu.memory_space<vmem_shared>>) target_semaphore(%run_scoped3A_112 : memref<!tpu.dma_semaphore, #tpu.memory_space<semaphore_mem>>)
      %dma_wait3A = tpu.memref_slice %arg18[%mul3A_0] : memref<100352xf32, #tpu.memory_space<vmem_shared>> -> memref<6272xf32, #tpu.memory_space<vmem_shared>>
      %dma_wait3A_116 = tpu.memref_slice %arg3[%run_scoped3A, %mul3A_0] : memref<2x100352xf32, #tpu.memory_space<hbm>> -> memref<1x6272xf32, #tpu.memory_space<hbm>>
      %dma_wait3A_117 = tpu.memref_squeeze %dma_wait3A_116 : memref<1x6272xf32, #tpu.memory_space<hbm>> -> memref<6272xf32, #tpu.memory_space<hbm>>
      tpu.wait_dma2 semaphore(%run_scoped3A_112 : memref<!tpu.dma_semaphore, #tpu.memory_space<semaphore_mem>>) src(%dma_wait3A_117 : memref<6272xf32, #tpu.memory_space<hbm>>) dst(%dma_wait3A : memref<6272xf32, #tpu.memory_space<vmem_shared>>)
      tpu.yield
    }) : () -> ()
    %run_scoped3A_1 = arith.constant 1 : i32
    "tpu.region"() ({
      %run_scoped3A_112 = tpu.sem_alloc : memref<!tpu.dma_semaphore, #tpu.memory_space<semaphore_mem>>
      %dma_start3A_113 = tpu.memref_slice %arg19[%mul3A_0] : memref<100352xf32, #tpu.memory_space<vmem_shared>> -> memref<6272xf32, #tpu.memory_space<vmem_shared>>
      %dma_start3A_114 = tpu.memref_slice %arg3[%run_scoped3A_1, %mul3A_0] : memref<2x100352xf32, #tpu.memory_space<hbm>> -> memref<1x6272xf32, #tpu.memory_space<hbm>>
      %dma_start3A_115 = tpu.memref_squeeze %dma_start3A_114 : memref<1x6272xf32, #tpu.memory_space<hbm>> -> memref<6272xf32, #tpu.memory_space<hbm>>
      tpu.enqueue_dma source(%dma_start3A_115 : memref<6272xf32, #tpu.memory_space<hbm>>) target(%dma_start3A_113 : memref<6272xf32, #tpu.memory_space<vmem_shared>>) target_semaphore(%run_scoped3A_112 : memref<!tpu.dma_semaphore, #tpu.memory_space<semaphore_mem>>)
      %dma_wait3A = tpu.memref_slice %arg19[%mul3A_0] : memref<100352xf32, #tpu.memory_space<vmem_shared>> -> memref<6272xf32, #tpu.memory_space<vmem_shared>>
      %dma_wait3A_116 = tpu.memref_slice %arg3[%run_scoped3A_1, %mul3A_0] : memref<2x100352xf32, #tpu.memory_space<hbm>> -> memref<1x6272xf32, #tpu.memory_space<hbm>>
      %dma_wait3A_117 = tpu.memref_squeeze %dma_wait3A_116 : memref<1x6272xf32, #tpu.memory_space<hbm>> -> memref<6272xf32, #tpu.memory_space<hbm>>
      tpu.wait_dma2 semaphore(%run_scoped3A_112 : memref<!tpu.dma_semaphore, #tpu.memory_space<semaphore_mem>>) src(%dma_wait3A_117 : memref<6272xf32, #tpu.memory_space<hbm>>) dst(%dma_wait3A : memref<6272xf32, #tpu.memory_space<vmem_shared>>)
      tpu.yield
    }) : () -> ()
    "tpu.region"() ({
      %run_scoped3A_112 = tpu.sem_alloc : memref<!tpu.dma_semaphore, #tpu.memory_space<semaphore_mem>>
      %dma_start3A_113 = tpu.memref_slice %arg20[%mul3A_0] : memref<100352xf32, #tpu.memory_space<vmem_shared>> -> memref<6272xf32, #tpu.memory_space<vmem_shared>>
      %dma_start3A_114 = tpu.memref_slice %arg4[%mul3A_0] : memref<100352xf32, #tpu.memory_space<hbm>> -> memref<6272xf32, #tpu.memory_space<hbm>>
      tpu.enqueue_dma source(%dma_start3A_114 : memref<6272xf32, #tpu.memory_space<hbm>>) target(%dma_start3A_113 : memref<6272xf32, #tpu.memory_space<vmem_shared>>) target_semaphore(%run_scoped3A_112 : memref<!tpu.dma_semaphore, #tpu.memory_space<semaphore_mem>>)
      %dma_wait3A = tpu.memref_slice %arg20[%mul3A_0] : memref<100352xf32, #tpu.memory_space<vmem_shared>> -> memref<6272xf32, #tpu.memory_space<vmem_shared>>
      %dma_wait3A_115 = tpu.memref_slice %arg4[%mul3A_0] : memref<100352xf32, #tpu.memory_space<hbm>> -> memref<6272xf32, #tpu.memory_space<hbm>>
      tpu.wait_dma2 semaphore(%run_scoped3A_112 : memref<!tpu.dma_semaphore, #tpu.memory_space<semaphore_mem>>) src(%dma_wait3A_115 : memref<6272xf32, #tpu.memory_space<hbm>>) dst(%dma_wait3A : memref<6272xf32, #tpu.memory_space<vmem_shared>>)
      tpu.yield
    }) : () -> ()
    "tpu.region"() ({
      %run_scoped3A_112 = tpu.sem_alloc : memref<!tpu.dma_semaphore, #tpu.memory_space<semaphore_mem>>
      %dma_start3A_113 = tpu.memref_slice %arg21[%mul3A_0] : memref<100352xf32, #tpu.memory_space<vmem_shared>> -> memref<6272xf32, #tpu.memory_space<vmem_shared>>
      %dma_start3A_114 = tpu.memref_slice %arg4[%mul3A_0] : memref<100352xf32, #tpu.memory_space<hbm>> -> memref<6272xf32, #tpu.memory_space<hbm>>
      tpu.enqueue_dma source(%dma_start3A_114 : memref<6272xf32, #tpu.memory_space<hbm>>) target(%dma_start3A_113 : memref<6272xf32, #tpu.memory_space<vmem_shared>>) target_semaphore(%run_scoped3A_112 : memref<!tpu.dma_semaphore, #tpu.memory_space<semaphore_mem>>)
      %dma_wait3A = tpu.memref_slice %arg21[%mul3A_0] : memref<100352xf32, #tpu.memory_space<vmem_shared>> -> memref<6272xf32, #tpu.memory_space<vmem_shared>>
      %dma_wait3A_115 = tpu.memref_slice %arg4[%mul3A_0] : memref<100352xf32, #tpu.memory_space<hbm>> -> memref<6272xf32, #tpu.memory_space<hbm>>
      tpu.wait_dma2 semaphore(%run_scoped3A_112 : memref<!tpu.dma_semaphore, #tpu.memory_space<semaphore_mem>>) src(%dma_wait3A_115 : memref<6272xf32, #tpu.memory_space<hbm>>) dst(%dma_wait3A : memref<6272xf32, #tpu.memory_space<vmem_shared>>)
      tpu.yield
    }) : () -> ()
    %barrier3A = arith.constant 0 : index
    tpu.barrier barrier_id(%barrier3A)
    %eq3A = arith.constant 0 : i32
    %eq3A_2 = arith.cmpi eq, %arg0, %eq3A : i32
    %jit3A = arith.constant 1563 : i32
    %jit3A_3 = arith.constant 1562 : i32
    %select_n3A = arith.select %eq3A_2, %jit3A, %jit3A_3 : i32
    %mul3A_4 = arith.constant 1563 : i32
    %mul3A_5 = arith.muli %arg0, %mul3A_4 : i32
    %jit3A_6 = arith.constant 16 : i32
    %div3A = arith.divsi %select_n3A, %jit3A_6 : i32
    %sign3A = arith.constant 0 : i32
    %sign3A_7 = arith.cmpi sgt, %select_n3A, %sign3A : i32
    %sign3A_8 = arith.extui %sign3A_7 : i1 to i32
    %sign3A_9 = arith.constant 0 : i32
    %sign3A_10 = arith.cmpi slt, %select_n3A, %sign3A_9 : i32
    %sign3A_11 = arith.extui %sign3A_10 : i1 to i32
    %sign3A_12 = arith.subi %sign3A_8, %sign3A_11 : i32
    %sign3A_13 = arith.constant 0 : i32
    %sign3A_14 = arith.cmpi sgt, %jit3A_6, %sign3A_13 : i32
    %sign3A_15 = arith.extui %sign3A_14 : i1 to i32
    %sign3A_16 = arith.constant 0 : i32
    %sign3A_17 = arith.cmpi slt, %jit3A_6, %sign3A_16 : i32
    %sign3A_18 = arith.extui %sign3A_17 : i1 to i32
    %sign3A_19 = arith.subi %sign3A_15, %sign3A_18 : i32
    %ne3A = arith.cmpi ne, %sign3A_12, %sign3A_19 : i32
    %rem3A = arith.remsi %select_n3A, %jit3A_6 : i32
    %ne3A_20 = arith.constant 0 : i32
    %ne3A_21 = arith.cmpi ne, %rem3A, %ne3A_20 : i32
    %and3A = arith.andi %ne3A, %ne3A_21 : i1
    %sub3A = arith.constant 1 : i32
    %sub3A_22 = arith.subi %div3A, %sub3A : i32
    %select_n3A_23 = arith.select %and3A, %sub3A_22, %div3A : i32
    %mul3A_24 = arith.constant 16 : i32
    %mul3A_25 = arith.muli %select_n3A_23, %mul3A_24 : i32
    %sub3A_26 = arith.subi %select_n3A, %mul3A_25 : i32
    %mul3A_27 = arith.muli %arg1, %select_n3A_23 : i32
    %add3A = arith.addi %mul3A_5, %mul3A_27 : i32
    %min3A = arith.minsi %arg1, %sub3A_26 : i32
    %add3A_28 = arith.addi %add3A, %min3A : i32
    %lt3A = arith.cmpi slt, %arg1, %sub3A_26 : i32
    %add3A_29 = arith.constant 1 : i32
    %add3A_30 = arith.addi %select_n3A_23, %add3A_29 : i32
    %select_n3A_31 = arith.select %lt3A, %add3A_30, %select_n3A_23 : i32
    %add3A_32 = arith.constant 0 : i32
    %add3A_33 = arith.addi %add3A_28, %add3A_32 : i32
    %mul3A_34 = arith.constant 2048 : i32
    %mul3A_35 = arith.muli %add3A_33, %mul3A_34 : i32
    %dma_start3A = arith.constant 0 : i32
    %dma_start3A_36 = tpu.memref_slice %arg2[%dma_start3A, %mul3A_35] : memref<2x6400000xi32, #tpu.memory_space<hbm>> -> memref<1x2048xi32, #tpu.memory_space<hbm>>
    %dma_start3A_37 = tpu.memref_squeeze %dma_start3A_36 : memref<1x2048xi32, #tpu.memory_space<hbm>> -> memref<2048xi32, #tpu.memory_space<hbm>>
    %dma_start3A_38 = tpu.memref_slice %arg2[%dma_start3A, %mul3A_35] : memref<2x6400000xi32, #tpu.memory_space<hbm>> -> memref<1x2048xi32, #tpu.memory_space<hbm>>
    %dma_start3A_39 = tpu.memref_squeeze %dma_start3A_38 : memref<1x2048xi32, #tpu.memory_space<hbm>> -> memref<2048xi32, #tpu.memory_space<hbm>>
    tpu.enqueue_dma source(%dma_start3A_39 : memref<2048xi32, #tpu.memory_space<hbm>>) target(%arg6 : memref<2048xi32, #tpu.memory_space<vmem>>) target_semaphore(%arg22 : memref<!tpu.dma_semaphore, #tpu.memory_space<semaphore_mem>>)
    %dma_start3A_40 = arith.constant 1 : i32
    %dma_start3A_41 = tpu.memref_slice %arg2[%dma_start3A_40, %mul3A_35] : memref<2x6400000xi32, #tpu.memory_space<hbm>> -> memref<1x2048xi32, #tpu.memory_space<hbm>>
    %dma_start3A_42 = tpu.memref_squeeze %dma_start3A_41 : memref<1x2048xi32, #tpu.memory_space<hbm>> -> memref<2048xi32, #tpu.memory_space<hbm>>
    %dma_start3A_43 = tpu.memref_slice %arg2[%dma_start3A_40, %mul3A_35] : memref<2x6400000xi32, #tpu.memory_space<hbm>> -> memref<1x2048xi32, #tpu.memory_space<hbm>>
    %dma_start3A_44 = tpu.memref_squeeze %dma_start3A_43 : memref<1x2048xi32, #tpu.memory_space<hbm>> -> memref<2048xi32, #tpu.memory_space<hbm>>
    tpu.enqueue_dma source(%dma_start3A_44 : memref<2048xi32, #tpu.memory_space<hbm>>) target(%arg9 : memref<2048xi32, #tpu.memory_space<vmem>>) target_semaphore(%arg22 : memref<!tpu.dma_semaphore, #tpu.memory_space<semaphore_mem>>)
    %add3A_45 = arith.constant 2 : i32
    %add3A_46 = arith.addi %select_n3A_31, %add3A_45 : i32
    %jit3A_47 = arith.constant 3 : i32
    %div3A_48 = arith.divsi %add3A_46, %jit3A_47 : i32
    %sign3A_49 = arith.constant 0 : i32
    %sign3A_50 = arith.cmpi sgt, %add3A_46, %sign3A_49 : i32
    %sign3A_51 = arith.extui %sign3A_50 : i1 to i32
    %sign3A_52 = arith.constant 0 : i32
    %sign3A_53 = arith.cmpi slt, %add3A_46, %sign3A_52 : i32
    %sign3A_54 = arith.extui %sign3A_53 : i1 to i32
    %sign3A_55 = arith.subi %sign3A_51, %sign3A_54 : i32
    %sign3A_56 = arith.constant 0 : i32
    %sign3A_57 = arith.cmpi sgt, %jit3A_47, %sign3A_56 : i32
    %sign3A_58 = arith.extui %sign3A_57 : i1 to i32
    %sign3A_59 = arith.constant 0 : i32
    %sign3A_60 = arith.cmpi slt, %jit3A_47, %sign3A_59 : i32
    %sign3A_61 = arith.extui %sign3A_60 : i1 to i32
    %sign3A_62 = arith.subi %sign3A_58, %sign3A_61 : i32
    %ne3A_63 = arith.cmpi ne, %sign3A_55, %sign3A_62 : i32
    %rem3A_64 = arith.remsi %add3A_46, %jit3A_47 : i32
    %ne3A_65 = arith.constant 0 : i32
    %ne3A_66 = arith.cmpi ne, %rem3A_64, %ne3A_65 : i32
    %and3A_67 = arith.andi %ne3A_63, %ne3A_66 : i1
    %sub3A_68 = arith.constant 1 : i32
    %sub3A_69 = arith.subi %div3A_48, %sub3A_68 : i32
    %select_n3A_70 = arith.select %and3A_67, %sub3A_69, %div3A_48 : i32
    %while3A = arith.constant 0 : i32
    %while3A_71 = arith.constant 0 : i32
    %while3A_72 = arith.subi %select_n3A_70, %while3A_71 : i32
    %while3A_73 = arith.addi %while3A_71, %while3A_72 : i32
    %while3A_74 = arith.constant 1 : i32
    %while3A_75 = arith.divsi %while3A_72, %while3A_74 : i32
    %while3A_76 = arith.muli %while3A_75, %while3A_74 : i32
    %while3A_77 = arith.addi %while3A_71, %while3A_76 : i32
    %while3A_78 = arith.constant 1 : i32
    scf.for %while3A_112 = %while3A_71 to %while3A_77 step %while3A_78  : i32 {
      %mul3A_113 = arith.constant 3 : i32
      %mul3A_114 = arith.muli %while3A_112, %mul3A_113 : i32
      %add3A_115 = arith.constant 0 : i32
      %add3A_116 = arith.addi %mul3A_114, %add3A_115 : i32
      %lt3A_117 = arith.cmpi slt, %add3A_116, %select_n3A_31 : i32
      %convert_element_type3A_118 = arith.extui %lt3A_117 : i1 to i32
      %cond3A_119 = arith.constant 0 : i32
      %cond3A_120 = arith.cmpi ne, %convert_element_type3A_118, %cond3A_119 : i32
      scf.if %cond3A_120 {
        %ge3A = arith.constant 2 : i32
        %ge3A_137 = arith.cmpi sge, %add3A_116, %ge3A : i32
        %convert_element_type3A_138 = arith.extui %ge3A_137 : i1 to i32
        %cond3A_139 = arith.constant 0 : i32
        %cond3A_140 = arith.cmpi ne, %convert_element_type3A_138, %cond3A_139 : i32
        scf.if %cond3A_140 {
          %dma_wait3A_172 = arith.constant 0 : i32
          %dma_wait3A_173 = tpu.memref_slice %arg20[%dma_wait3A_172] : memref<100352xf32, #tpu.memory_space<vmem_shared>> -> memref<100352xf32, #tpu.memory_space<vmem_shared>>
          tpu.wait_indirect_dma semaphore(%arg26 : memref<!tpu.dma_semaphore, #tpu.memory_space<semaphore_mem>>) src(%arg13 : memref<2048xf32, #tpu.memory_space<vmem>>) dst(%dma_wait3A_173 : memref<100352xf32, #tpu.memory_space<vmem_shared>>)
          %dma_wait3A_174 = arith.constant 0 : i32
          %dma_wait3A_175 = tpu.memref_slice %arg21[%dma_wait3A_174] : memref<100352xf32, #tpu.memory_space<vmem_shared>> -> memref<100352xf32, #tpu.memory_space<vmem_shared>>
          tpu.wait_indirect_dma semaphore(%arg26 : memref<!tpu.dma_semaphore, #tpu.memory_space<semaphore_mem>>) src(%arg16 : memref<2048xf32, #tpu.memory_space<vmem>>) dst(%dma_wait3A_175 : memref<100352xf32, #tpu.memory_space<vmem_shared>>)
        } else {
        }
        %add3A_141 = arith.constant 1 : i32
        %add3A_142 = arith.addi %add3A_116, %add3A_141 : i32
        %lt3A_143 = arith.cmpi slt, %add3A_142, %select_n3A_31 : i32
        %convert_element_type3A_144 = arith.extui %lt3A_143 : i1 to i32
        %cond3A_145 = arith.constant 0 : i32
        %cond3A_146 = arith.cmpi ne, %convert_element_type3A_144, %cond3A_145 : i32
        scf.if %cond3A_146 {
          %add3A_172 = arith.constant 1 : i32
          %add3A_173 = arith.addi %add3A_116, %add3A_172 : i32
          %add3A_174 = arith.addi %add3A_28, %add3A_173 : i32
          %mul3A_175 = arith.constant 2048 : i32
          %mul3A_176 = arith.muli %add3A_174, %mul3A_175 : i32
          %dma_start3A_177 = arith.constant 0 : i32
          %dma_start3A_178 = tpu.memref_slice %arg2[%dma_start3A_177, %mul3A_176] : memref<2x6400000xi32, #tpu.memory_space<hbm>> -> memref<1x2048xi32, #tpu.memory_space<hbm>>
          %dma_start3A_179 = tpu.memref_squeeze %dma_start3A_178 : memref<1x2048xi32, #tpu.memory_space<hbm>> -> memref<2048xi32, #tpu.memory_space<hbm>>
          %dma_start3A_180 = tpu.memref_slice %arg2[%dma_start3A_177, %mul3A_176] : memref<2x6400000xi32, #tpu.memory_space<hbm>> -> memref<1x2048xi32, #tpu.memory_space<hbm>>
          %dma_start3A_181 = tpu.memref_squeeze %dma_start3A_180 : memref<1x2048xi32, #tpu.memory_space<hbm>> -> memref<2048xi32, #tpu.memory_space<hbm>>
          tpu.enqueue_dma source(%dma_start3A_181 : memref<2048xi32, #tpu.memory_space<hbm>>) target(%arg7 : memref<2048xi32, #tpu.memory_space<vmem>>) target_semaphore(%arg23 : memref<!tpu.dma_semaphore, #tpu.memory_space<semaphore_mem>>)
          %dma_start3A_182 = arith.constant 1 : i32
          %dma_start3A_183 = tpu.memref_slice %arg2[%dma_start3A_182, %mul3A_176] : memref<2x6400000xi32, #tpu.memory_space<hbm>> -> memref<1x2048xi32, #tpu.memory_space<hbm>>
          %dma_start3A_184 = tpu.memref_squeeze %dma_start3A_183 : memref<1x2048xi32, #tpu.memory_space<hbm>> -> memref<2048xi32, #tpu.memory_space<hbm>>
          %dma_start3A_185 = tpu.memref_slice %arg2[%dma_start3A_182, %mul3A_176] : memref<2x6400000xi32, #tpu.memory_space<hbm>> -> memref<1x2048xi32, #tpu.memory_space<hbm>>
          %dma_start3A_186 = tpu.memref_squeeze %dma_start3A_185 : memref<1x2048xi32, #tpu.memory_space<hbm>> -> memref<2048xi32, #tpu.memory_space<hbm>>
          tpu.enqueue_dma source(%dma_start3A_186 : memref<2048xi32, #tpu.memory_space<hbm>>) target(%arg10 : memref<2048xi32, #tpu.memory_space<vmem>>) target_semaphore(%arg23 : memref<!tpu.dma_semaphore, #tpu.memory_space<semaphore_mem>>)
        } else {
        }
        %dma_wait3A = arith.constant 0 : i32
        %dma_wait3A_147 = arith.constant 0 : i32
        %dma_wait3A_148 = tpu.memref_slice %arg2[%dma_wait3A, %dma_wait3A_147] : memref<2x6400000xi32, #tpu.memory_space<hbm>> -> memref<1x2048xi32, #tpu.memory_space<hbm>>
        %dma_wait3A_149 = tpu.memref_squeeze %dma_wait3A_148 : memref<1x2048xi32, #tpu.memory_space<hbm>> -> memref<2048xi32, #tpu.memory_space<hbm>>
        %dma_wait3A_150 = arith.constant 0 : i32
        %dma_wait3A_151 = tpu.memref_slice %arg2[%dma_wait3A, %dma_wait3A_150] : memref<2x6400000xi32, #tpu.memory_space<hbm>> -> memref<1x2048xi32, #tpu.memory_space<hbm>>
        %dma_wait3A_152 = tpu.memref_squeeze %dma_wait3A_151 : memref<1x2048xi32, #tpu.memory_space<hbm>> -> memref<2048xi32, #tpu.memory_space<hbm>>
        tpu.wait_dma2 semaphore(%arg22 : memref<!tpu.dma_semaphore, #tpu.memory_space<semaphore_mem>>) src(%dma_wait3A_152 : memref<2048xi32, #tpu.memory_space<hbm>>) dst(%arg6 : memref<2048xi32, #tpu.memory_space<vmem>>)
        %dma_wait3A_153 = arith.constant 1 : i32
        %dma_wait3A_154 = arith.constant 0 : i32
        %dma_wait3A_155 = tpu.memref_slice %arg2[%dma_wait3A_153, %dma_wait3A_154] : memref<2x6400000xi32, #tpu.memory_space<hbm>> -> memref<1x2048xi32, #tpu.memory_space<hbm>>
        %dma_wait3A_156 = tpu.memref_squeeze %dma_wait3A_155 : memref<1x2048xi32, #tpu.memory_space<hbm>> -> memref<2048xi32, #tpu.memory_space<hbm>>
        %dma_wait3A_157 = arith.constant 0 : i32
        %dma_wait3A_158 = tpu.memref_slice %arg2[%dma_wait3A_153, %dma_wait3A_157] : memref<2x6400000xi32, #tpu.memory_space<hbm>> -> memref<1x2048xi32, #tpu.memory_space<hbm>>
        %dma_wait3A_159 = tpu.memref_squeeze %dma_wait3A_158 : memref<1x2048xi32, #tpu.memory_space<hbm>> -> memref<2048xi32, #tpu.memory_space<hbm>>
        tpu.wait_dma2 semaphore(%arg22 : memref<!tpu.dma_semaphore, #tpu.memory_space<semaphore_mem>>) src(%dma_wait3A_159 : memref<2048xi32, #tpu.memory_space<hbm>>) dst(%arg9 : memref<2048xi32, #tpu.memory_space<vmem>>)
        %dma_start3A_160 = arith.constant 0 : i32
        %dma_start3A_161 = tpu.memref_slice %arg18[%dma_start3A_160] : memref<100352xf32, #tpu.memory_space<vmem_shared>> -> memref<100352xf32, #tpu.memory_space<vmem_shared>>
        tpu.enqueue_indirect_dma source(%dma_start3A_161 : memref<100352xf32, #tpu.memory_space<vmem_shared>>) target(%arg12 : memref<2048xf32, #tpu.memory_space<vmem>>) offsets(%arg6 : memref<2048xi32, #tpu.memory_space<vmem>>) semaphore(%arg28 : memref<!tpu.dma_semaphore, #tpu.memory_space<semaphore_mem>>)
        %dma_start3A_162 = arith.constant 0 : i32
        %dma_start3A_163 = tpu.memref_slice %arg19[%dma_start3A_162] : memref<100352xf32, #tpu.memory_space<vmem_shared>> -> memref<100352xf32, #tpu.memory_space<vmem_shared>>
        tpu.enqueue_indirect_dma source(%dma_start3A_163 : memref<100352xf32, #tpu.memory_space<vmem_shared>>) target(%arg15 : memref<2048xf32, #tpu.memory_space<vmem>>) offsets(%arg6 : memref<2048xi32, #tpu.memory_space<vmem>>) semaphore(%arg28 : memref<!tpu.dma_semaphore, #tpu.memory_space<semaphore_mem>>)
        %dma_wait3A_164 = arith.constant 0 : i32
        %dma_wait3A_165 = tpu.memref_slice %arg18[%dma_wait3A_164] : memref<100352xf32, #tpu.memory_space<vmem_shared>> -> memref<100352xf32, #tpu.memory_space<vmem_shared>>
        tpu.wait_indirect_dma semaphore(%arg28 : memref<!tpu.dma_semaphore, #tpu.memory_space<semaphore_mem>>) src(%dma_wait3A_165 : memref<100352xf32, #tpu.memory_space<vmem_shared>>) dst(%arg12 : memref<2048xf32, #tpu.memory_space<vmem>>)
        %dma_wait3A_166 = arith.constant 0 : i32
        %dma_wait3A_167 = tpu.memref_slice %arg19[%dma_wait3A_166] : memref<100352xf32, #tpu.memory_space<vmem_shared>> -> memref<100352xf32, #tpu.memory_space<vmem_shared>>
        tpu.wait_indirect_dma semaphore(%arg28 : memref<!tpu.dma_semaphore, #tpu.memory_space<semaphore_mem>>) src(%dma_wait3A_167 : memref<100352xf32, #tpu.memory_space<vmem_shared>>) dst(%arg15 : memref<2048xf32, #tpu.memory_space<vmem>>)
        %dma_start3A_168 = arith.constant 0 : i32
        %dma_start3A_169 = tpu.memref_slice %arg20[%dma_start3A_168] : memref<100352xf32, #tpu.memory_space<vmem_shared>> -> memref<100352xf32, #tpu.memory_space<vmem_shared>>
        tpu.enqueue_indirect_dma source(%arg12 : memref<2048xf32, #tpu.memory_space<vmem>>) target(%dma_start3A_169 : memref<100352xf32, #tpu.memory_space<vmem_shared>>) offsets(%arg9 : memref<2048xi32, #tpu.memory_space<vmem>>) semaphore(%arg25 : memref<!tpu.dma_semaphore, #tpu.memory_space<semaphore_mem>>) {add = true}
        %dma_start3A_170 = arith.constant 0 : i32
        %dma_start3A_171 = tpu.memref_slice %arg21[%dma_start3A_170] : memref<100352xf32, #tpu.memory_space<vmem_shared>> -> memref<100352xf32, #tpu.memory_space<vmem_shared>>
        tpu.enqueue_indirect_dma source(%arg15 : memref<2048xf32, #tpu.memory_space<vmem>>) target(%dma_start3A_171 : memref<100352xf32, #tpu.memory_space<vmem_shared>>) offsets(%arg9 : memref<2048xi32, #tpu.memory_space<vmem>>) semaphore(%arg25 : memref<!tpu.dma_semaphore, #tpu.memory_space<semaphore_mem>>) {add = true}
      } else {
      }
      %mul3A_121 = arith.constant 3 : i32
      %mul3A_122 = arith.muli %while3A_112, %mul3A_121 : i32
      %add3A_123 = arith.constant 1 : i32
      %add3A_124 = arith.addi %mul3A_122, %add3A_123 : i32
      %lt3A_125 = arith.cmpi slt, %add3A_124, %select_n3A_31 : i32
      %convert_element_type3A_126 = arith.extui %lt3A_125 : i1 to i32
      %cond3A_127 = arith.constant 0 : i32
      %cond3A_128 = arith.cmpi ne, %convert_element_type3A_126, %cond3A_127 : i32
      scf.if %cond3A_128 {
        %ge3A = arith.constant 2 : i32
        %ge3A_137 = arith.cmpi sge, %add3A_124, %ge3A : i32
        %convert_element_type3A_138 = arith.extui %ge3A_137 : i1 to i32
        %cond3A_139 = arith.constant 0 : i32
        %cond3A_140 = arith.cmpi ne, %convert_element_type3A_138, %cond3A_139 : i32
        scf.if %cond3A_140 {
          %dma_wait3A_172 = arith.constant 0 : i32
          %dma_wait3A_173 = tpu.memref_slice %arg20[%dma_wait3A_172] : memref<100352xf32, #tpu.memory_space<vmem_shared>> -> memref<100352xf32, #tpu.memory_space<vmem_shared>>
          tpu.wait_indirect_dma semaphore(%arg27 : memref<!tpu.dma_semaphore, #tpu.memory_space<semaphore_mem>>) src(%arg14 : memref<2048xf32, #tpu.memory_space<vmem>>) dst(%dma_wait3A_173 : memref<100352xf32, #tpu.memory_space<vmem_shared>>)
          %dma_wait3A_174 = arith.constant 0 : i32
          %dma_wait3A_175 = tpu.memref_slice %arg21[%dma_wait3A_174] : memref<100352xf32, #tpu.memory_space<vmem_shared>> -> memref<100352xf32, #tpu.memory_space<vmem_shared>>
          tpu.wait_indirect_dma semaphore(%arg27 : memref<!tpu.dma_semaphore, #tpu.memory_space<semaphore_mem>>) src(%arg17 : memref<2048xf32, #tpu.memory_space<vmem>>) dst(%dma_wait3A_175 : memref<100352xf32, #tpu.memory_space<vmem_shared>>)
        } else {
        }
        %add3A_141 = arith.constant 1 : i32
        %add3A_142 = arith.addi %add3A_124, %add3A_141 : i32
        %lt3A_143 = arith.cmpi slt, %add3A_142, %select_n3A_31 : i32
        %convert_element_type3A_144 = arith.extui %lt3A_143 : i1 to i32
        %cond3A_145 = arith.constant 0 : i32
        %cond3A_146 = arith.cmpi ne, %convert_element_type3A_144, %cond3A_145 : i32
        scf.if %cond3A_146 {
          %add3A_172 = arith.constant 1 : i32
          %add3A_173 = arith.addi %add3A_124, %add3A_172 : i32
          %add3A_174 = arith.addi %add3A_28, %add3A_173 : i32
          %mul3A_175 = arith.constant 2048 : i32
          %mul3A_176 = arith.muli %add3A_174, %mul3A_175 : i32
          %dma_start3A_177 = arith.constant 0 : i32
          %dma_start3A_178 = tpu.memref_slice %arg2[%dma_start3A_177, %mul3A_176] : memref<2x6400000xi32, #tpu.memory_space<hbm>> -> memref<1x2048xi32, #tpu.memory_space<hbm>>
          %dma_start3A_179 = tpu.memref_squeeze %dma_start3A_178 : memref<1x2048xi32, #tpu.memory_space<hbm>> -> memref<2048xi32, #tpu.memory_space<hbm>>
          %dma_start3A_180 = tpu.memref_slice %arg2[%dma_start3A_177, %mul3A_176] : memref<2x6400000xi32, #tpu.memory_space<hbm>> -> memref<1x2048xi32, #tpu.memory_space<hbm>>
          %dma_start3A_181 = tpu.memref_squeeze %dma_start3A_180 : memref<1x2048xi32, #tpu.memory_space<hbm>> -> memref<2048xi32, #tpu.memory_space<hbm>>
          tpu.enqueue_dma source(%dma_start3A_181 : memref<2048xi32, #tpu.memory_space<hbm>>) target(%arg8 : memref<2048xi32, #tpu.memory_space<vmem>>) target_semaphore(%arg24 : memref<!tpu.dma_semaphore, #tpu.memory_space<semaphore_mem>>)
          %dma_start3A_182 = arith.constant 1 : i32
          %dma_start3A_183 = tpu.memref_slice %arg2[%dma_start3A_182, %mul3A_176] : memref<2x6400000xi32, #tpu.memory_space<hbm>> -> memref<1x2048xi32, #tpu.memory_space<hbm>>
          %dma_start3A_184 = tpu.memref_squeeze %dma_start3A_183 : memref<1x2048xi32, #tpu.memory_space<hbm>> -> memref<2048xi32, #tpu.memory_space<hbm>>
          %dma_start3A_185 = tpu.memref_slice %arg2[%dma_start3A_182, %mul3A_176] : memref<2x6400000xi32, #tpu.memory_space<hbm>> -> memref<1x2048xi32, #tpu.memory_space<hbm>>
          %dma_start3A_186 = tpu.memref_squeeze %dma_start3A_185 : memref<1x2048xi32, #tpu.memory_space<hbm>> -> memref<2048xi32, #tpu.memory_space<hbm>>
          tpu.enqueue_dma source(%dma_start3A_186 : memref<2048xi32, #tpu.memory_space<hbm>>) target(%arg11 : memref<2048xi32, #tpu.memory_space<vmem>>) target_semaphore(%arg24 : memref<!tpu.dma_semaphore, #tpu.memory_space<semaphore_mem>>)
        } else {
        }
        %dma_wait3A = arith.constant 0 : i32
        %dma_wait3A_147 = arith.constant 0 : i32
        %dma_wait3A_148 = tpu.memref_slice %arg2[%dma_wait3A, %dma_wait3A_147] : memref<2x6400000xi32, #tpu.memory_space<hbm>> -> memref<1x2048xi32, #tpu.memory_space<hbm>>
        %dma_wait3A_149 = tpu.memref_squeeze %dma_wait3A_148 : memref<1x2048xi32, #tpu.memory_space<hbm>> -> memref<2048xi32, #tpu.memory_space<hbm>>
        %dma_wait3A_150 = arith.constant 0 : i32
        %dma_wait3A_151 = tpu.memref_slice %arg2[%dma_wait3A, %dma_wait3A_150] : memref<2x6400000xi32, #tpu.memory_space<hbm>> -> memref<1x2048xi32, #tpu.memory_space<hbm>>
        %dma_wait3A_152 = tpu.memref_squeeze %dma_wait3A_151 : memref<1x2048xi32, #tpu.memory_space<hbm>> -> memref<2048xi32, #tpu.memory_space<hbm>>
        tpu.wait_dma2 semaphore(%arg23 : memref<!tpu.dma_semaphore, #tpu.memory_space<semaphore_mem>>) src(%dma_wait3A_152 : memref<2048xi32, #tpu.memory_space<hbm>>) dst(%arg7 : memref<2048xi32, #tpu.memory_space<vmem>>)
        %dma_wait3A_153 = arith.constant 1 : i32
        %dma_wait3A_154 = arith.constant 0 : i32
        %dma_wait3A_155 = tpu.memref_slice %arg2[%dma_wait3A_153, %dma_wait3A_154] : memref<2x6400000xi32, #tpu.memory_space<hbm>> -> memref<1x2048xi32, #tpu.memory_space<hbm>>
        %dma_wait3A_156 = tpu.memref_squeeze %dma_wait3A_155 : memref<1x2048xi32, #tpu.memory_space<hbm>> -> memref<2048xi32, #tpu.memory_space<hbm>>
        %dma_wait3A_157 = arith.constant 0 : i32
        %dma_wait3A_158 = tpu.memref_slice %arg2[%dma_wait3A_153, %dma_wait3A_157] : memref<2x6400000xi32, #tpu.memory_space<hbm>> -> memref<1x2048xi32, #tpu.memory_space<hbm>>
        %dma_wait3A_159 = tpu.memref_squeeze %dma_wait3A_158 : memref<1x2048xi32, #tpu.memory_space<hbm>> -> memref<2048xi32, #tpu.memory_space<hbm>>
        tpu.wait_dma2 semaphore(%arg23 : memref<!tpu.dma_semaphore, #tpu.memory_space<semaphore_mem>>) src(%dma_wait3A_159 : memref<2048xi32, #tpu.memory_space<hbm>>) dst(%arg10 : memref<2048xi32, #tpu.memory_space<vmem>>)
        %dma_start3A_160 = arith.constant 0 : i32
        %dma_start3A_161 = tpu.memref_slice %arg18[%dma_start3A_160] : memref<100352xf32, #tpu.memory_space<vmem_shared>> -> memref<100352xf32, #tpu.memory_space<vmem_shared>>
        tpu.enqueue_indirect_dma source(%dma_start3A_161 : memref<100352xf32, #tpu.memory_space<vmem_shared>>) target(%arg13 : memref<2048xf32, #tpu.memory_space<vmem>>) offsets(%arg7 : memref<2048xi32, #tpu.memory_space<vmem>>) semaphore(%arg28 : memref<!tpu.dma_semaphore, #tpu.memory_space<semaphore_mem>>)
        %dma_start3A_162 = arith.constant 0 : i32
        %dma_start3A_163 = tpu.memref_slice %arg19[%dma_start3A_162] : memref<100352xf32, #tpu.memory_space<vmem_shared>> -> memref<100352xf32, #tpu.memory_space<vmem_shared>>
        tpu.enqueue_indirect_dma source(%dma_start3A_163 : memref<100352xf32, #tpu.memory_space<vmem_shared>>) target(%arg16 : memref<2048xf32, #tpu.memory_space<vmem>>) offsets(%arg7 : memref<2048xi32, #tpu.memory_space<vmem>>) semaphore(%arg28 : memref<!tpu.dma_semaphore, #tpu.memory_space<semaphore_mem>>)
        %dma_wait3A_164 = arith.constant 0 : i32
        %dma_wait3A_165 = tpu.memref_slice %arg18[%dma_wait3A_164] : memref<100352xf32, #tpu.memory_space<vmem_shared>> -> memref<100352xf32, #tpu.memory_space<vmem_shared>>
        tpu.wait_indirect_dma semaphore(%arg28 : memref<!tpu.dma_semaphore, #tpu.memory_space<semaphore_mem>>) src(%dma_wait3A_165 : memref<100352xf32, #tpu.memory_space<vmem_shared>>) dst(%arg13 : memref<2048xf32, #tpu.memory_space<vmem>>)
        %dma_wait3A_166 = arith.constant 0 : i32
        %dma_wait3A_167 = tpu.memref_slice %arg19[%dma_wait3A_166] : memref<100352xf32, #tpu.memory_space<vmem_shared>> -> memref<100352xf32, #tpu.memory_space<vmem_shared>>
        tpu.wait_indirect_dma semaphore(%arg28 : memref<!tpu.dma_semaphore, #tpu.memory_space<semaphore_mem>>) src(%dma_wait3A_167 : memref<100352xf32, #tpu.memory_space<vmem_shared>>) dst(%arg16 : memref<2048xf32, #tpu.memory_space<vmem>>)
        %dma_start3A_168 = arith.constant 0 : i32
        %dma_start3A_169 = tpu.memref_slice %arg20[%dma_start3A_168] : memref<100352xf32, #tpu.memory_space<vmem_shared>> -> memref<100352xf32, #tpu.memory_space<vmem_shared>>
        tpu.enqueue_indirect_dma source(%arg13 : memref<2048xf32, #tpu.memory_space<vmem>>) target(%dma_start3A_169 : memref<100352xf32, #tpu.memory_space<vmem_shared>>) offsets(%arg10 : memref<2048xi32, #tpu.memory_space<vmem>>) semaphore(%arg26 : memref<!tpu.dma_semaphore, #tpu.memory_space<semaphore_mem>>) {add = true}
        %dma_start3A_170 = arith.constant 0 : i32
        %dma_start3A_171 = tpu.memref_slice %arg21[%dma_start3A_170] : memref<100352xf32, #tpu.memory_space<vmem_shared>> -> memref<100352xf32, #tpu.memory_space<vmem_shared>>
        tpu.enqueue_indirect_dma source(%arg16 : memref<2048xf32, #tpu.memory_space<vmem>>) target(%dma_start3A_171 : memref<100352xf32, #tpu.memory_space<vmem_shared>>) offsets(%arg10 : memref<2048xi32, #tpu.memory_space<vmem>>) semaphore(%arg26 : memref<!tpu.dma_semaphore, #tpu.memory_space<semaphore_mem>>) {add = true}
      } else {
      }
      %mul3A_129 = arith.constant 3 : i32
      %mul3A_130 = arith.muli %while3A_112, %mul3A_129 : i32
      %add3A_131 = arith.constant 2 : i32
      %add3A_132 = arith.addi %mul3A_130, %add3A_131 : i32
      %lt3A_133 = arith.cmpi slt, %add3A_132, %select_n3A_31 : i32
      %convert_element_type3A_134 = arith.extui %lt3A_133 : i1 to i32
      %cond3A_135 = arith.constant 0 : i32
      %cond3A_136 = arith.cmpi ne, %convert_element_type3A_134, %cond3A_135 : i32
      scf.if %cond3A_136 {
        %ge3A = arith.constant 2 : i32
        %ge3A_137 = arith.cmpi sge, %add3A_132, %ge3A : i32
        %convert_element_type3A_138 = arith.extui %ge3A_137 : i1 to i32
        %cond3A_139 = arith.constant 0 : i32
        %cond3A_140 = arith.cmpi ne, %convert_element_type3A_138, %cond3A_139 : i32
        scf.if %cond3A_140 {
          %dma_wait3A_172 = arith.constant 0 : i32
          %dma_wait3A_173 = tpu.memref_slice %arg20[%dma_wait3A_172] : memref<100352xf32, #tpu.memory_space<vmem_shared>> -> memref<100352xf32, #tpu.memory_space<vmem_shared>>
          tpu.wait_indirect_dma semaphore(%arg25 : memref<!tpu.dma_semaphore, #tpu.memory_space<semaphore_mem>>) src(%arg12 : memref<2048xf32, #tpu.memory_space<vmem>>) dst(%dma_wait3A_173 : memref<100352xf32, #tpu.memory_space<vmem_shared>>)
          %dma_wait3A_174 = arith.constant 0 : i32
          %dma_wait3A_175 = tpu.memref_slice %arg21[%dma_wait3A_174] : memref<100352xf32, #tpu.memory_space<vmem_shared>> -> memref<100352xf32, #tpu.memory_space<vmem_shared>>
          tpu.wait_indirect_dma semaphore(%arg25 : memref<!tpu.dma_semaphore, #tpu.memory_space<semaphore_mem>>) src(%arg15 : memref<2048xf32, #tpu.memory_space<vmem>>) dst(%dma_wait3A_175 : memref<100352xf32, #tpu.memory_space<vmem_shared>>)
        } else {
        }
        %add3A_141 = arith.constant 1 : i32
        %add3A_142 = arith.addi %add3A_132, %add3A_141 : i32
        %lt3A_143 = arith.cmpi slt, %add3A_142, %select_n3A_31 : i32
        %convert_element_type3A_144 = arith.extui %lt3A_143 : i1 to i32
        %cond3A_145 = arith.constant 0 : i32
        %cond3A_146 = arith.cmpi ne, %convert_element_type3A_144, %cond3A_145 : i32
        scf.if %cond3A_146 {
          %add3A_172 = arith.constant 1 : i32
          %add3A_173 = arith.addi %add3A_132, %add3A_172 : i32
          %add3A_174 = arith.addi %add3A_28, %add3A_173 : i32
          %mul3A_175 = arith.constant 2048 : i32
          %mul3A_176 = arith.muli %add3A_174, %mul3A_175 : i32
          %dma_start3A_177 = arith.constant 0 : i32
          %dma_start3A_178 = tpu.memref_slice %arg2[%dma_start3A_177, %mul3A_176] : memref<2x6400000xi32, #tpu.memory_space<hbm>> -> memref<1x2048xi32, #tpu.memory_space<hbm>>
          %dma_start3A_179 = tpu.memref_squeeze %dma_start3A_178 : memref<1x2048xi32, #tpu.memory_space<hbm>> -> memref<2048xi32, #tpu.memory_space<hbm>>
          %dma_start3A_180 = tpu.memref_slice %arg2[%dma_start3A_177, %mul3A_176] : memref<2x6400000xi32, #tpu.memory_space<hbm>> -> memref<1x2048xi32, #tpu.memory_space<hbm>>
          %dma_start3A_181 = tpu.memref_squeeze %dma_start3A_180 : memref<1x2048xi32, #tpu.memory_space<hbm>> -> memref<2048xi32, #tpu.memory_space<hbm>>
          tpu.enqueue_dma source(%dma_start3A_181 : memref<2048xi32, #tpu.memory_space<hbm>>) target(%arg6 : memref<2048xi32, #tpu.memory_space<vmem>>) target_semaphore(%arg22 : memref<!tpu.dma_semaphore, #tpu.memory_space<semaphore_mem>>)
          %dma_start3A_182 = arith.constant 1 : i32
          %dma_start3A_183 = tpu.memref_slice %arg2[%dma_start3A_182, %mul3A_176] : memref<2x6400000xi32, #tpu.memory_space<hbm>> -> memref<1x2048xi32, #tpu.memory_space<hbm>>
          %dma_start3A_184 = tpu.memref_squeeze %dma_start3A_183 : memref<1x2048xi32, #tpu.memory_space<hbm>> -> memref<2048xi32, #tpu.memory_space<hbm>>
          %dma_start3A_185 = tpu.memref_slice %arg2[%dma_start3A_182, %mul3A_176] : memref<2x6400000xi32, #tpu.memory_space<hbm>> -> memref<1x2048xi32, #tpu.memory_space<hbm>>
          %dma_start3A_186 = tpu.memref_squeeze %dma_start3A_185 : memref<1x2048xi32, #tpu.memory_space<hbm>> -> memref<2048xi32, #tpu.memory_space<hbm>>
          tpu.enqueue_dma source(%dma_start3A_186 : memref<2048xi32, #tpu.memory_space<hbm>>) target(%arg9 : memref<2048xi32, #tpu.memory_space<vmem>>) target_semaphore(%arg22 : memref<!tpu.dma_semaphore, #tpu.memory_space<semaphore_mem>>)
        } else {
        }
        %dma_wait3A = arith.constant 0 : i32
        %dma_wait3A_147 = arith.constant 0 : i32
        %dma_wait3A_148 = tpu.memref_slice %arg2[%dma_wait3A, %dma_wait3A_147] : memref<2x6400000xi32, #tpu.memory_space<hbm>> -> memref<1x2048xi32, #tpu.memory_space<hbm>>
        %dma_wait3A_149 = tpu.memref_squeeze %dma_wait3A_148 : memref<1x2048xi32, #tpu.memory_space<hbm>> -> memref<2048xi32, #tpu.memory_space<hbm>>
        %dma_wait3A_150 = arith.constant 0 : i32
        %dma_wait3A_151 = tpu.memref_slice %arg2[%dma_wait3A, %dma_wait3A_150] : memref<2x6400000xi32, #tpu.memory_space<hbm>> -> memref<1x2048xi32, #tpu.memory_space<hbm>>
        %dma_wait3A_152 = tpu.memref_squeeze %dma_wait3A_151 : memref<1x2048xi32, #tpu.memory_space<hbm>> -> memref<2048xi32, #tpu.memory_space<hbm>>
        tpu.wait_dma2 semaphore(%arg24 : memref<!tpu.dma_semaphore, #tpu.memory_space<semaphore_mem>>) src(%dma_wait3A_152 : memref<2048xi32, #tpu.memory_space<hbm>>) dst(%arg8 : memref<2048xi32, #tpu.memory_space<vmem>>)
        %dma_wait3A_153 = arith.constant 1 : i32
        %dma_wait3A_154 = arith.constant 0 : i32
        %dma_wait3A_155 = tpu.memref_slice %arg2[%dma_wait3A_153, %dma_wait3A_154] : memref<2x6400000xi32, #tpu.memory_space<hbm>> -> memref<1x2048xi32, #tpu.memory_space<hbm>>
        %dma_wait3A_156 = tpu.memref_squeeze %dma_wait3A_155 : memref<1x2048xi32, #tpu.memory_space<hbm>> -> memref<2048xi32, #tpu.memory_space<hbm>>
        %dma_wait3A_157 = arith.constant 0 : i32
        %dma_wait3A_158 = tpu.memref_slice %arg2[%dma_wait3A_153, %dma_wait3A_157] : memref<2x6400000xi32, #tpu.memory_space<hbm>> -> memref<1x2048xi32, #tpu.memory_space<hbm>>
        %dma_wait3A_159 = tpu.memref_squeeze %dma_wait3A_158 : memref<1x2048xi32, #tpu.memory_space<hbm>> -> memref<2048xi32, #tpu.memory_space<hbm>>
        tpu.wait_dma2 semaphore(%arg24 : memref<!tpu.dma_semaphore, #tpu.memory_space<semaphore_mem>>) src(%dma_wait3A_159 : memref<2048xi32, #tpu.memory_space<hbm>>) dst(%arg11 : memref<2048xi32, #tpu.memory_space<vmem>>)
        %dma_start3A_160 = arith.constant 0 : i32
        %dma_start3A_161 = tpu.memref_slice %arg18[%dma_start3A_160] : memref<100352xf32, #tpu.memory_space<vmem_shared>> -> memref<100352xf32, #tpu.memory_space<vmem_shared>>
        tpu.enqueue_indirect_dma source(%dma_start3A_161 : memref<100352xf32, #tpu.memory_space<vmem_shared>>) target(%arg14 : memref<2048xf32, #tpu.memory_space<vmem>>) offsets(%arg8 : memref<2048xi32, #tpu.memory_space<vmem>>) semaphore(%arg28 : memref<!tpu.dma_semaphore, #tpu.memory_space<semaphore_mem>>)
        %dma_start3A_162 = arith.constant 0 : i32
        %dma_start3A_163 = tpu.memref_slice %arg19[%dma_start3A_162] : memref<100352xf32, #tpu.memory_space<vmem_shared>> -> memref<100352xf32, #tpu.memory_space<vmem_shared>>
        tpu.enqueue_indirect_dma source(%dma_start3A_163 : memref<100352xf32, #tpu.memory_space<vmem_shared>>) target(%arg17 : memref<2048xf32, #tpu.memory_space<vmem>>) offsets(%arg8 : memref<2048xi32, #tpu.memory_space<vmem>>) semaphore(%arg28 : memref<!tpu.dma_semaphore, #tpu.memory_space<semaphore_mem>>)
        %dma_wait3A_164 = arith.constant 0 : i32
        %dma_wait3A_165 = tpu.memref_slice %arg18[%dma_wait3A_164] : memref<100352xf32, #tpu.memory_space<vmem_shared>> -> memref<100352xf32, #tpu.memory_space<vmem_shared>>
        tpu.wait_indirect_dma semaphore(%arg28 : memref<!tpu.dma_semaphore, #tpu.memory_space<semaphore_mem>>) src(%dma_wait3A_165 : memref<100352xf32, #tpu.memory_space<vmem_shared>>) dst(%arg14 : memref<2048xf32, #tpu.memory_space<vmem>>)
        %dma_wait3A_166 = arith.constant 0 : i32
        %dma_wait3A_167 = tpu.memref_slice %arg19[%dma_wait3A_166] : memref<100352xf32, #tpu.memory_space<vmem_shared>> -> memref<100352xf32, #tpu.memory_space<vmem_shared>>
        tpu.wait_indirect_dma semaphore(%arg28 : memref<!tpu.dma_semaphore, #tpu.memory_space<semaphore_mem>>) src(%dma_wait3A_167 : memref<100352xf32, #tpu.memory_space<vmem_shared>>) dst(%arg17 : memref<2048xf32, #tpu.memory_space<vmem>>)
        %dma_start3A_168 = arith.constant 0 : i32
        %dma_start3A_169 = tpu.memref_slice %arg20[%dma_start3A_168] : memref<100352xf32, #tpu.memory_space<vmem_shared>> -> memref<100352xf32, #tpu.memory_space<vmem_shared>>
        tpu.enqueue_indirect_dma source(%arg14 : memref<2048xf32, #tpu.memory_space<vmem>>) target(%dma_start3A_169 : memref<100352xf32, #tpu.memory_space<vmem_shared>>) offsets(%arg11 : memref<2048xi32, #tpu.memory_space<vmem>>) semaphore(%arg27 : memref<!tpu.dma_semaphore, #tpu.memory_space<semaphore_mem>>) {add = true}
        %dma_start3A_170 = arith.constant 0 : i32
        %dma_start3A_171 = tpu.memref_slice %arg21[%dma_start3A_170] : memref<100352xf32, #tpu.memory_space<vmem_shared>> -> memref<100352xf32, #tpu.memory_space<vmem_shared>>
        tpu.enqueue_indirect_dma source(%arg17 : memref<2048xf32, #tpu.memory_space<vmem>>) target(%dma_start3A_171 : memref<100352xf32, #tpu.memory_space<vmem_shared>>) offsets(%arg11 : memref<2048xi32, #tpu.memory_space<vmem>>) semaphore(%arg27 : memref<!tpu.dma_semaphore, #tpu.memory_space<semaphore_mem>>) {add = true}
      } else {
      }
    }
    %while3A_79 = arith.constant 1 : i32
    scf.for %while3A_112 = %while3A_77 to %while3A_73 step %while3A_79  : i32 {
      %mul3A_113 = arith.constant 3 : i32
      %mul3A_114 = arith.muli %while3A_112, %mul3A_113 : i32
      %add3A_115 = arith.constant 0 : i32
      %add3A_116 = arith.addi %mul3A_114, %add3A_115 : i32
      %lt3A_117 = arith.cmpi slt, %add3A_116, %select_n3A_31 : i32
      %convert_element_type3A_118 = arith.extui %lt3A_117 : i1 to i32
      %cond3A_119 = arith.constant 0 : i32
      %cond3A_120 = arith.cmpi ne, %convert_element_type3A_118, %cond3A_119 : i32
      scf.if %cond3A_120 {
        %ge3A = arith.constant 2 : i32
        %ge3A_137 = arith.cmpi sge, %add3A_116, %ge3A : i32
        %convert_element_type3A_138 = arith.extui %ge3A_137 : i1 to i32
        %cond3A_139 = arith.constant 0 : i32
        %cond3A_140 = arith.cmpi ne, %convert_element_type3A_138, %cond3A_139 : i32
        scf.if %cond3A_140 {
          %dma_wait3A_172 = arith.constant 0 : i32
          %dma_wait3A_173 = tpu.memref_slice %arg20[%dma_wait3A_172] : memref<100352xf32, #tpu.memory_space<vmem_shared>> -> memref<100352xf32, #tpu.memory_space<vmem_shared>>
          tpu.wait_indirect_dma semaphore(%arg26 : memref<!tpu.dma_semaphore, #tpu.memory_space<semaphore_mem>>) src(%arg13 : memref<2048xf32, #tpu.memory_space<vmem>>) dst(%dma_wait3A_173 : memref<100352xf32, #tpu.memory_space<vmem_shared>>)
          %dma_wait3A_174 = arith.constant 0 : i32
          %dma_wait3A_175 = tpu.memref_slice %arg21[%dma_wait3A_174] : memref<100352xf32, #tpu.memory_space<vmem_shared>> -> memref<100352xf32, #tpu.memory_space<vmem_shared>>
          tpu.wait_indirect_dma semaphore(%arg26 : memref<!tpu.dma_semaphore, #tpu.memory_space<semaphore_mem>>) src(%arg16 : memref<2048xf32, #tpu.memory_space<vmem>>) dst(%dma_wait3A_175 : memref<100352xf32, #tpu.memory_space<vmem_shared>>)
        } else {
        }
        %add3A_141 = arith.constant 1 : i32
        %add3A_142 = arith.addi %add3A_116, %add3A_141 : i32
        %lt3A_143 = arith.cmpi slt, %add3A_142, %select_n3A_31 : i32
        %convert_element_type3A_144 = arith.extui %lt3A_143 : i1 to i32
        %cond3A_145 = arith.constant 0 : i32
        %cond3A_146 = arith.cmpi ne, %convert_element_type3A_144, %cond3A_145 : i32
        scf.if %cond3A_146 {
          %add3A_172 = arith.constant 1 : i32
          %add3A_173 = arith.addi %add3A_116, %add3A_172 : i32
          %add3A_174 = arith.addi %add3A_28, %add3A_173 : i32
          %mul3A_175 = arith.constant 2048 : i32
          %mul3A_176 = arith.muli %add3A_174, %mul3A_175 : i32
          %dma_start3A_177 = arith.constant 0 : i32
          %dma_start3A_178 = tpu.memref_slice %arg2[%dma_start3A_177, %mul3A_176] : memref<2x6400000xi32, #tpu.memory_space<hbm>> -> memref<1x2048xi32, #tpu.memory_space<hbm>>
          %dma_start3A_179 = tpu.memref_squeeze %dma_start3A_178 : memref<1x2048xi32, #tpu.memory_space<hbm>> -> memref<2048xi32, #tpu.memory_space<hbm>>
          %dma_start3A_180 = tpu.memref_slice %arg2[%dma_start3A_177, %mul3A_176] : memref<2x6400000xi32, #tpu.memory_space<hbm>> -> memref<1x2048xi32, #tpu.memory_space<hbm>>
          %dma_start3A_181 = tpu.memref_squeeze %dma_start3A_180 : memref<1x2048xi32, #tpu.memory_space<hbm>> -> memref<2048xi32, #tpu.memory_space<hbm>>
          tpu.enqueue_dma source(%dma_start3A_181 : memref<2048xi32, #tpu.memory_space<hbm>>) target(%arg7 : memref<2048xi32, #tpu.memory_space<vmem>>) target_semaphore(%arg23 : memref<!tpu.dma_semaphore, #tpu.memory_space<semaphore_mem>>)
          %dma_start3A_182 = arith.constant 1 : i32
          %dma_start3A_183 = tpu.memref_slice %arg2[%dma_start3A_182, %mul3A_176] : memref<2x6400000xi32, #tpu.memory_space<hbm>> -> memref<1x2048xi32, #tpu.memory_space<hbm>>
          %dma_start3A_184 = tpu.memref_squeeze %dma_start3A_183 : memref<1x2048xi32, #tpu.memory_space<hbm>> -> memref<2048xi32, #tpu.memory_space<hbm>>
          %dma_start3A_185 = tpu.memref_slice %arg2[%dma_start3A_182, %mul3A_176] : memref<2x6400000xi32, #tpu.memory_space<hbm>> -> memref<1x2048xi32, #tpu.memory_space<hbm>>
          %dma_start3A_186 = tpu.memref_squeeze %dma_start3A_185 : memref<1x2048xi32, #tpu.memory_space<hbm>> -> memref<2048xi32, #tpu.memory_space<hbm>>
          tpu.enqueue_dma source(%dma_start3A_186 : memref<2048xi32, #tpu.memory_space<hbm>>) target(%arg10 : memref<2048xi32, #tpu.memory_space<vmem>>) target_semaphore(%arg23 : memref<!tpu.dma_semaphore, #tpu.memory_space<semaphore_mem>>)
        } else {
        }
        %dma_wait3A = arith.constant 0 : i32
        %dma_wait3A_147 = arith.constant 0 : i32
        %dma_wait3A_148 = tpu.memref_slice %arg2[%dma_wait3A, %dma_wait3A_147] : memref<2x6400000xi32, #tpu.memory_space<hbm>> -> memref<1x2048xi32, #tpu.memory_space<hbm>>
        %dma_wait3A_149 = tpu.memref_squeeze %dma_wait3A_148 : memref<1x2048xi32, #tpu.memory_space<hbm>> -> memref<2048xi32, #tpu.memory_space<hbm>>
        %dma_wait3A_150 = arith.constant 0 : i32
        %dma_wait3A_151 = tpu.memref_slice %arg2[%dma_wait3A, %dma_wait3A_150] : memref<2x6400000xi32, #tpu.memory_space<hbm>> -> memref<1x2048xi32, #tpu.memory_space<hbm>>
        %dma_wait3A_152 = tpu.memref_squeeze %dma_wait3A_151 : memref<1x2048xi32, #tpu.memory_space<hbm>> -> memref<2048xi32, #tpu.memory_space<hbm>>
        tpu.wait_dma2 semaphore(%arg22 : memref<!tpu.dma_semaphore, #tpu.memory_space<semaphore_mem>>) src(%dma_wait3A_152 : memref<2048xi32, #tpu.memory_space<hbm>>) dst(%arg6 : memref<2048xi32, #tpu.memory_space<vmem>>)
        %dma_wait3A_153 = arith.constant 1 : i32
        %dma_wait3A_154 = arith.constant 0 : i32
        %dma_wait3A_155 = tpu.memref_slice %arg2[%dma_wait3A_153, %dma_wait3A_154] : memref<2x6400000xi32, #tpu.memory_space<hbm>> -> memref<1x2048xi32, #tpu.memory_space<hbm>>
        %dma_wait3A_156 = tpu.memref_squeeze %dma_wait3A_155 : memref<1x2048xi32, #tpu.memory_space<hbm>> -> memref<2048xi32, #tpu.memory_space<hbm>>
        %dma_wait3A_157 = arith.constant 0 : i32
        %dma_wait3A_158 = tpu.memref_slice %arg2[%dma_wait3A_153, %dma_wait3A_157] : memref<2x6400000xi32, #tpu.memory_space<hbm>> -> memref<1x2048xi32, #tpu.memory_space<hbm>>
        %dma_wait3A_159 = tpu.memref_squeeze %dma_wait3A_158 : memref<1x2048xi32, #tpu.memory_space<hbm>> -> memref<2048xi32, #tpu.memory_space<hbm>>
        tpu.wait_dma2 semaphore(%arg22 : memref<!tpu.dma_semaphore, #tpu.memory_space<semaphore_mem>>) src(%dma_wait3A_159 : memref<2048xi32, #tpu.memory_space<hbm>>) dst(%arg9 : memref<2048xi32, #tpu.memory_space<vmem>>)
        %dma_start3A_160 = arith.constant 0 : i32
        %dma_start3A_161 = tpu.memref_slice %arg18[%dma_start3A_160] : memref<100352xf32, #tpu.memory_space<vmem_shared>> -> memref<100352xf32, #tpu.memory_space<vmem_shared>>
        tpu.enqueue_indirect_dma source(%dma_start3A_161 : memref<100352xf32, #tpu.memory_space<vmem_shared>>) target(%arg12 : memref<2048xf32, #tpu.memory_space<vmem>>) offsets(%arg6 : memref<2048xi32, #tpu.memory_space<vmem>>) semaphore(%arg28 : memref<!tpu.dma_semaphore, #tpu.memory_space<semaphore_mem>>)
        %dma_start3A_162 = arith.constant 0 : i32
        %dma_start3A_163 = tpu.memref_slice %arg19[%dma_start3A_162] : memref<100352xf32, #tpu.memory_space<vmem_shared>> -> memref<100352xf32, #tpu.memory_space<vmem_shared>>
        tpu.enqueue_indirect_dma source(%dma_start3A_163 : memref<100352xf32, #tpu.memory_space<vmem_shared>>) target(%arg15 : memref<2048xf32, #tpu.memory_space<vmem>>) offsets(%arg6 : memref<2048xi32, #tpu.memory_space<vmem>>) semaphore(%arg28 : memref<!tpu.dma_semaphore, #tpu.memory_space<semaphore_mem>>)
        %dma_wait3A_164 = arith.constant 0 : i32
        %dma_wait3A_165 = tpu.memref_slice %arg18[%dma_wait3A_164] : memref<100352xf32, #tpu.memory_space<vmem_shared>> -> memref<100352xf32, #tpu.memory_space<vmem_shared>>
        tpu.wait_indirect_dma semaphore(%arg28 : memref<!tpu.dma_semaphore, #tpu.memory_space<semaphore_mem>>) src(%dma_wait3A_165 : memref<100352xf32, #tpu.memory_space<vmem_shared>>) dst(%arg12 : memref<2048xf32, #tpu.memory_space<vmem>>)
        %dma_wait3A_166 = arith.constant 0 : i32
        %dma_wait3A_167 = tpu.memref_slice %arg19[%dma_wait3A_166] : memref<100352xf32, #tpu.memory_space<vmem_shared>> -> memref<100352xf32, #tpu.memory_space<vmem_shared>>
        tpu.wait_indirect_dma semaphore(%arg28 : memref<!tpu.dma_semaphore, #tpu.memory_space<semaphore_mem>>) src(%dma_wait3A_167 : memref<100352xf32, #tpu.memory_space<vmem_shared>>) dst(%arg15 : memref<2048xf32, #tpu.memory_space<vmem>>)
        %dma_start3A_168 = arith.constant 0 : i32
        %dma_start3A_169 = tpu.memref_slice %arg20[%dma_start3A_168] : memref<100352xf32, #tpu.memory_space<vmem_shared>> -> memref<100352xf32, #tpu.memory_space<vmem_shared>>
        tpu.enqueue_indirect_dma source(%arg12 : memref<2048xf32, #tpu.memory_space<vmem>>) target(%dma_start3A_169 : memref<100352xf32, #tpu.memory_space<vmem_shared>>) offsets(%arg9 : memref<2048xi32, #tpu.memory_space<vmem>>) semaphore(%arg25 : memref<!tpu.dma_semaphore, #tpu.memory_space<semaphore_mem>>) {add = true}
        %dma_start3A_170 = arith.constant 0 : i32
        %dma_start3A_171 = tpu.memref_slice %arg21[%dma_start3A_170] : memref<100352xf32, #tpu.memory_space<vmem_shared>> -> memref<100352xf32, #tpu.memory_space<vmem_shared>>
        tpu.enqueue_indirect_dma source(%arg15 : memref<2048xf32, #tpu.memory_space<vmem>>) target(%dma_start3A_171 : memref<100352xf32, #tpu.memory_space<vmem_shared>>) offsets(%arg9 : memref<2048xi32, #tpu.memory_space<vmem>>) semaphore(%arg25 : memref<!tpu.dma_semaphore, #tpu.memory_space<semaphore_mem>>) {add = true}
      } else {
      }
      %mul3A_121 = arith.constant 3 : i32
      %mul3A_122 = arith.muli %while3A_112, %mul3A_121 : i32
      %add3A_123 = arith.constant 1 : i32
      %add3A_124 = arith.addi %mul3A_122, %add3A_123 : i32
      %lt3A_125 = arith.cmpi slt, %add3A_124, %select_n3A_31 : i32
      %convert_element_type3A_126 = arith.extui %lt3A_125 : i1 to i32
      %cond3A_127 = arith.constant 0 : i32
      %cond3A_128 = arith.cmpi ne, %convert_element_type3A_126, %cond3A_127 : i32
      scf.if %cond3A_128 {
        %ge3A = arith.constant 2 : i32
        %ge3A_137 = arith.cmpi sge, %add3A_124, %ge3A : i32
        %convert_element_type3A_138 = arith.extui %ge3A_137 : i1 to i32
        %cond3A_139 = arith.constant 0 : i32
        %cond3A_140 = arith.cmpi ne, %convert_element_type3A_138, %cond3A_139 : i32
        scf.if %cond3A_140 {
          %dma_wait3A_172 = arith.constant 0 : i32
          %dma_wait3A_173 = tpu.memref_slice %arg20[%dma_wait3A_172] : memref<100352xf32, #tpu.memory_space<vmem_shared>> -> memref<100352xf32, #tpu.memory_space<vmem_shared>>
          tpu.wait_indirect_dma semaphore(%arg27 : memref<!tpu.dma_semaphore, #tpu.memory_space<semaphore_mem>>) src(%arg14 : memref<2048xf32, #tpu.memory_space<vmem>>) dst(%dma_wait3A_173 : memref<100352xf32, #tpu.memory_space<vmem_shared>>)
          %dma_wait3A_174 = arith.constant 0 : i32
          %dma_wait3A_175 = tpu.memref_slice %arg21[%dma_wait3A_174] : memref<100352xf32, #tpu.memory_space<vmem_shared>> -> memref<100352xf32, #tpu.memory_space<vmem_shared>>
          tpu.wait_indirect_dma semaphore(%arg27 : memref<!tpu.dma_semaphore, #tpu.memory_space<semaphore_mem>>) src(%arg17 : memref<2048xf32, #tpu.memory_space<vmem>>) dst(%dma_wait3A_175 : memref<100352xf32, #tpu.memory_space<vmem_shared>>)
        } else {
        }
        %add3A_141 = arith.constant 1 : i32
        %add3A_142 = arith.addi %add3A_124, %add3A_141 : i32
        %lt3A_143 = arith.cmpi slt, %add3A_142, %select_n3A_31 : i32
        %convert_element_type3A_144 = arith.extui %lt3A_143 : i1 to i32
        %cond3A_145 = arith.constant 0 : i32
        %cond3A_146 = arith.cmpi ne, %convert_element_type3A_144, %cond3A_145 : i32
        scf.if %cond3A_146 {
          %add3A_172 = arith.constant 1 : i32
          %add3A_173 = arith.addi %add3A_124, %add3A_172 : i32
          %add3A_174 = arith.addi %add3A_28, %add3A_173 : i32
          %mul3A_175 = arith.constant 2048 : i32
          %mul3A_176 = arith.muli %add3A_174, %mul3A_175 : i32
          %dma_start3A_177 = arith.constant 0 : i32
          %dma_start3A_178 = tpu.memref_slice %arg2[%dma_start3A_177, %mul3A_176] : memref<2x6400000xi32, #tpu.memory_space<hbm>> -> memref<1x2048xi32, #tpu.memory_space<hbm>>
          %dma_start3A_179 = tpu.memref_squeeze %dma_start3A_178 : memref<1x2048xi32, #tpu.memory_space<hbm>> -> memref<2048xi32, #tpu.memory_space<hbm>>
          %dma_start3A_180 = tpu.memref_slice %arg2[%dma_start3A_177, %mul3A_176] : memref<2x6400000xi32, #tpu.memory_space<hbm>> -> memref<1x2048xi32, #tpu.memory_space<hbm>>
          %dma_start3A_181 = tpu.memref_squeeze %dma_start3A_180 : memref<1x2048xi32, #tpu.memory_space<hbm>> -> memref<2048xi32, #tpu.memory_space<hbm>>
          tpu.enqueue_dma source(%dma_start3A_181 : memref<2048xi32, #tpu.memory_space<hbm>>) target(%arg8 : memref<2048xi32, #tpu.memory_space<vmem>>) target_semaphore(%arg24 : memref<!tpu.dma_semaphore, #tpu.memory_space<semaphore_mem>>)
          %dma_start3A_182 = arith.constant 1 : i32
          %dma_start3A_183 = tpu.memref_slice %arg2[%dma_start3A_182, %mul3A_176] : memref<2x6400000xi32, #tpu.memory_space<hbm>> -> memref<1x2048xi32, #tpu.memory_space<hbm>>
          %dma_start3A_184 = tpu.memref_squeeze %dma_start3A_183 : memref<1x2048xi32, #tpu.memory_space<hbm>> -> memref<2048xi32, #tpu.memory_space<hbm>>
          %dma_start3A_185 = tpu.memref_slice %arg2[%dma_start3A_182, %mul3A_176] : memref<2x6400000xi32, #tpu.memory_space<hbm>> -> memref<1x2048xi32, #tpu.memory_space<hbm>>
          %dma_start3A_186 = tpu.memref_squeeze %dma_start3A_185 : memref<1x2048xi32, #tpu.memory_space<hbm>> -> memref<2048xi32, #tpu.memory_space<hbm>>
          tpu.enqueue_dma source(%dma_start3A_186 : memref<2048xi32, #tpu.memory_space<hbm>>) target(%arg11 : memref<2048xi32, #tpu.memory_space<vmem>>) target_semaphore(%arg24 : memref<!tpu.dma_semaphore, #tpu.memory_space<semaphore_mem>>)
        } else {
        }
        %dma_wait3A = arith.constant 0 : i32
        %dma_wait3A_147 = arith.constant 0 : i32
        %dma_wait3A_148 = tpu.memref_slice %arg2[%dma_wait3A, %dma_wait3A_147] : memref<2x6400000xi32, #tpu.memory_space<hbm>> -> memref<1x2048xi32, #tpu.memory_space<hbm>>
        %dma_wait3A_149 = tpu.memref_squeeze %dma_wait3A_148 : memref<1x2048xi32, #tpu.memory_space<hbm>> -> memref<2048xi32, #tpu.memory_space<hbm>>
        %dma_wait3A_150 = arith.constant 0 : i32
        %dma_wait3A_151 = tpu.memref_slice %arg2[%dma_wait3A, %dma_wait3A_150] : memref<2x6400000xi32, #tpu.memory_space<hbm>> -> memref<1x2048xi32, #tpu.memory_space<hbm>>
        %dma_wait3A_152 = tpu.memref_squeeze %dma_wait3A_151 : memref<1x2048xi32, #tpu.memory_space<hbm>> -> memref<2048xi32, #tpu.memory_space<hbm>>
        tpu.wait_dma2 semaphore(%arg23 : memref<!tpu.dma_semaphore, #tpu.memory_space<semaphore_mem>>) src(%dma_wait3A_152 : memref<2048xi32, #tpu.memory_space<hbm>>) dst(%arg7 : memref<2048xi32, #tpu.memory_space<vmem>>)
        %dma_wait3A_153 = arith.constant 1 : i32
        %dma_wait3A_154 = arith.constant 0 : i32
        %dma_wait3A_155 = tpu.memref_slice %arg2[%dma_wait3A_153, %dma_wait3A_154] : memref<2x6400000xi32, #tpu.memory_space<hbm>> -> memref<1x2048xi32, #tpu.memory_space<hbm>>
        %dma_wait3A_156 = tpu.memref_squeeze %dma_wait3A_155 : memref<1x2048xi32, #tpu.memory_space<hbm>> -> memref<2048xi32, #tpu.memory_space<hbm>>
        %dma_wait3A_157 = arith.constant 0 : i32
        %dma_wait3A_158 = tpu.memref_slice %arg2[%dma_wait3A_153, %dma_wait3A_157] : memref<2x6400000xi32, #tpu.memory_space<hbm>> -> memref<1x2048xi32, #tpu.memory_space<hbm>>
        %dma_wait3A_159 = tpu.memref_squeeze %dma_wait3A_158 : memref<1x2048xi32, #tpu.memory_space<hbm>> -> memref<2048xi32, #tpu.memory_space<hbm>>
        tpu.wait_dma2 semaphore(%arg23 : memref<!tpu.dma_semaphore, #tpu.memory_space<semaphore_mem>>) src(%dma_wait3A_159 : memref<2048xi32, #tpu.memory_space<hbm>>) dst(%arg10 : memref<2048xi32, #tpu.memory_space<vmem>>)
        %dma_start3A_160 = arith.constant 0 : i32
        %dma_start3A_161 = tpu.memref_slice %arg18[%dma_start3A_160] : memref<100352xf32, #tpu.memory_space<vmem_shared>> -> memref<100352xf32, #tpu.memory_space<vmem_shared>>
        tpu.enqueue_indirect_dma source(%dma_start3A_161 : memref<100352xf32, #tpu.memory_space<vmem_shared>>) target(%arg13 : memref<2048xf32, #tpu.memory_space<vmem>>) offsets(%arg7 : memref<2048xi32, #tpu.memory_space<vmem>>) semaphore(%arg28 : memref<!tpu.dma_semaphore, #tpu.memory_space<semaphore_mem>>)
        %dma_start3A_162 = arith.constant 0 : i32
        %dma_start3A_163 = tpu.memref_slice %arg19[%dma_start3A_162] : memref<100352xf32, #tpu.memory_space<vmem_shared>> -> memref<100352xf32, #tpu.memory_space<vmem_shared>>
        tpu.enqueue_indirect_dma source(%dma_start3A_163 : memref<100352xf32, #tpu.memory_space<vmem_shared>>) target(%arg16 : memref<2048xf32, #tpu.memory_space<vmem>>) offsets(%arg7 : memref<2048xi32, #tpu.memory_space<vmem>>) semaphore(%arg28 : memref<!tpu.dma_semaphore, #tpu.memory_space<semaphore_mem>>)
        %dma_wait3A_164 = arith.constant 0 : i32
        %dma_wait3A_165 = tpu.memref_slice %arg18[%dma_wait3A_164] : memref<100352xf32, #tpu.memory_space<vmem_shared>> -> memref<100352xf32, #tpu.memory_space<vmem_shared>>
        tpu.wait_indirect_dma semaphore(%arg28 : memref<!tpu.dma_semaphore, #tpu.memory_space<semaphore_mem>>) src(%dma_wait3A_165 : memref<100352xf32, #tpu.memory_space<vmem_shared>>) dst(%arg13 : memref<2048xf32, #tpu.memory_space<vmem>>)
        %dma_wait3A_166 = arith.constant 0 : i32
        %dma_wait3A_167 = tpu.memref_slice %arg19[%dma_wait3A_166] : memref<100352xf32, #tpu.memory_space<vmem_shared>> -> memref<100352xf32, #tpu.memory_space<vmem_shared>>
        tpu.wait_indirect_dma semaphore(%arg28 : memref<!tpu.dma_semaphore, #tpu.memory_space<semaphore_mem>>) src(%dma_wait3A_167 : memref<100352xf32, #tpu.memory_space<vmem_shared>>) dst(%arg16 : memref<2048xf32, #tpu.memory_space<vmem>>)
        %dma_start3A_168 = arith.constant 0 : i32
        %dma_start3A_169 = tpu.memref_slice %arg20[%dma_start3A_168] : memref<100352xf32, #tpu.memory_space<vmem_shared>> -> memref<100352xf32, #tpu.memory_space<vmem_shared>>
        tpu.enqueue_indirect_dma source(%arg13 : memref<2048xf32, #tpu.memory_space<vmem>>) target(%dma_start3A_169 : memref<100352xf32, #tpu.memory_space<vmem_shared>>) offsets(%arg10 : memref<2048xi32, #tpu.memory_space<vmem>>) semaphore(%arg26 : memref<!tpu.dma_semaphore, #tpu.memory_space<semaphore_mem>>) {add = true}
        %dma_start3A_170 = arith.constant 0 : i32
        %dma_start3A_171 = tpu.memref_slice %arg21[%dma_start3A_170] : memref<100352xf32, #tpu.memory_space<vmem_shared>> -> memref<100352xf32, #tpu.memory_space<vmem_shared>>
        tpu.enqueue_indirect_dma source(%arg16 : memref<2048xf32, #tpu.memory_space<vmem>>) target(%dma_start3A_171 : memref<100352xf32, #tpu.memory_space<vmem_shared>>) offsets(%arg10 : memref<2048xi32, #tpu.memory_space<vmem>>) semaphore(%arg26 : memref<!tpu.dma_semaphore, #tpu.memory_space<semaphore_mem>>) {add = true}
      } else {
      }
      %mul3A_129 = arith.constant 3 : i32
      %mul3A_130 = arith.muli %while3A_112, %mul3A_129 : i32
      %add3A_131 = arith.constant 2 : i32
      %add3A_132 = arith.addi %mul3A_130, %add3A_131 : i32
      %lt3A_133 = arith.cmpi slt, %add3A_132, %select_n3A_31 : i32
      %convert_element_type3A_134 = arith.extui %lt3A_133 : i1 to i32
      %cond3A_135 = arith.constant 0 : i32
      %cond3A_136 = arith.cmpi ne, %convert_element_type3A_134, %cond3A_135 : i32
      scf.if %cond3A_136 {
        %ge3A = arith.constant 2 : i32
        %ge3A_137 = arith.cmpi sge, %add3A_132, %ge3A : i32
        %convert_element_type3A_138 = arith.extui %ge3A_137 : i1 to i32
        %cond3A_139 = arith.constant 0 : i32
        %cond3A_140 = arith.cmpi ne, %convert_element_type3A_138, %cond3A_139 : i32
        scf.if %cond3A_140 {
          %dma_wait3A_172 = arith.constant 0 : i32
          %dma_wait3A_173 = tpu.memref_slice %arg20[%dma_wait3A_172] : memref<100352xf32, #tpu.memory_space<vmem_shared>> -> memref<100352xf32, #tpu.memory_space<vmem_shared>>
          tpu.wait_indirect_dma semaphore(%arg25 : memref<!tpu.dma_semaphore, #tpu.memory_space<semaphore_mem>>) src(%arg12 : memref<2048xf32, #tpu.memory_space<vmem>>) dst(%dma_wait3A_173 : memref<100352xf32, #tpu.memory_space<vmem_shared>>)
          %dma_wait3A_174 = arith.constant 0 : i32
          %dma_wait3A_175 = tpu.memref_slice %arg21[%dma_wait3A_174] : memref<100352xf32, #tpu.memory_space<vmem_shared>> -> memref<100352xf32, #tpu.memory_space<vmem_shared>>
          tpu.wait_indirect_dma semaphore(%arg25 : memref<!tpu.dma_semaphore, #tpu.memory_space<semaphore_mem>>) src(%arg15 : memref<2048xf32, #tpu.memory_space<vmem>>) dst(%dma_wait3A_175 : memref<100352xf32, #tpu.memory_space<vmem_shared>>)
        } else {
        }
        %add3A_141 = arith.constant 1 : i32
        %add3A_142 = arith.addi %add3A_132, %add3A_141 : i32
        %lt3A_143 = arith.cmpi slt, %add3A_142, %select_n3A_31 : i32
        %convert_element_type3A_144 = arith.extui %lt3A_143 : i1 to i32
        %cond3A_145 = arith.constant 0 : i32
        %cond3A_146 = arith.cmpi ne, %convert_element_type3A_144, %cond3A_145 : i32
        scf.if %cond3A_146 {
          %add3A_172 = arith.constant 1 : i32
          %add3A_173 = arith.addi %add3A_132, %add3A_172 : i32
          %add3A_174 = arith.addi %add3A_28, %add3A_173 : i32
          %mul3A_175 = arith.constant 2048 : i32
          %mul3A_176 = arith.muli %add3A_174, %mul3A_175 : i32
          %dma_start3A_177 = arith.constant 0 : i32
          %dma_start3A_178 = tpu.memref_slice %arg2[%dma_start3A_177, %mul3A_176] : memref<2x6400000xi32, #tpu.memory_space<hbm>> -> memref<1x2048xi32, #tpu.memory_space<hbm>>
          %dma_start3A_179 = tpu.memref_squeeze %dma_start3A_178 : memref<1x2048xi32, #tpu.memory_space<hbm>> -> memref<2048xi32, #tpu.memory_space<hbm>>
          %dma_start3A_180 = tpu.memref_slice %arg2[%dma_start3A_177, %mul3A_176] : memref<2x6400000xi32, #tpu.memory_space<hbm>> -> memref<1x2048xi32, #tpu.memory_space<hbm>>
          %dma_start3A_181 = tpu.memref_squeeze %dma_start3A_180 : memref<1x2048xi32, #tpu.memory_space<hbm>> -> memref<2048xi32, #tpu.memory_space<hbm>>
          tpu.enqueue_dma source(%dma_start3A_181 : memref<2048xi32, #tpu.memory_space<hbm>>) target(%arg6 : memref<2048xi32, #tpu.memory_space<vmem>>) target_semaphore(%arg22 : memref<!tpu.dma_semaphore, #tpu.memory_space<semaphore_mem>>)
          %dma_start3A_182 = arith.constant 1 : i32
          %dma_start3A_183 = tpu.memref_slice %arg2[%dma_start3A_182, %mul3A_176] : memref<2x6400000xi32, #tpu.memory_space<hbm>> -> memref<1x2048xi32, #tpu.memory_space<hbm>>
          %dma_start3A_184 = tpu.memref_squeeze %dma_start3A_183 : memref<1x2048xi32, #tpu.memory_space<hbm>> -> memref<2048xi32, #tpu.memory_space<hbm>>
          %dma_start3A_185 = tpu.memref_slice %arg2[%dma_start3A_182, %mul3A_176] : memref<2x6400000xi32, #tpu.memory_space<hbm>> -> memref<1x2048xi32, #tpu.memory_space<hbm>>
          %dma_start3A_186 = tpu.memref_squeeze %dma_start3A_185 : memref<1x2048xi32, #tpu.memory_space<hbm>> -> memref<2048xi32, #tpu.memory_space<hbm>>
          tpu.enqueue_dma source(%dma_start3A_186 : memref<2048xi32, #tpu.memory_space<hbm>>) target(%arg9 : memref<2048xi32, #tpu.memory_space<vmem>>) target_semaphore(%arg22 : memref<!tpu.dma_semaphore, #tpu.memory_space<semaphore_mem>>)
        } else {
        }
        %dma_wait3A = arith.constant 0 : i32
        %dma_wait3A_147 = arith.constant 0 : i32
        %dma_wait3A_148 = tpu.memref_slice %arg2[%dma_wait3A, %dma_wait3A_147] : memref<2x6400000xi32, #tpu.memory_space<hbm>> -> memref<1x2048xi32, #tpu.memory_space<hbm>>
        %dma_wait3A_149 = tpu.memref_squeeze %dma_wait3A_148 : memref<1x2048xi32, #tpu.memory_space<hbm>> -> memref<2048xi32, #tpu.memory_space<hbm>>
        %dma_wait3A_150 = arith.constant 0 : i32
        %dma_wait3A_151 = tpu.memref_slice %arg2[%dma_wait3A, %dma_wait3A_150] : memref<2x6400000xi32, #tpu.memory_space<hbm>> -> memref<1x2048xi32, #tpu.memory_space<hbm>>
        %dma_wait3A_152 = tpu.memref_squeeze %dma_wait3A_151 : memref<1x2048xi32, #tpu.memory_space<hbm>> -> memref<2048xi32, #tpu.memory_space<hbm>>
        tpu.wait_dma2 semaphore(%arg24 : memref<!tpu.dma_semaphore, #tpu.memory_space<semaphore_mem>>) src(%dma_wait3A_152 : memref<2048xi32, #tpu.memory_space<hbm>>) dst(%arg8 : memref<2048xi32, #tpu.memory_space<vmem>>)
        %dma_wait3A_153 = arith.constant 1 : i32
        %dma_wait3A_154 = arith.constant 0 : i32
        %dma_wait3A_155 = tpu.memref_slice %arg2[%dma_wait3A_153, %dma_wait3A_154] : memref<2x6400000xi32, #tpu.memory_space<hbm>> -> memref<1x2048xi32, #tpu.memory_space<hbm>>
        %dma_wait3A_156 = tpu.memref_squeeze %dma_wait3A_155 : memref<1x2048xi32, #tpu.memory_space<hbm>> -> memref<2048xi32, #tpu.memory_space<hbm>>
        %dma_wait3A_157 = arith.constant 0 : i32
        %dma_wait3A_158 = tpu.memref_slice %arg2[%dma_wait3A_153, %dma_wait3A_157] : memref<2x6400000xi32, #tpu.memory_space<hbm>> -> memref<1x2048xi32, #tpu.memory_space<hbm>>
        %dma_wait3A_159 = tpu.memref_squeeze %dma_wait3A_158 : memref<1x2048xi32, #tpu.memory_space<hbm>> -> memref<2048xi32, #tpu.memory_space<hbm>>
        tpu.wait_dma2 semaphore(%arg24 : memref<!tpu.dma_semaphore, #tpu.memory_space<semaphore_mem>>) src(%dma_wait3A_159 : memref<2048xi32, #tpu.memory_space<hbm>>) dst(%arg11 : memref<2048xi32, #tpu.memory_space<vmem>>)
        %dma_start3A_160 = arith.constant 0 : i32
        %dma_start3A_161 = tpu.memref_slice %arg18[%dma_start3A_160] : memref<100352xf32, #tpu.memory_space<vmem_shared>> -> memref<100352xf32, #tpu.memory_space<vmem_shared>>
        tpu.enqueue_indirect_dma source(%dma_start3A_161 : memref<100352xf32, #tpu.memory_space<vmem_shared>>) target(%arg14 : memref<2048xf32, #tpu.memory_space<vmem>>) offsets(%arg8 : memref<2048xi32, #tpu.memory_space<vmem>>) semaphore(%arg28 : memref<!tpu.dma_semaphore, #tpu.memory_space<semaphore_mem>>)
        %dma_start3A_162 = arith.constant 0 : i32
        %dma_start3A_163 = tpu.memref_slice %arg19[%dma_start3A_162] : memref<100352xf32, #tpu.memory_space<vmem_shared>> -> memref<100352xf32, #tpu.memory_space<vmem_shared>>
        tpu.enqueue_indirect_dma source(%dma_start3A_163 : memref<100352xf32, #tpu.memory_space<vmem_shared>>) target(%arg17 : memref<2048xf32, #tpu.memory_space<vmem>>) offsets(%arg8 : memref<2048xi32, #tpu.memory_space<vmem>>) semaphore(%arg28 : memref<!tpu.dma_semaphore, #tpu.memory_space<semaphore_mem>>)
        %dma_wait3A_164 = arith.constant 0 : i32
        %dma_wait3A_165 = tpu.memref_slice %arg18[%dma_wait3A_164] : memref<100352xf32, #tpu.memory_space<vmem_shared>> -> memref<100352xf32, #tpu.memory_space<vmem_shared>>
        tpu.wait_indirect_dma semaphore(%arg28 : memref<!tpu.dma_semaphore, #tpu.memory_space<semaphore_mem>>) src(%dma_wait3A_165 : memref<100352xf32, #tpu.memory_space<vmem_shared>>) dst(%arg14 : memref<2048xf32, #tpu.memory_space<vmem>>)
        %dma_wait3A_166 = arith.constant 0 : i32
        %dma_wait3A_167 = tpu.memref_slice %arg19[%dma_wait3A_166] : memref<100352xf32, #tpu.memory_space<vmem_shared>> -> memref<100352xf32, #tpu.memory_space<vmem_shared>>
        tpu.wait_indirect_dma semaphore(%arg28 : memref<!tpu.dma_semaphore, #tpu.memory_space<semaphore_mem>>) src(%dma_wait3A_167 : memref<100352xf32, #tpu.memory_space<vmem_shared>>) dst(%arg17 : memref<2048xf32, #tpu.memory_space<vmem>>)
        %dma_start3A_168 = arith.constant 0 : i32
        %dma_start3A_169 = tpu.memref_slice %arg20[%dma_start3A_168] : memref<100352xf32, #tpu.memory_space<vmem_shared>> -> memref<100352xf32, #tpu.memory_space<vmem_shared>>
        tpu.enqueue_indirect_dma source(%arg14 : memref<2048xf32, #tpu.memory_space<vmem>>) target(%dma_start3A_169 : memref<100352xf32, #tpu.memory_space<vmem_shared>>) offsets(%arg11 : memref<2048xi32, #tpu.memory_space<vmem>>) semaphore(%arg27 : memref<!tpu.dma_semaphore, #tpu.memory_space<semaphore_mem>>) {add = true}
        %dma_start3A_170 = arith.constant 0 : i32
        %dma_start3A_171 = tpu.memref_slice %arg21[%dma_start3A_170] : memref<100352xf32, #tpu.memory_space<vmem_shared>> -> memref<100352xf32, #tpu.memory_space<vmem_shared>>
        tpu.enqueue_indirect_dma source(%arg17 : memref<2048xf32, #tpu.memory_space<vmem>>) target(%dma_start3A_171 : memref<100352xf32, #tpu.memory_space<vmem_shared>>) offsets(%arg11 : memref<2048xi32, #tpu.memory_space<vmem>>) semaphore(%arg27 : memref<!tpu.dma_semaphore, #tpu.memory_space<semaphore_mem>>) {add = true}
      } else {
      }
    }
    %jit3A_80 = arith.constant 3 : i32
    %eq3A_81 = arith.constant 0 : i32
    %eq3A_82 = arith.cmpi eq, %jit3A_80, %eq3A_81 : i32
    %jit3A_83 = arith.constant 1 : i32
    %select_n3A_84 = arith.select %eq3A_82, %jit3A_83, %jit3A_80 : i32
    %rem3A_85 = arith.remsi %select_n3A_31, %select_n3A_84 : i32
    %ne3A_86 = arith.constant 0 : i32
    %ne3A_87 = arith.cmpi ne, %rem3A_85, %ne3A_86 : i32
    %lt3A_88 = arith.constant 0 : i32
    %lt3A_89 = arith.cmpi slt, %rem3A_85, %lt3A_88 : i32
    %lt3A_90 = arith.constant 0 : i32
    %lt3A_91 = arith.cmpi slt, %select_n3A_84, %lt3A_90 : i32
    %ne3A_92 = arith.xori %lt3A_89, %lt3A_91 : i1
    %and3A_93 = arith.andi %ne3A_92, %ne3A_87 : i1
    %add3A_94 = arith.addi %rem3A_85, %select_n3A_84 : i32
    %select_n3A_95 = arith.select %and3A_93, %add3A_94, %rem3A_85 : i32
    %ne3A_96 = arith.constant 0 : i32
    %ne3A_97 = arith.cmpi ne, %select_n3A_95, %ne3A_96 : i32
    %convert_element_type3A = arith.extui %ne3A_97 : i1 to i32
    %cond3A = arith.constant 0 : i32
    %cond3A_98 = arith.cmpi ne, %convert_element_type3A, %cond3A : i32
    scf.if %cond3A_98 {
      %dma_wait3A = arith.constant 0 : i32
      %dma_wait3A_112 = tpu.memref_slice %arg20[%dma_wait3A] : memref<100352xf32, #tpu.memory_space<vmem_shared>> -> memref<100352xf32, #tpu.memory_space<vmem_shared>>
      tpu.wait_indirect_dma semaphore(%arg25 : memref<!tpu.dma_semaphore, #tpu.memory_space<semaphore_mem>>) src(%arg12 : memref<2048xf32, #tpu.memory_space<vmem>>) dst(%dma_wait3A_112 : memref<100352xf32, #tpu.memory_space<vmem_shared>>)
      %dma_wait3A_113 = arith.constant 0 : i32
      %dma_wait3A_114 = tpu.memref_slice %arg21[%dma_wait3A_113] : memref<100352xf32, #tpu.memory_space<vmem_shared>> -> memref<100352xf32, #tpu.memory_space<vmem_shared>>
      tpu.wait_indirect_dma semaphore(%arg25 : memref<!tpu.dma_semaphore, #tpu.memory_space<semaphore_mem>>) src(%arg15 : memref<2048xf32, #tpu.memory_space<vmem>>) dst(%dma_wait3A_114 : memref<100352xf32, #tpu.memory_space<vmem_shared>>)
    } else {
    }
    %ne3A_99 = arith.constant 1 : i32
    %ne3A_100 = arith.cmpi ne, %select_n3A_95, %ne3A_99 : i32
    %convert_element_type3A_101 = arith.extui %ne3A_100 : i1 to i32
    %cond3A_102 = arith.constant 0 : i32
    %cond3A_103 = arith.cmpi ne, %convert_element_type3A_101, %cond3A_102 : i32
    scf.if %cond3A_103 {
      %dma_wait3A = arith.constant 0 : i32
      %dma_wait3A_112 = tpu.memref_slice %arg20[%dma_wait3A] : memref<100352xf32, #tpu.memory_space<vmem_shared>> -> memref<100352xf32, #tpu.memory_space<vmem_shared>>
      tpu.wait_indirect_dma semaphore(%arg26 : memref<!tpu.dma_semaphore, #tpu.memory_space<semaphore_mem>>) src(%arg13 : memref<2048xf32, #tpu.memory_space<vmem>>) dst(%dma_wait3A_112 : memref<100352xf32, #tpu.memory_space<vmem_shared>>)
      %dma_wait3A_113 = arith.constant 0 : i32
      %dma_wait3A_114 = tpu.memref_slice %arg21[%dma_wait3A_113] : memref<100352xf32, #tpu.memory_space<vmem_shared>> -> memref<100352xf32, #tpu.memory_space<vmem_shared>>
      tpu.wait_indirect_dma semaphore(%arg26 : memref<!tpu.dma_semaphore, #tpu.memory_space<semaphore_mem>>) src(%arg16 : memref<2048xf32, #tpu.memory_space<vmem>>) dst(%dma_wait3A_114 : memref<100352xf32, #tpu.memory_space<vmem_shared>>)
    } else {
    }
    %ne3A_104 = arith.constant 2 : i32
    %ne3A_105 = arith.cmpi ne, %select_n3A_95, %ne3A_104 : i32
    %convert_element_type3A_106 = arith.extui %ne3A_105 : i1 to i32
    %cond3A_107 = arith.constant 0 : i32
    %cond3A_108 = arith.cmpi ne, %convert_element_type3A_106, %cond3A_107 : i32
    scf.if %cond3A_108 {
      %dma_wait3A = arith.constant 0 : i32
      %dma_wait3A_112 = tpu.memref_slice %arg20[%dma_wait3A] : memref<100352xf32, #tpu.memory_space<vmem_shared>> -> memref<100352xf32, #tpu.memory_space<vmem_shared>>
      tpu.wait_indirect_dma semaphore(%arg27 : memref<!tpu.dma_semaphore, #tpu.memory_space<semaphore_mem>>) src(%arg14 : memref<2048xf32, #tpu.memory_space<vmem>>) dst(%dma_wait3A_112 : memref<100352xf32, #tpu.memory_space<vmem_shared>>)
      %dma_wait3A_113 = arith.constant 0 : i32
      %dma_wait3A_114 = tpu.memref_slice %arg21[%dma_wait3A_113] : memref<100352xf32, #tpu.memory_space<vmem_shared>> -> memref<100352xf32, #tpu.memory_space<vmem_shared>>
      tpu.wait_indirect_dma semaphore(%arg27 : memref<!tpu.dma_semaphore, #tpu.memory_space<semaphore_mem>>) src(%arg17 : memref<2048xf32, #tpu.memory_space<vmem>>) dst(%dma_wait3A_114 : memref<100352xf32, #tpu.memory_space<vmem_shared>>)
    } else {
    }
    %barrier3A_109 = arith.constant 0 : index
    tpu.barrier barrier_id(%barrier3A_109)
    %run_scoped3A_110 = arith.constant 0 : i32
    "tpu.region"() ({
      %run_scoped3A_112 = tpu.sem_alloc : memref<!tpu.dma_semaphore, #tpu.memory_space<semaphore_mem>>
      %dma_start3A_113 = tpu.memref_slice %arg5[%arg0, %run_scoped3A_110, %mul3A_0] : memref<2x2x100352xf32, #tpu.memory_space<hbm>> -> memref<1x1x6272xf32, #tpu.memory_space<hbm>>
      %dma_start3A_114 = tpu.memref_squeeze %dma_start3A_113 : memref<1x1x6272xf32, #tpu.memory_space<hbm>> -> memref<6272xf32, #tpu.memory_space<hbm>>
      %dma_start3A_115 = tpu.memref_slice %arg20[%mul3A_0] : memref<100352xf32, #tpu.memory_space<vmem_shared>> -> memref<6272xf32, #tpu.memory_space<vmem_shared>>
      tpu.enqueue_dma source(%dma_start3A_115 : memref<6272xf32, #tpu.memory_space<vmem_shared>>) target(%dma_start3A_114 : memref<6272xf32, #tpu.memory_space<hbm>>) target_semaphore(%run_scoped3A_112 : memref<!tpu.dma_semaphore, #tpu.memory_space<semaphore_mem>>)
      %dma_wait3A = tpu.memref_slice %arg5[%arg0, %run_scoped3A_110, %mul3A_0] : memref<2x2x100352xf32, #tpu.memory_space<hbm>> -> memref<1x1x6272xf32, #tpu.memory_space<hbm>>
      %dma_wait3A_116 = tpu.memref_squeeze %dma_wait3A : memref<1x1x6272xf32, #tpu.memory_space<hbm>> -> memref<6272xf32, #tpu.memory_space<hbm>>
      %dma_wait3A_117 = tpu.memref_slice %arg20[%mul3A_0] : memref<100352xf32, #tpu.memory_space<vmem_shared>> -> memref<6272xf32, #tpu.memory_space<vmem_shared>>
      tpu.wait_dma2 semaphore(%run_scoped3A_112 : memref<!tpu.dma_semaphore, #tpu.memory_space<semaphore_mem>>) src(%dma_wait3A_117 : memref<6272xf32, #tpu.memory_space<vmem_shared>>) dst(%dma_wait3A_116 : memref<6272xf32, #tpu.memory_space<hbm>>)
      tpu.yield
    }) : () -> ()
    %run_scoped3A_111 = arith.constant 1 : i32
    "tpu.region"() ({
      %run_scoped3A_112 = tpu.sem_alloc : memref<!tpu.dma_semaphore, #tpu.memory_space<semaphore_mem>>
      %dma_start3A_113 = tpu.memref_slice %arg5[%arg0, %run_scoped3A_111, %mul3A_0] : memref<2x2x100352xf32, #tpu.memory_space<hbm>> -> memref<1x1x6272xf32, #tpu.memory_space<hbm>>
      %dma_start3A_114 = tpu.memref_squeeze %dma_start3A_113 : memref<1x1x6272xf32, #tpu.memory_space<hbm>> -> memref<6272xf32, #tpu.memory_space<hbm>>
      %dma_start3A_115 = tpu.memref_slice %arg21[%mul3A_0] : memref<100352xf32, #tpu.memory_space<vmem_shared>> -> memref<6272xf32, #tpu.memory_space<vmem_shared>>
      tpu.enqueue_dma source(%dma_start3A_115 : memref<6272xf32, #tpu.memory_space<vmem_shared>>) target(%dma_start3A_114 : memref<6272xf32, #tpu.memory_space<hbm>>) target_semaphore(%run_scoped3A_112 : memref<!tpu.dma_semaphore, #tpu.memory_space<semaphore_mem>>)
      %dma_wait3A = tpu.memref_slice %arg5[%arg0, %run_scoped3A_111, %mul3A_0] : memref<2x2x100352xf32, #tpu.memory_space<hbm>> -> memref<1x1x6272xf32, #tpu.memory_space<hbm>>
      %dma_wait3A_116 = tpu.memref_squeeze %dma_wait3A : memref<1x1x6272xf32, #tpu.memory_space<hbm>> -> memref<6272xf32, #tpu.memory_space<hbm>>
      %dma_wait3A_117 = tpu.memref_slice %arg21[%mul3A_0] : memref<100352xf32, #tpu.memory_space<vmem_shared>> -> memref<6272xf32, #tpu.memory_space<vmem_shared>>
      tpu.wait_dma2 semaphore(%run_scoped3A_112 : memref<!tpu.dma_semaphore, #tpu.memory_space<semaphore_mem>>) src(%dma_wait3A_117 : memref<6272xf32, #tpu.memory_space<vmem_shared>>) dst(%dma_wait3A_116 : memref<6272xf32, #tpu.memory_space<hbm>>)
      tpu.yield
    }) : () -> ()
    return
  }
}

#map = affine_map<(d0, d1) -> (0, 0)>
#map1 = affine_map<(d0, d1) -> (0)>
module attributes {stable_mosaic.version = 14 : i64} {
  func.func @_agg1_pass(%arg0: i32, %arg1: i32, %arg2: memref<2x6400000xi32, #tpu.memory_space<hbm>>, %arg3: memref<100352xf32, #tpu.memory_space<hbm>>, %arg4: memref<100352xf32, #tpu.memory_space<hbm>>, %arg5: memref<2x100352xf32, #tpu.memory_space<hbm>>, %arg6: memref<2048xi32, #tpu.memory_space<vmem>>, %arg7: memref<2048xi32, #tpu.memory_space<vmem>>, %arg8: memref<2048xi32, #tpu.memory_space<vmem>>, %arg9: memref<2048xi32, #tpu.memory_space<vmem>>, %arg10: memref<2048xi32, #tpu.memory_space<vmem>>, %arg11: memref<2048xi32, #tpu.memory_space<vmem>>, %arg12: memref<2048xf32, #tpu.memory_space<vmem>>, %arg13: memref<2048xf32, #tpu.memory_space<vmem>>, %arg14: memref<2048xf32, #tpu.memory_space<vmem>>, %arg15: memref<100352xf32, #tpu.memory_space<vmem_shared>>, %arg16: memref<100352xf32, #tpu.memory_space<vmem_shared>>, %arg17: memref<!tpu.dma_semaphore, #tpu.memory_space<semaphore_mem>>, %arg18: memref<!tpu.dma_semaphore, #tpu.memory_space<semaphore_mem>>, %arg19: memref<!tpu.dma_semaphore, #tpu.memory_space<semaphore_mem>>, %arg20: memref<!tpu.dma_semaphore, #tpu.memory_space<semaphore_mem>>, %arg21: memref<!tpu.dma_semaphore, #tpu.memory_space<semaphore_mem>>, %arg22: memref<!tpu.dma_semaphore, #tpu.memory_space<semaphore_mem>>) attributes {dimension_semantics = [#tpu.dimension_semantics<core_parallel>, #tpu.dimension_semantics<subcore_parallel>], iteration_bounds = array<i64: 2, 16>, scalar_prefetch = 0 : i64, scratch_operands = 17 : i64, tpu.core_type = #tpu.core_type<sc_vector_subcore>, window_params = [{transform_indices = #map}, {transform_indices = #map1}, {transform_indices = #map1}, {transform_indices = #map}]} {
    %mul3A = arith.constant 6272 : i32
    %mul3A_0 = arith.muli %arg1, %mul3A : i32
    "tpu.region"() ({
      %run_scoped3A = tpu.sem_alloc : memref<!tpu.dma_semaphore, #tpu.memory_space<semaphore_mem>>
      %dma_start3A_109 = tpu.memref_slice %arg15[%mul3A_0] : memref<100352xf32, #tpu.memory_space<vmem_shared>> -> memref<6272xf32, #tpu.memory_space<vmem_shared>>
      %dma_start3A_110 = tpu.memref_slice %arg3[%mul3A_0] : memref<100352xf32, #tpu.memory_space<hbm>> -> memref<6272xf32, #tpu.memory_space<hbm>>
      tpu.enqueue_dma source(%dma_start3A_110 : memref<6272xf32, #tpu.memory_space<hbm>>) target(%dma_start3A_109 : memref<6272xf32, #tpu.memory_space<vmem_shared>>) target_semaphore(%run_scoped3A : memref<!tpu.dma_semaphore, #tpu.memory_space<semaphore_mem>>)
      %dma_wait3A = tpu.memref_slice %arg15[%mul3A_0] : memref<100352xf32, #tpu.memory_space<vmem_shared>> -> memref<6272xf32, #tpu.memory_space<vmem_shared>>
      %dma_wait3A_111 = tpu.memref_slice %arg3[%mul3A_0] : memref<100352xf32, #tpu.memory_space<hbm>> -> memref<6272xf32, #tpu.memory_space<hbm>>
      tpu.wait_dma2 semaphore(%run_scoped3A : memref<!tpu.dma_semaphore, #tpu.memory_space<semaphore_mem>>) src(%dma_wait3A_111 : memref<6272xf32, #tpu.memory_space<hbm>>) dst(%dma_wait3A : memref<6272xf32, #tpu.memory_space<vmem_shared>>)
      tpu.yield
    }) : () -> ()
    "tpu.region"() ({
      %run_scoped3A = tpu.sem_alloc : memref<!tpu.dma_semaphore, #tpu.memory_space<semaphore_mem>>
      %dma_start3A_109 = tpu.memref_slice %arg16[%mul3A_0] : memref<100352xf32, #tpu.memory_space<vmem_shared>> -> memref<6272xf32, #tpu.memory_space<vmem_shared>>
      %dma_start3A_110 = tpu.memref_slice %arg4[%mul3A_0] : memref<100352xf32, #tpu.memory_space<hbm>> -> memref<6272xf32, #tpu.memory_space<hbm>>
      tpu.enqueue_dma source(%dma_start3A_110 : memref<6272xf32, #tpu.memory_space<hbm>>) target(%dma_start3A_109 : memref<6272xf32, #tpu.memory_space<vmem_shared>>) target_semaphore(%run_scoped3A : memref<!tpu.dma_semaphore, #tpu.memory_space<semaphore_mem>>)
      %dma_wait3A = tpu.memref_slice %arg16[%mul3A_0] : memref<100352xf32, #tpu.memory_space<vmem_shared>> -> memref<6272xf32, #tpu.memory_space<vmem_shared>>
      %dma_wait3A_111 = tpu.memref_slice %arg4[%mul3A_0] : memref<100352xf32, #tpu.memory_space<hbm>> -> memref<6272xf32, #tpu.memory_space<hbm>>
      tpu.wait_dma2 semaphore(%run_scoped3A : memref<!tpu.dma_semaphore, #tpu.memory_space<semaphore_mem>>) src(%dma_wait3A_111 : memref<6272xf32, #tpu.memory_space<hbm>>) dst(%dma_wait3A : memref<6272xf32, #tpu.memory_space<vmem_shared>>)
      tpu.yield
    }) : () -> ()
    %barrier3A = arith.constant 0 : index
    tpu.barrier barrier_id(%barrier3A)
    %eq3A = arith.constant 0 : i32
    %eq3A_1 = arith.cmpi eq, %arg0, %eq3A : i32
    %jit3A = arith.constant 1563 : i32
    %jit3A_2 = arith.constant 1562 : i32
    %select_n3A = arith.select %eq3A_1, %jit3A, %jit3A_2 : i32
    %mul3A_3 = arith.constant 1563 : i32
    %mul3A_4 = arith.muli %arg0, %mul3A_3 : i32
    %jit3A_5 = arith.constant 16 : i32
    %div3A = arith.divsi %select_n3A, %jit3A_5 : i32
    %sign3A = arith.constant 0 : i32
    %sign3A_6 = arith.cmpi sgt, %select_n3A, %sign3A : i32
    %sign3A_7 = arith.extui %sign3A_6 : i1 to i32
    %sign3A_8 = arith.constant 0 : i32
    %sign3A_9 = arith.cmpi slt, %select_n3A, %sign3A_8 : i32
    %sign3A_10 = arith.extui %sign3A_9 : i1 to i32
    %sign3A_11 = arith.subi %sign3A_7, %sign3A_10 : i32
    %sign3A_12 = arith.constant 0 : i32
    %sign3A_13 = arith.cmpi sgt, %jit3A_5, %sign3A_12 : i32
    %sign3A_14 = arith.extui %sign3A_13 : i1 to i32
    %sign3A_15 = arith.constant 0 : i32
    %sign3A_16 = arith.cmpi slt, %jit3A_5, %sign3A_15 : i32
    %sign3A_17 = arith.extui %sign3A_16 : i1 to i32
    %sign3A_18 = arith.subi %sign3A_14, %sign3A_17 : i32
    %ne3A = arith.cmpi ne, %sign3A_11, %sign3A_18 : i32
    %rem3A = arith.remsi %select_n3A, %jit3A_5 : i32
    %ne3A_19 = arith.constant 0 : i32
    %ne3A_20 = arith.cmpi ne, %rem3A, %ne3A_19 : i32
    %and3A = arith.andi %ne3A, %ne3A_20 : i1
    %sub3A = arith.constant 1 : i32
    %sub3A_21 = arith.subi %div3A, %sub3A : i32
    %select_n3A_22 = arith.select %and3A, %sub3A_21, %div3A : i32
    %mul3A_23 = arith.constant 16 : i32
    %mul3A_24 = arith.muli %select_n3A_22, %mul3A_23 : i32
    %sub3A_25 = arith.subi %select_n3A, %mul3A_24 : i32
    %mul3A_26 = arith.muli %arg1, %select_n3A_22 : i32
    %add3A = arith.addi %mul3A_4, %mul3A_26 : i32
    %min3A = arith.minsi %arg1, %sub3A_25 : i32
    %add3A_27 = arith.addi %add3A, %min3A : i32
    %lt3A = arith.cmpi slt, %arg1, %sub3A_25 : i32
    %add3A_28 = arith.constant 1 : i32
    %add3A_29 = arith.addi %select_n3A_22, %add3A_28 : i32
    %select_n3A_30 = arith.select %lt3A, %add3A_29, %select_n3A_22 : i32
    %add3A_31 = arith.constant 0 : i32
    %add3A_32 = arith.addi %add3A_27, %add3A_31 : i32
    %mul3A_33 = arith.constant 2048 : i32
    %mul3A_34 = arith.muli %add3A_32, %mul3A_33 : i32
    %dma_start3A = arith.constant 0 : i32
    %dma_start3A_35 = tpu.memref_slice %arg2[%dma_start3A, %mul3A_34] : memref<2x6400000xi32, #tpu.memory_space<hbm>> -> memref<1x2048xi32, #tpu.memory_space<hbm>>
    %dma_start3A_36 = tpu.memref_squeeze %dma_start3A_35 : memref<1x2048xi32, #tpu.memory_space<hbm>> -> memref<2048xi32, #tpu.memory_space<hbm>>
    %dma_start3A_37 = tpu.memref_slice %arg2[%dma_start3A, %mul3A_34] : memref<2x6400000xi32, #tpu.memory_space<hbm>> -> memref<1x2048xi32, #tpu.memory_space<hbm>>
    %dma_start3A_38 = tpu.memref_squeeze %dma_start3A_37 : memref<1x2048xi32, #tpu.memory_space<hbm>> -> memref<2048xi32, #tpu.memory_space<hbm>>
    tpu.enqueue_dma source(%dma_start3A_38 : memref<2048xi32, #tpu.memory_space<hbm>>) target(%arg6 : memref<2048xi32, #tpu.memory_space<vmem>>) target_semaphore(%arg17 : memref<!tpu.dma_semaphore, #tpu.memory_space<semaphore_mem>>)
    %dma_start3A_39 = arith.constant 1 : i32
    %dma_start3A_40 = tpu.memref_slice %arg2[%dma_start3A_39, %mul3A_34] : memref<2x6400000xi32, #tpu.memory_space<hbm>> -> memref<1x2048xi32, #tpu.memory_space<hbm>>
    %dma_start3A_41 = tpu.memref_squeeze %dma_start3A_40 : memref<1x2048xi32, #tpu.memory_space<hbm>> -> memref<2048xi32, #tpu.memory_space<hbm>>
    %dma_start3A_42 = tpu.memref_slice %arg2[%dma_start3A_39, %mul3A_34] : memref<2x6400000xi32, #tpu.memory_space<hbm>> -> memref<1x2048xi32, #tpu.memory_space<hbm>>
    %dma_start3A_43 = tpu.memref_squeeze %dma_start3A_42 : memref<1x2048xi32, #tpu.memory_space<hbm>> -> memref<2048xi32, #tpu.memory_space<hbm>>
    tpu.enqueue_dma source(%dma_start3A_43 : memref<2048xi32, #tpu.memory_space<hbm>>) target(%arg9 : memref<2048xi32, #tpu.memory_space<vmem>>) target_semaphore(%arg17 : memref<!tpu.dma_semaphore, #tpu.memory_space<semaphore_mem>>)
    %add3A_44 = arith.constant 2 : i32
    %add3A_45 = arith.addi %select_n3A_30, %add3A_44 : i32
    %jit3A_46 = arith.constant 3 : i32
    %div3A_47 = arith.divsi %add3A_45, %jit3A_46 : i32
    %sign3A_48 = arith.constant 0 : i32
    %sign3A_49 = arith.cmpi sgt, %add3A_45, %sign3A_48 : i32
    %sign3A_50 = arith.extui %sign3A_49 : i1 to i32
    %sign3A_51 = arith.constant 0 : i32
    %sign3A_52 = arith.cmpi slt, %add3A_45, %sign3A_51 : i32
    %sign3A_53 = arith.extui %sign3A_52 : i1 to i32
    %sign3A_54 = arith.subi %sign3A_50, %sign3A_53 : i32
    %sign3A_55 = arith.constant 0 : i32
    %sign3A_56 = arith.cmpi sgt, %jit3A_46, %sign3A_55 : i32
    %sign3A_57 = arith.extui %sign3A_56 : i1 to i32
    %sign3A_58 = arith.constant 0 : i32
    %sign3A_59 = arith.cmpi slt, %jit3A_46, %sign3A_58 : i32
    %sign3A_60 = arith.extui %sign3A_59 : i1 to i32
    %sign3A_61 = arith.subi %sign3A_57, %sign3A_60 : i32
    %ne3A_62 = arith.cmpi ne, %sign3A_54, %sign3A_61 : i32
    %rem3A_63 = arith.remsi %add3A_45, %jit3A_46 : i32
    %ne3A_64 = arith.constant 0 : i32
    %ne3A_65 = arith.cmpi ne, %rem3A_63, %ne3A_64 : i32
    %and3A_66 = arith.andi %ne3A_62, %ne3A_65 : i1
    %sub3A_67 = arith.constant 1 : i32
    %sub3A_68 = arith.subi %div3A_47, %sub3A_67 : i32
    %select_n3A_69 = arith.select %and3A_66, %sub3A_68, %div3A_47 : i32
    %while3A = arith.constant 0 : i32
    %while3A_70 = arith.constant 0 : i32
    %while3A_71 = arith.subi %select_n3A_69, %while3A_70 : i32
    %while3A_72 = arith.addi %while3A_70, %while3A_71 : i32
    %while3A_73 = arith.constant 1 : i32
    %while3A_74 = arith.divsi %while3A_71, %while3A_73 : i32
    %while3A_75 = arith.muli %while3A_74, %while3A_73 : i32
    %while3A_76 = arith.addi %while3A_70, %while3A_75 : i32
    %while3A_77 = arith.constant 1 : i32
    scf.for %while3A_109 = %while3A_70 to %while3A_76 step %while3A_77  : i32 {
      %mul3A_110 = arith.constant 3 : i32
      %mul3A_111 = arith.muli %while3A_109, %mul3A_110 : i32
      %add3A_112 = arith.constant 0 : i32
      %add3A_113 = arith.addi %mul3A_111, %add3A_112 : i32
      %lt3A_114 = arith.cmpi slt, %add3A_113, %select_n3A_30 : i32
      %convert_element_type3A_115 = arith.extui %lt3A_114 : i1 to i32
      %cond3A_116 = arith.constant 0 : i32
      %cond3A_117 = arith.cmpi ne, %convert_element_type3A_115, %cond3A_116 : i32
      scf.if %cond3A_117 {
        %ge3A = arith.constant 2 : i32
        %ge3A_134 = arith.cmpi sge, %add3A_113, %ge3A : i32
        %convert_element_type3A_135 = arith.extui %ge3A_134 : i1 to i32
        %cond3A_136 = arith.constant 0 : i32
        %cond3A_137 = arith.cmpi ne, %convert_element_type3A_135, %cond3A_136 : i32
        scf.if %cond3A_137 {
          %dma_wait3A_159 = arith.constant 0 : i32
          %dma_wait3A_160 = tpu.memref_slice %arg16[%dma_wait3A_159] : memref<100352xf32, #tpu.memory_space<vmem_shared>> -> memref<100352xf32, #tpu.memory_space<vmem_shared>>
          tpu.wait_indirect_dma semaphore(%arg21 : memref<!tpu.dma_semaphore, #tpu.memory_space<semaphore_mem>>) src(%arg13 : memref<2048xf32, #tpu.memory_space<vmem>>) dst(%dma_wait3A_160 : memref<100352xf32, #tpu.memory_space<vmem_shared>>)
        } else {
        }
        %add3A_138 = arith.constant 1 : i32
        %add3A_139 = arith.addi %add3A_113, %add3A_138 : i32
        %lt3A_140 = arith.cmpi slt, %add3A_139, %select_n3A_30 : i32
        %convert_element_type3A_141 = arith.extui %lt3A_140 : i1 to i32
        %cond3A_142 = arith.constant 0 : i32
        %cond3A_143 = arith.cmpi ne, %convert_element_type3A_141, %cond3A_142 : i32
        scf.if %cond3A_143 {
          %add3A_159 = arith.constant 1 : i32
          %add3A_160 = arith.addi %add3A_113, %add3A_159 : i32
          %add3A_161 = arith.addi %add3A_27, %add3A_160 : i32
          %mul3A_162 = arith.constant 2048 : i32
          %mul3A_163 = arith.muli %add3A_161, %mul3A_162 : i32
          %dma_start3A_164 = arith.constant 0 : i32
          %dma_start3A_165 = tpu.memref_slice %arg2[%dma_start3A_164, %mul3A_163] : memref<2x6400000xi32, #tpu.memory_space<hbm>> -> memref<1x2048xi32, #tpu.memory_space<hbm>>
          %dma_start3A_166 = tpu.memref_squeeze %dma_start3A_165 : memref<1x2048xi32, #tpu.memory_space<hbm>> -> memref<2048xi32, #tpu.memory_space<hbm>>
          %dma_start3A_167 = tpu.memref_slice %arg2[%dma_start3A_164, %mul3A_163] : memref<2x6400000xi32, #tpu.memory_space<hbm>> -> memref<1x2048xi32, #tpu.memory_space<hbm>>
          %dma_start3A_168 = tpu.memref_squeeze %dma_start3A_167 : memref<1x2048xi32, #tpu.memory_space<hbm>> -> memref<2048xi32, #tpu.memory_space<hbm>>
          tpu.enqueue_dma source(%dma_start3A_168 : memref<2048xi32, #tpu.memory_space<hbm>>) target(%arg7 : memref<2048xi32, #tpu.memory_space<vmem>>) target_semaphore(%arg18 : memref<!tpu.dma_semaphore, #tpu.memory_space<semaphore_mem>>)
          %dma_start3A_169 = arith.constant 1 : i32
          %dma_start3A_170 = tpu.memref_slice %arg2[%dma_start3A_169, %mul3A_163] : memref<2x6400000xi32, #tpu.memory_space<hbm>> -> memref<1x2048xi32, #tpu.memory_space<hbm>>
          %dma_start3A_171 = tpu.memref_squeeze %dma_start3A_170 : memref<1x2048xi32, #tpu.memory_space<hbm>> -> memref<2048xi32, #tpu.memory_space<hbm>>
          %dma_start3A_172 = tpu.memref_slice %arg2[%dma_start3A_169, %mul3A_163] : memref<2x6400000xi32, #tpu.memory_space<hbm>> -> memref<1x2048xi32, #tpu.memory_space<hbm>>
          %dma_start3A_173 = tpu.memref_squeeze %dma_start3A_172 : memref<1x2048xi32, #tpu.memory_space<hbm>> -> memref<2048xi32, #tpu.memory_space<hbm>>
          tpu.enqueue_dma source(%dma_start3A_173 : memref<2048xi32, #tpu.memory_space<hbm>>) target(%arg10 : memref<2048xi32, #tpu.memory_space<vmem>>) target_semaphore(%arg18 : memref<!tpu.dma_semaphore, #tpu.memory_space<semaphore_mem>>)
        } else {
        }
        %dma_wait3A = arith.constant 0 : i32
        %dma_wait3A_144 = arith.constant 0 : i32
        %dma_wait3A_145 = tpu.memref_slice %arg2[%dma_wait3A, %dma_wait3A_144] : memref<2x6400000xi32, #tpu.memory_space<hbm>> -> memref<1x2048xi32, #tpu.memory_space<hbm>>
        %dma_wait3A_146 = tpu.memref_squeeze %dma_wait3A_145 : memref<1x2048xi32, #tpu.memory_space<hbm>> -> memref<2048xi32, #tpu.memory_space<hbm>>
        %dma_wait3A_147 = arith.constant 0 : i32
        %dma_wait3A_148 = tpu.memref_slice %arg2[%dma_wait3A, %dma_wait3A_147] : memref<2x6400000xi32, #tpu.memory_space<hbm>> -> memref<1x2048xi32, #tpu.memory_space<hbm>>
        %dma_wait3A_149 = tpu.memref_squeeze %dma_wait3A_148 : memref<1x2048xi32, #tpu.memory_space<hbm>> -> memref<2048xi32, #tpu.memory_space<hbm>>
        tpu.wait_dma2 semaphore(%arg17 : memref<!tpu.dma_semaphore, #tpu.memory_space<semaphore_mem>>) src(%dma_wait3A_149 : memref<2048xi32, #tpu.memory_space<hbm>>) dst(%arg6 : memref<2048xi32, #tpu.memory_space<vmem>>)
        %dma_wait3A_150 = arith.constant 1 : i32
        %dma_wait3A_151 = arith.constant 0 : i32
        %dma_wait3A_152 = tpu.memref_slice %arg2[%dma_wait3A_150, %dma_wait3A_151] : memref<2x6400000xi32, #tpu.memory_space<hbm>> -> memref<1x2048xi32, #tpu.memory_space<hbm>>
        %dma_wait3A_153 = tpu.memref_squeeze %dma_wait3A_152 : memref<1x2048xi32, #tpu.memory_space<hbm>> -> memref<2048xi32, #tpu.memory_space<hbm>>
        %dma_wait3A_154 = arith.constant 0 : i32
        %dma_wait3A_155 = tpu.memref_slice %arg2[%dma_wait3A_150, %dma_wait3A_154] : memref<2x6400000xi32, #tpu.memory_space<hbm>> -> memref<1x2048xi32, #tpu.memory_space<hbm>>
        %dma_wait3A_156 = tpu.memref_squeeze %dma_wait3A_155 : memref<1x2048xi32, #tpu.memory_space<hbm>> -> memref<2048xi32, #tpu.memory_space<hbm>>
        tpu.wait_dma2 semaphore(%arg17 : memref<!tpu.dma_semaphore, #tpu.memory_space<semaphore_mem>>) src(%dma_wait3A_156 : memref<2048xi32, #tpu.memory_space<hbm>>) dst(%arg9 : memref<2048xi32, #tpu.memory_space<vmem>>)
        "tpu.region"() ({
          %run_scoped3A = tpu.sem_alloc : memref<!tpu.dma_semaphore, #tpu.memory_space<semaphore_mem>>
          %dma_start3A_159 = arith.constant 0 : i32
          %dma_start3A_160 = tpu.memref_slice %arg15[%dma_start3A_159] : memref<100352xf32, #tpu.memory_space<vmem_shared>> -> memref<100352xf32, #tpu.memory_space<vmem_shared>>
          tpu.enqueue_indirect_dma source(%dma_start3A_160 : memref<100352xf32, #tpu.memory_space<vmem_shared>>) target(%arg12 : memref<2048xf32, #tpu.memory_space<vmem>>) offsets(%arg6 : memref<2048xi32, #tpu.memory_space<vmem>>) semaphore(%run_scoped3A : memref<!tpu.dma_semaphore, #tpu.memory_space<semaphore_mem>>)
          %dma_wait3A_161 = arith.constant 0 : i32
          %dma_wait3A_162 = tpu.memref_slice %arg15[%dma_wait3A_161] : memref<100352xf32, #tpu.memory_space<vmem_shared>> -> memref<100352xf32, #tpu.memory_space<vmem_shared>>
          tpu.wait_indirect_dma semaphore(%run_scoped3A : memref<!tpu.dma_semaphore, #tpu.memory_space<semaphore_mem>>) src(%dma_wait3A_162 : memref<100352xf32, #tpu.memory_space<vmem_shared>>) dst(%arg12 : memref<2048xf32, #tpu.memory_space<vmem>>)
          tpu.yield
        }) : () -> ()
        %dma_start3A_157 = arith.constant 0 : i32
        %dma_start3A_158 = tpu.memref_slice %arg16[%dma_start3A_157] : memref<100352xf32, #tpu.memory_space<vmem_shared>> -> memref<100352xf32, #tpu.memory_space<vmem_shared>>
        tpu.enqueue_indirect_dma source(%arg12 : memref<2048xf32, #tpu.memory_space<vmem>>) target(%dma_start3A_158 : memref<100352xf32, #tpu.memory_space<vmem_shared>>) offsets(%arg9 : memref<2048xi32, #tpu.memory_space<vmem>>) semaphore(%arg20 : memref<!tpu.dma_semaphore, #tpu.memory_space<semaphore_mem>>) {add = true}
      } else {
      }
      %mul3A_118 = arith.constant 3 : i32
      %mul3A_119 = arith.muli %while3A_109, %mul3A_118 : i32
      %add3A_120 = arith.constant 1 : i32
      %add3A_121 = arith.addi %mul3A_119, %add3A_120 : i32
      %lt3A_122 = arith.cmpi slt, %add3A_121, %select_n3A_30 : i32
      %convert_element_type3A_123 = arith.extui %lt3A_122 : i1 to i32
      %cond3A_124 = arith.constant 0 : i32
      %cond3A_125 = arith.cmpi ne, %convert_element_type3A_123, %cond3A_124 : i32
      scf.if %cond3A_125 {
        %ge3A = arith.constant 2 : i32
        %ge3A_134 = arith.cmpi sge, %add3A_121, %ge3A : i32
        %convert_element_type3A_135 = arith.extui %ge3A_134 : i1 to i32
        %cond3A_136 = arith.constant 0 : i32
        %cond3A_137 = arith.cmpi ne, %convert_element_type3A_135, %cond3A_136 : i32
        scf.if %cond3A_137 {
          %dma_wait3A_159 = arith.constant 0 : i32
          %dma_wait3A_160 = tpu.memref_slice %arg16[%dma_wait3A_159] : memref<100352xf32, #tpu.memory_space<vmem_shared>> -> memref<100352xf32, #tpu.memory_space<vmem_shared>>
          tpu.wait_indirect_dma semaphore(%arg22 : memref<!tpu.dma_semaphore, #tpu.memory_space<semaphore_mem>>) src(%arg14 : memref<2048xf32, #tpu.memory_space<vmem>>) dst(%dma_wait3A_160 : memref<100352xf32, #tpu.memory_space<vmem_shared>>)
        } else {
        }
        %add3A_138 = arith.constant 1 : i32
        %add3A_139 = arith.addi %add3A_121, %add3A_138 : i32
        %lt3A_140 = arith.cmpi slt, %add3A_139, %select_n3A_30 : i32
        %convert_element_type3A_141 = arith.extui %lt3A_140 : i1 to i32
        %cond3A_142 = arith.constant 0 : i32
        %cond3A_143 = arith.cmpi ne, %convert_element_type3A_141, %cond3A_142 : i32
        scf.if %cond3A_143 {
          %add3A_159 = arith.constant 1 : i32
          %add3A_160 = arith.addi %add3A_121, %add3A_159 : i32
          %add3A_161 = arith.addi %add3A_27, %add3A_160 : i32
          %mul3A_162 = arith.constant 2048 : i32
          %mul3A_163 = arith.muli %add3A_161, %mul3A_162 : i32
          %dma_start3A_164 = arith.constant 0 : i32
          %dma_start3A_165 = tpu.memref_slice %arg2[%dma_start3A_164, %mul3A_163] : memref<2x6400000xi32, #tpu.memory_space<hbm>> -> memref<1x2048xi32, #tpu.memory_space<hbm>>
          %dma_start3A_166 = tpu.memref_squeeze %dma_start3A_165 : memref<1x2048xi32, #tpu.memory_space<hbm>> -> memref<2048xi32, #tpu.memory_space<hbm>>
          %dma_start3A_167 = tpu.memref_slice %arg2[%dma_start3A_164, %mul3A_163] : memref<2x6400000xi32, #tpu.memory_space<hbm>> -> memref<1x2048xi32, #tpu.memory_space<hbm>>
          %dma_start3A_168 = tpu.memref_squeeze %dma_start3A_167 : memref<1x2048xi32, #tpu.memory_space<hbm>> -> memref<2048xi32, #tpu.memory_space<hbm>>
          tpu.enqueue_dma source(%dma_start3A_168 : memref<2048xi32, #tpu.memory_space<hbm>>) target(%arg8 : memref<2048xi32, #tpu.memory_space<vmem>>) target_semaphore(%arg19 : memref<!tpu.dma_semaphore, #tpu.memory_space<semaphore_mem>>)
          %dma_start3A_169 = arith.constant 1 : i32
          %dma_start3A_170 = tpu.memref_slice %arg2[%dma_start3A_169, %mul3A_163] : memref<2x6400000xi32, #tpu.memory_space<hbm>> -> memref<1x2048xi32, #tpu.memory_space<hbm>>
          %dma_start3A_171 = tpu.memref_squeeze %dma_start3A_170 : memref<1x2048xi32, #tpu.memory_space<hbm>> -> memref<2048xi32, #tpu.memory_space<hbm>>
          %dma_start3A_172 = tpu.memref_slice %arg2[%dma_start3A_169, %mul3A_163] : memref<2x6400000xi32, #tpu.memory_space<hbm>> -> memref<1x2048xi32, #tpu.memory_space<hbm>>
          %dma_start3A_173 = tpu.memref_squeeze %dma_start3A_172 : memref<1x2048xi32, #tpu.memory_space<hbm>> -> memref<2048xi32, #tpu.memory_space<hbm>>
          tpu.enqueue_dma source(%dma_start3A_173 : memref<2048xi32, #tpu.memory_space<hbm>>) target(%arg11 : memref<2048xi32, #tpu.memory_space<vmem>>) target_semaphore(%arg19 : memref<!tpu.dma_semaphore, #tpu.memory_space<semaphore_mem>>)
        } else {
        }
        %dma_wait3A = arith.constant 0 : i32
        %dma_wait3A_144 = arith.constant 0 : i32
        %dma_wait3A_145 = tpu.memref_slice %arg2[%dma_wait3A, %dma_wait3A_144] : memref<2x6400000xi32, #tpu.memory_space<hbm>> -> memref<1x2048xi32, #tpu.memory_space<hbm>>
        %dma_wait3A_146 = tpu.memref_squeeze %dma_wait3A_145 : memref<1x2048xi32, #tpu.memory_space<hbm>> -> memref<2048xi32, #tpu.memory_space<hbm>>
        %dma_wait3A_147 = arith.constant 0 : i32
        %dma_wait3A_148 = tpu.memref_slice %arg2[%dma_wait3A, %dma_wait3A_147] : memref<2x6400000xi32, #tpu.memory_space<hbm>> -> memref<1x2048xi32, #tpu.memory_space<hbm>>
        %dma_wait3A_149 = tpu.memref_squeeze %dma_wait3A_148 : memref<1x2048xi32, #tpu.memory_space<hbm>> -> memref<2048xi32, #tpu.memory_space<hbm>>
        tpu.wait_dma2 semaphore(%arg18 : memref<!tpu.dma_semaphore, #tpu.memory_space<semaphore_mem>>) src(%dma_wait3A_149 : memref<2048xi32, #tpu.memory_space<hbm>>) dst(%arg7 : memref<2048xi32, #tpu.memory_space<vmem>>)
        %dma_wait3A_150 = arith.constant 1 : i32
        %dma_wait3A_151 = arith.constant 0 : i32
        %dma_wait3A_152 = tpu.memref_slice %arg2[%dma_wait3A_150, %dma_wait3A_151] : memref<2x6400000xi32, #tpu.memory_space<hbm>> -> memref<1x2048xi32, #tpu.memory_space<hbm>>
        %dma_wait3A_153 = tpu.memref_squeeze %dma_wait3A_152 : memref<1x2048xi32, #tpu.memory_space<hbm>> -> memref<2048xi32, #tpu.memory_space<hbm>>
        %dma_wait3A_154 = arith.constant 0 : i32
        %dma_wait3A_155 = tpu.memref_slice %arg2[%dma_wait3A_150, %dma_wait3A_154] : memref<2x6400000xi32, #tpu.memory_space<hbm>> -> memref<1x2048xi32, #tpu.memory_space<hbm>>
        %dma_wait3A_156 = tpu.memref_squeeze %dma_wait3A_155 : memref<1x2048xi32, #tpu.memory_space<hbm>> -> memref<2048xi32, #tpu.memory_space<hbm>>
        tpu.wait_dma2 semaphore(%arg18 : memref<!tpu.dma_semaphore, #tpu.memory_space<semaphore_mem>>) src(%dma_wait3A_156 : memref<2048xi32, #tpu.memory_space<hbm>>) dst(%arg10 : memref<2048xi32, #tpu.memory_space<vmem>>)
        "tpu.region"() ({
          %run_scoped3A = tpu.sem_alloc : memref<!tpu.dma_semaphore, #tpu.memory_space<semaphore_mem>>
          %dma_start3A_159 = arith.constant 0 : i32
          %dma_start3A_160 = tpu.memref_slice %arg15[%dma_start3A_159] : memref<100352xf32, #tpu.memory_space<vmem_shared>> -> memref<100352xf32, #tpu.memory_space<vmem_shared>>
          tpu.enqueue_indirect_dma source(%dma_start3A_160 : memref<100352xf32, #tpu.memory_space<vmem_shared>>) target(%arg13 : memref<2048xf32, #tpu.memory_space<vmem>>) offsets(%arg7 : memref<2048xi32, #tpu.memory_space<vmem>>) semaphore(%run_scoped3A : memref<!tpu.dma_semaphore, #tpu.memory_space<semaphore_mem>>)
          %dma_wait3A_161 = arith.constant 0 : i32
          %dma_wait3A_162 = tpu.memref_slice %arg15[%dma_wait3A_161] : memref<100352xf32, #tpu.memory_space<vmem_shared>> -> memref<100352xf32, #tpu.memory_space<vmem_shared>>
          tpu.wait_indirect_dma semaphore(%run_scoped3A : memref<!tpu.dma_semaphore, #tpu.memory_space<semaphore_mem>>) src(%dma_wait3A_162 : memref<100352xf32, #tpu.memory_space<vmem_shared>>) dst(%arg13 : memref<2048xf32, #tpu.memory_space<vmem>>)
          tpu.yield
        }) : () -> ()
        %dma_start3A_157 = arith.constant 0 : i32
        %dma_start3A_158 = tpu.memref_slice %arg16[%dma_start3A_157] : memref<100352xf32, #tpu.memory_space<vmem_shared>> -> memref<100352xf32, #tpu.memory_space<vmem_shared>>
        tpu.enqueue_indirect_dma source(%arg13 : memref<2048xf32, #tpu.memory_space<vmem>>) target(%dma_start3A_158 : memref<100352xf32, #tpu.memory_space<vmem_shared>>) offsets(%arg10 : memref<2048xi32, #tpu.memory_space<vmem>>) semaphore(%arg21 : memref<!tpu.dma_semaphore, #tpu.memory_space<semaphore_mem>>) {add = true}
      } else {
      }
      %mul3A_126 = arith.constant 3 : i32
      %mul3A_127 = arith.muli %while3A_109, %mul3A_126 : i32
      %add3A_128 = arith.constant 2 : i32
      %add3A_129 = arith.addi %mul3A_127, %add3A_128 : i32
      %lt3A_130 = arith.cmpi slt, %add3A_129, %select_n3A_30 : i32
      %convert_element_type3A_131 = arith.extui %lt3A_130 : i1 to i32
      %cond3A_132 = arith.constant 0 : i32
      %cond3A_133 = arith.cmpi ne, %convert_element_type3A_131, %cond3A_132 : i32
      scf.if %cond3A_133 {
        %ge3A = arith.constant 2 : i32
        %ge3A_134 = arith.cmpi sge, %add3A_129, %ge3A : i32
        %convert_element_type3A_135 = arith.extui %ge3A_134 : i1 to i32
        %cond3A_136 = arith.constant 0 : i32
        %cond3A_137 = arith.cmpi ne, %convert_element_type3A_135, %cond3A_136 : i32
        scf.if %cond3A_137 {
          %dma_wait3A_159 = arith.constant 0 : i32
          %dma_wait3A_160 = tpu.memref_slice %arg16[%dma_wait3A_159] : memref<100352xf32, #tpu.memory_space<vmem_shared>> -> memref<100352xf32, #tpu.memory_space<vmem_shared>>
          tpu.wait_indirect_dma semaphore(%arg20 : memref<!tpu.dma_semaphore, #tpu.memory_space<semaphore_mem>>) src(%arg12 : memref<2048xf32, #tpu.memory_space<vmem>>) dst(%dma_wait3A_160 : memref<100352xf32, #tpu.memory_space<vmem_shared>>)
        } else {
        }
        %add3A_138 = arith.constant 1 : i32
        %add3A_139 = arith.addi %add3A_129, %add3A_138 : i32
        %lt3A_140 = arith.cmpi slt, %add3A_139, %select_n3A_30 : i32
        %convert_element_type3A_141 = arith.extui %lt3A_140 : i1 to i32
        %cond3A_142 = arith.constant 0 : i32
        %cond3A_143 = arith.cmpi ne, %convert_element_type3A_141, %cond3A_142 : i32
        scf.if %cond3A_143 {
          %add3A_159 = arith.constant 1 : i32
          %add3A_160 = arith.addi %add3A_129, %add3A_159 : i32
          %add3A_161 = arith.addi %add3A_27, %add3A_160 : i32
          %mul3A_162 = arith.constant 2048 : i32
          %mul3A_163 = arith.muli %add3A_161, %mul3A_162 : i32
          %dma_start3A_164 = arith.constant 0 : i32
          %dma_start3A_165 = tpu.memref_slice %arg2[%dma_start3A_164, %mul3A_163] : memref<2x6400000xi32, #tpu.memory_space<hbm>> -> memref<1x2048xi32, #tpu.memory_space<hbm>>
          %dma_start3A_166 = tpu.memref_squeeze %dma_start3A_165 : memref<1x2048xi32, #tpu.memory_space<hbm>> -> memref<2048xi32, #tpu.memory_space<hbm>>
          %dma_start3A_167 = tpu.memref_slice %arg2[%dma_start3A_164, %mul3A_163] : memref<2x6400000xi32, #tpu.memory_space<hbm>> -> memref<1x2048xi32, #tpu.memory_space<hbm>>
          %dma_start3A_168 = tpu.memref_squeeze %dma_start3A_167 : memref<1x2048xi32, #tpu.memory_space<hbm>> -> memref<2048xi32, #tpu.memory_space<hbm>>
          tpu.enqueue_dma source(%dma_start3A_168 : memref<2048xi32, #tpu.memory_space<hbm>>) target(%arg6 : memref<2048xi32, #tpu.memory_space<vmem>>) target_semaphore(%arg17 : memref<!tpu.dma_semaphore, #tpu.memory_space<semaphore_mem>>)
          %dma_start3A_169 = arith.constant 1 : i32
          %dma_start3A_170 = tpu.memref_slice %arg2[%dma_start3A_169, %mul3A_163] : memref<2x6400000xi32, #tpu.memory_space<hbm>> -> memref<1x2048xi32, #tpu.memory_space<hbm>>
          %dma_start3A_171 = tpu.memref_squeeze %dma_start3A_170 : memref<1x2048xi32, #tpu.memory_space<hbm>> -> memref<2048xi32, #tpu.memory_space<hbm>>
          %dma_start3A_172 = tpu.memref_slice %arg2[%dma_start3A_169, %mul3A_163] : memref<2x6400000xi32, #tpu.memory_space<hbm>> -> memref<1x2048xi32, #tpu.memory_space<hbm>>
          %dma_start3A_173 = tpu.memref_squeeze %dma_start3A_172 : memref<1x2048xi32, #tpu.memory_space<hbm>> -> memref<2048xi32, #tpu.memory_space<hbm>>
          tpu.enqueue_dma source(%dma_start3A_173 : memref<2048xi32, #tpu.memory_space<hbm>>) target(%arg9 : memref<2048xi32, #tpu.memory_space<vmem>>) target_semaphore(%arg17 : memref<!tpu.dma_semaphore, #tpu.memory_space<semaphore_mem>>)
        } else {
        }
        %dma_wait3A = arith.constant 0 : i32
        %dma_wait3A_144 = arith.constant 0 : i32
        %dma_wait3A_145 = tpu.memref_slice %arg2[%dma_wait3A, %dma_wait3A_144] : memref<2x6400000xi32, #tpu.memory_space<hbm>> -> memref<1x2048xi32, #tpu.memory_space<hbm>>
        %dma_wait3A_146 = tpu.memref_squeeze %dma_wait3A_145 : memref<1x2048xi32, #tpu.memory_space<hbm>> -> memref<2048xi32, #tpu.memory_space<hbm>>
        %dma_wait3A_147 = arith.constant 0 : i32
        %dma_wait3A_148 = tpu.memref_slice %arg2[%dma_wait3A, %dma_wait3A_147] : memref<2x6400000xi32, #tpu.memory_space<hbm>> -> memref<1x2048xi32, #tpu.memory_space<hbm>>
        %dma_wait3A_149 = tpu.memref_squeeze %dma_wait3A_148 : memref<1x2048xi32, #tpu.memory_space<hbm>> -> memref<2048xi32, #tpu.memory_space<hbm>>
        tpu.wait_dma2 semaphore(%arg19 : memref<!tpu.dma_semaphore, #tpu.memory_space<semaphore_mem>>) src(%dma_wait3A_149 : memref<2048xi32, #tpu.memory_space<hbm>>) dst(%arg8 : memref<2048xi32, #tpu.memory_space<vmem>>)
        %dma_wait3A_150 = arith.constant 1 : i32
        %dma_wait3A_151 = arith.constant 0 : i32
        %dma_wait3A_152 = tpu.memref_slice %arg2[%dma_wait3A_150, %dma_wait3A_151] : memref<2x6400000xi32, #tpu.memory_space<hbm>> -> memref<1x2048xi32, #tpu.memory_space<hbm>>
        %dma_wait3A_153 = tpu.memref_squeeze %dma_wait3A_152 : memref<1x2048xi32, #tpu.memory_space<hbm>> -> memref<2048xi32, #tpu.memory_space<hbm>>
        %dma_wait3A_154 = arith.constant 0 : i32
        %dma_wait3A_155 = tpu.memref_slice %arg2[%dma_wait3A_150, %dma_wait3A_154] : memref<2x6400000xi32, #tpu.memory_space<hbm>> -> memref<1x2048xi32, #tpu.memory_space<hbm>>
        %dma_wait3A_156 = tpu.memref_squeeze %dma_wait3A_155 : memref<1x2048xi32, #tpu.memory_space<hbm>> -> memref<2048xi32, #tpu.memory_space<hbm>>
        tpu.wait_dma2 semaphore(%arg19 : memref<!tpu.dma_semaphore, #tpu.memory_space<semaphore_mem>>) src(%dma_wait3A_156 : memref<2048xi32, #tpu.memory_space<hbm>>) dst(%arg11 : memref<2048xi32, #tpu.memory_space<vmem>>)
        "tpu.region"() ({
          %run_scoped3A = tpu.sem_alloc : memref<!tpu.dma_semaphore, #tpu.memory_space<semaphore_mem>>
          %dma_start3A_159 = arith.constant 0 : i32
          %dma_start3A_160 = tpu.memref_slice %arg15[%dma_start3A_159] : memref<100352xf32, #tpu.memory_space<vmem_shared>> -> memref<100352xf32, #tpu.memory_space<vmem_shared>>
          tpu.enqueue_indirect_dma source(%dma_start3A_160 : memref<100352xf32, #tpu.memory_space<vmem_shared>>) target(%arg14 : memref<2048xf32, #tpu.memory_space<vmem>>) offsets(%arg8 : memref<2048xi32, #tpu.memory_space<vmem>>) semaphore(%run_scoped3A : memref<!tpu.dma_semaphore, #tpu.memory_space<semaphore_mem>>)
          %dma_wait3A_161 = arith.constant 0 : i32
          %dma_wait3A_162 = tpu.memref_slice %arg15[%dma_wait3A_161] : memref<100352xf32, #tpu.memory_space<vmem_shared>> -> memref<100352xf32, #tpu.memory_space<vmem_shared>>
          tpu.wait_indirect_dma semaphore(%run_scoped3A : memref<!tpu.dma_semaphore, #tpu.memory_space<semaphore_mem>>) src(%dma_wait3A_162 : memref<100352xf32, #tpu.memory_space<vmem_shared>>) dst(%arg14 : memref<2048xf32, #tpu.memory_space<vmem>>)
          tpu.yield
        }) : () -> ()
        %dma_start3A_157 = arith.constant 0 : i32
        %dma_start3A_158 = tpu.memref_slice %arg16[%dma_start3A_157] : memref<100352xf32, #tpu.memory_space<vmem_shared>> -> memref<100352xf32, #tpu.memory_space<vmem_shared>>
        tpu.enqueue_indirect_dma source(%arg14 : memref<2048xf32, #tpu.memory_space<vmem>>) target(%dma_start3A_158 : memref<100352xf32, #tpu.memory_space<vmem_shared>>) offsets(%arg11 : memref<2048xi32, #tpu.memory_space<vmem>>) semaphore(%arg22 : memref<!tpu.dma_semaphore, #tpu.memory_space<semaphore_mem>>) {add = true}
      } else {
      }
    }
    %while3A_78 = arith.constant 1 : i32
    scf.for %while3A_109 = %while3A_76 to %while3A_72 step %while3A_78  : i32 {
      %mul3A_110 = arith.constant 3 : i32
      %mul3A_111 = arith.muli %while3A_109, %mul3A_110 : i32
      %add3A_112 = arith.constant 0 : i32
      %add3A_113 = arith.addi %mul3A_111, %add3A_112 : i32
      %lt3A_114 = arith.cmpi slt, %add3A_113, %select_n3A_30 : i32
      %convert_element_type3A_115 = arith.extui %lt3A_114 : i1 to i32
      %cond3A_116 = arith.constant 0 : i32
      %cond3A_117 = arith.cmpi ne, %convert_element_type3A_115, %cond3A_116 : i32
      scf.if %cond3A_117 {
        %ge3A = arith.constant 2 : i32
        %ge3A_134 = arith.cmpi sge, %add3A_113, %ge3A : i32
        %convert_element_type3A_135 = arith.extui %ge3A_134 : i1 to i32
        %cond3A_136 = arith.constant 0 : i32
        %cond3A_137 = arith.cmpi ne, %convert_element_type3A_135, %cond3A_136 : i32
        scf.if %cond3A_137 {
          %dma_wait3A_159 = arith.constant 0 : i32
          %dma_wait3A_160 = tpu.memref_slice %arg16[%dma_wait3A_159] : memref<100352xf32, #tpu.memory_space<vmem_shared>> -> memref<100352xf32, #tpu.memory_space<vmem_shared>>
          tpu.wait_indirect_dma semaphore(%arg21 : memref<!tpu.dma_semaphore, #tpu.memory_space<semaphore_mem>>) src(%arg13 : memref<2048xf32, #tpu.memory_space<vmem>>) dst(%dma_wait3A_160 : memref<100352xf32, #tpu.memory_space<vmem_shared>>)
        } else {
        }
        %add3A_138 = arith.constant 1 : i32
        %add3A_139 = arith.addi %add3A_113, %add3A_138 : i32
        %lt3A_140 = arith.cmpi slt, %add3A_139, %select_n3A_30 : i32
        %convert_element_type3A_141 = arith.extui %lt3A_140 : i1 to i32
        %cond3A_142 = arith.constant 0 : i32
        %cond3A_143 = arith.cmpi ne, %convert_element_type3A_141, %cond3A_142 : i32
        scf.if %cond3A_143 {
          %add3A_159 = arith.constant 1 : i32
          %add3A_160 = arith.addi %add3A_113, %add3A_159 : i32
          %add3A_161 = arith.addi %add3A_27, %add3A_160 : i32
          %mul3A_162 = arith.constant 2048 : i32
          %mul3A_163 = arith.muli %add3A_161, %mul3A_162 : i32
          %dma_start3A_164 = arith.constant 0 : i32
          %dma_start3A_165 = tpu.memref_slice %arg2[%dma_start3A_164, %mul3A_163] : memref<2x6400000xi32, #tpu.memory_space<hbm>> -> memref<1x2048xi32, #tpu.memory_space<hbm>>
          %dma_start3A_166 = tpu.memref_squeeze %dma_start3A_165 : memref<1x2048xi32, #tpu.memory_space<hbm>> -> memref<2048xi32, #tpu.memory_space<hbm>>
          %dma_start3A_167 = tpu.memref_slice %arg2[%dma_start3A_164, %mul3A_163] : memref<2x6400000xi32, #tpu.memory_space<hbm>> -> memref<1x2048xi32, #tpu.memory_space<hbm>>
          %dma_start3A_168 = tpu.memref_squeeze %dma_start3A_167 : memref<1x2048xi32, #tpu.memory_space<hbm>> -> memref<2048xi32, #tpu.memory_space<hbm>>
          tpu.enqueue_dma source(%dma_start3A_168 : memref<2048xi32, #tpu.memory_space<hbm>>) target(%arg7 : memref<2048xi32, #tpu.memory_space<vmem>>) target_semaphore(%arg18 : memref<!tpu.dma_semaphore, #tpu.memory_space<semaphore_mem>>)
          %dma_start3A_169 = arith.constant 1 : i32
          %dma_start3A_170 = tpu.memref_slice %arg2[%dma_start3A_169, %mul3A_163] : memref<2x6400000xi32, #tpu.memory_space<hbm>> -> memref<1x2048xi32, #tpu.memory_space<hbm>>
          %dma_start3A_171 = tpu.memref_squeeze %dma_start3A_170 : memref<1x2048xi32, #tpu.memory_space<hbm>> -> memref<2048xi32, #tpu.memory_space<hbm>>
          %dma_start3A_172 = tpu.memref_slice %arg2[%dma_start3A_169, %mul3A_163] : memref<2x6400000xi32, #tpu.memory_space<hbm>> -> memref<1x2048xi32, #tpu.memory_space<hbm>>
          %dma_start3A_173 = tpu.memref_squeeze %dma_start3A_172 : memref<1x2048xi32, #tpu.memory_space<hbm>> -> memref<2048xi32, #tpu.memory_space<hbm>>
          tpu.enqueue_dma source(%dma_start3A_173 : memref<2048xi32, #tpu.memory_space<hbm>>) target(%arg10 : memref<2048xi32, #tpu.memory_space<vmem>>) target_semaphore(%arg18 : memref<!tpu.dma_semaphore, #tpu.memory_space<semaphore_mem>>)
        } else {
        }
        %dma_wait3A = arith.constant 0 : i32
        %dma_wait3A_144 = arith.constant 0 : i32
        %dma_wait3A_145 = tpu.memref_slice %arg2[%dma_wait3A, %dma_wait3A_144] : memref<2x6400000xi32, #tpu.memory_space<hbm>> -> memref<1x2048xi32, #tpu.memory_space<hbm>>
        %dma_wait3A_146 = tpu.memref_squeeze %dma_wait3A_145 : memref<1x2048xi32, #tpu.memory_space<hbm>> -> memref<2048xi32, #tpu.memory_space<hbm>>
        %dma_wait3A_147 = arith.constant 0 : i32
        %dma_wait3A_148 = tpu.memref_slice %arg2[%dma_wait3A, %dma_wait3A_147] : memref<2x6400000xi32, #tpu.memory_space<hbm>> -> memref<1x2048xi32, #tpu.memory_space<hbm>>
        %dma_wait3A_149 = tpu.memref_squeeze %dma_wait3A_148 : memref<1x2048xi32, #tpu.memory_space<hbm>> -> memref<2048xi32, #tpu.memory_space<hbm>>
        tpu.wait_dma2 semaphore(%arg17 : memref<!tpu.dma_semaphore, #tpu.memory_space<semaphore_mem>>) src(%dma_wait3A_149 : memref<2048xi32, #tpu.memory_space<hbm>>) dst(%arg6 : memref<2048xi32, #tpu.memory_space<vmem>>)
        %dma_wait3A_150 = arith.constant 1 : i32
        %dma_wait3A_151 = arith.constant 0 : i32
        %dma_wait3A_152 = tpu.memref_slice %arg2[%dma_wait3A_150, %dma_wait3A_151] : memref<2x6400000xi32, #tpu.memory_space<hbm>> -> memref<1x2048xi32, #tpu.memory_space<hbm>>
        %dma_wait3A_153 = tpu.memref_squeeze %dma_wait3A_152 : memref<1x2048xi32, #tpu.memory_space<hbm>> -> memref<2048xi32, #tpu.memory_space<hbm>>
        %dma_wait3A_154 = arith.constant 0 : i32
        %dma_wait3A_155 = tpu.memref_slice %arg2[%dma_wait3A_150, %dma_wait3A_154] : memref<2x6400000xi32, #tpu.memory_space<hbm>> -> memref<1x2048xi32, #tpu.memory_space<hbm>>
        %dma_wait3A_156 = tpu.memref_squeeze %dma_wait3A_155 : memref<1x2048xi32, #tpu.memory_space<hbm>> -> memref<2048xi32, #tpu.memory_space<hbm>>
        tpu.wait_dma2 semaphore(%arg17 : memref<!tpu.dma_semaphore, #tpu.memory_space<semaphore_mem>>) src(%dma_wait3A_156 : memref<2048xi32, #tpu.memory_space<hbm>>) dst(%arg9 : memref<2048xi32, #tpu.memory_space<vmem>>)
        "tpu.region"() ({
          %run_scoped3A = tpu.sem_alloc : memref<!tpu.dma_semaphore, #tpu.memory_space<semaphore_mem>>
          %dma_start3A_159 = arith.constant 0 : i32
          %dma_start3A_160 = tpu.memref_slice %arg15[%dma_start3A_159] : memref<100352xf32, #tpu.memory_space<vmem_shared>> -> memref<100352xf32, #tpu.memory_space<vmem_shared>>
          tpu.enqueue_indirect_dma source(%dma_start3A_160 : memref<100352xf32, #tpu.memory_space<vmem_shared>>) target(%arg12 : memref<2048xf32, #tpu.memory_space<vmem>>) offsets(%arg6 : memref<2048xi32, #tpu.memory_space<vmem>>) semaphore(%run_scoped3A : memref<!tpu.dma_semaphore, #tpu.memory_space<semaphore_mem>>)
          %dma_wait3A_161 = arith.constant 0 : i32
          %dma_wait3A_162 = tpu.memref_slice %arg15[%dma_wait3A_161] : memref<100352xf32, #tpu.memory_space<vmem_shared>> -> memref<100352xf32, #tpu.memory_space<vmem_shared>>
          tpu.wait_indirect_dma semaphore(%run_scoped3A : memref<!tpu.dma_semaphore, #tpu.memory_space<semaphore_mem>>) src(%dma_wait3A_162 : memref<100352xf32, #tpu.memory_space<vmem_shared>>) dst(%arg12 : memref<2048xf32, #tpu.memory_space<vmem>>)
          tpu.yield
        }) : () -> ()
        %dma_start3A_157 = arith.constant 0 : i32
        %dma_start3A_158 = tpu.memref_slice %arg16[%dma_start3A_157] : memref<100352xf32, #tpu.memory_space<vmem_shared>> -> memref<100352xf32, #tpu.memory_space<vmem_shared>>
        tpu.enqueue_indirect_dma source(%arg12 : memref<2048xf32, #tpu.memory_space<vmem>>) target(%dma_start3A_158 : memref<100352xf32, #tpu.memory_space<vmem_shared>>) offsets(%arg9 : memref<2048xi32, #tpu.memory_space<vmem>>) semaphore(%arg20 : memref<!tpu.dma_semaphore, #tpu.memory_space<semaphore_mem>>) {add = true}
      } else {
      }
      %mul3A_118 = arith.constant 3 : i32
      %mul3A_119 = arith.muli %while3A_109, %mul3A_118 : i32
      %add3A_120 = arith.constant 1 : i32
      %add3A_121 = arith.addi %mul3A_119, %add3A_120 : i32
      %lt3A_122 = arith.cmpi slt, %add3A_121, %select_n3A_30 : i32
      %convert_element_type3A_123 = arith.extui %lt3A_122 : i1 to i32
      %cond3A_124 = arith.constant 0 : i32
      %cond3A_125 = arith.cmpi ne, %convert_element_type3A_123, %cond3A_124 : i32
      scf.if %cond3A_125 {
        %ge3A = arith.constant 2 : i32
        %ge3A_134 = arith.cmpi sge, %add3A_121, %ge3A : i32
        %convert_element_type3A_135 = arith.extui %ge3A_134 : i1 to i32
        %cond3A_136 = arith.constant 0 : i32
        %cond3A_137 = arith.cmpi ne, %convert_element_type3A_135, %cond3A_136 : i32
        scf.if %cond3A_137 {
          %dma_wait3A_159 = arith.constant 0 : i32
          %dma_wait3A_160 = tpu.memref_slice %arg16[%dma_wait3A_159] : memref<100352xf32, #tpu.memory_space<vmem_shared>> -> memref<100352xf32, #tpu.memory_space<vmem_shared>>
          tpu.wait_indirect_dma semaphore(%arg22 : memref<!tpu.dma_semaphore, #tpu.memory_space<semaphore_mem>>) src(%arg14 : memref<2048xf32, #tpu.memory_space<vmem>>) dst(%dma_wait3A_160 : memref<100352xf32, #tpu.memory_space<vmem_shared>>)
        } else {
        }
        %add3A_138 = arith.constant 1 : i32
        %add3A_139 = arith.addi %add3A_121, %add3A_138 : i32
        %lt3A_140 = arith.cmpi slt, %add3A_139, %select_n3A_30 : i32
        %convert_element_type3A_141 = arith.extui %lt3A_140 : i1 to i32
        %cond3A_142 = arith.constant 0 : i32
        %cond3A_143 = arith.cmpi ne, %convert_element_type3A_141, %cond3A_142 : i32
        scf.if %cond3A_143 {
          %add3A_159 = arith.constant 1 : i32
          %add3A_160 = arith.addi %add3A_121, %add3A_159 : i32
          %add3A_161 = arith.addi %add3A_27, %add3A_160 : i32
          %mul3A_162 = arith.constant 2048 : i32
          %mul3A_163 = arith.muli %add3A_161, %mul3A_162 : i32
          %dma_start3A_164 = arith.constant 0 : i32
          %dma_start3A_165 = tpu.memref_slice %arg2[%dma_start3A_164, %mul3A_163] : memref<2x6400000xi32, #tpu.memory_space<hbm>> -> memref<1x2048xi32, #tpu.memory_space<hbm>>
          %dma_start3A_166 = tpu.memref_squeeze %dma_start3A_165 : memref<1x2048xi32, #tpu.memory_space<hbm>> -> memref<2048xi32, #tpu.memory_space<hbm>>
          %dma_start3A_167 = tpu.memref_slice %arg2[%dma_start3A_164, %mul3A_163] : memref<2x6400000xi32, #tpu.memory_space<hbm>> -> memref<1x2048xi32, #tpu.memory_space<hbm>>
          %dma_start3A_168 = tpu.memref_squeeze %dma_start3A_167 : memref<1x2048xi32, #tpu.memory_space<hbm>> -> memref<2048xi32, #tpu.memory_space<hbm>>
          tpu.enqueue_dma source(%dma_start3A_168 : memref<2048xi32, #tpu.memory_space<hbm>>) target(%arg8 : memref<2048xi32, #tpu.memory_space<vmem>>) target_semaphore(%arg19 : memref<!tpu.dma_semaphore, #tpu.memory_space<semaphore_mem>>)
          %dma_start3A_169 = arith.constant 1 : i32
          %dma_start3A_170 = tpu.memref_slice %arg2[%dma_start3A_169, %mul3A_163] : memref<2x6400000xi32, #tpu.memory_space<hbm>> -> memref<1x2048xi32, #tpu.memory_space<hbm>>
          %dma_start3A_171 = tpu.memref_squeeze %dma_start3A_170 : memref<1x2048xi32, #tpu.memory_space<hbm>> -> memref<2048xi32, #tpu.memory_space<hbm>>
          %dma_start3A_172 = tpu.memref_slice %arg2[%dma_start3A_169, %mul3A_163] : memref<2x6400000xi32, #tpu.memory_space<hbm>> -> memref<1x2048xi32, #tpu.memory_space<hbm>>
          %dma_start3A_173 = tpu.memref_squeeze %dma_start3A_172 : memref<1x2048xi32, #tpu.memory_space<hbm>> -> memref<2048xi32, #tpu.memory_space<hbm>>
          tpu.enqueue_dma source(%dma_start3A_173 : memref<2048xi32, #tpu.memory_space<hbm>>) target(%arg11 : memref<2048xi32, #tpu.memory_space<vmem>>) target_semaphore(%arg19 : memref<!tpu.dma_semaphore, #tpu.memory_space<semaphore_mem>>)
        } else {
        }
        %dma_wait3A = arith.constant 0 : i32
        %dma_wait3A_144 = arith.constant 0 : i32
        %dma_wait3A_145 = tpu.memref_slice %arg2[%dma_wait3A, %dma_wait3A_144] : memref<2x6400000xi32, #tpu.memory_space<hbm>> -> memref<1x2048xi32, #tpu.memory_space<hbm>>
        %dma_wait3A_146 = tpu.memref_squeeze %dma_wait3A_145 : memref<1x2048xi32, #tpu.memory_space<hbm>> -> memref<2048xi32, #tpu.memory_space<hbm>>
        %dma_wait3A_147 = arith.constant 0 : i32
        %dma_wait3A_148 = tpu.memref_slice %arg2[%dma_wait3A, %dma_wait3A_147] : memref<2x6400000xi32, #tpu.memory_space<hbm>> -> memref<1x2048xi32, #tpu.memory_space<hbm>>
        %dma_wait3A_149 = tpu.memref_squeeze %dma_wait3A_148 : memref<1x2048xi32, #tpu.memory_space<hbm>> -> memref<2048xi32, #tpu.memory_space<hbm>>
        tpu.wait_dma2 semaphore(%arg18 : memref<!tpu.dma_semaphore, #tpu.memory_space<semaphore_mem>>) src(%dma_wait3A_149 : memref<2048xi32, #tpu.memory_space<hbm>>) dst(%arg7 : memref<2048xi32, #tpu.memory_space<vmem>>)
        %dma_wait3A_150 = arith.constant 1 : i32
        %dma_wait3A_151 = arith.constant 0 : i32
        %dma_wait3A_152 = tpu.memref_slice %arg2[%dma_wait3A_150, %dma_wait3A_151] : memref<2x6400000xi32, #tpu.memory_space<hbm>> -> memref<1x2048xi32, #tpu.memory_space<hbm>>
        %dma_wait3A_153 = tpu.memref_squeeze %dma_wait3A_152 : memref<1x2048xi32, #tpu.memory_space<hbm>> -> memref<2048xi32, #tpu.memory_space<hbm>>
        %dma_wait3A_154 = arith.constant 0 : i32
        %dma_wait3A_155 = tpu.memref_slice %arg2[%dma_wait3A_150, %dma_wait3A_154] : memref<2x6400000xi32, #tpu.memory_space<hbm>> -> memref<1x2048xi32, #tpu.memory_space<hbm>>
        %dma_wait3A_156 = tpu.memref_squeeze %dma_wait3A_155 : memref<1x2048xi32, #tpu.memory_space<hbm>> -> memref<2048xi32, #tpu.memory_space<hbm>>
        tpu.wait_dma2 semaphore(%arg18 : memref<!tpu.dma_semaphore, #tpu.memory_space<semaphore_mem>>) src(%dma_wait3A_156 : memref<2048xi32, #tpu.memory_space<hbm>>) dst(%arg10 : memref<2048xi32, #tpu.memory_space<vmem>>)
        "tpu.region"() ({
          %run_scoped3A = tpu.sem_alloc : memref<!tpu.dma_semaphore, #tpu.memory_space<semaphore_mem>>
          %dma_start3A_159 = arith.constant 0 : i32
          %dma_start3A_160 = tpu.memref_slice %arg15[%dma_start3A_159] : memref<100352xf32, #tpu.memory_space<vmem_shared>> -> memref<100352xf32, #tpu.memory_space<vmem_shared>>
          tpu.enqueue_indirect_dma source(%dma_start3A_160 : memref<100352xf32, #tpu.memory_space<vmem_shared>>) target(%arg13 : memref<2048xf32, #tpu.memory_space<vmem>>) offsets(%arg7 : memref<2048xi32, #tpu.memory_space<vmem>>) semaphore(%run_scoped3A : memref<!tpu.dma_semaphore, #tpu.memory_space<semaphore_mem>>)
          %dma_wait3A_161 = arith.constant 0 : i32
          %dma_wait3A_162 = tpu.memref_slice %arg15[%dma_wait3A_161] : memref<100352xf32, #tpu.memory_space<vmem_shared>> -> memref<100352xf32, #tpu.memory_space<vmem_shared>>
          tpu.wait_indirect_dma semaphore(%run_scoped3A : memref<!tpu.dma_semaphore, #tpu.memory_space<semaphore_mem>>) src(%dma_wait3A_162 : memref<100352xf32, #tpu.memory_space<vmem_shared>>) dst(%arg13 : memref<2048xf32, #tpu.memory_space<vmem>>)
          tpu.yield
        }) : () -> ()
        %dma_start3A_157 = arith.constant 0 : i32
        %dma_start3A_158 = tpu.memref_slice %arg16[%dma_start3A_157] : memref<100352xf32, #tpu.memory_space<vmem_shared>> -> memref<100352xf32, #tpu.memory_space<vmem_shared>>
        tpu.enqueue_indirect_dma source(%arg13 : memref<2048xf32, #tpu.memory_space<vmem>>) target(%dma_start3A_158 : memref<100352xf32, #tpu.memory_space<vmem_shared>>) offsets(%arg10 : memref<2048xi32, #tpu.memory_space<vmem>>) semaphore(%arg21 : memref<!tpu.dma_semaphore, #tpu.memory_space<semaphore_mem>>) {add = true}
      } else {
      }
      %mul3A_126 = arith.constant 3 : i32
      %mul3A_127 = arith.muli %while3A_109, %mul3A_126 : i32
      %add3A_128 = arith.constant 2 : i32
      %add3A_129 = arith.addi %mul3A_127, %add3A_128 : i32
      %lt3A_130 = arith.cmpi slt, %add3A_129, %select_n3A_30 : i32
      %convert_element_type3A_131 = arith.extui %lt3A_130 : i1 to i32
      %cond3A_132 = arith.constant 0 : i32
      %cond3A_133 = arith.cmpi ne, %convert_element_type3A_131, %cond3A_132 : i32
      scf.if %cond3A_133 {
        %ge3A = arith.constant 2 : i32
        %ge3A_134 = arith.cmpi sge, %add3A_129, %ge3A : i32
        %convert_element_type3A_135 = arith.extui %ge3A_134 : i1 to i32
        %cond3A_136 = arith.constant 0 : i32
        %cond3A_137 = arith.cmpi ne, %convert_element_type3A_135, %cond3A_136 : i32
        scf.if %cond3A_137 {
          %dma_wait3A_159 = arith.constant 0 : i32
          %dma_wait3A_160 = tpu.memref_slice %arg16[%dma_wait3A_159] : memref<100352xf32, #tpu.memory_space<vmem_shared>> -> memref<100352xf32, #tpu.memory_space<vmem_shared>>
          tpu.wait_indirect_dma semaphore(%arg20 : memref<!tpu.dma_semaphore, #tpu.memory_space<semaphore_mem>>) src(%arg12 : memref<2048xf32, #tpu.memory_space<vmem>>) dst(%dma_wait3A_160 : memref<100352xf32, #tpu.memory_space<vmem_shared>>)
        } else {
        }
        %add3A_138 = arith.constant 1 : i32
        %add3A_139 = arith.addi %add3A_129, %add3A_138 : i32
        %lt3A_140 = arith.cmpi slt, %add3A_139, %select_n3A_30 : i32
        %convert_element_type3A_141 = arith.extui %lt3A_140 : i1 to i32
        %cond3A_142 = arith.constant 0 : i32
        %cond3A_143 = arith.cmpi ne, %convert_element_type3A_141, %cond3A_142 : i32
        scf.if %cond3A_143 {
          %add3A_159 = arith.constant 1 : i32
          %add3A_160 = arith.addi %add3A_129, %add3A_159 : i32
          %add3A_161 = arith.addi %add3A_27, %add3A_160 : i32
          %mul3A_162 = arith.constant 2048 : i32
          %mul3A_163 = arith.muli %add3A_161, %mul3A_162 : i32
          %dma_start3A_164 = arith.constant 0 : i32
          %dma_start3A_165 = tpu.memref_slice %arg2[%dma_start3A_164, %mul3A_163] : memref<2x6400000xi32, #tpu.memory_space<hbm>> -> memref<1x2048xi32, #tpu.memory_space<hbm>>
          %dma_start3A_166 = tpu.memref_squeeze %dma_start3A_165 : memref<1x2048xi32, #tpu.memory_space<hbm>> -> memref<2048xi32, #tpu.memory_space<hbm>>
          %dma_start3A_167 = tpu.memref_slice %arg2[%dma_start3A_164, %mul3A_163] : memref<2x6400000xi32, #tpu.memory_space<hbm>> -> memref<1x2048xi32, #tpu.memory_space<hbm>>
          %dma_start3A_168 = tpu.memref_squeeze %dma_start3A_167 : memref<1x2048xi32, #tpu.memory_space<hbm>> -> memref<2048xi32, #tpu.memory_space<hbm>>
          tpu.enqueue_dma source(%dma_start3A_168 : memref<2048xi32, #tpu.memory_space<hbm>>) target(%arg6 : memref<2048xi32, #tpu.memory_space<vmem>>) target_semaphore(%arg17 : memref<!tpu.dma_semaphore, #tpu.memory_space<semaphore_mem>>)
          %dma_start3A_169 = arith.constant 1 : i32
          %dma_start3A_170 = tpu.memref_slice %arg2[%dma_start3A_169, %mul3A_163] : memref<2x6400000xi32, #tpu.memory_space<hbm>> -> memref<1x2048xi32, #tpu.memory_space<hbm>>
          %dma_start3A_171 = tpu.memref_squeeze %dma_start3A_170 : memref<1x2048xi32, #tpu.memory_space<hbm>> -> memref<2048xi32, #tpu.memory_space<hbm>>
          %dma_start3A_172 = tpu.memref_slice %arg2[%dma_start3A_169, %mul3A_163] : memref<2x6400000xi32, #tpu.memory_space<hbm>> -> memref<1x2048xi32, #tpu.memory_space<hbm>>
          %dma_start3A_173 = tpu.memref_squeeze %dma_start3A_172 : memref<1x2048xi32, #tpu.memory_space<hbm>> -> memref<2048xi32, #tpu.memory_space<hbm>>
          tpu.enqueue_dma source(%dma_start3A_173 : memref<2048xi32, #tpu.memory_space<hbm>>) target(%arg9 : memref<2048xi32, #tpu.memory_space<vmem>>) target_semaphore(%arg17 : memref<!tpu.dma_semaphore, #tpu.memory_space<semaphore_mem>>)
        } else {
        }
        %dma_wait3A = arith.constant 0 : i32
        %dma_wait3A_144 = arith.constant 0 : i32
        %dma_wait3A_145 = tpu.memref_slice %arg2[%dma_wait3A, %dma_wait3A_144] : memref<2x6400000xi32, #tpu.memory_space<hbm>> -> memref<1x2048xi32, #tpu.memory_space<hbm>>
        %dma_wait3A_146 = tpu.memref_squeeze %dma_wait3A_145 : memref<1x2048xi32, #tpu.memory_space<hbm>> -> memref<2048xi32, #tpu.memory_space<hbm>>
        %dma_wait3A_147 = arith.constant 0 : i32
        %dma_wait3A_148 = tpu.memref_slice %arg2[%dma_wait3A, %dma_wait3A_147] : memref<2x6400000xi32, #tpu.memory_space<hbm>> -> memref<1x2048xi32, #tpu.memory_space<hbm>>
        %dma_wait3A_149 = tpu.memref_squeeze %dma_wait3A_148 : memref<1x2048xi32, #tpu.memory_space<hbm>> -> memref<2048xi32, #tpu.memory_space<hbm>>
        tpu.wait_dma2 semaphore(%arg19 : memref<!tpu.dma_semaphore, #tpu.memory_space<semaphore_mem>>) src(%dma_wait3A_149 : memref<2048xi32, #tpu.memory_space<hbm>>) dst(%arg8 : memref<2048xi32, #tpu.memory_space<vmem>>)
        %dma_wait3A_150 = arith.constant 1 : i32
        %dma_wait3A_151 = arith.constant 0 : i32
        %dma_wait3A_152 = tpu.memref_slice %arg2[%dma_wait3A_150, %dma_wait3A_151] : memref<2x6400000xi32, #tpu.memory_space<hbm>> -> memref<1x2048xi32, #tpu.memory_space<hbm>>
        %dma_wait3A_153 = tpu.memref_squeeze %dma_wait3A_152 : memref<1x2048xi32, #tpu.memory_space<hbm>> -> memref<2048xi32, #tpu.memory_space<hbm>>
        %dma_wait3A_154 = arith.constant 0 : i32
        %dma_wait3A_155 = tpu.memref_slice %arg2[%dma_wait3A_150, %dma_wait3A_154] : memref<2x6400000xi32, #tpu.memory_space<hbm>> -> memref<1x2048xi32, #tpu.memory_space<hbm>>
        %dma_wait3A_156 = tpu.memref_squeeze %dma_wait3A_155 : memref<1x2048xi32, #tpu.memory_space<hbm>> -> memref<2048xi32, #tpu.memory_space<hbm>>
        tpu.wait_dma2 semaphore(%arg19 : memref<!tpu.dma_semaphore, #tpu.memory_space<semaphore_mem>>) src(%dma_wait3A_156 : memref<2048xi32, #tpu.memory_space<hbm>>) dst(%arg11 : memref<2048xi32, #tpu.memory_space<vmem>>)
        "tpu.region"() ({
          %run_scoped3A = tpu.sem_alloc : memref<!tpu.dma_semaphore, #tpu.memory_space<semaphore_mem>>
          %dma_start3A_159 = arith.constant 0 : i32
          %dma_start3A_160 = tpu.memref_slice %arg15[%dma_start3A_159] : memref<100352xf32, #tpu.memory_space<vmem_shared>> -> memref<100352xf32, #tpu.memory_space<vmem_shared>>
          tpu.enqueue_indirect_dma source(%dma_start3A_160 : memref<100352xf32, #tpu.memory_space<vmem_shared>>) target(%arg14 : memref<2048xf32, #tpu.memory_space<vmem>>) offsets(%arg8 : memref<2048xi32, #tpu.memory_space<vmem>>) semaphore(%run_scoped3A : memref<!tpu.dma_semaphore, #tpu.memory_space<semaphore_mem>>)
          %dma_wait3A_161 = arith.constant 0 : i32
          %dma_wait3A_162 = tpu.memref_slice %arg15[%dma_wait3A_161] : memref<100352xf32, #tpu.memory_space<vmem_shared>> -> memref<100352xf32, #tpu.memory_space<vmem_shared>>
          tpu.wait_indirect_dma semaphore(%run_scoped3A : memref<!tpu.dma_semaphore, #tpu.memory_space<semaphore_mem>>) src(%dma_wait3A_162 : memref<100352xf32, #tpu.memory_space<vmem_shared>>) dst(%arg14 : memref<2048xf32, #tpu.memory_space<vmem>>)
          tpu.yield
        }) : () -> ()
        %dma_start3A_157 = arith.constant 0 : i32
        %dma_start3A_158 = tpu.memref_slice %arg16[%dma_start3A_157] : memref<100352xf32, #tpu.memory_space<vmem_shared>> -> memref<100352xf32, #tpu.memory_space<vmem_shared>>
        tpu.enqueue_indirect_dma source(%arg14 : memref<2048xf32, #tpu.memory_space<vmem>>) target(%dma_start3A_158 : memref<100352xf32, #tpu.memory_space<vmem_shared>>) offsets(%arg11 : memref<2048xi32, #tpu.memory_space<vmem>>) semaphore(%arg22 : memref<!tpu.dma_semaphore, #tpu.memory_space<semaphore_mem>>) {add = true}
      } else {
      }
    }
    %jit3A_79 = arith.constant 3 : i32
    %eq3A_80 = arith.constant 0 : i32
    %eq3A_81 = arith.cmpi eq, %jit3A_79, %eq3A_80 : i32
    %jit3A_82 = arith.constant 1 : i32
    %select_n3A_83 = arith.select %eq3A_81, %jit3A_82, %jit3A_79 : i32
    %rem3A_84 = arith.remsi %select_n3A_30, %select_n3A_83 : i32
    %ne3A_85 = arith.constant 0 : i32
    %ne3A_86 = arith.cmpi ne, %rem3A_84, %ne3A_85 : i32
    %lt3A_87 = arith.constant 0 : i32
    %lt3A_88 = arith.cmpi slt, %rem3A_84, %lt3A_87 : i32
    %lt3A_89 = arith.constant 0 : i32
    %lt3A_90 = arith.cmpi slt, %select_n3A_83, %lt3A_89 : i32
    %ne3A_91 = arith.xori %lt3A_88, %lt3A_90 : i1
    %and3A_92 = arith.andi %ne3A_91, %ne3A_86 : i1
    %add3A_93 = arith.addi %rem3A_84, %select_n3A_83 : i32
    %select_n3A_94 = arith.select %and3A_92, %add3A_93, %rem3A_84 : i32
    %ne3A_95 = arith.constant 0 : i32
    %ne3A_96 = arith.cmpi ne, %select_n3A_94, %ne3A_95 : i32
    %convert_element_type3A = arith.extui %ne3A_96 : i1 to i32
    %cond3A = arith.constant 0 : i32
    %cond3A_97 = arith.cmpi ne, %convert_element_type3A, %cond3A : i32
    scf.if %cond3A_97 {
      %dma_wait3A = arith.constant 0 : i32
      %dma_wait3A_109 = tpu.memref_slice %arg16[%dma_wait3A] : memref<100352xf32, #tpu.memory_space<vmem_shared>> -> memref<100352xf32, #tpu.memory_space<vmem_shared>>
      tpu.wait_indirect_dma semaphore(%arg20 : memref<!tpu.dma_semaphore, #tpu.memory_space<semaphore_mem>>) src(%arg12 : memref<2048xf32, #tpu.memory_space<vmem>>) dst(%dma_wait3A_109 : memref<100352xf32, #tpu.memory_space<vmem_shared>>)
    } else {
    }
    %ne3A_98 = arith.constant 1 : i32
    %ne3A_99 = arith.cmpi ne, %select_n3A_94, %ne3A_98 : i32
    %convert_element_type3A_100 = arith.extui %ne3A_99 : i1 to i32
    %cond3A_101 = arith.constant 0 : i32
    %cond3A_102 = arith.cmpi ne, %convert_element_type3A_100, %cond3A_101 : i32
    scf.if %cond3A_102 {
      %dma_wait3A = arith.constant 0 : i32
      %dma_wait3A_109 = tpu.memref_slice %arg16[%dma_wait3A] : memref<100352xf32, #tpu.memory_space<vmem_shared>> -> memref<100352xf32, #tpu.memory_space<vmem_shared>>
      tpu.wait_indirect_dma semaphore(%arg21 : memref<!tpu.dma_semaphore, #tpu.memory_space<semaphore_mem>>) src(%arg13 : memref<2048xf32, #tpu.memory_space<vmem>>) dst(%dma_wait3A_109 : memref<100352xf32, #tpu.memory_space<vmem_shared>>)
    } else {
    }
    %ne3A_103 = arith.constant 2 : i32
    %ne3A_104 = arith.cmpi ne, %select_n3A_94, %ne3A_103 : i32
    %convert_element_type3A_105 = arith.extui %ne3A_104 : i1 to i32
    %cond3A_106 = arith.constant 0 : i32
    %cond3A_107 = arith.cmpi ne, %convert_element_type3A_105, %cond3A_106 : i32
    scf.if %cond3A_107 {
      %dma_wait3A = arith.constant 0 : i32
      %dma_wait3A_109 = tpu.memref_slice %arg16[%dma_wait3A] : memref<100352xf32, #tpu.memory_space<vmem_shared>> -> memref<100352xf32, #tpu.memory_space<vmem_shared>>
      tpu.wait_indirect_dma semaphore(%arg22 : memref<!tpu.dma_semaphore, #tpu.memory_space<semaphore_mem>>) src(%arg14 : memref<2048xf32, #tpu.memory_space<vmem>>) dst(%dma_wait3A_109 : memref<100352xf32, #tpu.memory_space<vmem_shared>>)
    } else {
    }
    %barrier3A_108 = arith.constant 0 : index
    tpu.barrier barrier_id(%barrier3A_108)
    "tpu.region"() ({
      %run_scoped3A = tpu.sem_alloc : memref<!tpu.dma_semaphore, #tpu.memory_space<semaphore_mem>>
      %dma_start3A_109 = tpu.memref_slice %arg5[%arg0, %mul3A_0] : memref<2x100352xf32, #tpu.memory_space<hbm>> -> memref<1x6272xf32, #tpu.memory_space<hbm>>
      %dma_start3A_110 = tpu.memref_squeeze %dma_start3A_109 : memref<1x6272xf32, #tpu.memory_space<hbm>> -> memref<6272xf32, #tpu.memory_space<hbm>>
      %dma_start3A_111 = tpu.memref_slice %arg16[%mul3A_0] : memref<100352xf32, #tpu.memory_space<vmem_shared>> -> memref<6272xf32, #tpu.memory_space<vmem_shared>>
      tpu.enqueue_dma source(%dma_start3A_111 : memref<6272xf32, #tpu.memory_space<vmem_shared>>) target(%dma_start3A_110 : memref<6272xf32, #tpu.memory_space<hbm>>) target_semaphore(%run_scoped3A : memref<!tpu.dma_semaphore, #tpu.memory_space<semaphore_mem>>)
      %dma_wait3A = tpu.memref_slice %arg5[%arg0, %mul3A_0] : memref<2x100352xf32, #tpu.memory_space<hbm>> -> memref<1x6272xf32, #tpu.memory_space<hbm>>
      %dma_wait3A_112 = tpu.memref_squeeze %dma_wait3A : memref<1x6272xf32, #tpu.memory_space<hbm>> -> memref<6272xf32, #tpu.memory_space<hbm>>
      %dma_wait3A_113 = tpu.memref_slice %arg16[%mul3A_0] : memref<100352xf32, #tpu.memory_space<vmem_shared>> -> memref<6272xf32, #tpu.memory_space<vmem_shared>>
      tpu.wait_dma2 semaphore(%run_scoped3A : memref<!tpu.dma_semaphore, #tpu.memory_space<semaphore_mem>>) src(%dma_wait3A_113 : memref<6272xf32, #tpu.memory_space<vmem_shared>>) dst(%dma_wait3A_112 : memref<6272xf32, #tpu.memory_space<hbm>>)
      tpu.yield
    }) : () -> ()
    return
  }
}

#map = affine_map<(d0, d1) -> (0, 0)>
#map1 = affine_map<(d0, d1) -> (0)>
module attributes {stable_mosaic.version = 14 : i64} {
  func.func @_deg_pass(%arg0: i32, %arg1: i32, %arg2: memref<2x6400000xi32, #tpu.memory_space<hbm>>, %arg3: memref<100352xf32, #tpu.memory_space<hbm>>, %arg4: memref<2x100352xf32, #tpu.memory_space<hbm>>, %arg5: memref<2048xi32, #tpu.memory_space<vmem>>, %arg6: memref<2048xi32, #tpu.memory_space<vmem>>, %arg7: memref<2048xi32, #tpu.memory_space<vmem>>, %arg8: memref<2048xf32, #tpu.memory_space<vmem>>, %arg9: memref<100352xf32, #tpu.memory_space<vmem_shared>>, %arg10: memref<!tpu.dma_semaphore, #tpu.memory_space<semaphore_mem>>, %arg11: memref<!tpu.dma_semaphore, #tpu.memory_space<semaphore_mem>>, %arg12: memref<!tpu.dma_semaphore, #tpu.memory_space<semaphore_mem>>, %arg13: memref<!tpu.dma_semaphore, #tpu.memory_space<semaphore_mem>>, %arg14: memref<!tpu.dma_semaphore, #tpu.memory_space<semaphore_mem>>, %arg15: memref<!tpu.dma_semaphore, #tpu.memory_space<semaphore_mem>>) attributes {dimension_semantics = [#tpu.dimension_semantics<core_parallel>, #tpu.dimension_semantics<subcore_parallel>], iteration_bounds = array<i64: 2, 16>, scalar_prefetch = 0 : i64, scratch_operands = 11 : i64, tpu.core_type = #tpu.core_type<sc_vector_subcore>, window_params = [{transform_indices = #map}, {transform_indices = #map1}, {transform_indices = #map}]} {
    %broadcast_in_dim3A = arith.constant 1.000000e+00 : f32
    %broadcast_in_dim3A_0 = vector.broadcast %broadcast_in_dim3A : f32 to vector<16xf32>
    %swap3A = arith.constant 0 : index
    %swap3A_1 = tpu.vector_load %arg8[%swap3A] {strides = array<i32>} : memref<2048xf32, #tpu.memory_space<vmem>>, vector<16xf32>,
    %swap3A_2 = vector.shape_cast %swap3A_1 : vector<16xf32> to vector<16xf32>
    %swap3A_3 = vector.shape_cast %broadcast_in_dim3A_0 : vector<16xf32> to vector<16xf32>
    tpu.vector_store %arg8[%swap3A], %swap3A_3 {strides = array<i32>} : memref<2048xf32, #tpu.memory_space<vmem>>, vector<16xf32>,
    %broadcast_in_dim3A_4 = arith.constant 1.000000e+00 : f32
    %broadcast_in_dim3A_5 = vector.broadcast %broadcast_in_dim3A_4 : f32 to vector<16xf32>
    %swap3A_6 = arith.constant 16 : index
    %swap3A_7 = tpu.vector_load %arg8[%swap3A_6] {strides = array<i32>} : memref<2048xf32, #tpu.memory_space<vmem>>, vector<16xf32>,
    %swap3A_8 = vector.shape_cast %swap3A_7 : vector<16xf32> to vector<16xf32>
    %swap3A_9 = vector.shape_cast %broadcast_in_dim3A_5 : vector<16xf32> to vector<16xf32>
    tpu.vector_store %arg8[%swap3A_6], %swap3A_9 {strides = array<i32>} : memref<2048xf32, #tpu.memory_space<vmem>>, vector<16xf32>,
    %broadcast_in_dim3A_10 = arith.constant 1.000000e+00 : f32
    %broadcast_in_dim3A_11 = vector.broadcast %broadcast_in_dim3A_10 : f32 to vector<16xf32>
    %swap3A_12 = arith.constant 32 : index
    %swap3A_13 = tpu.vector_load %arg8[%swap3A_12] {strides = array<i32>} : memref<2048xf32, #tpu.memory_space<vmem>>, vector<16xf32>,
    %swap3A_14 = vector.shape_cast %swap3A_13 : vector<16xf32> to vector<16xf32>
    %swap3A_15 = vector.shape_cast %broadcast_in_dim3A_11 : vector<16xf32> to vector<16xf32>
    tpu.vector_store %arg8[%swap3A_12], %swap3A_15 {strides = array<i32>} : memref<2048xf32, #tpu.memory_space<vmem>>, vector<16xf32>,
    %broadcast_in_dim3A_16 = arith.constant 1.000000e+00 : f32
    %broadcast_in_dim3A_17 = vector.broadcast %broadcast_in_dim3A_16 : f32 to vector<16xf32>
    %swap3A_18 = arith.constant 48 : index
    %swap3A_19 = tpu.vector_load %arg8[%swap3A_18] {strides = array<i32>} : memref<2048xf32, #tpu.memory_space<vmem>>, vector<16xf32>,
    %swap3A_20 = vector.shape_cast %swap3A_19 : vector<16xf32> to vector<16xf32>
    %swap3A_21 = vector.shape_cast %broadcast_in_dim3A_17 : vector<16xf32> to vector<16xf32>
    tpu.vector_store %arg8[%swap3A_18], %swap3A_21 {strides = array<i32>} : memref<2048xf32, #tpu.memory_space<vmem>>, vector<16xf32>,
    %broadcast_in_dim3A_22 = arith.constant 1.000000e+00 : f32
    %broadcast_in_dim3A_23 = vector.broadcast %broadcast_in_dim3A_22 : f32 to vector<16xf32>
    %swap3A_24 = arith.constant 64 : index
    %swap3A_25 = tpu.vector_load %arg8[%swap3A_24] {strides = array<i32>} : memref<2048xf32, #tpu.memory_space<vmem>>, vector<16xf32>,
    %swap3A_26 = vector.shape_cast %swap3A_25 : vector<16xf32> to vector<16xf32>
    %swap3A_27 = vector.shape_cast %broadcast_in_dim3A_23 : vector<16xf32> to vector<16xf32>
    tpu.vector_store %arg8[%swap3A_24], %swap3A_27 {strides = array<i32>} : memref<2048xf32, #tpu.memory_space<vmem>>, vector<16xf32>,
    %broadcast_in_dim3A_28 = arith.constant 1.000000e+00 : f32
    %broadcast_in_dim3A_29 = vector.broadcast %broadcast_in_dim3A_28 : f32 to vector<16xf32>
    %swap3A_30 = arith.constant 80 : index
    %swap3A_31 = tpu.vector_load %arg8[%swap3A_30] {strides = array<i32>} : memref<2048xf32, #tpu.memory_space<vmem>>, vector<16xf32>,
    %swap3A_32 = vector.shape_cast %swap3A_31 : vector<16xf32> to vector<16xf32>
    %swap3A_33 = vector.shape_cast %broadcast_in_dim3A_29 : vector<16xf32> to vector<16xf32>
    tpu.vector_store %arg8[%swap3A_30], %swap3A_33 {strides = array<i32>} : memref<2048xf32, #tpu.memory_space<vmem>>, vector<16xf32>,
    %broadcast_in_dim3A_34 = arith.constant 1.000000e+00 : f32
    %broadcast_in_dim3A_35 = vector.broadcast %broadcast_in_dim3A_34 : f32 to vector<16xf32>
    %swap3A_36 = arith.constant 96 : index
    %swap3A_37 = tpu.vector_load %arg8[%swap3A_36] {strides = array<i32>} : memref<2048xf32, #tpu.memory_space<vmem>>, vector<16xf32>,
    %swap3A_38 = vector.shape_cast %swap3A_37 : vector<16xf32> to vector<16xf32>
    %swap3A_39 = vector.shape_cast %broadcast_in_dim3A_35 : vector<16xf32> to vector<16xf32>
    tpu.vector_store %arg8[%swap3A_36], %swap3A_39 {strides = array<i32>} : memref<2048xf32, #tpu.memory_space<vmem>>, vector<16xf32>,
    %broadcast_in_dim3A_40 = arith.constant 1.000000e+00 : f32
    %broadcast_in_dim3A_41 = vector.broadcast %broadcast_in_dim3A_40 : f32 to vector<16xf32>
    %swap3A_42 = arith.constant 112 : index
    %swap3A_43 = tpu.vector_load %arg8[%swap3A_42] {strides = array<i32>} : memref<2048xf32, #tpu.memory_space<vmem>>, vector<16xf32>,
    %swap3A_44 = vector.shape_cast %swap3A_43 : vector<16xf32> to vector<16xf32>
    %swap3A_45 = vector.shape_cast %broadcast_in_dim3A_41 : vector<16xf32> to vector<16xf32>
    tpu.vector_store %arg8[%swap3A_42], %swap3A_45 {strides = array<i32>} : memref<2048xf32, #tpu.memory_space<vmem>>, vector<16xf32>,
    %broadcast_in_dim3A_46 = arith.constant 1.000000e+00 : f32
    %broadcast_in_dim3A_47 = vector.broadcast %broadcast_in_dim3A_46 : f32 to vector<16xf32>
    %swap3A_48 = arith.constant 128 : index
    %swap3A_49 = tpu.vector_load %arg8[%swap3A_48] {strides = array<i32>} : memref<2048xf32, #tpu.memory_space<vmem>>, vector<16xf32>,
    %swap3A_50 = vector.shape_cast %swap3A_49 : vector<16xf32> to vector<16xf32>
    %swap3A_51 = vector.shape_cast %broadcast_in_dim3A_47 : vector<16xf32> to vector<16xf32>
    tpu.vector_store %arg8[%swap3A_48], %swap3A_51 {strides = array<i32>} : memref<2048xf32, #tpu.memory_space<vmem>>, vector<16xf32>,
    %broadcast_in_dim3A_52 = arith.constant 1.000000e+00 : f32
    %broadcast_in_dim3A_53 = vector.broadcast %broadcast_in_dim3A_52 : f32 to vector<16xf32>
    %swap3A_54 = arith.constant 144 : index
    %swap3A_55 = tpu.vector_load %arg8[%swap3A_54] {strides = array<i32>} : memref<2048xf32, #tpu.memory_space<vmem>>, vector<16xf32>,
    %swap3A_56 = vector.shape_cast %swap3A_55 : vector<16xf32> to vector<16xf32>
    %swap3A_57 = vector.shape_cast %broadcast_in_dim3A_53 : vector<16xf32> to vector<16xf32>
    tpu.vector_store %arg8[%swap3A_54], %swap3A_57 {strides = array<i32>} : memref<2048xf32, #tpu.memory_space<vmem>>, vector<16xf32>,
    %broadcast_in_dim3A_58 = arith.constant 1.000000e+00 : f32
    %broadcast_in_dim3A_59 = vector.broadcast %broadcast_in_dim3A_58 : f32 to vector<16xf32>
    %swap3A_60 = arith.constant 160 : index
    %swap3A_61 = tpu.vector_load %arg8[%swap3A_60] {strides = array<i32>} : memref<2048xf32, #tpu.memory_space<vmem>>, vector<16xf32>,
    %swap3A_62 = vector.shape_cast %swap3A_61 : vector<16xf32> to vector<16xf32>
    %swap3A_63 = vector.shape_cast %broadcast_in_dim3A_59 : vector<16xf32> to vector<16xf32>
    tpu.vector_store %arg8[%swap3A_60], %swap3A_63 {strides = array<i32>} : memref<2048xf32, #tpu.memory_space<vmem>>, vector<16xf32>,
    %broadcast_in_dim3A_64 = arith.constant 1.000000e+00 : f32
    %broadcast_in_dim3A_65 = vector.broadcast %broadcast_in_dim3A_64 : f32 to vector<16xf32>
    %swap3A_66 = arith.constant 176 : index
    %swap3A_67 = tpu.vector_load %arg8[%swap3A_66] {strides = array<i32>} : memref<2048xf32, #tpu.memory_space<vmem>>, vector<16xf32>,
    %swap3A_68 = vector.shape_cast %swap3A_67 : vector<16xf32> to vector<16xf32>
    %swap3A_69 = vector.shape_cast %broadcast_in_dim3A_65 : vector<16xf32> to vector<16xf32>
    tpu.vector_store %arg8[%swap3A_66], %swap3A_69 {strides = array<i32>} : memref<2048xf32, #tpu.memory_space<vmem>>, vector<16xf32>,
    %broadcast_in_dim3A_70 = arith.constant 1.000000e+00 : f32
    %broadcast_in_dim3A_71 = vector.broadcast %broadcast_in_dim3A_70 : f32 to vector<16xf32>
    %swap3A_72 = arith.constant 192 : index
    %swap3A_73 = tpu.vector_load %arg8[%swap3A_72] {strides = array<i32>} : memref<2048xf32, #tpu.memory_space<vmem>>, vector<16xf32>,
    %swap3A_74 = vector.shape_cast %swap3A_73 : vector<16xf32> to vector<16xf32>
    %swap3A_75 = vector.shape_cast %broadcast_in_dim3A_71 : vector<16xf32> to vector<16xf32>
    tpu.vector_store %arg8[%swap3A_72], %swap3A_75 {strides = array<i32>} : memref<2048xf32, #tpu.memory_space<vmem>>, vector<16xf32>,
    %broadcast_in_dim3A_76 = arith.constant 1.000000e+00 : f32
    %broadcast_in_dim3A_77 = vector.broadcast %broadcast_in_dim3A_76 : f32 to vector<16xf32>
    %swap3A_78 = arith.constant 208 : index
    %swap3A_79 = tpu.vector_load %arg8[%swap3A_78] {strides = array<i32>} : memref<2048xf32, #tpu.memory_space<vmem>>, vector<16xf32>,
    %swap3A_80 = vector.shape_cast %swap3A_79 : vector<16xf32> to vector<16xf32>
    %swap3A_81 = vector.shape_cast %broadcast_in_dim3A_77 : vector<16xf32> to vector<16xf32>
    tpu.vector_store %arg8[%swap3A_78], %swap3A_81 {strides = array<i32>} : memref<2048xf32, #tpu.memory_space<vmem>>, vector<16xf32>,
    %broadcast_in_dim3A_82 = arith.constant 1.000000e+00 : f32
    %broadcast_in_dim3A_83 = vector.broadcast %broadcast_in_dim3A_82 : f32 to vector<16xf32>
    %swap3A_84 = arith.constant 224 : index
    %swap3A_85 = tpu.vector_load %arg8[%swap3A_84] {strides = array<i32>} : memref<2048xf32, #tpu.memory_space<vmem>>, vector<16xf32>,
    %swap3A_86 = vector.shape_cast %swap3A_85 : vector<16xf32> to vector<16xf32>
    %swap3A_87 = vector.shape_cast %broadcast_in_dim3A_83 : vector<16xf32> to vector<16xf32>
    tpu.vector_store %arg8[%swap3A_84], %swap3A_87 {strides = array<i32>} : memref<2048xf32, #tpu.memory_space<vmem>>, vector<16xf32>,
    %broadcast_in_dim3A_88 = arith.constant 1.000000e+00 : f32
    %broadcast_in_dim3A_89 = vector.broadcast %broadcast_in_dim3A_88 : f32 to vector<16xf32>
    %swap3A_90 = arith.constant 240 : index
    %swap3A_91 = tpu.vector_load %arg8[%swap3A_90] {strides = array<i32>} : memref<2048xf32, #tpu.memory_space<vmem>>, vector<16xf32>,
    %swap3A_92 = vector.shape_cast %swap3A_91 : vector<16xf32> to vector<16xf32>
    %swap3A_93 = vector.shape_cast %broadcast_in_dim3A_89 : vector<16xf32> to vector<16xf32>
    tpu.vector_store %arg8[%swap3A_90], %swap3A_93 {strides = array<i32>} : memref<2048xf32, #tpu.memory_space<vmem>>, vector<16xf32>,
    %broadcast_in_dim3A_94 = arith.constant 1.000000e+00 : f32
    %broadcast_in_dim3A_95 = vector.broadcast %broadcast_in_dim3A_94 : f32 to vector<16xf32>
    %swap3A_96 = arith.constant 256 : index
    %swap3A_97 = tpu.vector_load %arg8[%swap3A_96] {strides = array<i32>} : memref<2048xf32, #tpu.memory_space<vmem>>, vector<16xf32>,
    %swap3A_98 = vector.shape_cast %swap3A_97 : vector<16xf32> to vector<16xf32>
    %swap3A_99 = vector.shape_cast %broadcast_in_dim3A_95 : vector<16xf32> to vector<16xf32>
    tpu.vector_store %arg8[%swap3A_96], %swap3A_99 {strides = array<i32>} : memref<2048xf32, #tpu.memory_space<vmem>>, vector<16xf32>,
    %broadcast_in_dim3A_100 = arith.constant 1.000000e+00 : f32
    %broadcast_in_dim3A_101 = vector.broadcast %broadcast_in_dim3A_100 : f32 to vector<16xf32>
    %swap3A_102 = arith.constant 272 : index
    %swap3A_103 = tpu.vector_load %arg8[%swap3A_102] {strides = array<i32>} : memref<2048xf32, #tpu.memory_space<vmem>>, vector<16xf32>,
    %swap3A_104 = vector.shape_cast %swap3A_103 : vector<16xf32> to vector<16xf32>
    %swap3A_105 = vector.shape_cast %broadcast_in_dim3A_101 : vector<16xf32> to vector<16xf32>
    tpu.vector_store %arg8[%swap3A_102], %swap3A_105 {strides = array<i32>} : memref<2048xf32, #tpu.memory_space<vmem>>, vector<16xf32>,
    %broadcast_in_dim3A_106 = arith.constant 1.000000e+00 : f32
    %broadcast_in_dim3A_107 = vector.broadcast %broadcast_in_dim3A_106 : f32 to vector<16xf32>
    %swap3A_108 = arith.constant 288 : index
    %swap3A_109 = tpu.vector_load %arg8[%swap3A_108] {strides = array<i32>} : memref<2048xf32, #tpu.memory_space<vmem>>, vector<16xf32>,
    %swap3A_110 = vector.shape_cast %swap3A_109 : vector<16xf32> to vector<16xf32>
    %swap3A_111 = vector.shape_cast %broadcast_in_dim3A_107 : vector<16xf32> to vector<16xf32>
    tpu.vector_store %arg8[%swap3A_108], %swap3A_111 {strides = array<i32>} : memref<2048xf32, #tpu.memory_space<vmem>>, vector<16xf32>,
    %broadcast_in_dim3A_112 = arith.constant 1.000000e+00 : f32
    %broadcast_in_dim3A_113 = vector.broadcast %broadcast_in_dim3A_112 : f32 to vector<16xf32>
    %swap3A_114 = arith.constant 304 : index
    %swap3A_115 = tpu.vector_load %arg8[%swap3A_114] {strides = array<i32>} : memref<2048xf32, #tpu.memory_space<vmem>>, vector<16xf32>,
    %swap3A_116 = vector.shape_cast %swap3A_115 : vector<16xf32> to vector<16xf32>
    %swap3A_117 = vector.shape_cast %broadcast_in_dim3A_113 : vector<16xf32> to vector<16xf32>
    tpu.vector_store %arg8[%swap3A_114], %swap3A_117 {strides = array<i32>} : memref<2048xf32, #tpu.memory_space<vmem>>, vector<16xf32>,
    %broadcast_in_dim3A_118 = arith.constant 1.000000e+00 : f32
    %broadcast_in_dim3A_119 = vector.broadcast %broadcast_in_dim3A_118 : f32 to vector<16xf32>
    %swap3A_120 = arith.constant 320 : index
    %swap3A_121 = tpu.vector_load %arg8[%swap3A_120] {strides = array<i32>} : memref<2048xf32, #tpu.memory_space<vmem>>, vector<16xf32>,
    %swap3A_122 = vector.shape_cast %swap3A_121 : vector<16xf32> to vector<16xf32>
    %swap3A_123 = vector.shape_cast %broadcast_in_dim3A_119 : vector<16xf32> to vector<16xf32>
    tpu.vector_store %arg8[%swap3A_120], %swap3A_123 {strides = array<i32>} : memref<2048xf32, #tpu.memory_space<vmem>>, vector<16xf32>,
    %broadcast_in_dim3A_124 = arith.constant 1.000000e+00 : f32
    %broadcast_in_dim3A_125 = vector.broadcast %broadcast_in_dim3A_124 : f32 to vector<16xf32>
    %swap3A_126 = arith.constant 336 : index
    %swap3A_127 = tpu.vector_load %arg8[%swap3A_126] {strides = array<i32>} : memref<2048xf32, #tpu.memory_space<vmem>>, vector<16xf32>,
    %swap3A_128 = vector.shape_cast %swap3A_127 : vector<16xf32> to vector<16xf32>
    %swap3A_129 = vector.shape_cast %broadcast_in_dim3A_125 : vector<16xf32> to vector<16xf32>
    tpu.vector_store %arg8[%swap3A_126], %swap3A_129 {strides = array<i32>} : memref<2048xf32, #tpu.memory_space<vmem>>, vector<16xf32>,
    %broadcast_in_dim3A_130 = arith.constant 1.000000e+00 : f32
    %broadcast_in_dim3A_131 = vector.broadcast %broadcast_in_dim3A_130 : f32 to vector<16xf32>
    %swap3A_132 = arith.constant 352 : index
    %swap3A_133 = tpu.vector_load %arg8[%swap3A_132] {strides = array<i32>} : memref<2048xf32, #tpu.memory_space<vmem>>, vector<16xf32>,
    %swap3A_134 = vector.shape_cast %swap3A_133 : vector<16xf32> to vector<16xf32>
    %swap3A_135 = vector.shape_cast %broadcast_in_dim3A_131 : vector<16xf32> to vector<16xf32>
    tpu.vector_store %arg8[%swap3A_132], %swap3A_135 {strides = array<i32>} : memref<2048xf32, #tpu.memory_space<vmem>>, vector<16xf32>,
    %broadcast_in_dim3A_136 = arith.constant 1.000000e+00 : f32
    %broadcast_in_dim3A_137 = vector.broadcast %broadcast_in_dim3A_136 : f32 to vector<16xf32>
    %swap3A_138 = arith.constant 368 : index
    %swap3A_139 = tpu.vector_load %arg8[%swap3A_138] {strides = array<i32>} : memref<2048xf32, #tpu.memory_space<vmem>>, vector<16xf32>,
    %swap3A_140 = vector.shape_cast %swap3A_139 : vector<16xf32> to vector<16xf32>
    %swap3A_141 = vector.shape_cast %broadcast_in_dim3A_137 : vector<16xf32> to vector<16xf32>
    tpu.vector_store %arg8[%swap3A_138], %swap3A_141 {strides = array<i32>} : memref<2048xf32, #tpu.memory_space<vmem>>, vector<16xf32>,
    %broadcast_in_dim3A_142 = arith.constant 1.000000e+00 : f32
    %broadcast_in_dim3A_143 = vector.broadcast %broadcast_in_dim3A_142 : f32 to vector<16xf32>
    %swap3A_144 = arith.constant 384 : index
    %swap3A_145 = tpu.vector_load %arg8[%swap3A_144] {strides = array<i32>} : memref<2048xf32, #tpu.memory_space<vmem>>, vector<16xf32>,
    %swap3A_146 = vector.shape_cast %swap3A_145 : vector<16xf32> to vector<16xf32>
    %swap3A_147 = vector.shape_cast %broadcast_in_dim3A_143 : vector<16xf32> to vector<16xf32>
    tpu.vector_store %arg8[%swap3A_144], %swap3A_147 {strides = array<i32>} : memref<2048xf32, #tpu.memory_space<vmem>>, vector<16xf32>,
    %broadcast_in_dim3A_148 = arith.constant 1.000000e+00 : f32
    %broadcast_in_dim3A_149 = vector.broadcast %broadcast_in_dim3A_148 : f32 to vector<16xf32>
    %swap3A_150 = arith.constant 400 : index
    %swap3A_151 = tpu.vector_load %arg8[%swap3A_150] {strides = array<i32>} : memref<2048xf32, #tpu.memory_space<vmem>>, vector<16xf32>,
    %swap3A_152 = vector.shape_cast %swap3A_151 : vector<16xf32> to vector<16xf32>
    %swap3A_153 = vector.shape_cast %broadcast_in_dim3A_149 : vector<16xf32> to vector<16xf32>
    tpu.vector_store %arg8[%swap3A_150], %swap3A_153 {strides = array<i32>} : memref<2048xf32, #tpu.memory_space<vmem>>, vector<16xf32>,
    %broadcast_in_dim3A_154 = arith.constant 1.000000e+00 : f32
    %broadcast_in_dim3A_155 = vector.broadcast %broadcast_in_dim3A_154 : f32 to vector<16xf32>
    %swap3A_156 = arith.constant 416 : index
    %swap3A_157 = tpu.vector_load %arg8[%swap3A_156] {strides = array<i32>} : memref<2048xf32, #tpu.memory_space<vmem>>, vector<16xf32>,
    %swap3A_158 = vector.shape_cast %swap3A_157 : vector<16xf32> to vector<16xf32>
    %swap3A_159 = vector.shape_cast %broadcast_in_dim3A_155 : vector<16xf32> to vector<16xf32>
    tpu.vector_store %arg8[%swap3A_156], %swap3A_159 {strides = array<i32>} : memref<2048xf32, #tpu.memory_space<vmem>>, vector<16xf32>,
    %broadcast_in_dim3A_160 = arith.constant 1.000000e+00 : f32
    %broadcast_in_dim3A_161 = vector.broadcast %broadcast_in_dim3A_160 : f32 to vector<16xf32>
    %swap3A_162 = arith.constant 432 : index
    %swap3A_163 = tpu.vector_load %arg8[%swap3A_162] {strides = array<i32>} : memref<2048xf32, #tpu.memory_space<vmem>>, vector<16xf32>,
    %swap3A_164 = vector.shape_cast %swap3A_163 : vector<16xf32> to vector<16xf32>
    %swap3A_165 = vector.shape_cast %broadcast_in_dim3A_161 : vector<16xf32> to vector<16xf32>
    tpu.vector_store %arg8[%swap3A_162], %swap3A_165 {strides = array<i32>} : memref<2048xf32, #tpu.memory_space<vmem>>, vector<16xf32>,
    %broadcast_in_dim3A_166 = arith.constant 1.000000e+00 : f32
    %broadcast_in_dim3A_167 = vector.broadcast %broadcast_in_dim3A_166 : f32 to vector<16xf32>
    %swap3A_168 = arith.constant 448 : index
    %swap3A_169 = tpu.vector_load %arg8[%swap3A_168] {strides = array<i32>} : memref<2048xf32, #tpu.memory_space<vmem>>, vector<16xf32>,
    %swap3A_170 = vector.shape_cast %swap3A_169 : vector<16xf32> to vector<16xf32>
    %swap3A_171 = vector.shape_cast %broadcast_in_dim3A_167 : vector<16xf32> to vector<16xf32>
    tpu.vector_store %arg8[%swap3A_168], %swap3A_171 {strides = array<i32>} : memref<2048xf32, #tpu.memory_space<vmem>>, vector<16xf32>,
    %broadcast_in_dim3A_172 = arith.constant 1.000000e+00 : f32
    %broadcast_in_dim3A_173 = vector.broadcast %broadcast_in_dim3A_172 : f32 to vector<16xf32>
    %swap3A_174 = arith.constant 464 : index
    %swap3A_175 = tpu.vector_load %arg8[%swap3A_174] {strides = array<i32>} : memref<2048xf32, #tpu.memory_space<vmem>>, vector<16xf32>,
    %swap3A_176 = vector.shape_cast %swap3A_175 : vector<16xf32> to vector<16xf32>
    %swap3A_177 = vector.shape_cast %broadcast_in_dim3A_173 : vector<16xf32> to vector<16xf32>
    tpu.vector_store %arg8[%swap3A_174], %swap3A_177 {strides = array<i32>} : memref<2048xf32, #tpu.memory_space<vmem>>, vector<16xf32>,
    %broadcast_in_dim3A_178 = arith.constant 1.000000e+00 : f32
    %broadcast_in_dim3A_179 = vector.broadcast %broadcast_in_dim3A_178 : f32 to vector<16xf32>
    %swap3A_180 = arith.constant 480 : index
    %swap3A_181 = tpu.vector_load %arg8[%swap3A_180] {strides = array<i32>} : memref<2048xf32, #tpu.memory_space<vmem>>, vector<16xf32>,
    %swap3A_182 = vector.shape_cast %swap3A_181 : vector<16xf32> to vector<16xf32>
    %swap3A_183 = vector.shape_cast %broadcast_in_dim3A_179 : vector<16xf32> to vector<16xf32>
    tpu.vector_store %arg8[%swap3A_180], %swap3A_183 {strides = array<i32>} : memref<2048xf32, #tpu.memory_space<vmem>>, vector<16xf32>,
    %broadcast_in_dim3A_184 = arith.constant 1.000000e+00 : f32
    %broadcast_in_dim3A_185 = vector.broadcast %broadcast_in_dim3A_184 : f32 to vector<16xf32>
    %swap3A_186 = arith.constant 496 : index
    %swap3A_187 = tpu.vector_load %arg8[%swap3A_186] {strides = array<i32>} : memref<2048xf32, #tpu.memory_space<vmem>>, vector<16xf32>,
    %swap3A_188 = vector.shape_cast %swap3A_187 : vector<16xf32> to vector<16xf32>
    %swap3A_189 = vector.shape_cast %broadcast_in_dim3A_185 : vector<16xf32> to vector<16xf32>
    tpu.vector_store %arg8[%swap3A_186], %swap3A_189 {strides = array<i32>} : memref<2048xf32, #tpu.memory_space<vmem>>, vector<16xf32>,
    %broadcast_in_dim3A_190 = arith.constant 1.000000e+00 : f32
    %broadcast_in_dim3A_191 = vector.broadcast %broadcast_in_dim3A_190 : f32 to vector<16xf32>
    %swap3A_192 = arith.constant 512 : index
    %swap3A_193 = tpu.vector_load %arg8[%swap3A_192] {strides = array<i32>} : memref<2048xf32, #tpu.memory_space<vmem>>, vector<16xf32>,
    %swap3A_194 = vector.shape_cast %swap3A_193 : vector<16xf32> to vector<16xf32>
    %swap3A_195 = vector.shape_cast %broadcast_in_dim3A_191 : vector<16xf32> to vector<16xf32>
    tpu.vector_store %arg8[%swap3A_192], %swap3A_195 {strides = array<i32>} : memref<2048xf32, #tpu.memory_space<vmem>>, vector<16xf32>,
    %broadcast_in_dim3A_196 = arith.constant 1.000000e+00 : f32
    %broadcast_in_dim3A_197 = vector.broadcast %broadcast_in_dim3A_196 : f32 to vector<16xf32>
    %swap3A_198 = arith.constant 528 : index
    %swap3A_199 = tpu.vector_load %arg8[%swap3A_198] {strides = array<i32>} : memref<2048xf32, #tpu.memory_space<vmem>>, vector<16xf32>,
    %swap3A_200 = vector.shape_cast %swap3A_199 : vector<16xf32> to vector<16xf32>
    %swap3A_201 = vector.shape_cast %broadcast_in_dim3A_197 : vector<16xf32> to vector<16xf32>
    tpu.vector_store %arg8[%swap3A_198], %swap3A_201 {strides = array<i32>} : memref<2048xf32, #tpu.memory_space<vmem>>, vector<16xf32>,
    %broadcast_in_dim3A_202 = arith.constant 1.000000e+00 : f32
    %broadcast_in_dim3A_203 = vector.broadcast %broadcast_in_dim3A_202 : f32 to vector<16xf32>
    %swap3A_204 = arith.constant 544 : index
    %swap3A_205 = tpu.vector_load %arg8[%swap3A_204] {strides = array<i32>} : memref<2048xf32, #tpu.memory_space<vmem>>, vector<16xf32>,
    %swap3A_206 = vector.shape_cast %swap3A_205 : vector<16xf32> to vector<16xf32>
    %swap3A_207 = vector.shape_cast %broadcast_in_dim3A_203 : vector<16xf32> to vector<16xf32>
    tpu.vector_store %arg8[%swap3A_204], %swap3A_207 {strides = array<i32>} : memref<2048xf32, #tpu.memory_space<vmem>>, vector<16xf32>,
    %broadcast_in_dim3A_208 = arith.constant 1.000000e+00 : f32
    %broadcast_in_dim3A_209 = vector.broadcast %broadcast_in_dim3A_208 : f32 to vector<16xf32>
    %swap3A_210 = arith.constant 560 : index
    %swap3A_211 = tpu.vector_load %arg8[%swap3A_210] {strides = array<i32>} : memref<2048xf32, #tpu.memory_space<vmem>>, vector<16xf32>,
    %swap3A_212 = vector.shape_cast %swap3A_211 : vector<16xf32> to vector<16xf32>
    %swap3A_213 = vector.shape_cast %broadcast_in_dim3A_209 : vector<16xf32> to vector<16xf32>
    tpu.vector_store %arg8[%swap3A_210], %swap3A_213 {strides = array<i32>} : memref<2048xf32, #tpu.memory_space<vmem>>, vector<16xf32>,
    %broadcast_in_dim3A_214 = arith.constant 1.000000e+00 : f32
    %broadcast_in_dim3A_215 = vector.broadcast %broadcast_in_dim3A_214 : f32 to vector<16xf32>
    %swap3A_216 = arith.constant 576 : index
    %swap3A_217 = tpu.vector_load %arg8[%swap3A_216] {strides = array<i32>} : memref<2048xf32, #tpu.memory_space<vmem>>, vector<16xf32>,
    %swap3A_218 = vector.shape_cast %swap3A_217 : vector<16xf32> to vector<16xf32>
    %swap3A_219 = vector.shape_cast %broadcast_in_dim3A_215 : vector<16xf32> to vector<16xf32>
    tpu.vector_store %arg8[%swap3A_216], %swap3A_219 {strides = array<i32>} : memref<2048xf32, #tpu.memory_space<vmem>>, vector<16xf32>,
    %broadcast_in_dim3A_220 = arith.constant 1.000000e+00 : f32
    %broadcast_in_dim3A_221 = vector.broadcast %broadcast_in_dim3A_220 : f32 to vector<16xf32>
    %swap3A_222 = arith.constant 592 : index
    %swap3A_223 = tpu.vector_load %arg8[%swap3A_222] {strides = array<i32>} : memref<2048xf32, #tpu.memory_space<vmem>>, vector<16xf32>,
    %swap3A_224 = vector.shape_cast %swap3A_223 : vector<16xf32> to vector<16xf32>
    %swap3A_225 = vector.shape_cast %broadcast_in_dim3A_221 : vector<16xf32> to vector<16xf32>
    tpu.vector_store %arg8[%swap3A_222], %swap3A_225 {strides = array<i32>} : memref<2048xf32, #tpu.memory_space<vmem>>, vector<16xf32>,
    %broadcast_in_dim3A_226 = arith.constant 1.000000e+00 : f32
    %broadcast_in_dim3A_227 = vector.broadcast %broadcast_in_dim3A_226 : f32 to vector<16xf32>
    %swap3A_228 = arith.constant 608 : index
    %swap3A_229 = tpu.vector_load %arg8[%swap3A_228] {strides = array<i32>} : memref<2048xf32, #tpu.memory_space<vmem>>, vector<16xf32>,
    %swap3A_230 = vector.shape_cast %swap3A_229 : vector<16xf32> to vector<16xf32>
    %swap3A_231 = vector.shape_cast %broadcast_in_dim3A_227 : vector<16xf32> to vector<16xf32>
    tpu.vector_store %arg8[%swap3A_228], %swap3A_231 {strides = array<i32>} : memref<2048xf32, #tpu.memory_space<vmem>>, vector<16xf32>,
    %broadcast_in_dim3A_232 = arith.constant 1.000000e+00 : f32
    %broadcast_in_dim3A_233 = vector.broadcast %broadcast_in_dim3A_232 : f32 to vector<16xf32>
    %swap3A_234 = arith.constant 624 : index
    %swap3A_235 = tpu.vector_load %arg8[%swap3A_234] {strides = array<i32>} : memref<2048xf32, #tpu.memory_space<vmem>>, vector<16xf32>,
    %swap3A_236 = vector.shape_cast %swap3A_235 : vector<16xf32> to vector<16xf32>
    %swap3A_237 = vector.shape_cast %broadcast_in_dim3A_233 : vector<16xf32> to vector<16xf32>
    tpu.vector_store %arg8[%swap3A_234], %swap3A_237 {strides = array<i32>} : memref<2048xf32, #tpu.memory_space<vmem>>, vector<16xf32>,
    %broadcast_in_dim3A_238 = arith.constant 1.000000e+00 : f32
    %broadcast_in_dim3A_239 = vector.broadcast %broadcast_in_dim3A_238 : f32 to vector<16xf32>
    %swap3A_240 = arith.constant 640 : index
    %swap3A_241 = tpu.vector_load %arg8[%swap3A_240] {strides = array<i32>} : memref<2048xf32, #tpu.memory_space<vmem>>, vector<16xf32>,
    %swap3A_242 = vector.shape_cast %swap3A_241 : vector<16xf32> to vector<16xf32>
    %swap3A_243 = vector.shape_cast %broadcast_in_dim3A_239 : vector<16xf32> to vector<16xf32>
    tpu.vector_store %arg8[%swap3A_240], %swap3A_243 {strides = array<i32>} : memref<2048xf32, #tpu.memory_space<vmem>>, vector<16xf32>,
    %broadcast_in_dim3A_244 = arith.constant 1.000000e+00 : f32
    %broadcast_in_dim3A_245 = vector.broadcast %broadcast_in_dim3A_244 : f32 to vector<16xf32>
    %swap3A_246 = arith.constant 656 : index
    %swap3A_247 = tpu.vector_load %arg8[%swap3A_246] {strides = array<i32>} : memref<2048xf32, #tpu.memory_space<vmem>>, vector<16xf32>,
    %swap3A_248 = vector.shape_cast %swap3A_247 : vector<16xf32> to vector<16xf32>
    %swap3A_249 = vector.shape_cast %broadcast_in_dim3A_245 : vector<16xf32> to vector<16xf32>
    tpu.vector_store %arg8[%swap3A_246], %swap3A_249 {strides = array<i32>} : memref<2048xf32, #tpu.memory_space<vmem>>, vector<16xf32>,
    %broadcast_in_dim3A_250 = arith.constant 1.000000e+00 : f32
    %broadcast_in_dim3A_251 = vector.broadcast %broadcast_in_dim3A_250 : f32 to vector<16xf32>
    %swap3A_252 = arith.constant 672 : index
    %swap3A_253 = tpu.vector_load %arg8[%swap3A_252] {strides = array<i32>} : memref<2048xf32, #tpu.memory_space<vmem>>, vector<16xf32>,
    %swap3A_254 = vector.shape_cast %swap3A_253 : vector<16xf32> to vector<16xf32>
    %swap3A_255 = vector.shape_cast %broadcast_in_dim3A_251 : vector<16xf32> to vector<16xf32>
    tpu.vector_store %arg8[%swap3A_252], %swap3A_255 {strides = array<i32>} : memref<2048xf32, #tpu.memory_space<vmem>>, vector<16xf32>,
    %broadcast_in_dim3A_256 = arith.constant 1.000000e+00 : f32
    %broadcast_in_dim3A_257 = vector.broadcast %broadcast_in_dim3A_256 : f32 to vector<16xf32>
    %swap3A_258 = arith.constant 688 : index
    %swap3A_259 = tpu.vector_load %arg8[%swap3A_258] {strides = array<i32>} : memref<2048xf32, #tpu.memory_space<vmem>>, vector<16xf32>,
    %swap3A_260 = vector.shape_cast %swap3A_259 : vector<16xf32> to vector<16xf32>
    %swap3A_261 = vector.shape_cast %broadcast_in_dim3A_257 : vector<16xf32> to vector<16xf32>
    tpu.vector_store %arg8[%swap3A_258], %swap3A_261 {strides = array<i32>} : memref<2048xf32, #tpu.memory_space<vmem>>, vector<16xf32>,
    %broadcast_in_dim3A_262 = arith.constant 1.000000e+00 : f32
    %broadcast_in_dim3A_263 = vector.broadcast %broadcast_in_dim3A_262 : f32 to vector<16xf32>
    %swap3A_264 = arith.constant 704 : index
    %swap3A_265 = tpu.vector_load %arg8[%swap3A_264] {strides = array<i32>} : memref<2048xf32, #tpu.memory_space<vmem>>, vector<16xf32>,
    %swap3A_266 = vector.shape_cast %swap3A_265 : vector<16xf32> to vector<16xf32>
    %swap3A_267 = vector.shape_cast %broadcast_in_dim3A_263 : vector<16xf32> to vector<16xf32>
    tpu.vector_store %arg8[%swap3A_264], %swap3A_267 {strides = array<i32>} : memref<2048xf32, #tpu.memory_space<vmem>>, vector<16xf32>,
    %broadcast_in_dim3A_268 = arith.constant 1.000000e+00 : f32
    %broadcast_in_dim3A_269 = vector.broadcast %broadcast_in_dim3A_268 : f32 to vector<16xf32>
    %swap3A_270 = arith.constant 720 : index
    %swap3A_271 = tpu.vector_load %arg8[%swap3A_270] {strides = array<i32>} : memref<2048xf32, #tpu.memory_space<vmem>>, vector<16xf32>,
    %swap3A_272 = vector.shape_cast %swap3A_271 : vector<16xf32> to vector<16xf32>
    %swap3A_273 = vector.shape_cast %broadcast_in_dim3A_269 : vector<16xf32> to vector<16xf32>
    tpu.vector_store %arg8[%swap3A_270], %swap3A_273 {strides = array<i32>} : memref<2048xf32, #tpu.memory_space<vmem>>, vector<16xf32>,
    %broadcast_in_dim3A_274 = arith.constant 1.000000e+00 : f32
    %broadcast_in_dim3A_275 = vector.broadcast %broadcast_in_dim3A_274 : f32 to vector<16xf32>
    %swap3A_276 = arith.constant 736 : index
    %swap3A_277 = tpu.vector_load %arg8[%swap3A_276] {strides = array<i32>} : memref<2048xf32, #tpu.memory_space<vmem>>, vector<16xf32>,
    %swap3A_278 = vector.shape_cast %swap3A_277 : vector<16xf32> to vector<16xf32>
    %swap3A_279 = vector.shape_cast %broadcast_in_dim3A_275 : vector<16xf32> to vector<16xf32>
    tpu.vector_store %arg8[%swap3A_276], %swap3A_279 {strides = array<i32>} : memref<2048xf32, #tpu.memory_space<vmem>>, vector<16xf32>,
    %broadcast_in_dim3A_280 = arith.constant 1.000000e+00 : f32
    %broadcast_in_dim3A_281 = vector.broadcast %broadcast_in_dim3A_280 : f32 to vector<16xf32>
    %swap3A_282 = arith.constant 752 : index
    %swap3A_283 = tpu.vector_load %arg8[%swap3A_282] {strides = array<i32>} : memref<2048xf32, #tpu.memory_space<vmem>>, vector<16xf32>,
    %swap3A_284 = vector.shape_cast %swap3A_283 : vector<16xf32> to vector<16xf32>
    %swap3A_285 = vector.shape_cast %broadcast_in_dim3A_281 : vector<16xf32> to vector<16xf32>
    tpu.vector_store %arg8[%swap3A_282], %swap3A_285 {strides = array<i32>} : memref<2048xf32, #tpu.memory_space<vmem>>, vector<16xf32>,
    %broadcast_in_dim3A_286 = arith.constant 1.000000e+00 : f32
    %broadcast_in_dim3A_287 = vector.broadcast %broadcast_in_dim3A_286 : f32 to vector<16xf32>
    %swap3A_288 = arith.constant 768 : index
    %swap3A_289 = tpu.vector_load %arg8[%swap3A_288] {strides = array<i32>} : memref<2048xf32, #tpu.memory_space<vmem>>, vector<16xf32>,
    %swap3A_290 = vector.shape_cast %swap3A_289 : vector<16xf32> to vector<16xf32>
    %swap3A_291 = vector.shape_cast %broadcast_in_dim3A_287 : vector<16xf32> to vector<16xf32>
    tpu.vector_store %arg8[%swap3A_288], %swap3A_291 {strides = array<i32>} : memref<2048xf32, #tpu.memory_space<vmem>>, vector<16xf32>,
    %broadcast_in_dim3A_292 = arith.constant 1.000000e+00 : f32
    %broadcast_in_dim3A_293 = vector.broadcast %broadcast_in_dim3A_292 : f32 to vector<16xf32>
    %swap3A_294 = arith.constant 784 : index
    %swap3A_295 = tpu.vector_load %arg8[%swap3A_294] {strides = array<i32>} : memref<2048xf32, #tpu.memory_space<vmem>>, vector<16xf32>,
    %swap3A_296 = vector.shape_cast %swap3A_295 : vector<16xf32> to vector<16xf32>
    %swap3A_297 = vector.shape_cast %broadcast_in_dim3A_293 : vector<16xf32> to vector<16xf32>
    tpu.vector_store %arg8[%swap3A_294], %swap3A_297 {strides = array<i32>} : memref<2048xf32, #tpu.memory_space<vmem>>, vector<16xf32>,
    %broadcast_in_dim3A_298 = arith.constant 1.000000e+00 : f32
    %broadcast_in_dim3A_299 = vector.broadcast %broadcast_in_dim3A_298 : f32 to vector<16xf32>
    %swap3A_300 = arith.constant 800 : index
    %swap3A_301 = tpu.vector_load %arg8[%swap3A_300] {strides = array<i32>} : memref<2048xf32, #tpu.memory_space<vmem>>, vector<16xf32>,
    %swap3A_302 = vector.shape_cast %swap3A_301 : vector<16xf32> to vector<16xf32>
    %swap3A_303 = vector.shape_cast %broadcast_in_dim3A_299 : vector<16xf32> to vector<16xf32>
    tpu.vector_store %arg8[%swap3A_300], %swap3A_303 {strides = array<i32>} : memref<2048xf32, #tpu.memory_space<vmem>>, vector<16xf32>,
    %broadcast_in_dim3A_304 = arith.constant 1.000000e+00 : f32
    %broadcast_in_dim3A_305 = vector.broadcast %broadcast_in_dim3A_304 : f32 to vector<16xf32>
    %swap3A_306 = arith.constant 816 : index
    %swap3A_307 = tpu.vector_load %arg8[%swap3A_306] {strides = array<i32>} : memref<2048xf32, #tpu.memory_space<vmem>>, vector<16xf32>,
    %swap3A_308 = vector.shape_cast %swap3A_307 : vector<16xf32> to vector<16xf32>
    %swap3A_309 = vector.shape_cast %broadcast_in_dim3A_305 : vector<16xf32> to vector<16xf32>
    tpu.vector_store %arg8[%swap3A_306], %swap3A_309 {strides = array<i32>} : memref<2048xf32, #tpu.memory_space<vmem>>, vector<16xf32>,
    %broadcast_in_dim3A_310 = arith.constant 1.000000e+00 : f32
    %broadcast_in_dim3A_311 = vector.broadcast %broadcast_in_dim3A_310 : f32 to vector<16xf32>
    %swap3A_312 = arith.constant 832 : index
    %swap3A_313 = tpu.vector_load %arg8[%swap3A_312] {strides = array<i32>} : memref<2048xf32, #tpu.memory_space<vmem>>, vector<16xf32>,
    %swap3A_314 = vector.shape_cast %swap3A_313 : vector<16xf32> to vector<16xf32>
    %swap3A_315 = vector.shape_cast %broadcast_in_dim3A_311 : vector<16xf32> to vector<16xf32>
    tpu.vector_store %arg8[%swap3A_312], %swap3A_315 {strides = array<i32>} : memref<2048xf32, #tpu.memory_space<vmem>>, vector<16xf32>,
    %broadcast_in_dim3A_316 = arith.constant 1.000000e+00 : f32
    %broadcast_in_dim3A_317 = vector.broadcast %broadcast_in_dim3A_316 : f32 to vector<16xf32>
    %swap3A_318 = arith.constant 848 : index
    %swap3A_319 = tpu.vector_load %arg8[%swap3A_318] {strides = array<i32>} : memref<2048xf32, #tpu.memory_space<vmem>>, vector<16xf32>,
    %swap3A_320 = vector.shape_cast %swap3A_319 : vector<16xf32> to vector<16xf32>
    %swap3A_321 = vector.shape_cast %broadcast_in_dim3A_317 : vector<16xf32> to vector<16xf32>
    tpu.vector_store %arg8[%swap3A_318], %swap3A_321 {strides = array<i32>} : memref<2048xf32, #tpu.memory_space<vmem>>, vector<16xf32>,
    %broadcast_in_dim3A_322 = arith.constant 1.000000e+00 : f32
    %broadcast_in_dim3A_323 = vector.broadcast %broadcast_in_dim3A_322 : f32 to vector<16xf32>
    %swap3A_324 = arith.constant 864 : index
    %swap3A_325 = tpu.vector_load %arg8[%swap3A_324] {strides = array<i32>} : memref<2048xf32, #tpu.memory_space<vmem>>, vector<16xf32>,
    %swap3A_326 = vector.shape_cast %swap3A_325 : vector<16xf32> to vector<16xf32>
    %swap3A_327 = vector.shape_cast %broadcast_in_dim3A_323 : vector<16xf32> to vector<16xf32>
    tpu.vector_store %arg8[%swap3A_324], %swap3A_327 {strides = array<i32>} : memref<2048xf32, #tpu.memory_space<vmem>>, vector<16xf32>,
    %broadcast_in_dim3A_328 = arith.constant 1.000000e+00 : f32
    %broadcast_in_dim3A_329 = vector.broadcast %broadcast_in_dim3A_328 : f32 to vector<16xf32>
    %swap3A_330 = arith.constant 880 : index
    %swap3A_331 = tpu.vector_load %arg8[%swap3A_330] {strides = array<i32>} : memref<2048xf32, #tpu.memory_space<vmem>>, vector<16xf32>,
    %swap3A_332 = vector.shape_cast %swap3A_331 : vector<16xf32> to vector<16xf32>
    %swap3A_333 = vector.shape_cast %broadcast_in_dim3A_329 : vector<16xf32> to vector<16xf32>
    tpu.vector_store %arg8[%swap3A_330], %swap3A_333 {strides = array<i32>} : memref<2048xf32, #tpu.memory_space<vmem>>, vector<16xf32>,
    %broadcast_in_dim3A_334 = arith.constant 1.000000e+00 : f32
    %broadcast_in_dim3A_335 = vector.broadcast %broadcast_in_dim3A_334 : f32 to vector<16xf32>
    %swap3A_336 = arith.constant 896 : index
    %swap3A_337 = tpu.vector_load %arg8[%swap3A_336] {strides = array<i32>} : memref<2048xf32, #tpu.memory_space<vmem>>, vector<16xf32>,
    %swap3A_338 = vector.shape_cast %swap3A_337 : vector<16xf32> to vector<16xf32>
    %swap3A_339 = vector.shape_cast %broadcast_in_dim3A_335 : vector<16xf32> to vector<16xf32>
    tpu.vector_store %arg8[%swap3A_336], %swap3A_339 {strides = array<i32>} : memref<2048xf32, #tpu.memory_space<vmem>>, vector<16xf32>,
    %broadcast_in_dim3A_340 = arith.constant 1.000000e+00 : f32
    %broadcast_in_dim3A_341 = vector.broadcast %broadcast_in_dim3A_340 : f32 to vector<16xf32>
    %swap3A_342 = arith.constant 912 : index
    %swap3A_343 = tpu.vector_load %arg8[%swap3A_342] {strides = array<i32>} : memref<2048xf32, #tpu.memory_space<vmem>>, vector<16xf32>,
    %swap3A_344 = vector.shape_cast %swap3A_343 : vector<16xf32> to vector<16xf32>
    %swap3A_345 = vector.shape_cast %broadcast_in_dim3A_341 : vector<16xf32> to vector<16xf32>
    tpu.vector_store %arg8[%swap3A_342], %swap3A_345 {strides = array<i32>} : memref<2048xf32, #tpu.memory_space<vmem>>, vector<16xf32>,
    %broadcast_in_dim3A_346 = arith.constant 1.000000e+00 : f32
    %broadcast_in_dim3A_347 = vector.broadcast %broadcast_in_dim3A_346 : f32 to vector<16xf32>
    %swap3A_348 = arith.constant 928 : index
    %swap3A_349 = tpu.vector_load %arg8[%swap3A_348] {strides = array<i32>} : memref<2048xf32, #tpu.memory_space<vmem>>, vector<16xf32>,
    %swap3A_350 = vector.shape_cast %swap3A_349 : vector<16xf32> to vector<16xf32>
    %swap3A_351 = vector.shape_cast %broadcast_in_dim3A_347 : vector<16xf32> to vector<16xf32>
    tpu.vector_store %arg8[%swap3A_348], %swap3A_351 {strides = array<i32>} : memref<2048xf32, #tpu.memory_space<vmem>>, vector<16xf32>,
    %broadcast_in_dim3A_352 = arith.constant 1.000000e+00 : f32
    %broadcast_in_dim3A_353 = vector.broadcast %broadcast_in_dim3A_352 : f32 to vector<16xf32>
    %swap3A_354 = arith.constant 944 : index
    %swap3A_355 = tpu.vector_load %arg8[%swap3A_354] {strides = array<i32>} : memref<2048xf32, #tpu.memory_space<vmem>>, vector<16xf32>,
    %swap3A_356 = vector.shape_cast %swap3A_355 : vector<16xf32> to vector<16xf32>
    %swap3A_357 = vector.shape_cast %broadcast_in_dim3A_353 : vector<16xf32> to vector<16xf32>
    tpu.vector_store %arg8[%swap3A_354], %swap3A_357 {strides = array<i32>} : memref<2048xf32, #tpu.memory_space<vmem>>, vector<16xf32>,
    %broadcast_in_dim3A_358 = arith.constant 1.000000e+00 : f32
    %broadcast_in_dim3A_359 = vector.broadcast %broadcast_in_dim3A_358 : f32 to vector<16xf32>
    %swap3A_360 = arith.constant 960 : index
    %swap3A_361 = tpu.vector_load %arg8[%swap3A_360] {strides = array<i32>} : memref<2048xf32, #tpu.memory_space<vmem>>, vector<16xf32>,
    %swap3A_362 = vector.shape_cast %swap3A_361 : vector<16xf32> to vector<16xf32>
    %swap3A_363 = vector.shape_cast %broadcast_in_dim3A_359 : vector<16xf32> to vector<16xf32>
    tpu.vector_store %arg8[%swap3A_360], %swap3A_363 {strides = array<i32>} : memref<2048xf32, #tpu.memory_space<vmem>>, vector<16xf32>,
    %broadcast_in_dim3A_364 = arith.constant 1.000000e+00 : f32
    %broadcast_in_dim3A_365 = vector.broadcast %broadcast_in_dim3A_364 : f32 to vector<16xf32>
    %swap3A_366 = arith.constant 976 : index
    %swap3A_367 = tpu.vector_load %arg8[%swap3A_366] {strides = array<i32>} : memref<2048xf32, #tpu.memory_space<vmem>>, vector<16xf32>,
    %swap3A_368 = vector.shape_cast %swap3A_367 : vector<16xf32> to vector<16xf32>
    %swap3A_369 = vector.shape_cast %broadcast_in_dim3A_365 : vector<16xf32> to vector<16xf32>
    tpu.vector_store %arg8[%swap3A_366], %swap3A_369 {strides = array<i32>} : memref<2048xf32, #tpu.memory_space<vmem>>, vector<16xf32>,
    %broadcast_in_dim3A_370 = arith.constant 1.000000e+00 : f32
    %broadcast_in_dim3A_371 = vector.broadcast %broadcast_in_dim3A_370 : f32 to vector<16xf32>
    %swap3A_372 = arith.constant 992 : index
    %swap3A_373 = tpu.vector_load %arg8[%swap3A_372] {strides = array<i32>} : memref<2048xf32, #tpu.memory_space<vmem>>, vector<16xf32>,
    %swap3A_374 = vector.shape_cast %swap3A_373 : vector<16xf32> to vector<16xf32>
    %swap3A_375 = vector.shape_cast %broadcast_in_dim3A_371 : vector<16xf32> to vector<16xf32>
    tpu.vector_store %arg8[%swap3A_372], %swap3A_375 {strides = array<i32>} : memref<2048xf32, #tpu.memory_space<vmem>>, vector<16xf32>,
    %broadcast_in_dim3A_376 = arith.constant 1.000000e+00 : f32
    %broadcast_in_dim3A_377 = vector.broadcast %broadcast_in_dim3A_376 : f32 to vector<16xf32>
    %swap3A_378 = arith.constant 1008 : index
    %swap3A_379 = tpu.vector_load %arg8[%swap3A_378] {strides = array<i32>} : memref<2048xf32, #tpu.memory_space<vmem>>, vector<16xf32>,
    %swap3A_380 = vector.shape_cast %swap3A_379 : vector<16xf32> to vector<16xf32>
    %swap3A_381 = vector.shape_cast %broadcast_in_dim3A_377 : vector<16xf32> to vector<16xf32>
    tpu.vector_store %arg8[%swap3A_378], %swap3A_381 {strides = array<i32>} : memref<2048xf32, #tpu.memory_space<vmem>>, vector<16xf32>,
    %broadcast_in_dim3A_382 = arith.constant 1.000000e+00 : f32
    %broadcast_in_dim3A_383 = vector.broadcast %broadcast_in_dim3A_382 : f32 to vector<16xf32>
    %swap3A_384 = arith.constant 1024 : index
    %swap3A_385 = tpu.vector_load %arg8[%swap3A_384] {strides = array<i32>} : memref<2048xf32, #tpu.memory_space<vmem>>, vector<16xf32>,
    %swap3A_386 = vector.shape_cast %swap3A_385 : vector<16xf32> to vector<16xf32>
    %swap3A_387 = vector.shape_cast %broadcast_in_dim3A_383 : vector<16xf32> to vector<16xf32>
    tpu.vector_store %arg8[%swap3A_384], %swap3A_387 {strides = array<i32>} : memref<2048xf32, #tpu.memory_space<vmem>>, vector<16xf32>,
    %broadcast_in_dim3A_388 = arith.constant 1.000000e+00 : f32
    %broadcast_in_dim3A_389 = vector.broadcast %broadcast_in_dim3A_388 : f32 to vector<16xf32>
    %swap3A_390 = arith.constant 1040 : index
    %swap3A_391 = tpu.vector_load %arg8[%swap3A_390] {strides = array<i32>} : memref<2048xf32, #tpu.memory_space<vmem>>, vector<16xf32>,
    %swap3A_392 = vector.shape_cast %swap3A_391 : vector<16xf32> to vector<16xf32>
    %swap3A_393 = vector.shape_cast %broadcast_in_dim3A_389 : vector<16xf32> to vector<16xf32>
    tpu.vector_store %arg8[%swap3A_390], %swap3A_393 {strides = array<i32>} : memref<2048xf32, #tpu.memory_space<vmem>>, vector<16xf32>,
    %broadcast_in_dim3A_394 = arith.constant 1.000000e+00 : f32
    %broadcast_in_dim3A_395 = vector.broadcast %broadcast_in_dim3A_394 : f32 to vector<16xf32>
    %swap3A_396 = arith.constant 1056 : index
    %swap3A_397 = tpu.vector_load %arg8[%swap3A_396] {strides = array<i32>} : memref<2048xf32, #tpu.memory_space<vmem>>, vector<16xf32>,
    %swap3A_398 = vector.shape_cast %swap3A_397 : vector<16xf32> to vector<16xf32>
    %swap3A_399 = vector.shape_cast %broadcast_in_dim3A_395 : vector<16xf32> to vector<16xf32>
    tpu.vector_store %arg8[%swap3A_396], %swap3A_399 {strides = array<i32>} : memref<2048xf32, #tpu.memory_space<vmem>>, vector<16xf32>,
    %broadcast_in_dim3A_400 = arith.constant 1.000000e+00 : f32
    %broadcast_in_dim3A_401 = vector.broadcast %broadcast_in_dim3A_400 : f32 to vector<16xf32>
    %swap3A_402 = arith.constant 1072 : index
    %swap3A_403 = tpu.vector_load %arg8[%swap3A_402] {strides = array<i32>} : memref<2048xf32, #tpu.memory_space<vmem>>, vector<16xf32>,
    %swap3A_404 = vector.shape_cast %swap3A_403 : vector<16xf32> to vector<16xf32>
    %swap3A_405 = vector.shape_cast %broadcast_in_dim3A_401 : vector<16xf32> to vector<16xf32>
    tpu.vector_store %arg8[%swap3A_402], %swap3A_405 {strides = array<i32>} : memref<2048xf32, #tpu.memory_space<vmem>>, vector<16xf32>,
    %broadcast_in_dim3A_406 = arith.constant 1.000000e+00 : f32
    %broadcast_in_dim3A_407 = vector.broadcast %broadcast_in_dim3A_406 : f32 to vector<16xf32>
    %swap3A_408 = arith.constant 1088 : index
    %swap3A_409 = tpu.vector_load %arg8[%swap3A_408] {strides = array<i32>} : memref<2048xf32, #tpu.memory_space<vmem>>, vector<16xf32>,
    %swap3A_410 = vector.shape_cast %swap3A_409 : vector<16xf32> to vector<16xf32>
    %swap3A_411 = vector.shape_cast %broadcast_in_dim3A_407 : vector<16xf32> to vector<16xf32>
    tpu.vector_store %arg8[%swap3A_408], %swap3A_411 {strides = array<i32>} : memref<2048xf32, #tpu.memory_space<vmem>>, vector<16xf32>,
    %broadcast_in_dim3A_412 = arith.constant 1.000000e+00 : f32
    %broadcast_in_dim3A_413 = vector.broadcast %broadcast_in_dim3A_412 : f32 to vector<16xf32>
    %swap3A_414 = arith.constant 1104 : index
    %swap3A_415 = tpu.vector_load %arg8[%swap3A_414] {strides = array<i32>} : memref<2048xf32, #tpu.memory_space<vmem>>, vector<16xf32>,
    %swap3A_416 = vector.shape_cast %swap3A_415 : vector<16xf32> to vector<16xf32>
    %swap3A_417 = vector.shape_cast %broadcast_in_dim3A_413 : vector<16xf32> to vector<16xf32>
    tpu.vector_store %arg8[%swap3A_414], %swap3A_417 {strides = array<i32>} : memref<2048xf32, #tpu.memory_space<vmem>>, vector<16xf32>,
    %broadcast_in_dim3A_418 = arith.constant 1.000000e+00 : f32
    %broadcast_in_dim3A_419 = vector.broadcast %broadcast_in_dim3A_418 : f32 to vector<16xf32>
    %swap3A_420 = arith.constant 1120 : index
    %swap3A_421 = tpu.vector_load %arg8[%swap3A_420] {strides = array<i32>} : memref<2048xf32, #tpu.memory_space<vmem>>, vector<16xf32>,
    %swap3A_422 = vector.shape_cast %swap3A_421 : vector<16xf32> to vector<16xf32>
    %swap3A_423 = vector.shape_cast %broadcast_in_dim3A_419 : vector<16xf32> to vector<16xf32>
    tpu.vector_store %arg8[%swap3A_420], %swap3A_423 {strides = array<i32>} : memref<2048xf32, #tpu.memory_space<vmem>>, vector<16xf32>,
    %broadcast_in_dim3A_424 = arith.constant 1.000000e+00 : f32
    %broadcast_in_dim3A_425 = vector.broadcast %broadcast_in_dim3A_424 : f32 to vector<16xf32>
    %swap3A_426 = arith.constant 1136 : index
    %swap3A_427 = tpu.vector_load %arg8[%swap3A_426] {strides = array<i32>} : memref<2048xf32, #tpu.memory_space<vmem>>, vector<16xf32>,
    %swap3A_428 = vector.shape_cast %swap3A_427 : vector<16xf32> to vector<16xf32>
    %swap3A_429 = vector.shape_cast %broadcast_in_dim3A_425 : vector<16xf32> to vector<16xf32>
    tpu.vector_store %arg8[%swap3A_426], %swap3A_429 {strides = array<i32>} : memref<2048xf32, #tpu.memory_space<vmem>>, vector<16xf32>,
    %broadcast_in_dim3A_430 = arith.constant 1.000000e+00 : f32
    %broadcast_in_dim3A_431 = vector.broadcast %broadcast_in_dim3A_430 : f32 to vector<16xf32>
    %swap3A_432 = arith.constant 1152 : index
    %swap3A_433 = tpu.vector_load %arg8[%swap3A_432] {strides = array<i32>} : memref<2048xf32, #tpu.memory_space<vmem>>, vector<16xf32>,
    %swap3A_434 = vector.shape_cast %swap3A_433 : vector<16xf32> to vector<16xf32>
    %swap3A_435 = vector.shape_cast %broadcast_in_dim3A_431 : vector<16xf32> to vector<16xf32>
    tpu.vector_store %arg8[%swap3A_432], %swap3A_435 {strides = array<i32>} : memref<2048xf32, #tpu.memory_space<vmem>>, vector<16xf32>,
    %broadcast_in_dim3A_436 = arith.constant 1.000000e+00 : f32
    %broadcast_in_dim3A_437 = vector.broadcast %broadcast_in_dim3A_436 : f32 to vector<16xf32>
    %swap3A_438 = arith.constant 1168 : index
    %swap3A_439 = tpu.vector_load %arg8[%swap3A_438] {strides = array<i32>} : memref<2048xf32, #tpu.memory_space<vmem>>, vector<16xf32>,
    %swap3A_440 = vector.shape_cast %swap3A_439 : vector<16xf32> to vector<16xf32>
    %swap3A_441 = vector.shape_cast %broadcast_in_dim3A_437 : vector<16xf32> to vector<16xf32>
    tpu.vector_store %arg8[%swap3A_438], %swap3A_441 {strides = array<i32>} : memref<2048xf32, #tpu.memory_space<vmem>>, vector<16xf32>,
    %broadcast_in_dim3A_442 = arith.constant 1.000000e+00 : f32
    %broadcast_in_dim3A_443 = vector.broadcast %broadcast_in_dim3A_442 : f32 to vector<16xf32>
    %swap3A_444 = arith.constant 1184 : index
    %swap3A_445 = tpu.vector_load %arg8[%swap3A_444] {strides = array<i32>} : memref<2048xf32, #tpu.memory_space<vmem>>, vector<16xf32>,
    %swap3A_446 = vector.shape_cast %swap3A_445 : vector<16xf32> to vector<16xf32>
    %swap3A_447 = vector.shape_cast %broadcast_in_dim3A_443 : vector<16xf32> to vector<16xf32>
    tpu.vector_store %arg8[%swap3A_444], %swap3A_447 {strides = array<i32>} : memref<2048xf32, #tpu.memory_space<vmem>>, vector<16xf32>,
    %broadcast_in_dim3A_448 = arith.constant 1.000000e+00 : f32
    %broadcast_in_dim3A_449 = vector.broadcast %broadcast_in_dim3A_448 : f32 to vector<16xf32>
    %swap3A_450 = arith.constant 1200 : index
    %swap3A_451 = tpu.vector_load %arg8[%swap3A_450] {strides = array<i32>} : memref<2048xf32, #tpu.memory_space<vmem>>, vector<16xf32>,
    %swap3A_452 = vector.shape_cast %swap3A_451 : vector<16xf32> to vector<16xf32>
    %swap3A_453 = vector.shape_cast %broadcast_in_dim3A_449 : vector<16xf32> to vector<16xf32>
    tpu.vector_store %arg8[%swap3A_450], %swap3A_453 {strides = array<i32>} : memref<2048xf32, #tpu.memory_space<vmem>>, vector<16xf32>,
    %broadcast_in_dim3A_454 = arith.constant 1.000000e+00 : f32
    %broadcast_in_dim3A_455 = vector.broadcast %broadcast_in_dim3A_454 : f32 to vector<16xf32>
    %swap3A_456 = arith.constant 1216 : index
    %swap3A_457 = tpu.vector_load %arg8[%swap3A_456] {strides = array<i32>} : memref<2048xf32, #tpu.memory_space<vmem>>, vector<16xf32>,
    %swap3A_458 = vector.shape_cast %swap3A_457 : vector<16xf32> to vector<16xf32>
    %swap3A_459 = vector.shape_cast %broadcast_in_dim3A_455 : vector<16xf32> to vector<16xf32>
    tpu.vector_store %arg8[%swap3A_456], %swap3A_459 {strides = array<i32>} : memref<2048xf32, #tpu.memory_space<vmem>>, vector<16xf32>,
    %broadcast_in_dim3A_460 = arith.constant 1.000000e+00 : f32
    %broadcast_in_dim3A_461 = vector.broadcast %broadcast_in_dim3A_460 : f32 to vector<16xf32>
    %swap3A_462 = arith.constant 1232 : index
    %swap3A_463 = tpu.vector_load %arg8[%swap3A_462] {strides = array<i32>} : memref<2048xf32, #tpu.memory_space<vmem>>, vector<16xf32>,
    %swap3A_464 = vector.shape_cast %swap3A_463 : vector<16xf32> to vector<16xf32>
    %swap3A_465 = vector.shape_cast %broadcast_in_dim3A_461 : vector<16xf32> to vector<16xf32>
    tpu.vector_store %arg8[%swap3A_462], %swap3A_465 {strides = array<i32>} : memref<2048xf32, #tpu.memory_space<vmem>>, vector<16xf32>,
    %broadcast_in_dim3A_466 = arith.constant 1.000000e+00 : f32
    %broadcast_in_dim3A_467 = vector.broadcast %broadcast_in_dim3A_466 : f32 to vector<16xf32>
    %swap3A_468 = arith.constant 1248 : index
    %swap3A_469 = tpu.vector_load %arg8[%swap3A_468] {strides = array<i32>} : memref<2048xf32, #tpu.memory_space<vmem>>, vector<16xf32>,
    %swap3A_470 = vector.shape_cast %swap3A_469 : vector<16xf32> to vector<16xf32>
    %swap3A_471 = vector.shape_cast %broadcast_in_dim3A_467 : vector<16xf32> to vector<16xf32>
    tpu.vector_store %arg8[%swap3A_468], %swap3A_471 {strides = array<i32>} : memref<2048xf32, #tpu.memory_space<vmem>>, vector<16xf32>,
    %broadcast_in_dim3A_472 = arith.constant 1.000000e+00 : f32
    %broadcast_in_dim3A_473 = vector.broadcast %broadcast_in_dim3A_472 : f32 to vector<16xf32>
    %swap3A_474 = arith.constant 1264 : index
    %swap3A_475 = tpu.vector_load %arg8[%swap3A_474] {strides = array<i32>} : memref<2048xf32, #tpu.memory_space<vmem>>, vector<16xf32>,
    %swap3A_476 = vector.shape_cast %swap3A_475 : vector<16xf32> to vector<16xf32>
    %swap3A_477 = vector.shape_cast %broadcast_in_dim3A_473 : vector<16xf32> to vector<16xf32>
    tpu.vector_store %arg8[%swap3A_474], %swap3A_477 {strides = array<i32>} : memref<2048xf32, #tpu.memory_space<vmem>>, vector<16xf32>,
    %broadcast_in_dim3A_478 = arith.constant 1.000000e+00 : f32
    %broadcast_in_dim3A_479 = vector.broadcast %broadcast_in_dim3A_478 : f32 to vector<16xf32>
    %swap3A_480 = arith.constant 1280 : index
    %swap3A_481 = tpu.vector_load %arg8[%swap3A_480] {strides = array<i32>} : memref<2048xf32, #tpu.memory_space<vmem>>, vector<16xf32>,
    %swap3A_482 = vector.shape_cast %swap3A_481 : vector<16xf32> to vector<16xf32>
    %swap3A_483 = vector.shape_cast %broadcast_in_dim3A_479 : vector<16xf32> to vector<16xf32>
    tpu.vector_store %arg8[%swap3A_480], %swap3A_483 {strides = array<i32>} : memref<2048xf32, #tpu.memory_space<vmem>>, vector<16xf32>,
    %broadcast_in_dim3A_484 = arith.constant 1.000000e+00 : f32
    %broadcast_in_dim3A_485 = vector.broadcast %broadcast_in_dim3A_484 : f32 to vector<16xf32>
    %swap3A_486 = arith.constant 1296 : index
    %swap3A_487 = tpu.vector_load %arg8[%swap3A_486] {strides = array<i32>} : memref<2048xf32, #tpu.memory_space<vmem>>, vector<16xf32>,
    %swap3A_488 = vector.shape_cast %swap3A_487 : vector<16xf32> to vector<16xf32>
    %swap3A_489 = vector.shape_cast %broadcast_in_dim3A_485 : vector<16xf32> to vector<16xf32>
    tpu.vector_store %arg8[%swap3A_486], %swap3A_489 {strides = array<i32>} : memref<2048xf32, #tpu.memory_space<vmem>>, vector<16xf32>,
    %broadcast_in_dim3A_490 = arith.constant 1.000000e+00 : f32
    %broadcast_in_dim3A_491 = vector.broadcast %broadcast_in_dim3A_490 : f32 to vector<16xf32>
    %swap3A_492 = arith.constant 1312 : index
    %swap3A_493 = tpu.vector_load %arg8[%swap3A_492] {strides = array<i32>} : memref<2048xf32, #tpu.memory_space<vmem>>, vector<16xf32>,
    %swap3A_494 = vector.shape_cast %swap3A_493 : vector<16xf32> to vector<16xf32>
    %swap3A_495 = vector.shape_cast %broadcast_in_dim3A_491 : vector<16xf32> to vector<16xf32>
    tpu.vector_store %arg8[%swap3A_492], %swap3A_495 {strides = array<i32>} : memref<2048xf32, #tpu.memory_space<vmem>>, vector<16xf32>,
    %broadcast_in_dim3A_496 = arith.constant 1.000000e+00 : f32
    %broadcast_in_dim3A_497 = vector.broadcast %broadcast_in_dim3A_496 : f32 to vector<16xf32>
    %swap3A_498 = arith.constant 1328 : index
    %swap3A_499 = tpu.vector_load %arg8[%swap3A_498] {strides = array<i32>} : memref<2048xf32, #tpu.memory_space<vmem>>, vector<16xf32>,
    %swap3A_500 = vector.shape_cast %swap3A_499 : vector<16xf32> to vector<16xf32>
    %swap3A_501 = vector.shape_cast %broadcast_in_dim3A_497 : vector<16xf32> to vector<16xf32>
    tpu.vector_store %arg8[%swap3A_498], %swap3A_501 {strides = array<i32>} : memref<2048xf32, #tpu.memory_space<vmem>>, vector<16xf32>,
    %broadcast_in_dim3A_502 = arith.constant 1.000000e+00 : f32
    %broadcast_in_dim3A_503 = vector.broadcast %broadcast_in_dim3A_502 : f32 to vector<16xf32>
    %swap3A_504 = arith.constant 1344 : index
    %swap3A_505 = tpu.vector_load %arg8[%swap3A_504] {strides = array<i32>} : memref<2048xf32, #tpu.memory_space<vmem>>, vector<16xf32>,
    %swap3A_506 = vector.shape_cast %swap3A_505 : vector<16xf32> to vector<16xf32>
    %swap3A_507 = vector.shape_cast %broadcast_in_dim3A_503 : vector<16xf32> to vector<16xf32>
    tpu.vector_store %arg8[%swap3A_504], %swap3A_507 {strides = array<i32>} : memref<2048xf32, #tpu.memory_space<vmem>>, vector<16xf32>,
    %broadcast_in_dim3A_508 = arith.constant 1.000000e+00 : f32
    %broadcast_in_dim3A_509 = vector.broadcast %broadcast_in_dim3A_508 : f32 to vector<16xf32>
    %swap3A_510 = arith.constant 1360 : index
    %swap3A_511 = tpu.vector_load %arg8[%swap3A_510] {strides = array<i32>} : memref<2048xf32, #tpu.memory_space<vmem>>, vector<16xf32>,
    %swap3A_512 = vector.shape_cast %swap3A_511 : vector<16xf32> to vector<16xf32>
    %swap3A_513 = vector.shape_cast %broadcast_in_dim3A_509 : vector<16xf32> to vector<16xf32>
    tpu.vector_store %arg8[%swap3A_510], %swap3A_513 {strides = array<i32>} : memref<2048xf32, #tpu.memory_space<vmem>>, vector<16xf32>,
    %broadcast_in_dim3A_514 = arith.constant 1.000000e+00 : f32
    %broadcast_in_dim3A_515 = vector.broadcast %broadcast_in_dim3A_514 : f32 to vector<16xf32>
    %swap3A_516 = arith.constant 1376 : index
    %swap3A_517 = tpu.vector_load %arg8[%swap3A_516] {strides = array<i32>} : memref<2048xf32, #tpu.memory_space<vmem>>, vector<16xf32>,
    %swap3A_518 = vector.shape_cast %swap3A_517 : vector<16xf32> to vector<16xf32>
    %swap3A_519 = vector.shape_cast %broadcast_in_dim3A_515 : vector<16xf32> to vector<16xf32>
    tpu.vector_store %arg8[%swap3A_516], %swap3A_519 {strides = array<i32>} : memref<2048xf32, #tpu.memory_space<vmem>>, vector<16xf32>,
    %broadcast_in_dim3A_520 = arith.constant 1.000000e+00 : f32
    %broadcast_in_dim3A_521 = vector.broadcast %broadcast_in_dim3A_520 : f32 to vector<16xf32>
    %swap3A_522 = arith.constant 1392 : index
    %swap3A_523 = tpu.vector_load %arg8[%swap3A_522] {strides = array<i32>} : memref<2048xf32, #tpu.memory_space<vmem>>, vector<16xf32>,
    %swap3A_524 = vector.shape_cast %swap3A_523 : vector<16xf32> to vector<16xf32>
    %swap3A_525 = vector.shape_cast %broadcast_in_dim3A_521 : vector<16xf32> to vector<16xf32>
    tpu.vector_store %arg8[%swap3A_522], %swap3A_525 {strides = array<i32>} : memref<2048xf32, #tpu.memory_space<vmem>>, vector<16xf32>,
    %broadcast_in_dim3A_526 = arith.constant 1.000000e+00 : f32
    %broadcast_in_dim3A_527 = vector.broadcast %broadcast_in_dim3A_526 : f32 to vector<16xf32>
    %swap3A_528 = arith.constant 1408 : index
    %swap3A_529 = tpu.vector_load %arg8[%swap3A_528] {strides = array<i32>} : memref<2048xf32, #tpu.memory_space<vmem>>, vector<16xf32>,
    %swap3A_530 = vector.shape_cast %swap3A_529 : vector<16xf32> to vector<16xf32>
    %swap3A_531 = vector.shape_cast %broadcast_in_dim3A_527 : vector<16xf32> to vector<16xf32>
    tpu.vector_store %arg8[%swap3A_528], %swap3A_531 {strides = array<i32>} : memref<2048xf32, #tpu.memory_space<vmem>>, vector<16xf32>,
    %broadcast_in_dim3A_532 = arith.constant 1.000000e+00 : f32
    %broadcast_in_dim3A_533 = vector.broadcast %broadcast_in_dim3A_532 : f32 to vector<16xf32>
    %swap3A_534 = arith.constant 1424 : index
    %swap3A_535 = tpu.vector_load %arg8[%swap3A_534] {strides = array<i32>} : memref<2048xf32, #tpu.memory_space<vmem>>, vector<16xf32>,
    %swap3A_536 = vector.shape_cast %swap3A_535 : vector<16xf32> to vector<16xf32>
    %swap3A_537 = vector.shape_cast %broadcast_in_dim3A_533 : vector<16xf32> to vector<16xf32>
    tpu.vector_store %arg8[%swap3A_534], %swap3A_537 {strides = array<i32>} : memref<2048xf32, #tpu.memory_space<vmem>>, vector<16xf32>,
    %broadcast_in_dim3A_538 = arith.constant 1.000000e+00 : f32
    %broadcast_in_dim3A_539 = vector.broadcast %broadcast_in_dim3A_538 : f32 to vector<16xf32>
    %swap3A_540 = arith.constant 1440 : index
    %swap3A_541 = tpu.vector_load %arg8[%swap3A_540] {strides = array<i32>} : memref<2048xf32, #tpu.memory_space<vmem>>, vector<16xf32>,
    %swap3A_542 = vector.shape_cast %swap3A_541 : vector<16xf32> to vector<16xf32>
    %swap3A_543 = vector.shape_cast %broadcast_in_dim3A_539 : vector<16xf32> to vector<16xf32>
    tpu.vector_store %arg8[%swap3A_540], %swap3A_543 {strides = array<i32>} : memref<2048xf32, #tpu.memory_space<vmem>>, vector<16xf32>,
    %broadcast_in_dim3A_544 = arith.constant 1.000000e+00 : f32
    %broadcast_in_dim3A_545 = vector.broadcast %broadcast_in_dim3A_544 : f32 to vector<16xf32>
    %swap3A_546 = arith.constant 1456 : index
    %swap3A_547 = tpu.vector_load %arg8[%swap3A_546] {strides = array<i32>} : memref<2048xf32, #tpu.memory_space<vmem>>, vector<16xf32>,
    %swap3A_548 = vector.shape_cast %swap3A_547 : vector<16xf32> to vector<16xf32>
    %swap3A_549 = vector.shape_cast %broadcast_in_dim3A_545 : vector<16xf32> to vector<16xf32>
    tpu.vector_store %arg8[%swap3A_546], %swap3A_549 {strides = array<i32>} : memref<2048xf32, #tpu.memory_space<vmem>>, vector<16xf32>,
    %broadcast_in_dim3A_550 = arith.constant 1.000000e+00 : f32
    %broadcast_in_dim3A_551 = vector.broadcast %broadcast_in_dim3A_550 : f32 to vector<16xf32>
    %swap3A_552 = arith.constant 1472 : index
    %swap3A_553 = tpu.vector_load %arg8[%swap3A_552] {strides = array<i32>} : memref<2048xf32, #tpu.memory_space<vmem>>, vector<16xf32>,
    %swap3A_554 = vector.shape_cast %swap3A_553 : vector<16xf32> to vector<16xf32>
    %swap3A_555 = vector.shape_cast %broadcast_in_dim3A_551 : vector<16xf32> to vector<16xf32>
    tpu.vector_store %arg8[%swap3A_552], %swap3A_555 {strides = array<i32>} : memref<2048xf32, #tpu.memory_space<vmem>>, vector<16xf32>,
    %broadcast_in_dim3A_556 = arith.constant 1.000000e+00 : f32
    %broadcast_in_dim3A_557 = vector.broadcast %broadcast_in_dim3A_556 : f32 to vector<16xf32>
    %swap3A_558 = arith.constant 1488 : index
    %swap3A_559 = tpu.vector_load %arg8[%swap3A_558] {strides = array<i32>} : memref<2048xf32, #tpu.memory_space<vmem>>, vector<16xf32>,
    %swap3A_560 = vector.shape_cast %swap3A_559 : vector<16xf32> to vector<16xf32>
    %swap3A_561 = vector.shape_cast %broadcast_in_dim3A_557 : vector<16xf32> to vector<16xf32>
    tpu.vector_store %arg8[%swap3A_558], %swap3A_561 {strides = array<i32>} : memref<2048xf32, #tpu.memory_space<vmem>>, vector<16xf32>,
    %broadcast_in_dim3A_562 = arith.constant 1.000000e+00 : f32
    %broadcast_in_dim3A_563 = vector.broadcast %broadcast_in_dim3A_562 : f32 to vector<16xf32>
    %swap3A_564 = arith.constant 1504 : index
    %swap3A_565 = tpu.vector_load %arg8[%swap3A_564] {strides = array<i32>} : memref<2048xf32, #tpu.memory_space<vmem>>, vector<16xf32>,
    %swap3A_566 = vector.shape_cast %swap3A_565 : vector<16xf32> to vector<16xf32>
    %swap3A_567 = vector.shape_cast %broadcast_in_dim3A_563 : vector<16xf32> to vector<16xf32>
    tpu.vector_store %arg8[%swap3A_564], %swap3A_567 {strides = array<i32>} : memref<2048xf32, #tpu.memory_space<vmem>>, vector<16xf32>,
    %broadcast_in_dim3A_568 = arith.constant 1.000000e+00 : f32
    %broadcast_in_dim3A_569 = vector.broadcast %broadcast_in_dim3A_568 : f32 to vector<16xf32>
    %swap3A_570 = arith.constant 1520 : index
    %swap3A_571 = tpu.vector_load %arg8[%swap3A_570] {strides = array<i32>} : memref<2048xf32, #tpu.memory_space<vmem>>, vector<16xf32>,
    %swap3A_572 = vector.shape_cast %swap3A_571 : vector<16xf32> to vector<16xf32>
    %swap3A_573 = vector.shape_cast %broadcast_in_dim3A_569 : vector<16xf32> to vector<16xf32>
    tpu.vector_store %arg8[%swap3A_570], %swap3A_573 {strides = array<i32>} : memref<2048xf32, #tpu.memory_space<vmem>>, vector<16xf32>,
    %broadcast_in_dim3A_574 = arith.constant 1.000000e+00 : f32
    %broadcast_in_dim3A_575 = vector.broadcast %broadcast_in_dim3A_574 : f32 to vector<16xf32>
    %swap3A_576 = arith.constant 1536 : index
    %swap3A_577 = tpu.vector_load %arg8[%swap3A_576] {strides = array<i32>} : memref<2048xf32, #tpu.memory_space<vmem>>, vector<16xf32>,
    %swap3A_578 = vector.shape_cast %swap3A_577 : vector<16xf32> to vector<16xf32>
    %swap3A_579 = vector.shape_cast %broadcast_in_dim3A_575 : vector<16xf32> to vector<16xf32>
    tpu.vector_store %arg8[%swap3A_576], %swap3A_579 {strides = array<i32>} : memref<2048xf32, #tpu.memory_space<vmem>>, vector<16xf32>,
    %broadcast_in_dim3A_580 = arith.constant 1.000000e+00 : f32
    %broadcast_in_dim3A_581 = vector.broadcast %broadcast_in_dim3A_580 : f32 to vector<16xf32>
    %swap3A_582 = arith.constant 1552 : index
    %swap3A_583 = tpu.vector_load %arg8[%swap3A_582] {strides = array<i32>} : memref<2048xf32, #tpu.memory_space<vmem>>, vector<16xf32>,
    %swap3A_584 = vector.shape_cast %swap3A_583 : vector<16xf32> to vector<16xf32>
    %swap3A_585 = vector.shape_cast %broadcast_in_dim3A_581 : vector<16xf32> to vector<16xf32>
    tpu.vector_store %arg8[%swap3A_582], %swap3A_585 {strides = array<i32>} : memref<2048xf32, #tpu.memory_space<vmem>>, vector<16xf32>,
    %broadcast_in_dim3A_586 = arith.constant 1.000000e+00 : f32
    %broadcast_in_dim3A_587 = vector.broadcast %broadcast_in_dim3A_586 : f32 to vector<16xf32>
    %swap3A_588 = arith.constant 1568 : index
    %swap3A_589 = tpu.vector_load %arg8[%swap3A_588] {strides = array<i32>} : memref<2048xf32, #tpu.memory_space<vmem>>, vector<16xf32>,
    %swap3A_590 = vector.shape_cast %swap3A_589 : vector<16xf32> to vector<16xf32>
    %swap3A_591 = vector.shape_cast %broadcast_in_dim3A_587 : vector<16xf32> to vector<16xf32>
    tpu.vector_store %arg8[%swap3A_588], %swap3A_591 {strides = array<i32>} : memref<2048xf32, #tpu.memory_space<vmem>>, vector<16xf32>,
    %broadcast_in_dim3A_592 = arith.constant 1.000000e+00 : f32
    %broadcast_in_dim3A_593 = vector.broadcast %broadcast_in_dim3A_592 : f32 to vector<16xf32>
    %swap3A_594 = arith.constant 1584 : index
    %swap3A_595 = tpu.vector_load %arg8[%swap3A_594] {strides = array<i32>} : memref<2048xf32, #tpu.memory_space<vmem>>, vector<16xf32>,
    %swap3A_596 = vector.shape_cast %swap3A_595 : vector<16xf32> to vector<16xf32>
    %swap3A_597 = vector.shape_cast %broadcast_in_dim3A_593 : vector<16xf32> to vector<16xf32>
    tpu.vector_store %arg8[%swap3A_594], %swap3A_597 {strides = array<i32>} : memref<2048xf32, #tpu.memory_space<vmem>>, vector<16xf32>,
    %broadcast_in_dim3A_598 = arith.constant 1.000000e+00 : f32
    %broadcast_in_dim3A_599 = vector.broadcast %broadcast_in_dim3A_598 : f32 to vector<16xf32>
    %swap3A_600 = arith.constant 1600 : index
    %swap3A_601 = tpu.vector_load %arg8[%swap3A_600] {strides = array<i32>} : memref<2048xf32, #tpu.memory_space<vmem>>, vector<16xf32>,
    %swap3A_602 = vector.shape_cast %swap3A_601 : vector<16xf32> to vector<16xf32>
    %swap3A_603 = vector.shape_cast %broadcast_in_dim3A_599 : vector<16xf32> to vector<16xf32>
    tpu.vector_store %arg8[%swap3A_600], %swap3A_603 {strides = array<i32>} : memref<2048xf32, #tpu.memory_space<vmem>>, vector<16xf32>,
    %broadcast_in_dim3A_604 = arith.constant 1.000000e+00 : f32
    %broadcast_in_dim3A_605 = vector.broadcast %broadcast_in_dim3A_604 : f32 to vector<16xf32>
    %swap3A_606 = arith.constant 1616 : index
    %swap3A_607 = tpu.vector_load %arg8[%swap3A_606] {strides = array<i32>} : memref<2048xf32, #tpu.memory_space<vmem>>, vector<16xf32>,
    %swap3A_608 = vector.shape_cast %swap3A_607 : vector<16xf32> to vector<16xf32>
    %swap3A_609 = vector.shape_cast %broadcast_in_dim3A_605 : vector<16xf32> to vector<16xf32>
    tpu.vector_store %arg8[%swap3A_606], %swap3A_609 {strides = array<i32>} : memref<2048xf32, #tpu.memory_space<vmem>>, vector<16xf32>,
    %broadcast_in_dim3A_610 = arith.constant 1.000000e+00 : f32
    %broadcast_in_dim3A_611 = vector.broadcast %broadcast_in_dim3A_610 : f32 to vector<16xf32>
    %swap3A_612 = arith.constant 1632 : index
    %swap3A_613 = tpu.vector_load %arg8[%swap3A_612] {strides = array<i32>} : memref<2048xf32, #tpu.memory_space<vmem>>, vector<16xf32>,
    %swap3A_614 = vector.shape_cast %swap3A_613 : vector<16xf32> to vector<16xf32>
    %swap3A_615 = vector.shape_cast %broadcast_in_dim3A_611 : vector<16xf32> to vector<16xf32>
    tpu.vector_store %arg8[%swap3A_612], %swap3A_615 {strides = array<i32>} : memref<2048xf32, #tpu.memory_space<vmem>>, vector<16xf32>,
    %broadcast_in_dim3A_616 = arith.constant 1.000000e+00 : f32
    %broadcast_in_dim3A_617 = vector.broadcast %broadcast_in_dim3A_616 : f32 to vector<16xf32>
    %swap3A_618 = arith.constant 1648 : index
    %swap3A_619 = tpu.vector_load %arg8[%swap3A_618] {strides = array<i32>} : memref<2048xf32, #tpu.memory_space<vmem>>, vector<16xf32>,
    %swap3A_620 = vector.shape_cast %swap3A_619 : vector<16xf32> to vector<16xf32>
    %swap3A_621 = vector.shape_cast %broadcast_in_dim3A_617 : vector<16xf32> to vector<16xf32>
    tpu.vector_store %arg8[%swap3A_618], %swap3A_621 {strides = array<i32>} : memref<2048xf32, #tpu.memory_space<vmem>>, vector<16xf32>,
    %broadcast_in_dim3A_622 = arith.constant 1.000000e+00 : f32
    %broadcast_in_dim3A_623 = vector.broadcast %broadcast_in_dim3A_622 : f32 to vector<16xf32>
    %swap3A_624 = arith.constant 1664 : index
    %swap3A_625 = tpu.vector_load %arg8[%swap3A_624] {strides = array<i32>} : memref<2048xf32, #tpu.memory_space<vmem>>, vector<16xf32>,
    %swap3A_626 = vector.shape_cast %swap3A_625 : vector<16xf32> to vector<16xf32>
    %swap3A_627 = vector.shape_cast %broadcast_in_dim3A_623 : vector<16xf32> to vector<16xf32>
    tpu.vector_store %arg8[%swap3A_624], %swap3A_627 {strides = array<i32>} : memref<2048xf32, #tpu.memory_space<vmem>>, vector<16xf32>,
    %broadcast_in_dim3A_628 = arith.constant 1.000000e+00 : f32
    %broadcast_in_dim3A_629 = vector.broadcast %broadcast_in_dim3A_628 : f32 to vector<16xf32>
    %swap3A_630 = arith.constant 1680 : index
    %swap3A_631 = tpu.vector_load %arg8[%swap3A_630] {strides = array<i32>} : memref<2048xf32, #tpu.memory_space<vmem>>, vector<16xf32>,
    %swap3A_632 = vector.shape_cast %swap3A_631 : vector<16xf32> to vector<16xf32>
    %swap3A_633 = vector.shape_cast %broadcast_in_dim3A_629 : vector<16xf32> to vector<16xf32>
    tpu.vector_store %arg8[%swap3A_630], %swap3A_633 {strides = array<i32>} : memref<2048xf32, #tpu.memory_space<vmem>>, vector<16xf32>,
    %broadcast_in_dim3A_634 = arith.constant 1.000000e+00 : f32
    %broadcast_in_dim3A_635 = vector.broadcast %broadcast_in_dim3A_634 : f32 to vector<16xf32>
    %swap3A_636 = arith.constant 1696 : index
    %swap3A_637 = tpu.vector_load %arg8[%swap3A_636] {strides = array<i32>} : memref<2048xf32, #tpu.memory_space<vmem>>, vector<16xf32>,
    %swap3A_638 = vector.shape_cast %swap3A_637 : vector<16xf32> to vector<16xf32>
    %swap3A_639 = vector.shape_cast %broadcast_in_dim3A_635 : vector<16xf32> to vector<16xf32>
    tpu.vector_store %arg8[%swap3A_636], %swap3A_639 {strides = array<i32>} : memref<2048xf32, #tpu.memory_space<vmem>>, vector<16xf32>,
    %broadcast_in_dim3A_640 = arith.constant 1.000000e+00 : f32
    %broadcast_in_dim3A_641 = vector.broadcast %broadcast_in_dim3A_640 : f32 to vector<16xf32>
    %swap3A_642 = arith.constant 1712 : index
    %swap3A_643 = tpu.vector_load %arg8[%swap3A_642] {strides = array<i32>} : memref<2048xf32, #tpu.memory_space<vmem>>, vector<16xf32>,
    %swap3A_644 = vector.shape_cast %swap3A_643 : vector<16xf32> to vector<16xf32>
    %swap3A_645 = vector.shape_cast %broadcast_in_dim3A_641 : vector<16xf32> to vector<16xf32>
    tpu.vector_store %arg8[%swap3A_642], %swap3A_645 {strides = array<i32>} : memref<2048xf32, #tpu.memory_space<vmem>>, vector<16xf32>,
    %broadcast_in_dim3A_646 = arith.constant 1.000000e+00 : f32
    %broadcast_in_dim3A_647 = vector.broadcast %broadcast_in_dim3A_646 : f32 to vector<16xf32>
    %swap3A_648 = arith.constant 1728 : index
    %swap3A_649 = tpu.vector_load %arg8[%swap3A_648] {strides = array<i32>} : memref<2048xf32, #tpu.memory_space<vmem>>, vector<16xf32>,
    %swap3A_650 = vector.shape_cast %swap3A_649 : vector<16xf32> to vector<16xf32>
    %swap3A_651 = vector.shape_cast %broadcast_in_dim3A_647 : vector<16xf32> to vector<16xf32>
    tpu.vector_store %arg8[%swap3A_648], %swap3A_651 {strides = array<i32>} : memref<2048xf32, #tpu.memory_space<vmem>>, vector<16xf32>,
    %broadcast_in_dim3A_652 = arith.constant 1.000000e+00 : f32
    %broadcast_in_dim3A_653 = vector.broadcast %broadcast_in_dim3A_652 : f32 to vector<16xf32>
    %swap3A_654 = arith.constant 1744 : index
    %swap3A_655 = tpu.vector_load %arg8[%swap3A_654] {strides = array<i32>} : memref<2048xf32, #tpu.memory_space<vmem>>, vector<16xf32>,
    %swap3A_656 = vector.shape_cast %swap3A_655 : vector<16xf32> to vector<16xf32>
    %swap3A_657 = vector.shape_cast %broadcast_in_dim3A_653 : vector<16xf32> to vector<16xf32>
    tpu.vector_store %arg8[%swap3A_654], %swap3A_657 {strides = array<i32>} : memref<2048xf32, #tpu.memory_space<vmem>>, vector<16xf32>,
    %broadcast_in_dim3A_658 = arith.constant 1.000000e+00 : f32
    %broadcast_in_dim3A_659 = vector.broadcast %broadcast_in_dim3A_658 : f32 to vector<16xf32>
    %swap3A_660 = arith.constant 1760 : index
    %swap3A_661 = tpu.vector_load %arg8[%swap3A_660] {strides = array<i32>} : memref<2048xf32, #tpu.memory_space<vmem>>, vector<16xf32>,
    %swap3A_662 = vector.shape_cast %swap3A_661 : vector<16xf32> to vector<16xf32>
    %swap3A_663 = vector.shape_cast %broadcast_in_dim3A_659 : vector<16xf32> to vector<16xf32>
    tpu.vector_store %arg8[%swap3A_660], %swap3A_663 {strides = array<i32>} : memref<2048xf32, #tpu.memory_space<vmem>>, vector<16xf32>,
    %broadcast_in_dim3A_664 = arith.constant 1.000000e+00 : f32
    %broadcast_in_dim3A_665 = vector.broadcast %broadcast_in_dim3A_664 : f32 to vector<16xf32>
    %swap3A_666 = arith.constant 1776 : index
    %swap3A_667 = tpu.vector_load %arg8[%swap3A_666] {strides = array<i32>} : memref<2048xf32, #tpu.memory_space<vmem>>, vector<16xf32>,
    %swap3A_668 = vector.shape_cast %swap3A_667 : vector<16xf32> to vector<16xf32>
    %swap3A_669 = vector.shape_cast %broadcast_in_dim3A_665 : vector<16xf32> to vector<16xf32>
    tpu.vector_store %arg8[%swap3A_666], %swap3A_669 {strides = array<i32>} : memref<2048xf32, #tpu.memory_space<vmem>>, vector<16xf32>,
    %broadcast_in_dim3A_670 = arith.constant 1.000000e+00 : f32
    %broadcast_in_dim3A_671 = vector.broadcast %broadcast_in_dim3A_670 : f32 to vector<16xf32>
    %swap3A_672 = arith.constant 1792 : index
    %swap3A_673 = tpu.vector_load %arg8[%swap3A_672] {strides = array<i32>} : memref<2048xf32, #tpu.memory_space<vmem>>, vector<16xf32>,
    %swap3A_674 = vector.shape_cast %swap3A_673 : vector<16xf32> to vector<16xf32>
    %swap3A_675 = vector.shape_cast %broadcast_in_dim3A_671 : vector<16xf32> to vector<16xf32>
    tpu.vector_store %arg8[%swap3A_672], %swap3A_675 {strides = array<i32>} : memref<2048xf32, #tpu.memory_space<vmem>>, vector<16xf32>,
    %broadcast_in_dim3A_676 = arith.constant 1.000000e+00 : f32
    %broadcast_in_dim3A_677 = vector.broadcast %broadcast_in_dim3A_676 : f32 to vector<16xf32>
    %swap3A_678 = arith.constant 1808 : index
    %swap3A_679 = tpu.vector_load %arg8[%swap3A_678] {strides = array<i32>} : memref<2048xf32, #tpu.memory_space<vmem>>, vector<16xf32>,
    %swap3A_680 = vector.shape_cast %swap3A_679 : vector<16xf32> to vector<16xf32>
    %swap3A_681 = vector.shape_cast %broadcast_in_dim3A_677 : vector<16xf32> to vector<16xf32>
    tpu.vector_store %arg8[%swap3A_678], %swap3A_681 {strides = array<i32>} : memref<2048xf32, #tpu.memory_space<vmem>>, vector<16xf32>,
    %broadcast_in_dim3A_682 = arith.constant 1.000000e+00 : f32
    %broadcast_in_dim3A_683 = vector.broadcast %broadcast_in_dim3A_682 : f32 to vector<16xf32>
    %swap3A_684 = arith.constant 1824 : index
    %swap3A_685 = tpu.vector_load %arg8[%swap3A_684] {strides = array<i32>} : memref<2048xf32, #tpu.memory_space<vmem>>, vector<16xf32>,
    %swap3A_686 = vector.shape_cast %swap3A_685 : vector<16xf32> to vector<16xf32>
    %swap3A_687 = vector.shape_cast %broadcast_in_dim3A_683 : vector<16xf32> to vector<16xf32>
    tpu.vector_store %arg8[%swap3A_684], %swap3A_687 {strides = array<i32>} : memref<2048xf32, #tpu.memory_space<vmem>>, vector<16xf32>,
    %broadcast_in_dim3A_688 = arith.constant 1.000000e+00 : f32
    %broadcast_in_dim3A_689 = vector.broadcast %broadcast_in_dim3A_688 : f32 to vector<16xf32>
    %swap3A_690 = arith.constant 1840 : index
    %swap3A_691 = tpu.vector_load %arg8[%swap3A_690] {strides = array<i32>} : memref<2048xf32, #tpu.memory_space<vmem>>, vector<16xf32>,
    %swap3A_692 = vector.shape_cast %swap3A_691 : vector<16xf32> to vector<16xf32>
    %swap3A_693 = vector.shape_cast %broadcast_in_dim3A_689 : vector<16xf32> to vector<16xf32>
    tpu.vector_store %arg8[%swap3A_690], %swap3A_693 {strides = array<i32>} : memref<2048xf32, #tpu.memory_space<vmem>>, vector<16xf32>,
    %broadcast_in_dim3A_694 = arith.constant 1.000000e+00 : f32
    %broadcast_in_dim3A_695 = vector.broadcast %broadcast_in_dim3A_694 : f32 to vector<16xf32>
    %swap3A_696 = arith.constant 1856 : index
    %swap3A_697 = tpu.vector_load %arg8[%swap3A_696] {strides = array<i32>} : memref<2048xf32, #tpu.memory_space<vmem>>, vector<16xf32>,
    %swap3A_698 = vector.shape_cast %swap3A_697 : vector<16xf32> to vector<16xf32>
    %swap3A_699 = vector.shape_cast %broadcast_in_dim3A_695 : vector<16xf32> to vector<16xf32>
    tpu.vector_store %arg8[%swap3A_696], %swap3A_699 {strides = array<i32>} : memref<2048xf32, #tpu.memory_space<vmem>>, vector<16xf32>,
    %broadcast_in_dim3A_700 = arith.constant 1.000000e+00 : f32
    %broadcast_in_dim3A_701 = vector.broadcast %broadcast_in_dim3A_700 : f32 to vector<16xf32>
    %swap3A_702 = arith.constant 1872 : index
    %swap3A_703 = tpu.vector_load %arg8[%swap3A_702] {strides = array<i32>} : memref<2048xf32, #tpu.memory_space<vmem>>, vector<16xf32>,
    %swap3A_704 = vector.shape_cast %swap3A_703 : vector<16xf32> to vector<16xf32>
    %swap3A_705 = vector.shape_cast %broadcast_in_dim3A_701 : vector<16xf32> to vector<16xf32>
    tpu.vector_store %arg8[%swap3A_702], %swap3A_705 {strides = array<i32>} : memref<2048xf32, #tpu.memory_space<vmem>>, vector<16xf32>,
    %broadcast_in_dim3A_706 = arith.constant 1.000000e+00 : f32
    %broadcast_in_dim3A_707 = vector.broadcast %broadcast_in_dim3A_706 : f32 to vector<16xf32>
    %swap3A_708 = arith.constant 1888 : index
    %swap3A_709 = tpu.vector_load %arg8[%swap3A_708] {strides = array<i32>} : memref<2048xf32, #tpu.memory_space<vmem>>, vector<16xf32>,
    %swap3A_710 = vector.shape_cast %swap3A_709 : vector<16xf32> to vector<16xf32>
    %swap3A_711 = vector.shape_cast %broadcast_in_dim3A_707 : vector<16xf32> to vector<16xf32>
    tpu.vector_store %arg8[%swap3A_708], %swap3A_711 {strides = array<i32>} : memref<2048xf32, #tpu.memory_space<vmem>>, vector<16xf32>,
    %broadcast_in_dim3A_712 = arith.constant 1.000000e+00 : f32
    %broadcast_in_dim3A_713 = vector.broadcast %broadcast_in_dim3A_712 : f32 to vector<16xf32>
    %swap3A_714 = arith.constant 1904 : index
    %swap3A_715 = tpu.vector_load %arg8[%swap3A_714] {strides = array<i32>} : memref<2048xf32, #tpu.memory_space<vmem>>, vector<16xf32>,
    %swap3A_716 = vector.shape_cast %swap3A_715 : vector<16xf32> to vector<16xf32>
    %swap3A_717 = vector.shape_cast %broadcast_in_dim3A_713 : vector<16xf32> to vector<16xf32>
    tpu.vector_store %arg8[%swap3A_714], %swap3A_717 {strides = array<i32>} : memref<2048xf32, #tpu.memory_space<vmem>>, vector<16xf32>,
    %broadcast_in_dim3A_718 = arith.constant 1.000000e+00 : f32
    %broadcast_in_dim3A_719 = vector.broadcast %broadcast_in_dim3A_718 : f32 to vector<16xf32>
    %swap3A_720 = arith.constant 1920 : index
    %swap3A_721 = tpu.vector_load %arg8[%swap3A_720] {strides = array<i32>} : memref<2048xf32, #tpu.memory_space<vmem>>, vector<16xf32>,
    %swap3A_722 = vector.shape_cast %swap3A_721 : vector<16xf32> to vector<16xf32>
    %swap3A_723 = vector.shape_cast %broadcast_in_dim3A_719 : vector<16xf32> to vector<16xf32>
    tpu.vector_store %arg8[%swap3A_720], %swap3A_723 {strides = array<i32>} : memref<2048xf32, #tpu.memory_space<vmem>>, vector<16xf32>,
    %broadcast_in_dim3A_724 = arith.constant 1.000000e+00 : f32
    %broadcast_in_dim3A_725 = vector.broadcast %broadcast_in_dim3A_724 : f32 to vector<16xf32>
    %swap3A_726 = arith.constant 1936 : index
    %swap3A_727 = tpu.vector_load %arg8[%swap3A_726] {strides = array<i32>} : memref<2048xf32, #tpu.memory_space<vmem>>, vector<16xf32>,
    %swap3A_728 = vector.shape_cast %swap3A_727 : vector<16xf32> to vector<16xf32>
    %swap3A_729 = vector.shape_cast %broadcast_in_dim3A_725 : vector<16xf32> to vector<16xf32>
    tpu.vector_store %arg8[%swap3A_726], %swap3A_729 {strides = array<i32>} : memref<2048xf32, #tpu.memory_space<vmem>>, vector<16xf32>,
    %broadcast_in_dim3A_730 = arith.constant 1.000000e+00 : f32
    %broadcast_in_dim3A_731 = vector.broadcast %broadcast_in_dim3A_730 : f32 to vector<16xf32>
    %swap3A_732 = arith.constant 1952 : index
    %swap3A_733 = tpu.vector_load %arg8[%swap3A_732] {strides = array<i32>} : memref<2048xf32, #tpu.memory_space<vmem>>, vector<16xf32>,
    %swap3A_734 = vector.shape_cast %swap3A_733 : vector<16xf32> to vector<16xf32>
    %swap3A_735 = vector.shape_cast %broadcast_in_dim3A_731 : vector<16xf32> to vector<16xf32>
    tpu.vector_store %arg8[%swap3A_732], %swap3A_735 {strides = array<i32>} : memref<2048xf32, #tpu.memory_space<vmem>>, vector<16xf32>,
    %broadcast_in_dim3A_736 = arith.constant 1.000000e+00 : f32
    %broadcast_in_dim3A_737 = vector.broadcast %broadcast_in_dim3A_736 : f32 to vector<16xf32>
    %swap3A_738 = arith.constant 1968 : index
    %swap3A_739 = tpu.vector_load %arg8[%swap3A_738] {strides = array<i32>} : memref<2048xf32, #tpu.memory_space<vmem>>, vector<16xf32>,
    %swap3A_740 = vector.shape_cast %swap3A_739 : vector<16xf32> to vector<16xf32>
    %swap3A_741 = vector.shape_cast %broadcast_in_dim3A_737 : vector<16xf32> to vector<16xf32>
    tpu.vector_store %arg8[%swap3A_738], %swap3A_741 {strides = array<i32>} : memref<2048xf32, #tpu.memory_space<vmem>>, vector<16xf32>,
    %broadcast_in_dim3A_742 = arith.constant 1.000000e+00 : f32
    %broadcast_in_dim3A_743 = vector.broadcast %broadcast_in_dim3A_742 : f32 to vector<16xf32>
    %swap3A_744 = arith.constant 1984 : index
    %swap3A_745 = tpu.vector_load %arg8[%swap3A_744] {strides = array<i32>} : memref<2048xf32, #tpu.memory_space<vmem>>, vector<16xf32>,
    %swap3A_746 = vector.shape_cast %swap3A_745 : vector<16xf32> to vector<16xf32>
    %swap3A_747 = vector.shape_cast %broadcast_in_dim3A_743 : vector<16xf32> to vector<16xf32>
    tpu.vector_store %arg8[%swap3A_744], %swap3A_747 {strides = array<i32>} : memref<2048xf32, #tpu.memory_space<vmem>>, vector<16xf32>,
    %broadcast_in_dim3A_748 = arith.constant 1.000000e+00 : f32
    %broadcast_in_dim3A_749 = vector.broadcast %broadcast_in_dim3A_748 : f32 to vector<16xf32>
    %swap3A_750 = arith.constant 2000 : index
    %swap3A_751 = tpu.vector_load %arg8[%swap3A_750] {strides = array<i32>} : memref<2048xf32, #tpu.memory_space<vmem>>, vector<16xf32>,
    %swap3A_752 = vector.shape_cast %swap3A_751 : vector<16xf32> to vector<16xf32>
    %swap3A_753 = vector.shape_cast %broadcast_in_dim3A_749 : vector<16xf32> to vector<16xf32>
    tpu.vector_store %arg8[%swap3A_750], %swap3A_753 {strides = array<i32>} : memref<2048xf32, #tpu.memory_space<vmem>>, vector<16xf32>,
    %broadcast_in_dim3A_754 = arith.constant 1.000000e+00 : f32
    %broadcast_in_dim3A_755 = vector.broadcast %broadcast_in_dim3A_754 : f32 to vector<16xf32>
    %swap3A_756 = arith.constant 2016 : index
    %swap3A_757 = tpu.vector_load %arg8[%swap3A_756] {strides = array<i32>} : memref<2048xf32, #tpu.memory_space<vmem>>, vector<16xf32>,
    %swap3A_758 = vector.shape_cast %swap3A_757 : vector<16xf32> to vector<16xf32>
    %swap3A_759 = vector.shape_cast %broadcast_in_dim3A_755 : vector<16xf32> to vector<16xf32>
    tpu.vector_store %arg8[%swap3A_756], %swap3A_759 {strides = array<i32>} : memref<2048xf32, #tpu.memory_space<vmem>>, vector<16xf32>,
    %broadcast_in_dim3A_760 = arith.constant 1.000000e+00 : f32
    %broadcast_in_dim3A_761 = vector.broadcast %broadcast_in_dim3A_760 : f32 to vector<16xf32>
    %swap3A_762 = arith.constant 2032 : index
    %swap3A_763 = tpu.vector_load %arg8[%swap3A_762] {strides = array<i32>} : memref<2048xf32, #tpu.memory_space<vmem>>, vector<16xf32>,
    %swap3A_764 = vector.shape_cast %swap3A_763 : vector<16xf32> to vector<16xf32>
    %swap3A_765 = vector.shape_cast %broadcast_in_dim3A_761 : vector<16xf32> to vector<16xf32>
    tpu.vector_store %arg8[%swap3A_762], %swap3A_765 {strides = array<i32>} : memref<2048xf32, #tpu.memory_space<vmem>>, vector<16xf32>,
    %mul3A = arith.constant 6272 : i32
    %mul3A_766 = arith.muli %arg1, %mul3A : i32
    "tpu.region"() ({
      %run_scoped3A = tpu.sem_alloc : memref<!tpu.dma_semaphore, #tpu.memory_space<semaphore_mem>>
      %dma_start3A_870 = tpu.memref_slice %arg9[%mul3A_766] : memref<100352xf32, #tpu.memory_space<vmem_shared>> -> memref<6272xf32, #tpu.memory_space<vmem_shared>>
      %dma_start3A_871 = tpu.memref_slice %arg3[%mul3A_766] : memref<100352xf32, #tpu.memory_space<hbm>> -> memref<6272xf32, #tpu.memory_space<hbm>>
      tpu.enqueue_dma source(%dma_start3A_871 : memref<6272xf32, #tpu.memory_space<hbm>>) target(%dma_start3A_870 : memref<6272xf32, #tpu.memory_space<vmem_shared>>) target_semaphore(%run_scoped3A : memref<!tpu.dma_semaphore, #tpu.memory_space<semaphore_mem>>)
      %dma_wait3A = tpu.memref_slice %arg9[%mul3A_766] : memref<100352xf32, #tpu.memory_space<vmem_shared>> -> memref<6272xf32, #tpu.memory_space<vmem_shared>>
      %dma_wait3A_872 = tpu.memref_slice %arg3[%mul3A_766] : memref<100352xf32, #tpu.memory_space<hbm>> -> memref<6272xf32, #tpu.memory_space<hbm>>
      tpu.wait_dma2 semaphore(%run_scoped3A : memref<!tpu.dma_semaphore, #tpu.memory_space<semaphore_mem>>) src(%dma_wait3A_872 : memref<6272xf32, #tpu.memory_space<hbm>>) dst(%dma_wait3A : memref<6272xf32, #tpu.memory_space<vmem_shared>>)
      tpu.yield
    }) : () -> ()
    %barrier3A = arith.constant 0 : index
    tpu.barrier barrier_id(%barrier3A)
    %eq3A = arith.constant 0 : i32
    %eq3A_767 = arith.cmpi eq, %arg0, %eq3A : i32
    %jit3A = arith.constant 1563 : i32
    %jit3A_768 = arith.constant 1562 : i32
    %select_n3A = arith.select %eq3A_767, %jit3A, %jit3A_768 : i32
    %mul3A_769 = arith.constant 1563 : i32
    %mul3A_770 = arith.muli %arg0, %mul3A_769 : i32
    %jit3A_771 = arith.constant 16 : i32
    %div3A = arith.divsi %select_n3A, %jit3A_771 : i32
    %sign3A = arith.constant 0 : i32
    %sign3A_772 = arith.cmpi sgt, %select_n3A, %sign3A : i32
    %sign3A_773 = arith.extui %sign3A_772 : i1 to i32
    %sign3A_774 = arith.constant 0 : i32
    %sign3A_775 = arith.cmpi slt, %select_n3A, %sign3A_774 : i32
    %sign3A_776 = arith.extui %sign3A_775 : i1 to i32
    %sign3A_777 = arith.subi %sign3A_773, %sign3A_776 : i32
    %sign3A_778 = arith.constant 0 : i32
    %sign3A_779 = arith.cmpi sgt, %jit3A_771, %sign3A_778 : i32
    %sign3A_780 = arith.extui %sign3A_779 : i1 to i32
    %sign3A_781 = arith.constant 0 : i32
    %sign3A_782 = arith.cmpi slt, %jit3A_771, %sign3A_781 : i32
    %sign3A_783 = arith.extui %sign3A_782 : i1 to i32
    %sign3A_784 = arith.subi %sign3A_780, %sign3A_783 : i32
    %ne3A = arith.cmpi ne, %sign3A_777, %sign3A_784 : i32
    %rem3A = arith.remsi %select_n3A, %jit3A_771 : i32
    %ne3A_785 = arith.constant 0 : i32
    %ne3A_786 = arith.cmpi ne, %rem3A, %ne3A_785 : i32
    %and3A = arith.andi %ne3A, %ne3A_786 : i1
    %sub3A = arith.constant 1 : i32
    %sub3A_787 = arith.subi %div3A, %sub3A : i32
    %select_n3A_788 = arith.select %and3A, %sub3A_787, %div3A : i32
    %mul3A_789 = arith.constant 16 : i32
    %mul3A_790 = arith.muli %select_n3A_788, %mul3A_789 : i32
    %sub3A_791 = arith.subi %select_n3A, %mul3A_790 : i32
    %mul3A_792 = arith.muli %arg1, %select_n3A_788 : i32
    %add3A = arith.addi %mul3A_770, %mul3A_792 : i32
    %min3A = arith.minsi %arg1, %sub3A_791 : i32
    %add3A_793 = arith.addi %add3A, %min3A : i32
    %lt3A = arith.cmpi slt, %arg1, %sub3A_791 : i32
    %add3A_794 = arith.constant 1 : i32
    %add3A_795 = arith.addi %select_n3A_788, %add3A_794 : i32
    %select_n3A_796 = arith.select %lt3A, %add3A_795, %select_n3A_788 : i32
    %add3A_797 = arith.constant 0 : i32
    %add3A_798 = arith.addi %add3A_793, %add3A_797 : i32
    %mul3A_799 = arith.constant 2048 : i32
    %mul3A_800 = arith.muli %add3A_798, %mul3A_799 : i32
    %dma_start3A = arith.constant 1 : i32
    %dma_start3A_801 = tpu.memref_slice %arg2[%dma_start3A, %mul3A_800] : memref<2x6400000xi32, #tpu.memory_space<hbm>> -> memref<1x2048xi32, #tpu.memory_space<hbm>>
    %dma_start3A_802 = tpu.memref_squeeze %dma_start3A_801 : memref<1x2048xi32, #tpu.memory_space<hbm>> -> memref<2048xi32, #tpu.memory_space<hbm>>
    %dma_start3A_803 = tpu.memref_slice %arg2[%dma_start3A, %mul3A_800] : memref<2x6400000xi32, #tpu.memory_space<hbm>> -> memref<1x2048xi32, #tpu.memory_space<hbm>>
    %dma_start3A_804 = tpu.memref_squeeze %dma_start3A_803 : memref<1x2048xi32, #tpu.memory_space<hbm>> -> memref<2048xi32, #tpu.memory_space<hbm>>
    tpu.enqueue_dma source(%dma_start3A_804 : memref<2048xi32, #tpu.memory_space<hbm>>) target(%arg5 : memref<2048xi32, #tpu.memory_space<vmem>>) target_semaphore(%arg10 : memref<!tpu.dma_semaphore, #tpu.memory_space<semaphore_mem>>)
    %add3A_805 = arith.constant 2 : i32
    %add3A_806 = arith.addi %select_n3A_796, %add3A_805 : i32
    %jit3A_807 = arith.constant 3 : i32
    %div3A_808 = arith.divsi %add3A_806, %jit3A_807 : i32
    %sign3A_809 = arith.constant 0 : i32
    %sign3A_810 = arith.cmpi sgt, %add3A_806, %sign3A_809 : i32
    %sign3A_811 = arith.extui %sign3A_810 : i1 to i32
    %sign3A_812 = arith.constant 0 : i32
    %sign3A_813 = arith.cmpi slt, %add3A_806, %sign3A_812 : i32
    %sign3A_814 = arith.extui %sign3A_813 : i1 to i32
    %sign3A_815 = arith.subi %sign3A_811, %sign3A_814 : i32
    %sign3A_816 = arith.constant 0 : i32
    %sign3A_817 = arith.cmpi sgt, %jit3A_807, %sign3A_816 : i32
    %sign3A_818 = arith.extui %sign3A_817 : i1 to i32
    %sign3A_819 = arith.constant 0 : i32
    %sign3A_820 = arith.cmpi slt, %jit3A_807, %sign3A_819 : i32
    %sign3A_821 = arith.extui %sign3A_820 : i1 to i32
    %sign3A_822 = arith.subi %sign3A_818, %sign3A_821 : i32
    %ne3A_823 = arith.cmpi ne, %sign3A_815, %sign3A_822 : i32
    %rem3A_824 = arith.remsi %add3A_806, %jit3A_807 : i32
    %ne3A_825 = arith.constant 0 : i32
    %ne3A_826 = arith.cmpi ne, %rem3A_824, %ne3A_825 : i32
    %and3A_827 = arith.andi %ne3A_823, %ne3A_826 : i1
    %sub3A_828 = arith.constant 1 : i32
    %sub3A_829 = arith.subi %div3A_808, %sub3A_828 : i32
    %select_n3A_830 = arith.select %and3A_827, %sub3A_829, %div3A_808 : i32
    %while3A = arith.constant 0 : i32
    %while3A_831 = arith.constant 0 : i32
    %while3A_832 = arith.subi %select_n3A_830, %while3A_831 : i32
    %while3A_833 = arith.addi %while3A_831, %while3A_832 : i32
    %while3A_834 = arith.constant 1 : i32
    %while3A_835 = arith.divsi %while3A_832, %while3A_834 : i32
    %while3A_836 = arith.muli %while3A_835, %while3A_834 : i32
    %while3A_837 = arith.addi %while3A_831, %while3A_836 : i32
    %while3A_838 = arith.constant 1 : i32
    scf.for %while3A_870 = %while3A_831 to %while3A_837 step %while3A_838  : i32 {
      %mul3A_871 = arith.constant 3 : i32
      %mul3A_872 = arith.muli %while3A_870, %mul3A_871 : i32
      %add3A_873 = arith.constant 0 : i32
      %add3A_874 = arith.addi %mul3A_872, %add3A_873 : i32
      %lt3A_875 = arith.cmpi slt, %add3A_874, %select_n3A_796 : i32
      %convert_element_type3A_876 = arith.extui %lt3A_875 : i1 to i32
      %cond3A_877 = arith.constant 0 : i32
      %cond3A_878 = arith.cmpi ne, %convert_element_type3A_876, %cond3A_877 : i32
      scf.if %cond3A_878 {
        %ge3A = arith.constant 2 : i32
        %ge3A_895 = arith.cmpi sge, %add3A_874, %ge3A : i32
        %convert_element_type3A_896 = arith.extui %ge3A_895 : i1 to i32
        %cond3A_897 = arith.constant 0 : i32
        %cond3A_898 = arith.cmpi ne, %convert_element_type3A_896, %cond3A_897 : i32
        scf.if %cond3A_898 {
          %dma_wait3A_913 = arith.constant 0 : i32
          %dma_wait3A_914 = tpu.memref_slice %arg9[%dma_wait3A_913] : memref<100352xf32, #tpu.memory_space<vmem_shared>> -> memref<100352xf32, #tpu.memory_space<vmem_shared>>
          tpu.wait_indirect_dma semaphore(%arg14 : memref<!tpu.dma_semaphore, #tpu.memory_space<semaphore_mem>>) src(%arg8 : memref<2048xf32, #tpu.memory_space<vmem>>) dst(%dma_wait3A_914 : memref<100352xf32, #tpu.memory_space<vmem_shared>>)
        } else {
        }
        %add3A_899 = arith.constant 1 : i32
        %add3A_900 = arith.addi %add3A_874, %add3A_899 : i32
        %lt3A_901 = arith.cmpi slt, %add3A_900, %select_n3A_796 : i32
        %convert_element_type3A_902 = arith.extui %lt3A_901 : i1 to i32
        %cond3A_903 = arith.constant 0 : i32
        %cond3A_904 = arith.cmpi ne, %convert_element_type3A_902, %cond3A_903 : i32
        scf.if %cond3A_904 {
          %add3A_913 = arith.constant 1 : i32
          %add3A_914 = arith.addi %add3A_874, %add3A_913 : i32
          %add3A_915 = arith.addi %add3A_793, %add3A_914 : i32
          %mul3A_916 = arith.constant 2048 : i32
          %mul3A_917 = arith.muli %add3A_915, %mul3A_916 : i32
          %dma_start3A_918 = arith.constant 1 : i32
          %dma_start3A_919 = tpu.memref_slice %arg2[%dma_start3A_918, %mul3A_917] : memref<2x6400000xi32, #tpu.memory_space<hbm>> -> memref<1x2048xi32, #tpu.memory_space<hbm>>
          %dma_start3A_920 = tpu.memref_squeeze %dma_start3A_919 : memref<1x2048xi32, #tpu.memory_space<hbm>> -> memref<2048xi32, #tpu.memory_space<hbm>>
          %dma_start3A_921 = tpu.memref_slice %arg2[%dma_start3A_918, %mul3A_917] : memref<2x6400000xi32, #tpu.memory_space<hbm>> -> memref<1x2048xi32, #tpu.memory_space<hbm>>
          %dma_start3A_922 = tpu.memref_squeeze %dma_start3A_921 : memref<1x2048xi32, #tpu.memory_space<hbm>> -> memref<2048xi32, #tpu.memory_space<hbm>>
          tpu.enqueue_dma source(%dma_start3A_922 : memref<2048xi32, #tpu.memory_space<hbm>>) target(%arg6 : memref<2048xi32, #tpu.memory_space<vmem>>) target_semaphore(%arg11 : memref<!tpu.dma_semaphore, #tpu.memory_space<semaphore_mem>>)
        } else {
        }
        %dma_wait3A = arith.constant 1 : i32
        %dma_wait3A_905 = arith.constant 0 : i32
        %dma_wait3A_906 = tpu.memref_slice %arg2[%dma_wait3A, %dma_wait3A_905] : memref<2x6400000xi32, #tpu.memory_space<hbm>> -> memref<1x2048xi32, #tpu.memory_space<hbm>>
        %dma_wait3A_907 = tpu.memref_squeeze %dma_wait3A_906 : memref<1x2048xi32, #tpu.memory_space<hbm>> -> memref<2048xi32, #tpu.memory_space<hbm>>
        %dma_wait3A_908 = arith.constant 0 : i32
        %dma_wait3A_909 = tpu.memref_slice %arg2[%dma_wait3A, %dma_wait3A_908] : memref<2x6400000xi32, #tpu.memory_space<hbm>> -> memref<1x2048xi32, #tpu.memory_space<hbm>>
        %dma_wait3A_910 = tpu.memref_squeeze %dma_wait3A_909 : memref<1x2048xi32, #tpu.memory_space<hbm>> -> memref<2048xi32, #tpu.memory_space<hbm>>
        tpu.wait_dma2 semaphore(%arg10 : memref<!tpu.dma_semaphore, #tpu.memory_space<semaphore_mem>>) src(%dma_wait3A_910 : memref<2048xi32, #tpu.memory_space<hbm>>) dst(%arg5 : memref<2048xi32, #tpu.memory_space<vmem>>)
        %dma_start3A_911 = arith.constant 0 : i32
        %dma_start3A_912 = tpu.memref_slice %arg9[%dma_start3A_911] : memref<100352xf32, #tpu.memory_space<vmem_shared>> -> memref<100352xf32, #tpu.memory_space<vmem_shared>>
        tpu.enqueue_indirect_dma source(%arg8 : memref<2048xf32, #tpu.memory_space<vmem>>) target(%dma_start3A_912 : memref<100352xf32, #tpu.memory_space<vmem_shared>>) offsets(%arg5 : memref<2048xi32, #tpu.memory_space<vmem>>) semaphore(%arg13 : memref<!tpu.dma_semaphore, #tpu.memory_space<semaphore_mem>>) {add = true}
      } else {
      }
      %mul3A_879 = arith.constant 3 : i32
      %mul3A_880 = arith.muli %while3A_870, %mul3A_879 : i32
      %add3A_881 = arith.constant 1 : i32
      %add3A_882 = arith.addi %mul3A_880, %add3A_881 : i32
      %lt3A_883 = arith.cmpi slt, %add3A_882, %select_n3A_796 : i32
      %convert_element_type3A_884 = arith.extui %lt3A_883 : i1 to i32
      %cond3A_885 = arith.constant 0 : i32
      %cond3A_886 = arith.cmpi ne, %convert_element_type3A_884, %cond3A_885 : i32
      scf.if %cond3A_886 {
        %ge3A = arith.constant 2 : i32
        %ge3A_895 = arith.cmpi sge, %add3A_882, %ge3A : i32
        %convert_element_type3A_896 = arith.extui %ge3A_895 : i1 to i32
        %cond3A_897 = arith.constant 0 : i32
        %cond3A_898 = arith.cmpi ne, %convert_element_type3A_896, %cond3A_897 : i32
        scf.if %cond3A_898 {
          %dma_wait3A_913 = arith.constant 0 : i32
          %dma_wait3A_914 = tpu.memref_slice %arg9[%dma_wait3A_913] : memref<100352xf32, #tpu.memory_space<vmem_shared>> -> memref<100352xf32, #tpu.memory_space<vmem_shared>>
          tpu.wait_indirect_dma semaphore(%arg15 : memref<!tpu.dma_semaphore, #tpu.memory_space<semaphore_mem>>) src(%arg8 : memref<2048xf32, #tpu.memory_space<vmem>>) dst(%dma_wait3A_914 : memref<100352xf32, #tpu.memory_space<vmem_shared>>)
        } else {
        }
        %add3A_899 = arith.constant 1 : i32
        %add3A_900 = arith.addi %add3A_882, %add3A_899 : i32
        %lt3A_901 = arith.cmpi slt, %add3A_900, %select_n3A_796 : i32
        %convert_element_type3A_902 = arith.extui %lt3A_901 : i1 to i32
        %cond3A_903 = arith.constant 0 : i32
        %cond3A_904 = arith.cmpi ne, %convert_element_type3A_902, %cond3A_903 : i32
        scf.if %cond3A_904 {
          %add3A_913 = arith.constant 1 : i32
          %add3A_914 = arith.addi %add3A_882, %add3A_913 : i32
          %add3A_915 = arith.addi %add3A_793, %add3A_914 : i32
          %mul3A_916 = arith.constant 2048 : i32
          %mul3A_917 = arith.muli %add3A_915, %mul3A_916 : i32
          %dma_start3A_918 = arith.constant 1 : i32
          %dma_start3A_919 = tpu.memref_slice %arg2[%dma_start3A_918, %mul3A_917] : memref<2x6400000xi32, #tpu.memory_space<hbm>> -> memref<1x2048xi32, #tpu.memory_space<hbm>>
          %dma_start3A_920 = tpu.memref_squeeze %dma_start3A_919 : memref<1x2048xi32, #tpu.memory_space<hbm>> -> memref<2048xi32, #tpu.memory_space<hbm>>
          %dma_start3A_921 = tpu.memref_slice %arg2[%dma_start3A_918, %mul3A_917] : memref<2x6400000xi32, #tpu.memory_space<hbm>> -> memref<1x2048xi32, #tpu.memory_space<hbm>>
          %dma_start3A_922 = tpu.memref_squeeze %dma_start3A_921 : memref<1x2048xi32, #tpu.memory_space<hbm>> -> memref<2048xi32, #tpu.memory_space<hbm>>
          tpu.enqueue_dma source(%dma_start3A_922 : memref<2048xi32, #tpu.memory_space<hbm>>) target(%arg7 : memref<2048xi32, #tpu.memory_space<vmem>>) target_semaphore(%arg12 : memref<!tpu.dma_semaphore, #tpu.memory_space<semaphore_mem>>)
        } else {
        }
        %dma_wait3A = arith.constant 1 : i32
        %dma_wait3A_905 = arith.constant 0 : i32
        %dma_wait3A_906 = tpu.memref_slice %arg2[%dma_wait3A, %dma_wait3A_905] : memref<2x6400000xi32, #tpu.memory_space<hbm>> -> memref<1x2048xi32, #tpu.memory_space<hbm>>
        %dma_wait3A_907 = tpu.memref_squeeze %dma_wait3A_906 : memref<1x2048xi32, #tpu.memory_space<hbm>> -> memref<2048xi32, #tpu.memory_space<hbm>>
        %dma_wait3A_908 = arith.constant 0 : i32
        %dma_wait3A_909 = tpu.memref_slice %arg2[%dma_wait3A, %dma_wait3A_908] : memref<2x6400000xi32, #tpu.memory_space<hbm>> -> memref<1x2048xi32, #tpu.memory_space<hbm>>
        %dma_wait3A_910 = tpu.memref_squeeze %dma_wait3A_909 : memref<1x2048xi32, #tpu.memory_space<hbm>> -> memref<2048xi32, #tpu.memory_space<hbm>>
        tpu.wait_dma2 semaphore(%arg11 : memref<!tpu.dma_semaphore, #tpu.memory_space<semaphore_mem>>) src(%dma_wait3A_910 : memref<2048xi32, #tpu.memory_space<hbm>>) dst(%arg6 : memref<2048xi32, #tpu.memory_space<vmem>>)
        %dma_start3A_911 = arith.constant 0 : i32
        %dma_start3A_912 = tpu.memref_slice %arg9[%dma_start3A_911] : memref<100352xf32, #tpu.memory_space<vmem_shared>> -> memref<100352xf32, #tpu.memory_space<vmem_shared>>
        tpu.enqueue_indirect_dma source(%arg8 : memref<2048xf32, #tpu.memory_space<vmem>>) target(%dma_start3A_912 : memref<100352xf32, #tpu.memory_space<vmem_shared>>) offsets(%arg6 : memref<2048xi32, #tpu.memory_space<vmem>>) semaphore(%arg14 : memref<!tpu.dma_semaphore, #tpu.memory_space<semaphore_mem>>) {add = true}
      } else {
      }
      %mul3A_887 = arith.constant 3 : i32
      %mul3A_888 = arith.muli %while3A_870, %mul3A_887 : i32
      %add3A_889 = arith.constant 2 : i32
      %add3A_890 = arith.addi %mul3A_888, %add3A_889 : i32
      %lt3A_891 = arith.cmpi slt, %add3A_890, %select_n3A_796 : i32
      %convert_element_type3A_892 = arith.extui %lt3A_891 : i1 to i32
      %cond3A_893 = arith.constant 0 : i32
      %cond3A_894 = arith.cmpi ne, %convert_element_type3A_892, %cond3A_893 : i32
      scf.if %cond3A_894 {
        %ge3A = arith.constant 2 : i32
        %ge3A_895 = arith.cmpi sge, %add3A_890, %ge3A : i32
        %convert_element_type3A_896 = arith.extui %ge3A_895 : i1 to i32
        %cond3A_897 = arith.constant 0 : i32
        %cond3A_898 = arith.cmpi ne, %convert_element_type3A_896, %cond3A_897 : i32
        scf.if %cond3A_898 {
          %dma_wait3A_913 = arith.constant 0 : i32
          %dma_wait3A_914 = tpu.memref_slice %arg9[%dma_wait3A_913] : memref<100352xf32, #tpu.memory_space<vmem_shared>> -> memref<100352xf32, #tpu.memory_space<vmem_shared>>
          tpu.wait_indirect_dma semaphore(%arg13 : memref<!tpu.dma_semaphore, #tpu.memory_space<semaphore_mem>>) src(%arg8 : memref<2048xf32, #tpu.memory_space<vmem>>) dst(%dma_wait3A_914 : memref<100352xf32, #tpu.memory_space<vmem_shared>>)
        } else {
        }
        %add3A_899 = arith.constant 1 : i32
        %add3A_900 = arith.addi %add3A_890, %add3A_899 : i32
        %lt3A_901 = arith.cmpi slt, %add3A_900, %select_n3A_796 : i32
        %convert_element_type3A_902 = arith.extui %lt3A_901 : i1 to i32
        %cond3A_903 = arith.constant 0 : i32
        %cond3A_904 = arith.cmpi ne, %convert_element_type3A_902, %cond3A_903 : i32
        scf.if %cond3A_904 {
          %add3A_913 = arith.constant 1 : i32
          %add3A_914 = arith.addi %add3A_890, %add3A_913 : i32
          %add3A_915 = arith.addi %add3A_793, %add3A_914 : i32
          %mul3A_916 = arith.constant 2048 : i32
          %mul3A_917 = arith.muli %add3A_915, %mul3A_916 : i32
          %dma_start3A_918 = arith.constant 1 : i32
          %dma_start3A_919 = tpu.memref_slice %arg2[%dma_start3A_918, %mul3A_917] : memref<2x6400000xi32, #tpu.memory_space<hbm>> -> memref<1x2048xi32, #tpu.memory_space<hbm>>
          %dma_start3A_920 = tpu.memref_squeeze %dma_start3A_919 : memref<1x2048xi32, #tpu.memory_space<hbm>> -> memref<2048xi32, #tpu.memory_space<hbm>>
          %dma_start3A_921 = tpu.memref_slice %arg2[%dma_start3A_918, %mul3A_917] : memref<2x6400000xi32, #tpu.memory_space<hbm>> -> memref<1x2048xi32, #tpu.memory_space<hbm>>
          %dma_start3A_922 = tpu.memref_squeeze %dma_start3A_921 : memref<1x2048xi32, #tpu.memory_space<hbm>> -> memref<2048xi32, #tpu.memory_space<hbm>>
          tpu.enqueue_dma source(%dma_start3A_922 : memref<2048xi32, #tpu.memory_space<hbm>>) target(%arg5 : memref<2048xi32, #tpu.memory_space<vmem>>) target_semaphore(%arg10 : memref<!tpu.dma_semaphore, #tpu.memory_space<semaphore_mem>>)
        } else {
        }
        %dma_wait3A = arith.constant 1 : i32
        %dma_wait3A_905 = arith.constant 0 : i32
        %dma_wait3A_906 = tpu.memref_slice %arg2[%dma_wait3A, %dma_wait3A_905] : memref<2x6400000xi32, #tpu.memory_space<hbm>> -> memref<1x2048xi32, #tpu.memory_space<hbm>>
        %dma_wait3A_907 = tpu.memref_squeeze %dma_wait3A_906 : memref<1x2048xi32, #tpu.memory_space<hbm>> -> memref<2048xi32, #tpu.memory_space<hbm>>
        %dma_wait3A_908 = arith.constant 0 : i32
        %dma_wait3A_909 = tpu.memref_slice %arg2[%dma_wait3A, %dma_wait3A_908] : memref<2x6400000xi32, #tpu.memory_space<hbm>> -> memref<1x2048xi32, #tpu.memory_space<hbm>>
        %dma_wait3A_910 = tpu.memref_squeeze %dma_wait3A_909 : memref<1x2048xi32, #tpu.memory_space<hbm>> -> memref<2048xi32, #tpu.memory_space<hbm>>
        tpu.wait_dma2 semaphore(%arg12 : memref<!tpu.dma_semaphore, #tpu.memory_space<semaphore_mem>>) src(%dma_wait3A_910 : memref<2048xi32, #tpu.memory_space<hbm>>) dst(%arg7 : memref<2048xi32, #tpu.memory_space<vmem>>)
        %dma_start3A_911 = arith.constant 0 : i32
        %dma_start3A_912 = tpu.memref_slice %arg9[%dma_start3A_911] : memref<100352xf32, #tpu.memory_space<vmem_shared>> -> memref<100352xf32, #tpu.memory_space<vmem_shared>>
        tpu.enqueue_indirect_dma source(%arg8 : memref<2048xf32, #tpu.memory_space<vmem>>) target(%dma_start3A_912 : memref<100352xf32, #tpu.memory_space<vmem_shared>>) offsets(%arg7 : memref<2048xi32, #tpu.memory_space<vmem>>) semaphore(%arg15 : memref<!tpu.dma_semaphore, #tpu.memory_space<semaphore_mem>>) {add = true}
      } else {
      }
    }
    %while3A_839 = arith.constant 1 : i32
    scf.for %while3A_870 = %while3A_837 to %while3A_833 step %while3A_839  : i32 {
      %mul3A_871 = arith.constant 3 : i32
      %mul3A_872 = arith.muli %while3A_870, %mul3A_871 : i32
      %add3A_873 = arith.constant 0 : i32
      %add3A_874 = arith.addi %mul3A_872, %add3A_873 : i32
      %lt3A_875 = arith.cmpi slt, %add3A_874, %select_n3A_796 : i32
      %convert_element_type3A_876 = arith.extui %lt3A_875 : i1 to i32
      %cond3A_877 = arith.constant 0 : i32
      %cond3A_878 = arith.cmpi ne, %convert_element_type3A_876, %cond3A_877 : i32
      scf.if %cond3A_878 {
        %ge3A = arith.constant 2 : i32
        %ge3A_895 = arith.cmpi sge, %add3A_874, %ge3A : i32
        %convert_element_type3A_896 = arith.extui %ge3A_895 : i1 to i32
        %cond3A_897 = arith.constant 0 : i32
        %cond3A_898 = arith.cmpi ne, %convert_element_type3A_896, %cond3A_897 : i32
        scf.if %cond3A_898 {
          %dma_wait3A_913 = arith.constant 0 : i32
          %dma_wait3A_914 = tpu.memref_slice %arg9[%dma_wait3A_913] : memref<100352xf32, #tpu.memory_space<vmem_shared>> -> memref<100352xf32, #tpu.memory_space<vmem_shared>>
          tpu.wait_indirect_dma semaphore(%arg14 : memref<!tpu.dma_semaphore, #tpu.memory_space<semaphore_mem>>) src(%arg8 : memref<2048xf32, #tpu.memory_space<vmem>>) dst(%dma_wait3A_914 : memref<100352xf32, #tpu.memory_space<vmem_shared>>)
        } else {
        }
        %add3A_899 = arith.constant 1 : i32
        %add3A_900 = arith.addi %add3A_874, %add3A_899 : i32
        %lt3A_901 = arith.cmpi slt, %add3A_900, %select_n3A_796 : i32
        %convert_element_type3A_902 = arith.extui %lt3A_901 : i1 to i32
        %cond3A_903 = arith.constant 0 : i32
        %cond3A_904 = arith.cmpi ne, %convert_element_type3A_902, %cond3A_903 : i32
        scf.if %cond3A_904 {
          %add3A_913 = arith.constant 1 : i32
          %add3A_914 = arith.addi %add3A_874, %add3A_913 : i32
          %add3A_915 = arith.addi %add3A_793, %add3A_914 : i32
          %mul3A_916 = arith.constant 2048 : i32
          %mul3A_917 = arith.muli %add3A_915, %mul3A_916 : i32
          %dma_start3A_918 = arith.constant 1 : i32
          %dma_start3A_919 = tpu.memref_slice %arg2[%dma_start3A_918, %mul3A_917] : memref<2x6400000xi32, #tpu.memory_space<hbm>> -> memref<1x2048xi32, #tpu.memory_space<hbm>>
          %dma_start3A_920 = tpu.memref_squeeze %dma_start3A_919 : memref<1x2048xi32, #tpu.memory_space<hbm>> -> memref<2048xi32, #tpu.memory_space<hbm>>
          %dma_start3A_921 = tpu.memref_slice %arg2[%dma_start3A_918, %mul3A_917] : memref<2x6400000xi32, #tpu.memory_space<hbm>> -> memref<1x2048xi32, #tpu.memory_space<hbm>>
          %dma_start3A_922 = tpu.memref_squeeze %dma_start3A_921 : memref<1x2048xi32, #tpu.memory_space<hbm>> -> memref<2048xi32, #tpu.memory_space<hbm>>
          tpu.enqueue_dma source(%dma_start3A_922 : memref<2048xi32, #tpu.memory_space<hbm>>) target(%arg6 : memref<2048xi32, #tpu.memory_space<vmem>>) target_semaphore(%arg11 : memref<!tpu.dma_semaphore, #tpu.memory_space<semaphore_mem>>)
        } else {
        }
        %dma_wait3A = arith.constant 1 : i32
        %dma_wait3A_905 = arith.constant 0 : i32
        %dma_wait3A_906 = tpu.memref_slice %arg2[%dma_wait3A, %dma_wait3A_905] : memref<2x6400000xi32, #tpu.memory_space<hbm>> -> memref<1x2048xi32, #tpu.memory_space<hbm>>
        %dma_wait3A_907 = tpu.memref_squeeze %dma_wait3A_906 : memref<1x2048xi32, #tpu.memory_space<hbm>> -> memref<2048xi32, #tpu.memory_space<hbm>>
        %dma_wait3A_908 = arith.constant 0 : i32
        %dma_wait3A_909 = tpu.memref_slice %arg2[%dma_wait3A, %dma_wait3A_908] : memref<2x6400000xi32, #tpu.memory_space<hbm>> -> memref<1x2048xi32, #tpu.memory_space<hbm>>
        %dma_wait3A_910 = tpu.memref_squeeze %dma_wait3A_909 : memref<1x2048xi32, #tpu.memory_space<hbm>> -> memref<2048xi32, #tpu.memory_space<hbm>>
        tpu.wait_dma2 semaphore(%arg10 : memref<!tpu.dma_semaphore, #tpu.memory_space<semaphore_mem>>) src(%dma_wait3A_910 : memref<2048xi32, #tpu.memory_space<hbm>>) dst(%arg5 : memref<2048xi32, #tpu.memory_space<vmem>>)
        %dma_start3A_911 = arith.constant 0 : i32
        %dma_start3A_912 = tpu.memref_slice %arg9[%dma_start3A_911] : memref<100352xf32, #tpu.memory_space<vmem_shared>> -> memref<100352xf32, #tpu.memory_space<vmem_shared>>
        tpu.enqueue_indirect_dma source(%arg8 : memref<2048xf32, #tpu.memory_space<vmem>>) target(%dma_start3A_912 : memref<100352xf32, #tpu.memory_space<vmem_shared>>) offsets(%arg5 : memref<2048xi32, #tpu.memory_space<vmem>>) semaphore(%arg13 : memref<!tpu.dma_semaphore, #tpu.memory_space<semaphore_mem>>) {add = true}
      } else {
      }
      %mul3A_879 = arith.constant 3 : i32
      %mul3A_880 = arith.muli %while3A_870, %mul3A_879 : i32
      %add3A_881 = arith.constant 1 : i32
      %add3A_882 = arith.addi %mul3A_880, %add3A_881 : i32
      %lt3A_883 = arith.cmpi slt, %add3A_882, %select_n3A_796 : i32
      %convert_element_type3A_884 = arith.extui %lt3A_883 : i1 to i32
      %cond3A_885 = arith.constant 0 : i32
      %cond3A_886 = arith.cmpi ne, %convert_element_type3A_884, %cond3A_885 : i32
      scf.if %cond3A_886 {
        %ge3A = arith.constant 2 : i32
        %ge3A_895 = arith.cmpi sge, %add3A_882, %ge3A : i32
        %convert_element_type3A_896 = arith.extui %ge3A_895 : i1 to i32
        %cond3A_897 = arith.constant 0 : i32
        %cond3A_898 = arith.cmpi ne, %convert_element_type3A_896, %cond3A_897 : i32
        scf.if %cond3A_898 {
          %dma_wait3A_913 = arith.constant 0 : i32
          %dma_wait3A_914 = tpu.memref_slice %arg9[%dma_wait3A_913] : memref<100352xf32, #tpu.memory_space<vmem_shared>> -> memref<100352xf32, #tpu.memory_space<vmem_shared>>
          tpu.wait_indirect_dma semaphore(%arg15 : memref<!tpu.dma_semaphore, #tpu.memory_space<semaphore_mem>>) src(%arg8 : memref<2048xf32, #tpu.memory_space<vmem>>) dst(%dma_wait3A_914 : memref<100352xf32, #tpu.memory_space<vmem_shared>>)
        } else {
        }
        %add3A_899 = arith.constant 1 : i32
        %add3A_900 = arith.addi %add3A_882, %add3A_899 : i32
        %lt3A_901 = arith.cmpi slt, %add3A_900, %select_n3A_796 : i32
        %convert_element_type3A_902 = arith.extui %lt3A_901 : i1 to i32
        %cond3A_903 = arith.constant 0 : i32
        %cond3A_904 = arith.cmpi ne, %convert_element_type3A_902, %cond3A_903 : i32
        scf.if %cond3A_904 {
          %add3A_913 = arith.constant 1 : i32
          %add3A_914 = arith.addi %add3A_882, %add3A_913 : i32
          %add3A_915 = arith.addi %add3A_793, %add3A_914 : i32
          %mul3A_916 = arith.constant 2048 : i32
          %mul3A_917 = arith.muli %add3A_915, %mul3A_916 : i32
          %dma_start3A_918 = arith.constant 1 : i32
          %dma_start3A_919 = tpu.memref_slice %arg2[%dma_start3A_918, %mul3A_917] : memref<2x6400000xi32, #tpu.memory_space<hbm>> -> memref<1x2048xi32, #tpu.memory_space<hbm>>
          %dma_start3A_920 = tpu.memref_squeeze %dma_start3A_919 : memref<1x2048xi32, #tpu.memory_space<hbm>> -> memref<2048xi32, #tpu.memory_space<hbm>>
          %dma_start3A_921 = tpu.memref_slice %arg2[%dma_start3A_918, %mul3A_917] : memref<2x6400000xi32, #tpu.memory_space<hbm>> -> memref<1x2048xi32, #tpu.memory_space<hbm>>
          %dma_start3A_922 = tpu.memref_squeeze %dma_start3A_921 : memref<1x2048xi32, #tpu.memory_space<hbm>> -> memref<2048xi32, #tpu.memory_space<hbm>>
          tpu.enqueue_dma source(%dma_start3A_922 : memref<2048xi32, #tpu.memory_space<hbm>>) target(%arg7 : memref<2048xi32, #tpu.memory_space<vmem>>) target_semaphore(%arg12 : memref<!tpu.dma_semaphore, #tpu.memory_space<semaphore_mem>>)
        } else {
        }
        %dma_wait3A = arith.constant 1 : i32
        %dma_wait3A_905 = arith.constant 0 : i32
        %dma_wait3A_906 = tpu.memref_slice %arg2[%dma_wait3A, %dma_wait3A_905] : memref<2x6400000xi32, #tpu.memory_space<hbm>> -> memref<1x2048xi32, #tpu.memory_space<hbm>>
        %dma_wait3A_907 = tpu.memref_squeeze %dma_wait3A_906 : memref<1x2048xi32, #tpu.memory_space<hbm>> -> memref<2048xi32, #tpu.memory_space<hbm>>
        %dma_wait3A_908 = arith.constant 0 : i32
        %dma_wait3A_909 = tpu.memref_slice %arg2[%dma_wait3A, %dma_wait3A_908] : memref<2x6400000xi32, #tpu.memory_space<hbm>> -> memref<1x2048xi32, #tpu.memory_space<hbm>>
        %dma_wait3A_910 = tpu.memref_squeeze %dma_wait3A_909 : memref<1x2048xi32, #tpu.memory_space<hbm>> -> memref<2048xi32, #tpu.memory_space<hbm>>
        tpu.wait_dma2 semaphore(%arg11 : memref<!tpu.dma_semaphore, #tpu.memory_space<semaphore_mem>>) src(%dma_wait3A_910 : memref<2048xi32, #tpu.memory_space<hbm>>) dst(%arg6 : memref<2048xi32, #tpu.memory_space<vmem>>)
        %dma_start3A_911 = arith.constant 0 : i32
        %dma_start3A_912 = tpu.memref_slice %arg9[%dma_start3A_911] : memref<100352xf32, #tpu.memory_space<vmem_shared>> -> memref<100352xf32, #tpu.memory_space<vmem_shared>>
        tpu.enqueue_indirect_dma source(%arg8 : memref<2048xf32, #tpu.memory_space<vmem>>) target(%dma_start3A_912 : memref<100352xf32, #tpu.memory_space<vmem_shared>>) offsets(%arg6 : memref<2048xi32, #tpu.memory_space<vmem>>) semaphore(%arg14 : memref<!tpu.dma_semaphore, #tpu.memory_space<semaphore_mem>>) {add = true}
      } else {
      }
      %mul3A_887 = arith.constant 3 : i32
      %mul3A_888 = arith.muli %while3A_870, %mul3A_887 : i32
      %add3A_889 = arith.constant 2 : i32
      %add3A_890 = arith.addi %mul3A_888, %add3A_889 : i32
      %lt3A_891 = arith.cmpi slt, %add3A_890, %select_n3A_796 : i32
      %convert_element_type3A_892 = arith.extui %lt3A_891 : i1 to i32
      %cond3A_893 = arith.constant 0 : i32
      %cond3A_894 = arith.cmpi ne, %convert_element_type3A_892, %cond3A_893 : i32
      scf.if %cond3A_894 {
        %ge3A = arith.constant 2 : i32
        %ge3A_895 = arith.cmpi sge, %add3A_890, %ge3A : i32
        %convert_element_type3A_896 = arith.extui %ge3A_895 : i1 to i32
        %cond3A_897 = arith.constant 0 : i32
        %cond3A_898 = arith.cmpi ne, %convert_element_type3A_896, %cond3A_897 : i32
        scf.if %cond3A_898 {
          %dma_wait3A_913 = arith.constant 0 : i32
          %dma_wait3A_914 = tpu.memref_slice %arg9[%dma_wait3A_913] : memref<100352xf32, #tpu.memory_space<vmem_shared>> -> memref<100352xf32, #tpu.memory_space<vmem_shared>>
          tpu.wait_indirect_dma semaphore(%arg13 : memref<!tpu.dma_semaphore, #tpu.memory_space<semaphore_mem>>) src(%arg8 : memref<2048xf32, #tpu.memory_space<vmem>>) dst(%dma_wait3A_914 : memref<100352xf32, #tpu.memory_space<vmem_shared>>)
        } else {
        }
        %add3A_899 = arith.constant 1 : i32
        %add3A_900 = arith.addi %add3A_890, %add3A_899 : i32
        %lt3A_901 = arith.cmpi slt, %add3A_900, %select_n3A_796 : i32
        %convert_element_type3A_902 = arith.extui %lt3A_901 : i1 to i32
        %cond3A_903 = arith.constant 0 : i32
        %cond3A_904 = arith.cmpi ne, %convert_element_type3A_902, %cond3A_903 : i32
        scf.if %cond3A_904 {
          %add3A_913 = arith.constant 1 : i32
          %add3A_914 = arith.addi %add3A_890, %add3A_913 : i32
          %add3A_915 = arith.addi %add3A_793, %add3A_914 : i32
          %mul3A_916 = arith.constant 2048 : i32
          %mul3A_917 = arith.muli %add3A_915, %mul3A_916 : i32
          %dma_start3A_918 = arith.constant 1 : i32
          %dma_start3A_919 = tpu.memref_slice %arg2[%dma_start3A_918, %mul3A_917] : memref<2x6400000xi32, #tpu.memory_space<hbm>> -> memref<1x2048xi32, #tpu.memory_space<hbm>>
          %dma_start3A_920 = tpu.memref_squeeze %dma_start3A_919 : memref<1x2048xi32, #tpu.memory_space<hbm>> -> memref<2048xi32, #tpu.memory_space<hbm>>
          %dma_start3A_921 = tpu.memref_slice %arg2[%dma_start3A_918, %mul3A_917] : memref<2x6400000xi32, #tpu.memory_space<hbm>> -> memref<1x2048xi32, #tpu.memory_space<hbm>>
          %dma_start3A_922 = tpu.memref_squeeze %dma_start3A_921 : memref<1x2048xi32, #tpu.memory_space<hbm>> -> memref<2048xi32, #tpu.memory_space<hbm>>
          tpu.enqueue_dma source(%dma_start3A_922 : memref<2048xi32, #tpu.memory_space<hbm>>) target(%arg5 : memref<2048xi32, #tpu.memory_space<vmem>>) target_semaphore(%arg10 : memref<!tpu.dma_semaphore, #tpu.memory_space<semaphore_mem>>)
        } else {
        }
        %dma_wait3A = arith.constant 1 : i32
        %dma_wait3A_905 = arith.constant 0 : i32
        %dma_wait3A_906 = tpu.memref_slice %arg2[%dma_wait3A, %dma_wait3A_905] : memref<2x6400000xi32, #tpu.memory_space<hbm>> -> memref<1x2048xi32, #tpu.memory_space<hbm>>
        %dma_wait3A_907 = tpu.memref_squeeze %dma_wait3A_906 : memref<1x2048xi32, #tpu.memory_space<hbm>> -> memref<2048xi32, #tpu.memory_space<hbm>>
        %dma_wait3A_908 = arith.constant 0 : i32
        %dma_wait3A_909 = tpu.memref_slice %arg2[%dma_wait3A, %dma_wait3A_908] : memref<2x6400000xi32, #tpu.memory_space<hbm>> -> memref<1x2048xi32, #tpu.memory_space<hbm>>
        %dma_wait3A_910 = tpu.memref_squeeze %dma_wait3A_909 : memref<1x2048xi32, #tpu.memory_space<hbm>> -> memref<2048xi32, #tpu.memory_space<hbm>>
        tpu.wait_dma2 semaphore(%arg12 : memref<!tpu.dma_semaphore, #tpu.memory_space<semaphore_mem>>) src(%dma_wait3A_910 : memref<2048xi32, #tpu.memory_space<hbm>>) dst(%arg7 : memref<2048xi32, #tpu.memory_space<vmem>>)
        %dma_start3A_911 = arith.constant 0 : i32
        %dma_start3A_912 = tpu.memref_slice %arg9[%dma_start3A_911] : memref<100352xf32, #tpu.memory_space<vmem_shared>> -> memref<100352xf32, #tpu.memory_space<vmem_shared>>
        tpu.enqueue_indirect_dma source(%arg8 : memref<2048xf32, #tpu.memory_space<vmem>>) target(%dma_start3A_912 : memref<100352xf32, #tpu.memory_space<vmem_shared>>) offsets(%arg7 : memref<2048xi32, #tpu.memory_space<vmem>>) semaphore(%arg15 : memref<!tpu.dma_semaphore, #tpu.memory_space<semaphore_mem>>) {add = true}
      } else {
      }
    }
    %jit3A_840 = arith.constant 3 : i32
    %eq3A_841 = arith.constant 0 : i32
    %eq3A_842 = arith.cmpi eq, %jit3A_840, %eq3A_841 : i32
    %jit3A_843 = arith.constant 1 : i32
    %select_n3A_844 = arith.select %eq3A_842, %jit3A_843, %jit3A_840 : i32
    %rem3A_845 = arith.remsi %select_n3A_796, %select_n3A_844 : i32
    %ne3A_846 = arith.constant 0 : i32
    %ne3A_847 = arith.cmpi ne, %rem3A_845, %ne3A_846 : i32
    %lt3A_848 = arith.constant 0 : i32
    %lt3A_849 = arith.cmpi slt, %rem3A_845, %lt3A_848 : i32
    %lt3A_850 = arith.constant 0 : i32
    %lt3A_851 = arith.cmpi slt, %select_n3A_844, %lt3A_850 : i32
    %ne3A_852 = arith.xori %lt3A_849, %lt3A_851 : i1
    %and3A_853 = arith.andi %ne3A_852, %ne3A_847 : i1
    %add3A_854 = arith.addi %rem3A_845, %select_n3A_844 : i32
    %select_n3A_855 = arith.select %and3A_853, %add3A_854, %rem3A_845 : i32
    %ne3A_856 = arith.constant 0 : i32
    %ne3A_857 = arith.cmpi ne, %select_n3A_855, %ne3A_856 : i32
    %convert_element_type3A = arith.extui %ne3A_857 : i1 to i32
    %cond3A = arith.constant 0 : i32
    %cond3A_858 = arith.cmpi ne, %convert_element_type3A, %cond3A : i32
    scf.if %cond3A_858 {
      %dma_wait3A = arith.constant 0 : i32
      %dma_wait3A_870 = tpu.memref_slice %arg9[%dma_wait3A] : memref<100352xf32, #tpu.memory_space<vmem_shared>> -> memref<100352xf32, #tpu.memory_space<vmem_shared>>
      tpu.wait_indirect_dma semaphore(%arg13 : memref<!tpu.dma_semaphore, #tpu.memory_space<semaphore_mem>>) src(%arg8 : memref<2048xf32, #tpu.memory_space<vmem>>) dst(%dma_wait3A_870 : memref<100352xf32, #tpu.memory_space<vmem_shared>>)
    } else {
    }
    %ne3A_859 = arith.constant 1 : i32
    %ne3A_860 = arith.cmpi ne, %select_n3A_855, %ne3A_859 : i32
    %convert_element_type3A_861 = arith.extui %ne3A_860 : i1 to i32
    %cond3A_862 = arith.constant 0 : i32
    %cond3A_863 = arith.cmpi ne, %convert_element_type3A_861, %cond3A_862 : i32
    scf.if %cond3A_863 {
      %dma_wait3A = arith.constant 0 : i32
      %dma_wait3A_870 = tpu.memref_slice %arg9[%dma_wait3A] : memref<100352xf32, #tpu.memory_space<vmem_shared>> -> memref<100352xf32, #tpu.memory_space<vmem_shared>>
      tpu.wait_indirect_dma semaphore(%arg14 : memref<!tpu.dma_semaphore, #tpu.memory_space<semaphore_mem>>) src(%arg8 : memref<2048xf32, #tpu.memory_space<vmem>>) dst(%dma_wait3A_870 : memref<100352xf32, #tpu.memory_space<vmem_shared>>)
    } else {
    }
    %ne3A_864 = arith.constant 2 : i32
    %ne3A_865 = arith.cmpi ne, %select_n3A_855, %ne3A_864 : i32
    %convert_element_type3A_866 = arith.extui %ne3A_865 : i1 to i32
    %cond3A_867 = arith.constant 0 : i32
    %cond3A_868 = arith.cmpi ne, %convert_element_type3A_866, %cond3A_867 : i32
    scf.if %cond3A_868 {
      %dma_wait3A = arith.constant 0 : i32
      %dma_wait3A_870 = tpu.memref_slice %arg9[%dma_wait3A] : memref<100352xf32, #tpu.memory_space<vmem_shared>> -> memref<100352xf32, #tpu.memory_space<vmem_shared>>
      tpu.wait_indirect_dma semaphore(%arg15 : memref<!tpu.dma_semaphore, #tpu.memory_space<semaphore_mem>>) src(%arg8 : memref<2048xf32, #tpu.memory_space<vmem>>) dst(%dma_wait3A_870 : memref<100352xf32, #tpu.memory_space<vmem_shared>>)
    } else {
    }
    %barrier3A_869 = arith.constant 0 : index
    tpu.barrier barrier_id(%barrier3A_869)
    "tpu.region"() ({
      %run_scoped3A = tpu.sem_alloc : memref<!tpu.dma_semaphore, #tpu.memory_space<semaphore_mem>>
      %dma_start3A_870 = tpu.memref_slice %arg4[%arg0, %mul3A_766] : memref<2x100352xf32, #tpu.memory_space<hbm>> -> memref<1x6272xf32, #tpu.memory_space<hbm>>
      %dma_start3A_871 = tpu.memref_squeeze %dma_start3A_870 : memref<1x6272xf32, #tpu.memory_space<hbm>> -> memref<6272xf32, #tpu.memory_space<hbm>>
      %dma_start3A_872 = tpu.memref_slice %arg9[%mul3A_766] : memref<100352xf32, #tpu.memory_space<vmem_shared>> -> memref<6272xf32, #tpu.memory_space<vmem_shared>>
      tpu.enqueue_dma source(%dma_start3A_872 : memref<6272xf32, #tpu.memory_space<vmem_shared>>) target(%dma_start3A_871 : memref<6272xf32, #tpu.memory_space<hbm>>) target_semaphore(%run_scoped3A : memref<!tpu.dma_semaphore, #tpu.memory_space<semaphore_mem>>)
      %dma_wait3A = tpu.memref_slice %arg4[%arg0, %mul3A_766] : memref<2x100352xf32, #tpu.memory_space<hbm>> -> memref<1x6272xf32, #tpu.memory_space<hbm>>
      %dma_wait3A_873 = tpu.memref_squeeze %dma_wait3A : memref<1x6272xf32, #tpu.memory_space<hbm>> -> memref<6272xf32, #tpu.memory_space<hbm>>
      %dma_wait3A_874 = tpu.memref_slice %arg9[%mul3A_766] : memref<100352xf32, #tpu.memory_space<vmem_shared>> -> memref<6272xf32, #tpu.memory_space<vmem_shared>>
      tpu.wait_dma2 semaphore(%run_scoped3A : memref<!tpu.dma_semaphore, #tpu.memory_space<semaphore_mem>>) src(%dma_wait3A_874 : memref<6272xf32, #tpu.memory_space<vmem_shared>>) dst(%dma_wait3A_873 : memref<6272xf32, #tpu.memory_space<hbm>>)
      tpu.yield
    }) : () -> ()
    return
  }
}

module attributes {stable_mosaic.version = 14 : i64} {
  func.func @_dense1_body(%arg0: i32, %arg1: memref<2x784x128xf32, #tpu.memory_space<vmem>>, %arg2: memref<784x128xf32, #tpu.memory_space<vmem>>, %arg3: memref<784x128xf32, #tpu.memory_space<vmem>>, %arg4: memref<784x128xf32, #tpu.memory_space<vmem>>) attributes {dimension_semantics = [#tpu.dimension_semantics<arbitrary>], iteration_bounds = array<i64: 1>, scalar_prefetch = 0 : i64, scratch_operands = 0 : i64, tpu.core_type = #tpu.core_type<tc>, window_params = [{pipeline_mode = #tpu.pipeline_mode<synchronous>, transform_indices = @transform_0, window_bounds = array<i64: 2, 784, 128>}, {pipeline_mode = #tpu.pipeline_mode<synchronous>, transform_indices = @transform_1, window_bounds = array<i64: 784, 128>}, {pipeline_mode = #tpu.pipeline_mode<synchronous>, transform_indices = @transform_2, window_bounds = array<i64: 784, 128>}, {pipeline_mode = #tpu.pipeline_mode<synchronous>, transform_indices = @transform_3, window_bounds = array<i64: 784, 128>}]} {
    %get3A = arith.constant 0 : index
    %get3A_0 = arith.constant 0 : index
    %get3A_1 = arith.constant 0 : index
    %get3A_2 = vector.load %arg1[%get3A, %get3A_0, %get3A_1] : memref<2x784x128xf32, #tpu.memory_space<vmem>>, vector<2x784x128xf32>
    %slice3A = vector.extract_strided_slice %get3A_2 {offsets = [0, 0, 0], sizes = [1, 784, 128], strides = [1, 1, 1]} : vector<2x784x128xf32> to vector<1x784x128xf32>
    %squeeze3A = vector.shape_cast %slice3A : vector<1x784x128xf32> to vector<784x128xf32>
    %slice3A_3 = vector.extract_strided_slice %get3A_2 {offsets = [1, 0, 0], sizes = [1, 784, 128], strides = [1, 1, 1]} : vector<2x784x128xf32> to vector<1x784x128xf32>
    %squeeze3A_4 = vector.shape_cast %slice3A_3 : vector<1x784x128xf32> to vector<784x128xf32>
    %add3A = arith.addf %squeeze3A, %squeeze3A_4 : vector<784x128xf32>
    %add3A_5 = arith.constant 1.000000e+00 : f32
    %add3A_6 = vector.broadcast %add3A_5 : f32 to vector<784x128xf32>
    %add3A_7 = arith.addf %add3A, %add3A_6 : vector<784x128xf32>
    %rsqrt3A = math.rsqrt %add3A_7 : vector<784x128xf32>
    %swap3A = arith.constant 0 : index
    %swap3A_8 = arith.constant 0 : index
    %swap3A_9 = vector.load %arg3[%swap3A, %swap3A_8] : memref<784x128xf32, #tpu.memory_space<vmem>>, vector<784x128xf32>
    tpu.vector_store %arg3[%swap3A, %swap3A_8], %rsqrt3A {strides = array<i32>} : memref<784x128xf32, #tpu.memory_space<vmem>>, vector<784x128xf32>,
    %get3A_10 = arith.constant 0 : index
    %get3A_11 = arith.constant 0 : index
    %get3A_12 = vector.load %arg2[%get3A_10, %get3A_11] : memref<784x128xf32, #tpu.memory_space<vmem>>, vector<784x128xf32>
    %mul3A = arith.mulf %rsqrt3A, %get3A_12 : vector<784x128xf32>
    %swap3A_13 = arith.constant 0 : index
    %swap3A_14 = arith.constant 0 : index
    %swap3A_15 = vector.load %arg4[%swap3A_13, %swap3A_14] : memref<784x128xf32, #tpu.memory_space<vmem>>, vector<784x128xf32>
    tpu.vector_store %arg4[%swap3A_13, %swap3A_14], %mul3A {strides = array<i32>} : memref<784x128xf32, #tpu.memory_space<vmem>>, vector<784x128xf32>,
    return
  }
  func.func @transform_0(%arg0: i32) -> (i32, i32, i32) {
    %c0_i32 = arith.constant 0 : i32
    %c0_i32_0 = arith.constant 0 : i32
    %c0_i32_1 = arith.constant 0 : i32
    %c0_i32_2 = arith.constant 0 : i32
    return %c0_i32, %c0_i32_0, %c0_i32_1 : i32, i32, i32
  }
  func.func @transform_1(%arg0: i32) -> (i32, i32) {
    %c0_i32 = arith.constant 0 : i32
    %c0_i32_0 = arith.constant 0 : i32
    %c0_i32_1 = arith.constant 0 : i32
    return %c0_i32, %c0_i32_0 : i32, i32
  }
  func.func @transform_2(%arg0: i32) -> (i32, i32) {
    %c0_i32 = arith.constant 0 : i32
    %c0_i32_0 = arith.constant 0 : i32
    %c0_i32_1 = arith.constant 0 : i32
    return %c0_i32, %c0_i32_0 : i32, i32
  }
  func.func @transform_3(%arg0: i32) -> (i32, i32) {
    %c0_i32 = arith.constant 0 : i32
    %c0_i32_0 = arith.constant 0 : i32
    %c0_i32_1 = arith.constant 0 : i32
    return %c0_i32, %c0_i32_0 : i32, i32
  }
}

module attributes {stable_mosaic.version = 14 : i64} {
  func.func @_dense2_body(%arg0: i32, %arg1: memref<2x784x128xf32, #tpu.memory_space<vmem>>, %arg2: memref<784x128xf32, #tpu.memory_space<vmem>>, %arg3: memref<784x128xf32, #tpu.memory_space<vmem>>, %arg4: memref<1x16xf32, #tpu.memory_space<smem>>, %arg5: memref<16xf32, #tpu.memory_space<smem>>, %arg6: memref<16x2xf32, #tpu.memory_space<smem>>, %arg7: memref<2x784x128xf32, #tpu.memory_space<vmem>>) attributes {dimension_semantics = [#tpu.dimension_semantics<arbitrary>], iteration_bounds = array<i64: 1>, scalar_prefetch = 0 : i64, scratch_operands = 0 : i64, tpu.core_type = #tpu.core_type<tc>, window_params = [{pipeline_mode = #tpu.pipeline_mode<synchronous>, transform_indices = @transform_0, window_bounds = array<i64: 2, 784, 128>}, {pipeline_mode = #tpu.pipeline_mode<synchronous>, transform_indices = @transform_1, window_bounds = array<i64: 784, 128>}, {pipeline_mode = #tpu.pipeline_mode<synchronous>, transform_indices = @transform_2, window_bounds = array<i64: 784, 128>}, {transform_indices = @transform_3, window_bounds = array<i64: 1, 16>}, {transform_indices = @transform_4, window_bounds = array<i64: 16>}, {transform_indices = @transform_5, window_bounds = array<i64: 16, 2>}, {pipeline_mode = #tpu.pipeline_mode<synchronous>, transform_indices = @transform_6, window_bounds = array<i64: 2, 784, 128>}]} {
    %get3A = arith.constant 0 : index
    %get3A_0 = arith.constant 0 : index
    %get3A_1 = arith.constant 0 : index
    %get3A_2 = vector.load %arg1[%get3A, %get3A_0, %get3A_1] : memref<2x784x128xf32, #tpu.memory_space<vmem>>, vector<2x784x128xf32>
    %get3A_3 = arith.constant 0 : index
    %get3A_4 = arith.constant 0 : index
    %get3A_5 = vector.load %arg3[%get3A_3, %get3A_4] : memref<784x128xf32, #tpu.memory_space<vmem>>, vector<784x128xf32>
    %slice3A = vector.extract_strided_slice %get3A_2 {offsets = [0, 0, 0], sizes = [1, 784, 128], strides = [1, 1, 1]} : vector<2x784x128xf32> to vector<1x784x128xf32>
    %squeeze3A = vector.shape_cast %slice3A : vector<1x784x128xf32> to vector<784x128xf32>
    %slice3A_6 = vector.extract_strided_slice %get3A_2 {offsets = [1, 0, 0], sizes = [1, 784, 128], strides = [1, 1, 1]} : vector<2x784x128xf32> to vector<1x784x128xf32>
    %squeeze3A_7 = vector.shape_cast %slice3A_6 : vector<1x784x128xf32> to vector<784x128xf32>
    %add3A = arith.addf %squeeze3A, %squeeze3A_7 : vector<784x128xf32>
    %get3A_8 = arith.constant 0 : index
    %get3A_9 = arith.constant 0 : index
    %get3A_10 = vector.load %arg2[%get3A_8, %get3A_9] : memref<784x128xf32, #tpu.memory_space<vmem>>, vector<784x128xf32>
    %add3A_11 = arith.addf %add3A, %get3A_10 : vector<784x128xf32>
    %mul3A = arith.mulf %get3A_5, %add3A_11 : vector<784x128xf32>
    %broadcast_in_dim3A = arith.constant 0.000000e+00 : f32
    %broadcast_in_dim3A_12 = vector.broadcast %broadcast_in_dim3A : f32 to vector<784x128xf32>
    %broadcast_in_dim3A_13 = arith.constant 0.000000e+00 : f32
    %broadcast_in_dim3A_14 = vector.broadcast %broadcast_in_dim3A_13 : f32 to vector<784x128xf32>
    %get3A_15 = arith.constant 0 : index
    %get3A_16 = arith.constant 0 : index
    %get3A_17 = memref.load %arg4[%get3A_15, %get3A_16] : memref<1x16xf32, #tpu.memory_space<smem>>
    %mul3A_18 = vector.broadcast %get3A_17 : f32 to vector<784x128xf32>
    %mul3A_19 = arith.mulf %mul3A, %mul3A_18 : vector<784x128xf32>
    %get3A_20 = arith.constant 0 : index
    %get3A_21 = memref.load %arg5[%get3A_20] : memref<16xf32, #tpu.memory_space<smem>>
    %add3A_22 = vector.broadcast %get3A_21 : f32 to vector<784x128xf32>
    %add3A_23 = arith.addf %mul3A_19, %add3A_22 : vector<784x128xf32>
    %max3A = arith.constant 0.000000e+00 : f32
    %max3A_24 = vector.broadcast %max3A : f32 to vector<784x128xf32>
    %max3A_25 = arith.maximumf %add3A_23, %max3A_24 : vector<784x128xf32>
    %get3A_26 = arith.constant 0 : index
    %get3A_27 = arith.constant 0 : index
    %get3A_28 = memref.load %arg6[%get3A_26, %get3A_27] : memref<16x2xf32, #tpu.memory_space<smem>>
    %mul3A_29 = vector.broadcast %get3A_28 : f32 to vector<784x128xf32>
    %mul3A_30 = arith.mulf %max3A_25, %mul3A_29 : vector<784x128xf32>
    %add3A_31 = arith.addf %broadcast_in_dim3A_12, %mul3A_30 : vector<784x128xf32>
    %get3A_32 = arith.constant 0 : index
    %get3A_33 = arith.constant 1 : index
    %get3A_34 = memref.load %arg6[%get3A_32, %get3A_33] : memref<16x2xf32, #tpu.memory_space<smem>>
    %mul3A_35 = vector.broadcast %get3A_34 : f32 to vector<784x128xf32>
    %mul3A_36 = arith.mulf %max3A_25, %mul3A_35 : vector<784x128xf32>
    %add3A_37 = arith.addf %broadcast_in_dim3A_14, %mul3A_36 : vector<784x128xf32>
    %get3A_38 = arith.constant 0 : index
    %get3A_39 = arith.constant 1 : index
    %get3A_40 = memref.load %arg4[%get3A_38, %get3A_39] : memref<1x16xf32, #tpu.memory_space<smem>>
    %mul3A_41 = vector.broadcast %get3A_40 : f32 to vector<784x128xf32>
    %mul3A_42 = arith.mulf %mul3A, %mul3A_41 : vector<784x128xf32>
    %get3A_43 = arith.constant 1 : index
    %get3A_44 = memref.load %arg5[%get3A_43] : memref<16xf32, #tpu.memory_space<smem>>
    %add3A_45 = vector.broadcast %get3A_44 : f32 to vector<784x128xf32>
    %add3A_46 = arith.addf %mul3A_42, %add3A_45 : vector<784x128xf32>
    %max3A_47 = arith.constant 0.000000e+00 : f32
    %max3A_48 = vector.broadcast %max3A_47 : f32 to vector<784x128xf32>
    %max3A_49 = arith.maximumf %add3A_46, %max3A_48 : vector<784x128xf32>
    %get3A_50 = arith.constant 1 : index
    %get3A_51 = arith.constant 0 : index
    %get3A_52 = memref.load %arg6[%get3A_50, %get3A_51] : memref<16x2xf32, #tpu.memory_space<smem>>
    %mul3A_53 = vector.broadcast %get3A_52 : f32 to vector<784x128xf32>
    %mul3A_54 = arith.mulf %max3A_49, %mul3A_53 : vector<784x128xf32>
    %add3A_55 = arith.addf %add3A_31, %mul3A_54 : vector<784x128xf32>
    %get3A_56 = arith.constant 1 : index
    %get3A_57 = arith.constant 1 : index
    %get3A_58 = memref.load %arg6[%get3A_56, %get3A_57] : memref<16x2xf32, #tpu.memory_space<smem>>
    %mul3A_59 = vector.broadcast %get3A_58 : f32 to vector<784x128xf32>
    %mul3A_60 = arith.mulf %max3A_49, %mul3A_59 : vector<784x128xf32>
    %add3A_61 = arith.addf %add3A_37, %mul3A_60 : vector<784x128xf32>
    %get3A_62 = arith.constant 0 : index
    %get3A_63 = arith.constant 2 : index
    %get3A_64 = memref.load %arg4[%get3A_62, %get3A_63] : memref<1x16xf32, #tpu.memory_space<smem>>
    %mul3A_65 = vector.broadcast %get3A_64 : f32 to vector<784x128xf32>
    %mul3A_66 = arith.mulf %mul3A, %mul3A_65 : vector<784x128xf32>
    %get3A_67 = arith.constant 2 : index
    %get3A_68 = memref.load %arg5[%get3A_67] : memref<16xf32, #tpu.memory_space<smem>>
    %add3A_69 = vector.broadcast %get3A_68 : f32 to vector<784x128xf32>
    %add3A_70 = arith.addf %mul3A_66, %add3A_69 : vector<784x128xf32>
    %max3A_71 = arith.constant 0.000000e+00 : f32
    %max3A_72 = vector.broadcast %max3A_71 : f32 to vector<784x128xf32>
    %max3A_73 = arith.maximumf %add3A_70, %max3A_72 : vector<784x128xf32>
    %get3A_74 = arith.constant 2 : index
    %get3A_75 = arith.constant 0 : index
    %get3A_76 = memref.load %arg6[%get3A_74, %get3A_75] : memref<16x2xf32, #tpu.memory_space<smem>>
    %mul3A_77 = vector.broadcast %get3A_76 : f32 to vector<784x128xf32>
    %mul3A_78 = arith.mulf %max3A_73, %mul3A_77 : vector<784x128xf32>
    %add3A_79 = arith.addf %add3A_55, %mul3A_78 : vector<784x128xf32>
    %get3A_80 = arith.constant 2 : index
    %get3A_81 = arith.constant 1 : index
    %get3A_82 = memref.load %arg6[%get3A_80, %get3A_81] : memref<16x2xf32, #tpu.memory_space<smem>>
    %mul3A_83 = vector.broadcast %get3A_82 : f32 to vector<784x128xf32>
    %mul3A_84 = arith.mulf %max3A_73, %mul3A_83 : vector<784x128xf32>
    %add3A_85 = arith.addf %add3A_61, %mul3A_84 : vector<784x128xf32>
    %get3A_86 = arith.constant 0 : index
    %get3A_87 = arith.constant 3 : index
    %get3A_88 = memref.load %arg4[%get3A_86, %get3A_87] : memref<1x16xf32, #tpu.memory_space<smem>>
    %mul3A_89 = vector.broadcast %get3A_88 : f32 to vector<784x128xf32>
    %mul3A_90 = arith.mulf %mul3A, %mul3A_89 : vector<784x128xf32>
    %get3A_91 = arith.constant 3 : index
    %get3A_92 = memref.load %arg5[%get3A_91] : memref<16xf32, #tpu.memory_space<smem>>
    %add3A_93 = vector.broadcast %get3A_92 : f32 to vector<784x128xf32>
    %add3A_94 = arith.addf %mul3A_90, %add3A_93 : vector<784x128xf32>
    %max3A_95 = arith.constant 0.000000e+00 : f32
    %max3A_96 = vector.broadcast %max3A_95 : f32 to vector<784x128xf32>
    %max3A_97 = arith.maximumf %add3A_94, %max3A_96 : vector<784x128xf32>
    %get3A_98 = arith.constant 3 : index
    %get3A_99 = arith.constant 0 : index
    %get3A_100 = memref.load %arg6[%get3A_98, %get3A_99] : memref<16x2xf32, #tpu.memory_space<smem>>
    %mul3A_101 = vector.broadcast %get3A_100 : f32 to vector<784x128xf32>
    %mul3A_102 = arith.mulf %max3A_97, %mul3A_101 : vector<784x128xf32>
    %add3A_103 = arith.addf %add3A_79, %mul3A_102 : vector<784x128xf32>
    %get3A_104 = arith.constant 3 : index
    %get3A_105 = arith.constant 1 : index
    %get3A_106 = memref.load %arg6[%get3A_104, %get3A_105] : memref<16x2xf32, #tpu.memory_space<smem>>
    %mul3A_107 = vector.broadcast %get3A_106 : f32 to vector<784x128xf32>
    %mul3A_108 = arith.mulf %max3A_97, %mul3A_107 : vector<784x128xf32>
    %add3A_109 = arith.addf %add3A_85, %mul3A_108 : vector<784x128xf32>
    %get3A_110 = arith.constant 0 : index
    %get3A_111 = arith.constant 4 : index
    %get3A_112 = memref.load %arg4[%get3A_110, %get3A_111] : memref<1x16xf32, #tpu.memory_space<smem>>
    %mul3A_113 = vector.broadcast %get3A_112 : f32 to vector<784x128xf32>
    %mul3A_114 = arith.mulf %mul3A, %mul3A_113 : vector<784x128xf32>
    %get3A_115 = arith.constant 4 : index
    %get3A_116 = memref.load %arg5[%get3A_115] : memref<16xf32, #tpu.memory_space<smem>>
    %add3A_117 = vector.broadcast %get3A_116 : f32 to vector<784x128xf32>
    %add3A_118 = arith.addf %mul3A_114, %add3A_117 : vector<784x128xf32>
    %max3A_119 = arith.constant 0.000000e+00 : f32
    %max3A_120 = vector.broadcast %max3A_119 : f32 to vector<784x128xf32>
    %max3A_121 = arith.maximumf %add3A_118, %max3A_120 : vector<784x128xf32>
    %get3A_122 = arith.constant 4 : index
    %get3A_123 = arith.constant 0 : index
    %get3A_124 = memref.load %arg6[%get3A_122, %get3A_123] : memref<16x2xf32, #tpu.memory_space<smem>>
    %mul3A_125 = vector.broadcast %get3A_124 : f32 to vector<784x128xf32>
    %mul3A_126 = arith.mulf %max3A_121, %mul3A_125 : vector<784x128xf32>
    %add3A_127 = arith.addf %add3A_103, %mul3A_126 : vector<784x128xf32>
    %get3A_128 = arith.constant 4 : index
    %get3A_129 = arith.constant 1 : index
    %get3A_130 = memref.load %arg6[%get3A_128, %get3A_129] : memref<16x2xf32, #tpu.memory_space<smem>>
    %mul3A_131 = vector.broadcast %get3A_130 : f32 to vector<784x128xf32>
    %mul3A_132 = arith.mulf %max3A_121, %mul3A_131 : vector<784x128xf32>
    %add3A_133 = arith.addf %add3A_109, %mul3A_132 : vector<784x128xf32>
    %get3A_134 = arith.constant 0 : index
    %get3A_135 = arith.constant 5 : index
    %get3A_136 = memref.load %arg4[%get3A_134, %get3A_135] : memref<1x16xf32, #tpu.memory_space<smem>>
    %mul3A_137 = vector.broadcast %get3A_136 : f32 to vector<784x128xf32>
    %mul3A_138 = arith.mulf %mul3A, %mul3A_137 : vector<784x128xf32>
    %get3A_139 = arith.constant 5 : index
    %get3A_140 = memref.load %arg5[%get3A_139] : memref<16xf32, #tpu.memory_space<smem>>
    %add3A_141 = vector.broadcast %get3A_140 : f32 to vector<784x128xf32>
    %add3A_142 = arith.addf %mul3A_138, %add3A_141 : vector<784x128xf32>
    %max3A_143 = arith.constant 0.000000e+00 : f32
    %max3A_144 = vector.broadcast %max3A_143 : f32 to vector<784x128xf32>
    %max3A_145 = arith.maximumf %add3A_142, %max3A_144 : vector<784x128xf32>
    %get3A_146 = arith.constant 5 : index
    %get3A_147 = arith.constant 0 : index
    %get3A_148 = memref.load %arg6[%get3A_146, %get3A_147] : memref<16x2xf32, #tpu.memory_space<smem>>
    %mul3A_149 = vector.broadcast %get3A_148 : f32 to vector<784x128xf32>
    %mul3A_150 = arith.mulf %max3A_145, %mul3A_149 : vector<784x128xf32>
    %add3A_151 = arith.addf %add3A_127, %mul3A_150 : vector<784x128xf32>
    %get3A_152 = arith.constant 5 : index
    %get3A_153 = arith.constant 1 : index
    %get3A_154 = memref.load %arg6[%get3A_152, %get3A_153] : memref<16x2xf32, #tpu.memory_space<smem>>
    %mul3A_155 = vector.broadcast %get3A_154 : f32 to vector<784x128xf32>
    %mul3A_156 = arith.mulf %max3A_145, %mul3A_155 : vector<784x128xf32>
    %add3A_157 = arith.addf %add3A_133, %mul3A_156 : vector<784x128xf32>
    %get3A_158 = arith.constant 0 : index
    %get3A_159 = arith.constant 6 : index
    %get3A_160 = memref.load %arg4[%get3A_158, %get3A_159] : memref<1x16xf32, #tpu.memory_space<smem>>
    %mul3A_161 = vector.broadcast %get3A_160 : f32 to vector<784x128xf32>
    %mul3A_162 = arith.mulf %mul3A, %mul3A_161 : vector<784x128xf32>
    %get3A_163 = arith.constant 6 : index
    %get3A_164 = memref.load %arg5[%get3A_163] : memref<16xf32, #tpu.memory_space<smem>>
    %add3A_165 = vector.broadcast %get3A_164 : f32 to vector<784x128xf32>
    %add3A_166 = arith.addf %mul3A_162, %add3A_165 : vector<784x128xf32>
    %max3A_167 = arith.constant 0.000000e+00 : f32
    %max3A_168 = vector.broadcast %max3A_167 : f32 to vector<784x128xf32>
    %max3A_169 = arith.maximumf %add3A_166, %max3A_168 : vector<784x128xf32>
    %get3A_170 = arith.constant 6 : index
    %get3A_171 = arith.constant 0 : index
    %get3A_172 = memref.load %arg6[%get3A_170, %get3A_171] : memref<16x2xf32, #tpu.memory_space<smem>>
    %mul3A_173 = vector.broadcast %get3A_172 : f32 to vector<784x128xf32>
    %mul3A_174 = arith.mulf %max3A_169, %mul3A_173 : vector<784x128xf32>
    %add3A_175 = arith.addf %add3A_151, %mul3A_174 : vector<784x128xf32>
    %get3A_176 = arith.constant 6 : index
    %get3A_177 = arith.constant 1 : index
    %get3A_178 = memref.load %arg6[%get3A_176, %get3A_177] : memref<16x2xf32, #tpu.memory_space<smem>>
    %mul3A_179 = vector.broadcast %get3A_178 : f32 to vector<784x128xf32>
    %mul3A_180 = arith.mulf %max3A_169, %mul3A_179 : vector<784x128xf32>
    %add3A_181 = arith.addf %add3A_157, %mul3A_180 : vector<784x128xf32>
    %get3A_182 = arith.constant 0 : index
    %get3A_183 = arith.constant 7 : index
    %get3A_184 = memref.load %arg4[%get3A_182, %get3A_183] : memref<1x16xf32, #tpu.memory_space<smem>>
    %mul3A_185 = vector.broadcast %get3A_184 : f32 to vector<784x128xf32>
    %mul3A_186 = arith.mulf %mul3A, %mul3A_185 : vector<784x128xf32>
    %get3A_187 = arith.constant 7 : index
    %get3A_188 = memref.load %arg5[%get3A_187] : memref<16xf32, #tpu.memory_space<smem>>
    %add3A_189 = vector.broadcast %get3A_188 : f32 to vector<784x128xf32>
    %add3A_190 = arith.addf %mul3A_186, %add3A_189 : vector<784x128xf32>
    %max3A_191 = arith.constant 0.000000e+00 : f32
    %max3A_192 = vector.broadcast %max3A_191 : f32 to vector<784x128xf32>
    %max3A_193 = arith.maximumf %add3A_190, %max3A_192 : vector<784x128xf32>
    %get3A_194 = arith.constant 7 : index
    %get3A_195 = arith.constant 0 : index
    %get3A_196 = memref.load %arg6[%get3A_194, %get3A_195] : memref<16x2xf32, #tpu.memory_space<smem>>
    %mul3A_197 = vector.broadcast %get3A_196 : f32 to vector<784x128xf32>
    %mul3A_198 = arith.mulf %max3A_193, %mul3A_197 : vector<784x128xf32>
    %add3A_199 = arith.addf %add3A_175, %mul3A_198 : vector<784x128xf32>
    %get3A_200 = arith.constant 7 : index
    %get3A_201 = arith.constant 1 : index
    %get3A_202 = memref.load %arg6[%get3A_200, %get3A_201] : memref<16x2xf32, #tpu.memory_space<smem>>
    %mul3A_203 = vector.broadcast %get3A_202 : f32 to vector<784x128xf32>
    %mul3A_204 = arith.mulf %max3A_193, %mul3A_203 : vector<784x128xf32>
    %add3A_205 = arith.addf %add3A_181, %mul3A_204 : vector<784x128xf32>
    %get3A_206 = arith.constant 0 : index
    %get3A_207 = arith.constant 8 : index
    %get3A_208 = memref.load %arg4[%get3A_206, %get3A_207] : memref<1x16xf32, #tpu.memory_space<smem>>
    %mul3A_209 = vector.broadcast %get3A_208 : f32 to vector<784x128xf32>
    %mul3A_210 = arith.mulf %mul3A, %mul3A_209 : vector<784x128xf32>
    %get3A_211 = arith.constant 8 : index
    %get3A_212 = memref.load %arg5[%get3A_211] : memref<16xf32, #tpu.memory_space<smem>>
    %add3A_213 = vector.broadcast %get3A_212 : f32 to vector<784x128xf32>
    %add3A_214 = arith.addf %mul3A_210, %add3A_213 : vector<784x128xf32>
    %max3A_215 = arith.constant 0.000000e+00 : f32
    %max3A_216 = vector.broadcast %max3A_215 : f32 to vector<784x128xf32>
    %max3A_217 = arith.maximumf %add3A_214, %max3A_216 : vector<784x128xf32>
    %get3A_218 = arith.constant 8 : index
    %get3A_219 = arith.constant 0 : index
    %get3A_220 = memref.load %arg6[%get3A_218, %get3A_219] : memref<16x2xf32, #tpu.memory_space<smem>>
    %mul3A_221 = vector.broadcast %get3A_220 : f32 to vector<784x128xf32>
    %mul3A_222 = arith.mulf %max3A_217, %mul3A_221 : vector<784x128xf32>
    %add3A_223 = arith.addf %add3A_199, %mul3A_222 : vector<784x128xf32>
    %get3A_224 = arith.constant 8 : index
    %get3A_225 = arith.constant 1 : index
    %get3A_226 = memref.load %arg6[%get3A_224, %get3A_225] : memref<16x2xf32, #tpu.memory_space<smem>>
    %mul3A_227 = vector.broadcast %get3A_226 : f32 to vector<784x128xf32>
    %mul3A_228 = arith.mulf %max3A_217, %mul3A_227 : vector<784x128xf32>
    %add3A_229 = arith.addf %add3A_205, %mul3A_228 : vector<784x128xf32>
    %get3A_230 = arith.constant 0 : index
    %get3A_231 = arith.constant 9 : index
    %get3A_232 = memref.load %arg4[%get3A_230, %get3A_231] : memref<1x16xf32, #tpu.memory_space<smem>>
    %mul3A_233 = vector.broadcast %get3A_232 : f32 to vector<784x128xf32>
    %mul3A_234 = arith.mulf %mul3A, %mul3A_233 : vector<784x128xf32>
    %get3A_235 = arith.constant 9 : index
    %get3A_236 = memref.load %arg5[%get3A_235] : memref<16xf32, #tpu.memory_space<smem>>
    %add3A_237 = vector.broadcast %get3A_236 : f32 to vector<784x128xf32>
    %add3A_238 = arith.addf %mul3A_234, %add3A_237 : vector<784x128xf32>
    %max3A_239 = arith.constant 0.000000e+00 : f32
    %max3A_240 = vector.broadcast %max3A_239 : f32 to vector<784x128xf32>
    %max3A_241 = arith.maximumf %add3A_238, %max3A_240 : vector<784x128xf32>
    %get3A_242 = arith.constant 9 : index
    %get3A_243 = arith.constant 0 : index
    %get3A_244 = memref.load %arg6[%get3A_242, %get3A_243] : memref<16x2xf32, #tpu.memory_space<smem>>
    %mul3A_245 = vector.broadcast %get3A_244 : f32 to vector<784x128xf32>
    %mul3A_246 = arith.mulf %max3A_241, %mul3A_245 : vector<784x128xf32>
    %add3A_247 = arith.addf %add3A_223, %mul3A_246 : vector<784x128xf32>
    %get3A_248 = arith.constant 9 : index
    %get3A_249 = arith.constant 1 : index
    %get3A_250 = memref.load %arg6[%get3A_248, %get3A_249] : memref<16x2xf32, #tpu.memory_space<smem>>
    %mul3A_251 = vector.broadcast %get3A_250 : f32 to vector<784x128xf32>
    %mul3A_252 = arith.mulf %max3A_241, %mul3A_251 : vector<784x128xf32>
    %add3A_253 = arith.addf %add3A_229, %mul3A_252 : vector<784x128xf32>
    %get3A_254 = arith.constant 0 : index
    %get3A_255 = arith.constant 10 : index
    %get3A_256 = memref.load %arg4[%get3A_254, %get3A_255] : memref<1x16xf32, #tpu.memory_space<smem>>
    %mul3A_257 = vector.broadcast %get3A_256 : f32 to vector<784x128xf32>
    %mul3A_258 = arith.mulf %mul3A, %mul3A_257 : vector<784x128xf32>
    %get3A_259 = arith.constant 10 : index
    %get3A_260 = memref.load %arg5[%get3A_259] : memref<16xf32, #tpu.memory_space<smem>>
    %add3A_261 = vector.broadcast %get3A_260 : f32 to vector<784x128xf32>
    %add3A_262 = arith.addf %mul3A_258, %add3A_261 : vector<784x128xf32>
    %max3A_263 = arith.constant 0.000000e+00 : f32
    %max3A_264 = vector.broadcast %max3A_263 : f32 to vector<784x128xf32>
    %max3A_265 = arith.maximumf %add3A_262, %max3A_264 : vector<784x128xf32>
    %get3A_266 = arith.constant 10 : index
    %get3A_267 = arith.constant 0 : index
    %get3A_268 = memref.load %arg6[%get3A_266, %get3A_267] : memref<16x2xf32, #tpu.memory_space<smem>>
    %mul3A_269 = vector.broadcast %get3A_268 : f32 to vector<784x128xf32>
    %mul3A_270 = arith.mulf %max3A_265, %mul3A_269 : vector<784x128xf32>
    %add3A_271 = arith.addf %add3A_247, %mul3A_270 : vector<784x128xf32>
    %get3A_272 = arith.constant 10 : index
    %get3A_273 = arith.constant 1 : index
    %get3A_274 = memref.load %arg6[%get3A_272, %get3A_273] : memref<16x2xf32, #tpu.memory_space<smem>>
    %mul3A_275 = vector.broadcast %get3A_274 : f32 to vector<784x128xf32>
    %mul3A_276 = arith.mulf %max3A_265, %mul3A_275 : vector<784x128xf32>
    %add3A_277 = arith.addf %add3A_253, %mul3A_276 : vector<784x128xf32>
    %get3A_278 = arith.constant 0 : index
    %get3A_279 = arith.constant 11 : index
    %get3A_280 = memref.load %arg4[%get3A_278, %get3A_279] : memref<1x16xf32, #tpu.memory_space<smem>>
    %mul3A_281 = vector.broadcast %get3A_280 : f32 to vector<784x128xf32>
    %mul3A_282 = arith.mulf %mul3A, %mul3A_281 : vector<784x128xf32>
    %get3A_283 = arith.constant 11 : index
    %get3A_284 = memref.load %arg5[%get3A_283] : memref<16xf32, #tpu.memory_space<smem>>
    %add3A_285 = vector.broadcast %get3A_284 : f32 to vector<784x128xf32>
    %add3A_286 = arith.addf %mul3A_282, %add3A_285 : vector<784x128xf32>
    %max3A_287 = arith.constant 0.000000e+00 : f32
    %max3A_288 = vector.broadcast %max3A_287 : f32 to vector<784x128xf32>
    %max3A_289 = arith.maximumf %add3A_286, %max3A_288 : vector<784x128xf32>
    %get3A_290 = arith.constant 11 : index
    %get3A_291 = arith.constant 0 : index
    %get3A_292 = memref.load %arg6[%get3A_290, %get3A_291] : memref<16x2xf32, #tpu.memory_space<smem>>
    %mul3A_293 = vector.broadcast %get3A_292 : f32 to vector<784x128xf32>
    %mul3A_294 = arith.mulf %max3A_289, %mul3A_293 : vector<784x128xf32>
    %add3A_295 = arith.addf %add3A_271, %mul3A_294 : vector<784x128xf32>
    %get3A_296 = arith.constant 11 : index
    %get3A_297 = arith.constant 1 : index
    %get3A_298 = memref.load %arg6[%get3A_296, %get3A_297] : memref<16x2xf32, #tpu.memory_space<smem>>
    %mul3A_299 = vector.broadcast %get3A_298 : f32 to vector<784x128xf32>
    %mul3A_300 = arith.mulf %max3A_289, %mul3A_299 : vector<784x128xf32>
    %add3A_301 = arith.addf %add3A_277, %mul3A_300 : vector<784x128xf32>
    %get3A_302 = arith.constant 0 : index
    %get3A_303 = arith.constant 12 : index
    %get3A_304 = memref.load %arg4[%get3A_302, %get3A_303] : memref<1x16xf32, #tpu.memory_space<smem>>
    %mul3A_305 = vector.broadcast %get3A_304 : f32 to vector<784x128xf32>
    %mul3A_306 = arith.mulf %mul3A, %mul3A_305 : vector<784x128xf32>
    %get3A_307 = arith.constant 12 : index
    %get3A_308 = memref.load %arg5[%get3A_307] : memref<16xf32, #tpu.memory_space<smem>>
    %add3A_309 = vector.broadcast %get3A_308 : f32 to vector<784x128xf32>
    %add3A_310 = arith.addf %mul3A_306, %add3A_309 : vector<784x128xf32>
    %max3A_311 = arith.constant 0.000000e+00 : f32
    %max3A_312 = vector.broadcast %max3A_311 : f32 to vector<784x128xf32>
    %max3A_313 = arith.maximumf %add3A_310, %max3A_312 : vector<784x128xf32>
    %get3A_314 = arith.constant 12 : index
    %get3A_315 = arith.constant 0 : index
    %get3A_316 = memref.load %arg6[%get3A_314, %get3A_315] : memref<16x2xf32, #tpu.memory_space<smem>>
    %mul3A_317 = vector.broadcast %get3A_316 : f32 to vector<784x128xf32>
    %mul3A_318 = arith.mulf %max3A_313, %mul3A_317 : vector<784x128xf32>
    %add3A_319 = arith.addf %add3A_295, %mul3A_318 : vector<784x128xf32>
    %get3A_320 = arith.constant 12 : index
    %get3A_321 = arith.constant 1 : index
    %get3A_322 = memref.load %arg6[%get3A_320, %get3A_321] : memref<16x2xf32, #tpu.memory_space<smem>>
    %mul3A_323 = vector.broadcast %get3A_322 : f32 to vector<784x128xf32>
    %mul3A_324 = arith.mulf %max3A_313, %mul3A_323 : vector<784x128xf32>
    %add3A_325 = arith.addf %add3A_301, %mul3A_324 : vector<784x128xf32>
    %get3A_326 = arith.constant 0 : index
    %get3A_327 = arith.constant 13 : index
    %get3A_328 = memref.load %arg4[%get3A_326, %get3A_327] : memref<1x16xf32, #tpu.memory_space<smem>>
    %mul3A_329 = vector.broadcast %get3A_328 : f32 to vector<784x128xf32>
    %mul3A_330 = arith.mulf %mul3A, %mul3A_329 : vector<784x128xf32>
    %get3A_331 = arith.constant 13 : index
    %get3A_332 = memref.load %arg5[%get3A_331] : memref<16xf32, #tpu.memory_space<smem>>
    %add3A_333 = vector.broadcast %get3A_332 : f32 to vector<784x128xf32>
    %add3A_334 = arith.addf %mul3A_330, %add3A_333 : vector<784x128xf32>
    %max3A_335 = arith.constant 0.000000e+00 : f32
    %max3A_336 = vector.broadcast %max3A_335 : f32 to vector<784x128xf32>
    %max3A_337 = arith.maximumf %add3A_334, %max3A_336 : vector<784x128xf32>
    %get3A_338 = arith.constant 13 : index
    %get3A_339 = arith.constant 0 : index
    %get3A_340 = memref.load %arg6[%get3A_338, %get3A_339] : memref<16x2xf32, #tpu.memory_space<smem>>
    %mul3A_341 = vector.broadcast %get3A_340 : f32 to vector<784x128xf32>
    %mul3A_342 = arith.mulf %max3A_337, %mul3A_341 : vector<784x128xf32>
    %add3A_343 = arith.addf %add3A_319, %mul3A_342 : vector<784x128xf32>
    %get3A_344 = arith.constant 13 : index
    %get3A_345 = arith.constant 1 : index
    %get3A_346 = memref.load %arg6[%get3A_344, %get3A_345] : memref<16x2xf32, #tpu.memory_space<smem>>
    %mul3A_347 = vector.broadcast %get3A_346 : f32 to vector<784x128xf32>
    %mul3A_348 = arith.mulf %max3A_337, %mul3A_347 : vector<784x128xf32>
    %add3A_349 = arith.addf %add3A_325, %mul3A_348 : vector<784x128xf32>
    %get3A_350 = arith.constant 0 : index
    %get3A_351 = arith.constant 14 : index
    %get3A_352 = memref.load %arg4[%get3A_350, %get3A_351] : memref<1x16xf32, #tpu.memory_space<smem>>
    %mul3A_353 = vector.broadcast %get3A_352 : f32 to vector<784x128xf32>
    %mul3A_354 = arith.mulf %mul3A, %mul3A_353 : vector<784x128xf32>
    %get3A_355 = arith.constant 14 : index
    %get3A_356 = memref.load %arg5[%get3A_355] : memref<16xf32, #tpu.memory_space<smem>>
    %add3A_357 = vector.broadcast %get3A_356 : f32 to vector<784x128xf32>
    %add3A_358 = arith.addf %mul3A_354, %add3A_357 : vector<784x128xf32>
    %max3A_359 = arith.constant 0.000000e+00 : f32
    %max3A_360 = vector.broadcast %max3A_359 : f32 to vector<784x128xf32>
    %max3A_361 = arith.maximumf %add3A_358, %max3A_360 : vector<784x128xf32>
    %get3A_362 = arith.constant 14 : index
    %get3A_363 = arith.constant 0 : index
    %get3A_364 = memref.load %arg6[%get3A_362, %get3A_363] : memref<16x2xf32, #tpu.memory_space<smem>>
    %mul3A_365 = vector.broadcast %get3A_364 : f32 to vector<784x128xf32>
    %mul3A_366 = arith.mulf %max3A_361, %mul3A_365 : vector<784x128xf32>
    %add3A_367 = arith.addf %add3A_343, %mul3A_366 : vector<784x128xf32>
    %get3A_368 = arith.constant 14 : index
    %get3A_369 = arith.constant 1 : index
    %get3A_370 = memref.load %arg6[%get3A_368, %get3A_369] : memref<16x2xf32, #tpu.memory_space<smem>>
    %mul3A_371 = vector.broadcast %get3A_370 : f32 to vector<784x128xf32>
    %mul3A_372 = arith.mulf %max3A_361, %mul3A_371 : vector<784x128xf32>
    %add3A_373 = arith.addf %add3A_349, %mul3A_372 : vector<784x128xf32>
    %get3A_374 = arith.constant 0 : index
    %get3A_375 = arith.constant 15 : index
    %get3A_376 = memref.load %arg4[%get3A_374, %get3A_375] : memref<1x16xf32, #tpu.memory_space<smem>>
    %mul3A_377 = vector.broadcast %get3A_376 : f32 to vector<784x128xf32>
    %mul3A_378 = arith.mulf %mul3A, %mul3A_377 : vector<784x128xf32>
    %get3A_379 = arith.constant 15 : index
    %get3A_380 = memref.load %arg5[%get3A_379] : memref<16xf32, #tpu.memory_space<smem>>
    %add3A_381 = vector.broadcast %get3A_380 : f32 to vector<784x128xf32>
    %add3A_382 = arith.addf %mul3A_378, %add3A_381 : vector<784x128xf32>
    %max3A_383 = arith.constant 0.000000e+00 : f32
    %max3A_384 = vector.broadcast %max3A_383 : f32 to vector<784x128xf32>
    %max3A_385 = arith.maximumf %add3A_382, %max3A_384 : vector<784x128xf32>
    %get3A_386 = arith.constant 15 : index
    %get3A_387 = arith.constant 0 : index
    %get3A_388 = memref.load %arg6[%get3A_386, %get3A_387] : memref<16x2xf32, #tpu.memory_space<smem>>
    %mul3A_389 = vector.broadcast %get3A_388 : f32 to vector<784x128xf32>
    %mul3A_390 = arith.mulf %max3A_385, %mul3A_389 : vector<784x128xf32>
    %add3A_391 = arith.addf %add3A_367, %mul3A_390 : vector<784x128xf32>
    %get3A_392 = arith.constant 15 : index
    %get3A_393 = arith.constant 1 : index
    %get3A_394 = memref.load %arg6[%get3A_392, %get3A_393] : memref<16x2xf32, #tpu.memory_space<smem>>
    %mul3A_395 = vector.broadcast %get3A_394 : f32 to vector<784x128xf32>
    %mul3A_396 = arith.mulf %max3A_385, %mul3A_395 : vector<784x128xf32>
    %add3A_397 = arith.addf %add3A_373, %mul3A_396 : vector<784x128xf32>
    %mul3A_398 = arith.mulf %get3A_5, %add3A_391 : vector<784x128xf32>
    %swap3A = arith.constant 0 : index
    %swap3A_399 = arith.constant 0 : index
    %swap3A_400 = arith.constant 0 : index
    %swap3A_401 = vector.load %arg7[%swap3A, %swap3A_399, %swap3A_400] : memref<2x784x128xf32, #tpu.memory_space<vmem>>, vector<1x784x128xf32>
    %swap3A_402 = vector.shape_cast %swap3A_401 : vector<1x784x128xf32> to vector<784x128xf32>
    %swap3A_403 = vector.shape_cast %mul3A_398 : vector<784x128xf32> to vector<1x784x128xf32>
    tpu.vector_store %arg7[%swap3A, %swap3A_399, %swap3A_400], %swap3A_403 {strides = array<i32>} : memref<2x784x128xf32, #tpu.memory_space<vmem>>, vector<1x784x128xf32>,
    %mul3A_404 = arith.mulf %get3A_5, %add3A_397 : vector<784x128xf32>
    %swap3A_405 = arith.constant 1 : index
    %swap3A_406 = arith.constant 0 : index
    %swap3A_407 = arith.constant 0 : index
    %swap3A_408 = vector.load %arg7[%swap3A_405, %swap3A_406, %swap3A_407] : memref<2x784x128xf32, #tpu.memory_space<vmem>>, vector<1x784x128xf32>
    %swap3A_409 = vector.shape_cast %swap3A_408 : vector<1x784x128xf32> to vector<784x128xf32>
    %swap3A_410 = vector.shape_cast %mul3A_404 : vector<784x128xf32> to vector<1x784x128xf32>
    tpu.vector_store %arg7[%swap3A_405, %swap3A_406, %swap3A_407], %swap3A_410 {strides = array<i32>} : memref<2x784x128xf32, #tpu.memory_space<vmem>>, vector<1x784x128xf32>,
    return
  }
  func.func @transform_0(%arg0: i32) -> (i32, i32, i32) {
    %c0_i32 = arith.constant 0 : i32
    %c0_i32_0 = arith.constant 0 : i32
    %c0_i32_1 = arith.constant 0 : i32
    %c0_i32_2 = arith.constant 0 : i32
    return %c0_i32, %c0_i32_0, %c0_i32_1 : i32, i32, i32
  }
  func.func @transform_1(%arg0: i32) -> (i32, i32) {
    %c0_i32 = arith.constant 0 : i32
    %c0_i32_0 = arith.constant 0 : i32
    %c0_i32_1 = arith.constant 0 : i32
    return %c0_i32, %c0_i32_0 : i32, i32
  }
  func.func @transform_2(%arg0: i32) -> (i32, i32) {
    %c0_i32 = arith.constant 0 : i32
    %c0_i32_0 = arith.constant 0 : i32
    %c0_i32_1 = arith.constant 0 : i32
    return %c0_i32, %c0_i32_0 : i32, i32
  }
  func.func @transform_3(%arg0: i32) -> (i32, i32) {
    %c0_i32 = arith.constant 0 : i32
    %c0_i32_0 = arith.constant 0 : i32
    %c0_i32_1 = arith.constant 0 : i32
    return %c0_i32, %c0_i32_0 : i32, i32
  }
  func.func @transform_4(%arg0: i32) -> i32 {
    %c0_i32 = arith.constant 0 : i32
    %c0_i32_0 = arith.constant 0 : i32
    return %c0_i32 : i32
  }
  func.func @transform_5(%arg0: i32) -> (i32, i32) {
    %c0_i32 = arith.constant 0 : i32
    %c0_i32_0 = arith.constant 0 : i32
    %c0_i32_1 = arith.constant 0 : i32
    return %c0_i32, %c0_i32_0 : i32, i32
  }
  func.func @transform_6(%arg0: i32) -> (i32, i32, i32) {
    %c0_i32 = arith.constant 0 : i32
    %c0_i32_0 = arith.constant 0 : i32
    %c0_i32_1 = arith.constant 0 : i32
    %c0_i32_2 = arith.constant 0 : i32
    return %c0_i32, %c0_i32_0, %c0_i32_1 : i32, i32, i32
  }
}

module attributes {stable_mosaic.version = 14 : i64} {
  func.func @_dense3_body(%arg0: i32, %arg1: memref<2x2x784x128xf32, #tpu.memory_space<vmem>>, %arg2: memref<2x784x128xf32, #tpu.memory_space<vmem>>, %arg3: memref<784x128xf32, #tpu.memory_space<vmem>>, %arg4: memref<2xf32, #tpu.memory_space<smem>>, %arg5: memref<784x128xf32, #tpu.memory_space<vmem>>, %arg6: memref<784x128xf32, #tpu.memory_space<vmem>>) attributes {dimension_semantics = [#tpu.dimension_semantics<arbitrary>], iteration_bounds = array<i64: 1>, scalar_prefetch = 0 : i64, scratch_operands = 0 : i64, tpu.core_type = #tpu.core_type<tc>, window_params = [{pipeline_mode = #tpu.pipeline_mode<synchronous>, transform_indices = @transform_0, window_bounds = array<i64: 2, 2, 784, 128>}, {pipeline_mode = #tpu.pipeline_mode<synchronous>, transform_indices = @transform_1, window_bounds = array<i64: 2, 784, 128>}, {pipeline_mode = #tpu.pipeline_mode<synchronous>, transform_indices = @transform_2, window_bounds = array<i64: 784, 128>}, {transform_indices = @transform_3, window_bounds = array<i64: 2>}, {pipeline_mode = #tpu.pipeline_mode<synchronous>, transform_indices = @transform_4, window_bounds = array<i64: 784, 128>}, {pipeline_mode = #tpu.pipeline_mode<synchronous>, transform_indices = @transform_5, window_bounds = array<i64: 784, 128>}]} {
    %get3A = arith.constant 0 : index
    %get3A_0 = arith.constant 0 : index
    %get3A_1 = arith.constant 0 : index
    %get3A_2 = arith.constant 0 : index
    %get3A_3 = vector.load %arg1[%get3A, %get3A_0, %get3A_1, %get3A_2] : memref<2x2x784x128xf32, #tpu.memory_space<vmem>>, vector<2x2x784x128xf32>
    %get3A_4 = arith.constant 0 : index
    %get3A_5 = arith.constant 0 : index
    %get3A_6 = arith.constant 0 : index
    %get3A_7 = vector.load %arg2[%get3A_4, %get3A_5, %get3A_6] : memref<2x784x128xf32, #tpu.memory_space<vmem>>, vector<2x784x128xf32>
    %get3A_8 = arith.constant 0 : index
    %get3A_9 = arith.constant 0 : index
    %get3A_10 = vector.load %arg3[%get3A_8, %get3A_9] : memref<784x128xf32, #tpu.memory_space<vmem>>, vector<784x128xf32>
    %slice3A = vector.extract_strided_slice %get3A_3 {offsets = [0, 0, 0, 0], sizes = [1, 1, 784, 128], strides = [1, 1, 1, 1]} : vector<2x2x784x128xf32> to vector<1x1x784x128xf32>
    %squeeze3A = vector.shape_cast %slice3A : vector<1x1x784x128xf32> to vector<784x128xf32>
    %slice3A_11 = vector.extract_strided_slice %get3A_3 {offsets = [1, 0, 0, 0], sizes = [1, 1, 784, 128], strides = [1, 1, 1, 1]} : vector<2x2x784x128xf32> to vector<1x1x784x128xf32>
    %squeeze3A_12 = vector.shape_cast %slice3A_11 : vector<1x1x784x128xf32> to vector<784x128xf32>
    %add3A = arith.addf %squeeze3A, %squeeze3A_12 : vector<784x128xf32>
    %slice3A_13 = vector.extract_strided_slice %get3A_7 {offsets = [0, 0, 0], sizes = [1, 784, 128], strides = [1, 1, 1]} : vector<2x784x128xf32> to vector<1x784x128xf32>
    %squeeze3A_14 = vector.shape_cast %slice3A_13 : vector<1x784x128xf32> to vector<784x128xf32>
    %add3A_15 = arith.addf %add3A, %squeeze3A_14 : vector<784x128xf32>
    %mul3A = arith.mulf %get3A_10, %add3A_15 : vector<784x128xf32>
    %get3A_16 = arith.constant 0 : index
    %get3A_17 = memref.load %arg4[%get3A_16] : memref<2xf32, #tpu.memory_space<smem>>
    %add3A_18 = vector.broadcast %get3A_17 : f32 to vector<784x128xf32>
    %add3A_19 = arith.addf %mul3A, %add3A_18 : vector<784x128xf32>
    %swap3A = arith.constant 0 : index
    %swap3A_20 = arith.constant 0 : index
    %swap3A_21 = vector.load %arg5[%swap3A, %swap3A_20] : memref<784x128xf32, #tpu.memory_space<vmem>>, vector<784x128xf32>
    tpu.vector_store %arg5[%swap3A, %swap3A_20], %add3A_19 {strides = array<i32>} : memref<784x128xf32, #tpu.memory_space<vmem>>, vector<784x128xf32>,
    %slice3A_22 = vector.extract_strided_slice %get3A_3 {offsets = [0, 1, 0, 0], sizes = [1, 1, 784, 128], strides = [1, 1, 1, 1]} : vector<2x2x784x128xf32> to vector<1x1x784x128xf32>
    %squeeze3A_23 = vector.shape_cast %slice3A_22 : vector<1x1x784x128xf32> to vector<784x128xf32>
    %slice3A_24 = vector.extract_strided_slice %get3A_3 {offsets = [1, 1, 0, 0], sizes = [1, 1, 784, 128], strides = [1, 1, 1, 1]} : vector<2x2x784x128xf32> to vector<1x1x784x128xf32>
    %squeeze3A_25 = vector.shape_cast %slice3A_24 : vector<1x1x784x128xf32> to vector<784x128xf32>
    %add3A_26 = arith.addf %squeeze3A_23, %squeeze3A_25 : vector<784x128xf32>
    %slice3A_27 = vector.extract_strided_slice %get3A_7 {offsets = [1, 0, 0], sizes = [1, 784, 128], strides = [1, 1, 1]} : vector<2x784x128xf32> to vector<1x784x128xf32>
    %squeeze3A_28 = vector.shape_cast %slice3A_27 : vector<1x784x128xf32> to vector<784x128xf32>
    %add3A_29 = arith.addf %add3A_26, %squeeze3A_28 : vector<784x128xf32>
    %mul3A_30 = arith.mulf %get3A_10, %add3A_29 : vector<784x128xf32>
    %get3A_31 = arith.constant 1 : index
    %get3A_32 = memref.load %arg4[%get3A_31] : memref<2xf32, #tpu.memory_space<smem>>
    %add3A_33 = vector.broadcast %get3A_32 : f32 to vector<784x128xf32>
    %add3A_34 = arith.addf %mul3A_30, %add3A_33 : vector<784x128xf32>
    %swap3A_35 = arith.constant 0 : index
    %swap3A_36 = arith.constant 0 : index
    %swap3A_37 = vector.load %arg6[%swap3A_35, %swap3A_36] : memref<784x128xf32, #tpu.memory_space<vmem>>, vector<784x128xf32>
    tpu.vector_store %arg6[%swap3A_35, %swap3A_36], %add3A_34 {strides = array<i32>} : memref<784x128xf32, #tpu.memory_space<vmem>>, vector<784x128xf32>,
    return
  }
  func.func @transform_0(%arg0: i32) -> (i32, i32, i32, i32) {
    %c0_i32 = arith.constant 0 : i32
    %c0_i32_0 = arith.constant 0 : i32
    %c0_i32_1 = arith.constant 0 : i32
    %c0_i32_2 = arith.constant 0 : i32
    %c0_i32_3 = arith.constant 0 : i32
    return %c0_i32, %c0_i32_0, %c0_i32_1, %c0_i32_2 : i32, i32, i32, i32
  }
  func.func @transform_1(%arg0: i32) -> (i32, i32, i32) {
    %c0_i32 = arith.constant 0 : i32
    %c0_i32_0 = arith.constant 0 : i32
    %c0_i32_1 = arith.constant 0 : i32
    %c0_i32_2 = arith.constant 0 : i32
    return %c0_i32, %c0_i32_0, %c0_i32_1 : i32, i32, i32
  }
  func.func @transform_2(%arg0: i32) -> (i32, i32) {
    %c0_i32 = arith.constant 0 : i32
    %c0_i32_0 = arith.constant 0 : i32
    %c0_i32_1 = arith.constant 0 : i32
    return %c0_i32, %c0_i32_0 : i32, i32
  }
  func.func @transform_3(%arg0: i32) -> i32 {
    %c0_i32 = arith.constant 0 : i32
    %c0_i32_0 = arith.constant 0 : i32
    return %c0_i32 : i32
  }
  func.func @transform_4(%arg0: i32) -> (i32, i32) {
    %c0_i32 = arith.constant 0 : i32
    %c0_i32_0 = arith.constant 0 : i32
    %c0_i32_1 = arith.constant 0 : i32
    return %c0_i32, %c0_i32_0 : i32, i32
  }
  func.func @transform_5(%arg0: i32) -> (i32, i32) {
    %c0_i32 = arith.constant 0 : i32
    %c0_i32_0 = arith.constant 0 : i32
    %c0_i32_1 = arith.constant 0 : i32
    return %c0_i32, %c0_i32_0 : i32, i32
  }
}

</mosaic_0001>

<sc_bundles>
// kernel: kernel.11.cloned.1.call-start
scs
__scs_entry_jumppad:
0x0: {  	(pc) =	sbr.rel $0x88, $3  }
0x1: {  	(tag) =	ssettag $0x0;
	lr =	simm.s32 $0x1  }
0x2: {  	[smem:$0x3F9B] =	sst lr;
	_ =	strace $0xD0000000  }
0x3: {  	_ = 	snop  }
0x4: {  	_ = 	snop  }
0x5: {  	_ = 	snop  }
0x6: {  	_ = 	snop  }
0x7: {  	_ = 	snop  }
__scs_overlays_trampoline_lowered:
0x8: {  	[smem:$0x3FAA] =	sst s0  }
0x9: {  	[smem:$0x3FAB] =	sst s1  }
0xa: {  	[smem:$0x3FAC] =	sst s2  }
0xb: {  	[smem:$0x3FAD] =	sst s3  }
0xc: {  	[smem:$0x3FAE] =	sst s4  }
0xd: {  	[smem:$0x3FAF] =	sst s5  }
0xe: {  	[smem:$0x3FB0] =	sst s6  }
0xf: {  	[smem:$0x3FB1] =	sst s7  }
0x10: {  	[smem:$0x3FB2] =	sst s8  }
0x11: {  	[smem:$0x3FB3] =	sst s9;
	s0 =	simm.s32 @!p0 $0x0  }
0x12: {  	s1 =	sld [smem:$0x3F99];
	s0 =	simm.s32 @p0 $0x1  }
0x13: {  	[smem:$0x3FB4] =	sst s0;
	s0 =	simm.s32 @!p1 $0x0  }
0x14: {  	s2 =	sld [smem:$0x3F98];
	s0 =	simm.s32 @p1 $0x1  }
0x15: {  	[smem:$0x3FB5] =	sst s0;
	s0 =	simm.s32 @!p2 $0x0  }
0x16: {  	s3 =	sld [smem:$0x3FDB];
	s0 =	simm.s32 @p2 $0x1  }
0x17: {  	s4 =	simm.s32 $0x1BF5;
	[smem:$0x3FB7] =	sst s0  }
0x18: {  	s0 =	sld [smem:$0x3F9A];
	_ =	swait.ge [sflag:s4], $0x0  }
0x19: {  	s7 =	sld [smem:$0x3F9B]  }
0x1a: {  	s8 =	sadd.s32 $0xFFFFE003, lr  }
0x1b: {  	s9 =	sadd.s32 $0xFFFFFEF7, lr;
	s5 =	simm.s32 $0xFFFFFFFF;
	p2 =	slt.u32 s8, $0xFFFFF086  }
0x1c: {  	p1 =	slt.u32 s9, $0xF7A;
	s5 =	simm.s32 @!p2 $0x0  }
0x1d: {  	s5 =	simm.s32 @p1 $0x1;
	p0 =	seq.s32 s7, s2  }
0x1e: {  	s7 =	smul.u32 @!p0 $0xF7A, s2;
	p2 =	seq.s32 @!p0 s5, $0x0  }
0x1f: {  	s9 =	smul.u32 $0xF7A, s1;
	s8 =	simm.s32 @!p0 $0x1BF5;
	p2 =	por !p2, p0  }
0x20: {  	[sflag:s8] =	ssyncset.s32 @!p0 $0xFFFFF086;
	s6 =	sadd.s32 @!p0 s3, s7;
	s7 =	simm.s32 @!p0 $0x108  }
0x21: {  	s3 =	sadd.s32 s3, s9;
	s6 =	sadd.s32 @!p0 $0x88, s6;
	s7 =	simm.s32 @p2 $0x1082  }
0x22: {  	[simem:s7], [sflag:s8] =	dma.local @!p0 [hbm:s6], $0xF7A  }
0x23: {  	s9 =	sor.u32 $0xD0000000, s2;
	s6 =	simm.s32 $0x108;
	_ =	swait.ge @!p0 [sflag:s8], $0x0  }
0x24: {  	s3 =	sadd.s32 $0x88, s3;
	s6 =	simm.s32 @!p1 $0x1082;
	[sflag:s4] =	ssyncset.s32 $0xFFFFF086  }
0x25: {  	[simem:s6], [sflag:s4] =	dma.local [hbm:s3], $0xF7A  }
0x26: {  	[smem:$0x3F9B] =	sst s1;
	(tag) =	ssettag s2;
	_ =	strace s9  }
0x27: {  	s1 =	sld [smem:$0x3FAB]  }
0x28: {  	s2 =	sld [smem:$0x3FAC]  }
0x29: {  	s4 =	sld [smem:$0x3FAE]  }
0x2a: {  	p0 =	seq.s32 s5, $0x0;
	s5 =	sld [smem:$0x3FAF]  }
0x2b: {  	s6 =	sld [smem:$0x3FB0]  }
0x2c: {  	s7 =	sld [smem:$0x3FB1]  }
0x2d: {  	s3 =	simm.s32 $0x108;
	s8 =	sld [smem:$0x3FB2]  }
0x2e: {  	s3 =	simm.s32 @!p0 $0x1082;
	s9 =	sld [smem:$0x3FB3]  }
0x2f: {  	lr =	sadd.s32 s0, s3;
	s0 =	sld [smem:$0x3FAA]  }
0x30: {  	s3 =	sld [smem:$0x3FAD]  }
0x31: {  	[smem:$0x3FB6] =	sst s10  }
0x32: {  	s10 =	sld [smem:$0x3FB4];
	_ =	sdelay $0x3  }
0x33: {  	p0 =	seq.s32 s10, $0x1;
	s10 =	sld [smem:$0x3FB6];
	_ =	sdelay $0x3  }
0x34: {  	[smem:$0x3FB6] =	sst s10  }
0x35: {  	s10 =	sld [smem:$0x3FB5];
	_ =	sdelay $0x3  }
0x36: {  	p1 =	seq.s32 s10, $0x1;
	s10 =	sld [smem:$0x3FB6];
	_ =	sdelay $0x3  }
0x37: {  	[smem:$0x3FB6] =	sst s10  }
0x38: {  	s10 =	sld [smem:$0x3FB7]  }
0x39: {  	_ = 	snop;
	(pc) =	sbr.ind lr, $3  }
0x3a: {  	_ = 	snop  }
0x3b: {  	_ = 	snop  }
0x3c: {  	p2 =	seq.s32 s10, $0x1;
	s10 =	sld [smem:$0x3FB6]  }
0x3d: {  	_ =	shalt  }
0x3e: {  	_ =	shalt  }
0x3f: {  	_ =	shalt  }
0x40: {  	_ =	shalt  }
0x41: {  	_ =	shalt  }
0x42: {  	_ =	shalt  }
0x43: {  	_ =	shalt  }
0x44: {  	_ =	shalt  }
0x45: {  	_ =	shalt  }
0x46: {  	_ =	shalt  }
0x47: {  	_ =	shalt  }
0x48: {  	_ =	shalt  }
0x49: {  	_ =	shalt  }
0x4a: {  	_ =	shalt  }
0x4b: {  	_ =	shalt  }
0x4c: {  	_ =	shalt  }
0x4d: {  	_ =	shalt  }
0x4e: {  	_ =	shalt  }
0x4f: {  	_ =	shalt  }
0x50: {  	_ =	shalt  }
0x51: {  	_ =	shalt  }
0x52: {  	_ =	shalt  }
0x53: {  	_ =	shalt  }
0x54: {  	_ =	shalt  }
0x55: {  	_ =	shalt  }
0x56: {  	_ =	shalt  }
0x57: {  	_ =	shalt  }
0x58: {  	_ =	shalt  }
0x59: {  	_ =	shalt  }
0x5a: {  	_ =	shalt  }
0x5b: {  	_ =	shalt  }
0x5c: {  	_ =	shalt  }
0x5d: {  	_ =	shalt  }
0x5e: {  	_ =	shalt  }
0x5f: {  	_ =	shalt  }
0x60: {  	_ =	shalt  }
0x61: {  	_ =	shalt  }
0x62: {  	_ =	shalt  }
0x63: {  	_ =	shalt  }
0x64: {  	_ =	shalt  }
0x65: {  	_ =	shalt  }
0x66: {  	_ =	shalt  }
0x67: {  	_ =	shalt  }
0x68: {  	_ =	shalt  }
0x69: {  	_ =	shalt  }
0x6a: {  	_ =	shalt  }
0x6b: {  	_ =	shalt  }
0x6c: {  	_ =	shalt  }
0x6d: {  	_ =	shalt  }
0x6e: {  	_ =	shalt  }
0x6f: {  	_ =	shalt  }
0x70: {  	_ =	shalt  }
0x71: {  	_ =	shalt  }
0x72: {  	_ =	shalt  }
0x73: {  	_ =	shalt  }
0x74: {  	_ =	shalt  }
0x75: {  	_ =	shalt  }
0x76: {  	_ =	shalt  }
0x77: {  	_ =	shalt  }
0x78: {  	_ =	shalt  }
0x79: {  	_ =	shalt  }
0x7a: {  	_ =	shalt  }
0x7b: {  	_ =	shalt  }
0x7c: {  	_ =	shalt  }
0x7d: {  	_ =	shalt  }
0x7e: {  	_ =	shalt  }
0x7f: {  	_ =	shalt  }
0x80: {  	_ =	shalt  }
0x81: {  	_ =	shalt  }
0x82: {  	_ =	shalt  }
0x83: {  	_ =	shalt  }
0x84: {  	_ =	shalt  }
0x85: {  	_ =	shalt  }
0x86: {  	_ =	shalt  }
0x87: {  	_ =	shalt  }
.Lfunc_end0:
.L_simem_size_0:
called_computation.2_lowered:
.L_overlay_start_0:
0x88: {  	s2 =	sld [smem:$0x3FD9]  }
0x89: {  	s3 =	sld [smem:$0x3FFE];
	_ =	sdelay $0x1  }
0x8a: {  	s1 =	srdreg.scid  }
0x8b: {  	s0 =	sand.u32 $0x1, s1  }
0x8c: {  	s17 =	sshll.u32 s0, $0xA;
	s2 =	sadd.s32 s3, s2  }
0x8d: {  	s2 =	sadd.s32 s2, s17  }
0x8e: {  	[smem:$0x3FC2] =	sst s2  }
0x8f: {  	_ = 	snop  }
0x90: {  	s2 =	sld [smem:$0x3FD0];
	(tm) =	ssettm $0x1  }
0x91: {  	s18 =	sld [smem:$0x3FFB];
	_ =	sdelay $0x3  }
0x92: {  	_ =	strace s18  }
0x93: {  	s3 =	sld [smem:$0x3FFC];
	_ =	sdelay $0x3  }
0x94: {  	_ =	strace s3  }
0x95: {  	s3 =	sld [smem:$0x3FFD];
	_ =	sdelay $0x3  }
0x96: {  	_ =	strace s3  }
0x97: {  	_ =	strace $0x8FFFFFFF  }
0x98: {  	s19 =	sld [smem:$0x3FDB];
	_ =	sdelay $0x1  }
0x99: {  	s4 =	simm.s32 $_scs_section_size  }
0x9a: {  	s5 =	simm.s32 $_size__tile_overlayer_lowered;
	s6 =	simm.s32 $_tile_overlayer_lowered  }
0x9b: {  	s22 =	simm.s32 $0x1BFF;
	s21 =	sshll.u32 s6, $0x1;
	s3 =	sadd.s32 s4, s19  }
0x9c: {  	s7 =	simm.s32 $0x0;
	s20 =	sshll.u32 s5, $0x1;
	s5 =	sadd.s32 s21, s3  }
0x9d: {  	[timem:s7], [sflag:s22] =	dma.local [hbm:s5], s20  }
0x9e: {  	_ =	swait.ge [sflag:s22], s20  }
0x9f: {  	s4 =	ssub.s32 $0x0, s20;
	[sflag:s22] =	ssyncset.done $0x0  }
0xa0: {  	[sflag:s22] =	ssyncadd.s32 s4;
	_ =	sdelay $0x1  }
0xa1: {  	s23 =	simm.s32 $0x1B8B  }
0xa2: {  	_ =	swait.ge [sflag:s23], $0x1  }
0xa3: {  	[sflag:s23] =	ssyncset.done $0x0  }
0xa4: {  	s25 =	simm.s32 $0x1B8E;
	s24 =	sld [smem:$0x3FFE];
	[sflag:s23] =	ssyncadd.s32 $0xFFFFFFFF  }
0xa5: {  	s26 =	simm.s32 $execute0_lowered;
	[smem:$0x3FD2] =	sst s25  }
0xa6: {  	s5 =	sshll.u32 s26, $0x1;
	_ =	strace $0x8000004C;
	[dreg:$0x1] =	wrdreg $0xFFFFFFFF  }
0xa7: {  	s28 =	simm.s32 $_size_execute0_lowered;
	s3 =	sadd.s32 s3, s5;
	[dreg:$0x0] =	wrdreg $0x0  }
0xa8: {  	s5 =	sshll.u32 s28, $0x1;
	[dreg:$0x2] =	wrdreg s3  }
0xa9: {  	[dreg:$0x3] =	wrdreg s5  }
0xaa: {  	[dreg:$0x4] =	wrdreg $0xC0  }
0xab: {  	_ =	task [dreg:s7], $0x5FFFF  }
0xac: {  	[dreg:$0x1] =	wrdreg $0xFFFFFFFF  }
0xad: {  	[dreg:$0x0] =	wrdreg $0x60  }
0xae: {  	[dreg:$0x2] =	wrdreg s24  }
0xaf: {  	[dreg:$0x3] =	wrdreg s2  }
0xb0: {  	[dreg:$0x4] =	wrdreg $0x48000  }
0xb1: {  	[dreg:$0x5] =	wrdreg $0x60800  }
0xb2: {  	[dreg:$0x6] =	wrdreg $0x9  }
0xb3: {  	_ =	task.clear_ibuf [dreg:s7], $0x7FFFF;
	_ =	strace $0x9000004C  }
0xb4: {  	s29 =	simm.s32 $0x9;
	_ =	strace $0x8000004E  }
0xb5: {  	_ =	swait.ge [sflag:s29], $0x1  }
0xb6: {  	[sflag:s29] =	ssyncadd.s32 $0xFFFFFFFF  }
0xb7: {  	_ =	strace $0x9000004E  }
0xb8: {  	_ =	sfence  }
0xb9: {  	s30 =	sld [smem:$0x0];
	_ =	sdelay $0x2  }
0xba: {  	s31 =	sshll.u32 s1, $0xD;
	s1 =	sshrl.u32 s1, $0x2  }
0xbb: {  	s3 =	sand.u32 $0x4000, s31;
	s1 =	sadd.s32 s1, s30  }
0xbc: {  	s0 =	sor.u32 s3, s0;
	s1 =	sshll.u32 s1, $0x11  }
0xbd: {  	s0 =	sor.u32 s1, s0  }
0xbe: {  	s0 =	sadd.s32 $0x8F2B, s0  }
0xbf: {  	[sflag:s0] =	ssyncadd.remote.s32 $0x1  }
0xc0: {  	_ =	sfence.sel $0xFFFF  }
0xc1: {  	[dreg:$0x0] =	wrdreg $0xFFFFFFFF;
	(pc) =	sbr.abs _section_cstart, $3  }
0xc2: {  	[dreg:$0x1] =	wrdreg $0xFFFFFFFF  }
0xc3: {  	_ =	task.clear_ibuf [dreg:s7], $0x2FFFF;
	_ =	strace $0x9FFFFFFF  }
0xc4: {  	(tm) =	ssettm $0x7FFFFFFF  }
0xc5: {  	_ =	shalt  }
tec
execute0_lowered:
.L_overlay_start_1:
0x0: {  	(tag) =	ssettag $0x1  }
0x1: {  	s0 =	rddreg [dreg:$0x0]  }
0x2: {  	s8 =	rddreg [dreg:$0x1]  }
0x3: {  	s2 =	rddreg [dreg:$0x2]  }
0x4: {  	s3 =	rddreg [dreg:$0x3];
	s1 =	stileid.u32  }
0x5: {  	s5 =	srdreg.scid;
	s9 =	smul.u32 $0x1880, s1  }
0x6: {  	s4 =	simm.s32 $0x0;
	s20 =	simm.s32 $0x6;
	s17 =	smul.u32 $0x61, s1  }
0x7: {  	s10 =	sand.u32 $0x1, s5;
	[smem:$0x7FF] =	sst s4;
	s29 =	smul.u32 $0x6100, s1  }
0x8: {  	s13 =	sadd.s32 $0x2800, s0;
	s22 =	sshll.u32 s1, $0x6;
	s5 =	smul.u32 $0x18800, s10  }
0x9: {  	_ =	strace $0x8000004D;
	s6 =	ssub.s32 $0x2, s10;
	s21 =	smul.u32 $0x61B, s10  }
0xa: {  	s16 =	sxor.u32 $0xB, s10;
	s28 =	smul.u32 $0x61B00, s10;
	s11 =	sshrl.u32 s9, $0x3  }
0xb: {  	s7 =	sshrl.u32 s6, $0x1;
	s15 =	sadd.s32 s9, s2;
	p0 =	slt.u32 s1, s16  }
0xc: {  	s16 =	smin.u32 s1, s16;
	s19 =	sadd.s32 s9, s3;
	s5 =	sadd.s32 s9, s5  }
0xd: {  	s12 =	sadd.s32 s11, s0;
	s14 =	ssub.s32 s6, s7;
	s17 =	sadd.s32 s17, s21  }
0xe: {  	s7 =	sor.u32 $0x1C07, s22;
	s8 =	sadd.s32 s8, s11;
	s30 =	sadd.s32 s28, s13  }
0xf: {  	s31 =	sshll.u32 s16, $0x8;
	s15 =	sshrl.u32 s15, $0x3;
	s21 =	simm.s32 $0x4  }
0x10: {  	s22 =	simm.s32 $0x0;
	s5 =	sshrl.u32 s5, $0x3;
	s6 =	sadd.s32 $0x189200, s12  }
0x11: {  	s23 =	sadd.s32 s16, s17;
	s0 =	sadd.s32 s5, s0;
	s5 =	simm.s32 $0x62  }
0x12: {  	s16 =	simm.s32 $0x7;
	s17 =	sshrl.u32 s19, $0x3;
	s5 =	simm.s32 @!p0 $0x61  }
0x13: {  	s19 =	simm.s32 $0x5;
	s9 =	sshll.u32 s23, $0x8;
	s18 =	smul.u32 $0x56, s5  }
.Ltmp0:
0x14: {  	s9 =	sadd.s32 s13, s9;
	s12 =	sadd.s32 $0x18C400, s0;
	(pc) =	sbr.rel .LBB2_1-.Ltmp0, $4  }
0x15: {  	s13 =	smax.u32 s14, $0x1;
	s0 =	sadd.s32 s29, s30;
	s24 =	sshrl.u32 s18, $0x8  }
0x16: {  	s25 =	sadd.s32 $0xFFFFFFFF, s5;
	s26 =	sadd.s32 $0xFFFFFFFE, s5;
	s11 =	smul.u32 $0x3, s24  }
0x17: {  	s10 =	sadd.s32 $0xC3500, s9;
	s14 =	sadd.s32 s31, s0;
	[dreg:$0x5] =	wrdreg s25  }
0x18: {  	[dreg:$0x6] =	wrdreg s26;
	s18 =	simm.s32 $0x1800;
	s11 =	ssub.s32 s5, s11  }
.LBB2_4:
0x19: {  	_ =	swait.ge [sflag:s19], $0x800  }
0x1a: {  	[sflag:s19] =	ssyncset.done $0x0  }
0x1b: {  	[sflag:s19] =	ssyncadd.s32 $0xFFFFF800  }
.LBB2_6:
0x1c: {  	_ =	swait.ge [sflag:s20], $0x800  }
0x1d: {  	[sflag:s20] =	ssyncset.done $0x0  }
0x1e: {  	[sflag:s20] =	ssyncadd.s32 $0xFFFFF800  }
.LBB2_7:
0x1f: {  	s22 =	sadd.s32 $0x1, s22  }
0x20: {  	p0 =	sne.s32 s22, s13  }
.Ltmp1:
0x21: {  	[bflag:$0x0] =	sbarrier.arrive $0xFFFF;
	(pc) =	sbr.rel @!p0 .LBB2_8-.Ltmp1, $4  }
0x22: {  	[hbm:s12], [sflag:s7] =	dma.local [spmem:s17], $0x310  }
0x23: {  	_ =	swait.ge [sflag:s16], $0x310  }
0x24: {  	[sflag:s16] =	ssyncset.done $0x0  }
0x25: {  	[sflag:s16] =	ssyncadd.s32 $0xFFFFFCF0  }
.LBB2_1:
0x26: {  	[spmem:s15], [sflag:s7] =	dma.local [hbm:s6], $0x310  }
0x27: {  	_ =	swait.ge [sflag:s16], $0x310  }
0x28: {  	[sflag:s16] =	ssyncset.done $0x0  }
0x29: {  	[sflag:s16] =	ssyncadd.s32 $0xFFFFFCF0  }
0x2a: {  	[spmem:s17], [sflag:s7] =	dma.local [hbm:s8], $0x310  }
0x2b: {  	_ =	swait.ge [sflag:s16], $0x310  }
0x2c: {  	p0 =	sle.u32 s5, $0x0;
	[sflag:s16] =	ssyncset.done $0x0  }
0x2d: {  	p1 =	por @!p0 $0x1, $0x1;
	[sflag:s16] =	ssyncadd.s32 $0xFFFFFCF0  }
0x2e: {  	p1 =	por p1, p0;
	[bflag:$0x0] =	sbarrier.arrive $0xFFFF  }
0x2f: {  	[tilespmem:s4], [sflag:$0x1] =	stream.linear.gather [hbm4b:s9+s4], $0x800, $0x38;
	[tilespmem:$0x7900] =	vst v63  }
0x30: {  	p2 =	sle.u32 @!p0 s5, $0x1;
	s0 =	simm.s32 @!p1 $0x5  }
0x31: {  	[tilespmem:s18], [sflag:$0x1] =	stream.linear.gather [hbm4b:s10+s4], $0x800, $0x38;
	[tilespmem:$0x7900] =	vst v63  }
0x32: {  	p2 =	por p2, p0;
	_ =	swait.ge @!p1 [sflag:s0], $0x800  }
0x33: {  	s23 =	sadd.s32 @!p2 $0x0, s14;
	s25 =	simm.s32 @!p2 $0x800;
	[sflag:s0] =	ssyncset.done @!p1 $0x0  }
0x34: {  	s24 =	sadd.s32 @!p2 $0x100, s23;
	[sflag:s0] =	ssyncadd.s32 @!p1 $0xFFFFF800;
	s0 =	simm.s32 @!p2 $0x0  }
0x35: {  	[tilespmem:s25], [sflag:$0x2] =	stream.linear.gather @!p2 [hbm4b:s24+s0], $0x800, $0x38;
	[tilespmem:$0x7900] =	vst v63  }
0x36: {  	s23 =	sadd.s32 @!p2 $0xC3600, s23;
	s24 =	simm.s32 @!p2 $0x2000;
	s25 =	simm.s32 @!p0 $0x1  }
0x37: {  	[tilespmem:s24], [sflag:$0x2] =	stream.linear.gather @!p2 [hbm4b:s23+s0], $0x800, $0x38;
	[tilespmem:$0x7900] =	vst v63  }
0x38: {  	_ =	swait.ge @!p0 [sflag:s25], $0x800  }
0x39: {  	[sflag:s25] =	ssyncset.done @!p0 $0x0  }
0x3a: {  	[sflag:s25] =	ssyncadd.s32 @!p0 $0xFFFFF800  }
0x3b: {  	_ =	swait.ge @!p0 [sflag:s25], $0x800  }
0x3c: {  	s0 =	simm.s32 @!p0 $0x3000;
	s23 =	simm.s32 @!p0 $0x7;
	[sflag:s25] =	ssyncset.done @!p0 $0x0  }
0x3d: {  	s24 =	simm.s32 @!p0 $0x800;
	[sflag:s25] =	ssyncadd.s32 @!p0 $0xFFFFF800;
	s25 =	simm.s32 @!p0 $0x0  }
0x3e: {  	[tilespmem:s0], [sflag:$0x7] =	stream.indirect.gather @!p0 [spmem:s2], $0x1, s25, s24, $0xb8;
	[tilespmem:$0x7900] =	vst v63  }
0x3f: {  	_ =	swait.ge @!p0 [sflag:s23], $0x800  }
0x40: {  	[sflag:s23] =	ssyncset.done @!p0 $0x0  }
0x41: {  	s1 =	rddreg [dreg:$0x5];
	[sflag:s23] =	ssyncadd.s32 @!p0 $0xFFFFF800;
	s23 =	simm.s32 @!p0 $0x1800  }
0x42: {  	[spmem:s3] =	stream.indirect.scatter.add.f32 @!p0 [tilespmem:s0], [sflag:$0x4], $0x1, s23, s24, $0xb8;
	[tilespmem:$0x7900] =	vst v63  }
0x43: {  	p0 =	sle.u32 s1, $0x0  }
0x44: {  	p1 =	por @!p0 $0x1, $0x1  }
0x45: {  	p1 =	por p1, p0  }
0x46: {  	p2 =	sle.u32 @!p0 s5, $0x2;
	s0 =	simm.s32 @!p1 $0x6  }
0x47: {  	p2 =	por p2, p0;
	_ =	swait.ge @!p1 [sflag:s0], $0x800  }
0x48: {  	s23 =	sadd.s32 @!p2 $0x0, s14;
	s25 =	simm.s32 @!p2 $0x1000;
	[sflag:s0] =	ssyncset.done @!p1 $0x0  }
0x49: {  	s24 =	sadd.s32 @!p2 $0x200, s23;
	[sflag:s0] =	ssyncadd.s32 @!p1 $0xFFFFF800;
	s0 =	simm.s32 @!p2 $0x0  }
0x4a: {  	[tilespmem:s25], [sflag:$0x3] =	stream.linear.gather @!p2 [hbm4b:s24+s0], $0x800, $0x38;
	[tilespmem:$0x7900] =	vst v63  }
0x4b: {  	s23 =	sadd.s32 @!p2 $0xC3700, s23;
	s24 =	simm.s32 @!p2 $0x2800;
	s25 =	simm.s32 @!p0 $0x2  }
0x4c: {  	[tilespmem:s24], [sflag:$0x3] =	stream.linear.gather @!p2 [hbm4b:s23+s0], $0x800, $0x38;
	[tilespmem:$0x7900] =	vst v63  }
0x4d: {  	_ =	swait.ge @!p0 [sflag:s25], $0x800  }
0x4e: {  	[sflag:s25] =	ssyncset.done @!p0 $0x0  }
0x4f: {  	[sflag:s25] =	ssyncadd.s32 @!p0 $0xFFFFF800  }
0x50: {  	_ =	swait.ge @!p0 [sflag:s25], $0x800  }
0x51: {  	s0 =	simm.s32 @!p0 $0x7;
	[sflag:s25] =	ssyncset.done @!p0 $0x0  }
0x52: {  	s23 =	simm.s32 @!p0 $0x800;
	s24 =	simm.s32 @!p0 $0x3800;
	[sflag:s25] =	ssyncadd.s32 @!p0 $0xFFFFF800  }
0x53: {  	[tilespmem:s24], [sflag:$0x7] =	stream.indirect.gather @!p0 [spmem:s2], $0x1, s23, s23, $0xb8;
	[tilespmem:$0x7900] =	vst v63  }
0x54: {  	_ =	swait.ge @!p0 [sflag:s0], $0x800  }
0x55: {  	[sflag:s0] =	ssyncset.done @!p0 $0x0;
	s26 =	rddreg [dreg:$0x6]  }
0x56: {  	[sflag:s0] =	ssyncadd.s32 @!p0 $0xFFFFF800;
	s0 =	simm.s32 @!p0 $0x2000;
	p2 =	sle.u32 s26, $0x0  }
0x57: {  	[spmem:s3] =	stream.indirect.scatter.add.f32 @!p0 [tilespmem:s24], [sflag:$0x5], $0x1, s0, s23, $0xb8;
	[tilespmem:$0x7900] =	vst v63  }
0x58: {  	s0 =	simm.s32 @!p2 $0x4;
	p0 =	sle.u32 @!p2 s5, $0x3  }
0x59: {  	_ =	swait.ge @!p2 [sflag:s0], $0x800;
	p0 =	por p0, p2  }
0x5a: {  	[sflag:s0] =	ssyncset.done @!p2 $0x0;
	s23 =	sadd.s32 @!p0 $0x0, s14  }
0x5b: {  	s24 =	simm.s32 @!p0 $0x0;
	[sflag:s0] =	ssyncadd.s32 @!p2 $0xFFFFF800;
	s0 =	sadd.s32 @!p0 $0x300, s23  }
0x5c: {  	[tilespmem:s24], [sflag:$0x1] =	stream.linear.gather @!p0 [hbm4b:s0+s24], $0x800, $0x38;
	[tilespmem:$0x7900] =	vst v63  }
0x5d: {  	s30 =	simm.s32 @!p2 $0x3;
	s0 =	sadd.s32 @!p0 $0xC3800, s23;
	s23 =	simm.s32 @!p0 $0x1800  }
0x5e: {  	[tilespmem:s23], [sflag:$0x1] =	stream.linear.gather @!p0 [hbm4b:s0+s24], $0x800, $0x38;
	[tilespmem:$0x7900] =	vst v63  }
0x5f: {  	p1 =	sle.u32 s5, $0x3;
	_ =	swait.ge @!p2 [sflag:s30], $0x800  }
0x60: {  	p3 =	por @!p1 $0x0, $0x0;
	s25 =	simm.s32 $0x3;
	[sflag:s30] =	ssyncset.done @!p2 $0x0  }
0x61: {  	s26 =	simm.s32 $0x600;
	s29 =	simm.s32 @!p2 $0x7;
	[sflag:s30] =	ssyncadd.s32 @!p2 $0xFFFFF800  }
0x62: {  	s28 =	simm.s32 @!p2 $0x4000;
	s31 =	simm.s32 @!p2 $0x1000;
	_ =	swait.ge @!p2 [sflag:s30], $0x800  }
0x63: {  	s23 =	simm.s32 $0x300;
	s24 =	simm.s32 $0x6;
	[sflag:s30] =	ssyncset.done @!p2 $0x0  }
0x64: {  	s0 =	simm.s32 @!p1 $0x4;
	[sflag:s30] =	ssyncadd.s32 @!p2 $0xFFFFF800;
	s30 =	simm.s32 @!p2 $0x800  }
.LBB2_2:
0x65: {  	[tilespmem:s28], [sflag:$0x7] =	stream.indirect.gather @!p2 [spmem:s2], $0x1, s31, s30, $0xb8;
	[tilespmem:$0x7900] =	vst v63  }
0x66: {  	_ =	swait.ge @!p2 [sflag:s29], $0x800  }
0x67: {  	p0 =	por p3, p1;
	p3 =	sge.u32 @!p1 s0, s5;
	[sflag:s29] =	ssyncset.done @!p2 $0x0  }
0x68: {  	s0 =	simm.s32 @!p2 $0x2800;
	s31 =	simm.s32 @!p0 $0x5;
	[sflag:s29] =	ssyncadd.s32 @!p2 $0xFFFFF800  }
0x69: {  	[spmem:s3] =	stream.indirect.scatter.add.f32 @!p2 [tilespmem:s28], [sflag:$0x6], $0x1, s0, s30, $0xb8;
	[tilespmem:$0x7900] =	vst v63  }
0x6a: {  	p3 =	por p3, p1;
	_ =	swait.ge @!p0 [sflag:s31], $0x800  }
0x6b: {  	s1 =	sadd.s32 @!p3 s23, s14;
	s29 =	simm.s32 @!p3 $0x0;
	[sflag:s31] =	ssyncset.done @!p0 $0x0  }
0x6c: {  	s0 =	sadd.s32 @!p3 $0x100, s1;
	s30 =	simm.s32 @!p3 $0x800;
	[sflag:s31] =	ssyncadd.s32 @!p0 $0xFFFFF800  }
0x6d: {  	[tilespmem:s30], [sflag:$0x2] =	stream.linear.gather @!p3 [hbm4b:s0+s29], $0x800, $0x38;
	[tilespmem:$0x7900] =	vst v63  }
0x6e: {  	s1 =	sadd.s32 @!p3 $0xC3600, s1;
	s0 =	simm.s32 @!p3 $0x2000;
	s30 =	simm.s32 @!p1 $0x1  }
0x6f: {  	[tilespmem:s0], [sflag:$0x2] =	stream.linear.gather @!p3 [hbm4b:s1+s29], $0x800, $0x38;
	[tilespmem:$0x7900] =	vst v63  }
0x70: {  	_ =	swait.ge @!p1 [sflag:s30], $0x800  }
0x71: {  	[sflag:s30] =	ssyncset.done @!p1 $0x0  }
0x72: {  	[sflag:s30] =	ssyncadd.s32 @!p1 $0xFFFFF800  }
0x73: {  	_ =	swait.ge @!p1 [sflag:s30], $0x800  }
0x74: {  	s0 =	simm.s32 @!p1 $0x3000;
	s1 =	simm.s32 @!p1 $0x7;
	[sflag:s30] =	ssyncset.done @!p1 $0x0  }
0x75: {  	s29 =	simm.s32 @!p1 $0x800;
	[sflag:s30] =	ssyncadd.s32 @!p1 $0xFFFFF800;
	s30 =	simm.s32 @!p1 $0x0  }
0x76: {  	[tilespmem:s0], [sflag:$0x7] =	stream.indirect.gather @!p1 [spmem:s2], $0x1, s30, s29, $0xb8;
	[tilespmem:$0x7900] =	vst v63  }
0x77: {  	_ =	swait.ge @!p1 [sflag:s1], $0x800  }
0x78: {  	[sflag:s1] =	ssyncset.done @!p1 $0x0  }
0x79: {  	s30 =	rddreg [dreg:$0x5];
	[sflag:s1] =	ssyncadd.s32 @!p1 $0xFFFFF800;
	s1 =	simm.s32 @!p1 $0x1800  }
0x7a: {  	[spmem:s3] =	stream.indirect.scatter.add.f32 @!p1 [tilespmem:s0], [sflag:$0x4], $0x1, s1, s29, $0xb8;
	[tilespmem:$0x7900] =	vst v63  }
0x7b: {  	p1 =	sge.u32 s25, s30  }
0x7c: {  	p2 =	seq.s32 @!p1 s23, $0x0  }
0x7d: {  	s0 =	sadd.s32 @!p1 $0xFFFFFFFF, s24;
	p3 =	por p2, p1  }
0x7e: {  	p2 =	sge.u32 @!p1 s0, s5;
	s0 =	simm.s32 @!p3 $0x6  }
0x7f: {  	p2 =	por p2, p1;
	_ =	swait.ge @!p3 [sflag:s0], $0x800  }
0x80: {  	s1 =	sadd.s32 @!p2 s23, s14;
	s30 =	simm.s32 @!p2 $0x1000;
	[sflag:s0] =	ssyncset.done @!p3 $0x0  }
0x81: {  	s29 =	sadd.s32 @!p2 $0x200, s1;
	[sflag:s0] =	ssyncadd.s32 @!p3 $0xFFFFF800;
	s0 =	simm.s32 @!p2 $0x0  }
0x82: {  	[tilespmem:s30], [sflag:$0x3] =	stream.linear.gather @!p2 [hbm4b:s29+s0], $0x800, $0x38;
	[tilespmem:$0x7900] =	vst v63  }
0x83: {  	s1 =	sadd.s32 @!p2 $0xC3700, s1;
	s29 =	simm.s32 @!p2 $0x2800;
	s30 =	simm.s32 @!p1 $0x2  }
0x84: {  	[tilespmem:s29], [sflag:$0x3] =	stream.linear.gather @!p2 [hbm4b:s1+s0], $0x800, $0x38;
	[tilespmem:$0x7900] =	vst v63  }
0x85: {  	_ =	swait.ge @!p1 [sflag:s30], $0x800  }
0x86: {  	[sflag:s30] =	ssyncset.done @!p1 $0x0  }
0x87: {  	[sflag:s30] =	ssyncadd.s32 @!p1 $0xFFFFF800  }
0x88: {  	_ =	swait.ge @!p1 [sflag:s30], $0x800  }
0x89: {  	s0 =	simm.s32 @!p1 $0x7;
	[sflag:s30] =	ssyncset.done @!p1 $0x0  }
0x8a: {  	s1 =	simm.s32 @!p1 $0x800;
	s29 =	simm.s32 @!p1 $0x3800;
	[sflag:s30] =	ssyncadd.s32 @!p1 $0xFFFFF800  }
0x8b: {  	[tilespmem:s29], [sflag:$0x7] =	stream.indirect.gather @!p1 [spmem:s2], $0x1, s1, s1, $0xb8;
	[tilespmem:$0x7900] =	vst v63  }
0x8c: {  	_ =	swait.ge @!p1 [sflag:s0], $0x800  }
0x8d: {  	[sflag:s0] =	ssyncset.done @!p1 $0x0;
	s30 =	rddreg [dreg:$0x6]  }
0x8e: {  	[sflag:s0] =	ssyncadd.s32 @!p1 $0xFFFFF800;
	s0 =	simm.s32 @!p1 $0x2000;
	p2 =	sge.u32 s25, s30  }
0x8f: {  	[spmem:s3] =	stream.indirect.scatter.add.f32 @!p1 [tilespmem:s29], [sflag:$0x5], $0x1, s0, s1, $0xb8;
	[tilespmem:$0x7900] =	vst v63  }
0x90: {  	s0 =	simm.s32 @!p2 $0x4;
	p1 =	sge.u32 @!p2 s24, s5  }
0x91: {  	s28 =	smov.u32 s26;
	_ =	swait.ge @!p2 [sflag:s0], $0x800;
	p1 =	por p1, p2  }
0x92: {  	s26 =	sadd.s32 $0x300, s26;
	[sflag:s0] =	ssyncset.done @!p2 $0x0;
	s1 =	sadd.s32 @!p1 s23, s14  }
0x93: {  	s25 =	simm.s32 @!p1 $0x0;
	[sflag:s0] =	ssyncadd.s32 @!p2 $0xFFFFF800;
	s0 =	sadd.s32 @!p1 $0x300, s1  }
0x94: {  	[tilespmem:s25], [sflag:$0x1] =	stream.linear.gather @!p1 [hbm4b:s0+s25], $0x800, $0x38;
	[tilespmem:$0x7900] =	vst v63  }
0x95: {  	s30 =	simm.s32 @!p2 $0x3;
	s0 =	sadd.s32 @!p1 $0xC3800, s1;
	s1 =	simm.s32 @!p1 $0x1800  }
0x96: {  	[tilespmem:s1], [sflag:$0x1] =	stream.linear.gather @!p1 [hbm4b:s0+s25], $0x800, $0x38;
	[tilespmem:$0x7900] =	vst v63  }
0x97: {  	p0 =	sne.s32 s26, $0x6300;
	s29 =	simm.s32 @!p2 $0x7;
	_ =	swait.ge @!p2 [sflag:s30], $0x800  }
.Ltmp2:
0x98: {  	s24 =	sadd.s32 $0x3, s24;
	[sflag:s30] =	ssyncset.done @!p2 $0x0;
	(pc) =	sbr.rel @p0 .LBB2_2-.Ltmp2, $4  }
0x99: {  	s31 =	simm.s32 @!p2 $0x1000;
	s25 =	sadd.s32 $0xFFFFFFFD, s24;
	[sflag:s30] =	ssyncadd.s32 @!p2 $0xFFFFF800  }
0x9a: {  	s23 =	smov.u32 s28;
	p1 =	sge.u32 s25, s5;
	_ =	swait.ge @!p2 [sflag:s30], $0x800  }
0x9b: {  	s28 =	simm.s32 @!p2 $0x4000;
	p3 =	seq.s32 @!p1 s23, $0x0;
	[sflag:s30] =	ssyncset.done @!p2 $0x0  }
0x9c: {  	s0 =	sadd.s32 @!p1 $0xFFFFFFFE, s24;
	[sflag:s30] =	ssyncadd.s32 @!p2 $0xFFFFF800;
	s30 =	simm.s32 @!p2 $0x800  }
0x9d: {  	[tilespmem:s28], [sflag:$0x7] =	stream.indirect.gather @!p2 [spmem:s2], $0x1, s31, s30, $0xb8;
	[tilespmem:$0x7900] =	vst v63  }
0x9e: {  	_ =	swait.ge @!p2 [sflag:s29], $0x800  }
0x9f: {  	p0 =	sge.u32 @!p1 s0, s5;
	p3 =	por p3, p1;
	[sflag:s29] =	ssyncset.done @!p2 $0x0  }
0xa0: {  	s0 =	simm.s32 @!p2 $0x2800;
	s1 =	simm.s32 @!p3 $0x5;
	[sflag:s29] =	ssyncadd.s32 @!p2 $0xFFFFF800  }
0xa1: {  	[spmem:s3] =	stream.indirect.scatter.add.f32 @!p2 [tilespmem:s28], [sflag:$0x6], $0x1, s0, s30, $0xb8;
	[tilespmem:$0x7900] =	vst v63  }
0xa2: {  	p0 =	por p0, p1;
	_ =	swait.ge @!p3 [sflag:s1], $0x800  }
0xa3: {  	s0 =	sadd.s32 @!p0 s23, s14;
	s28 =	simm.s32 @!p0 $0x800;
	[sflag:s1] =	ssyncset.done @!p3 $0x0  }
0xa4: {  	s26 =	sadd.s32 @!p0 $0x100, s0;
	[sflag:s1] =	ssyncadd.s32 @!p3 $0xFFFFF800;
	s1 =	simm.s32 @!p0 $0x0  }
0xa5: {  	[tilespmem:s28], [sflag:$0x2] =	stream.linear.gather @!p0 [hbm4b:s26+s1], $0x800, $0x38;
	[tilespmem:$0x7900] =	vst v63  }
0xa6: {  	s0 =	sadd.s32 @!p0 $0xC3600, s0;
	s26 =	simm.s32 @!p0 $0x2000;
	s28 =	simm.s32 @!p1 $0x1  }
0xa7: {  	[tilespmem:s26], [sflag:$0x2] =	stream.linear.gather @!p0 [hbm4b:s0+s1], $0x800, $0x38;
	[tilespmem:$0x7900] =	vst v63  }
0xa8: {  	_ =	swait.ge @!p1 [sflag:s28], $0x800  }
0xa9: {  	[sflag:s28] =	ssyncset.done @!p1 $0x0  }
0xaa: {  	[sflag:s28] =	ssyncadd.s32 @!p1 $0xFFFFF800  }
0xab: {  	_ =	swait.ge @!p1 [sflag:s28], $0x800  }
0xac: {  	s0 =	simm.s32 @!p1 $0x3000;
	s1 =	simm.s32 @!p1 $0x7;
	[sflag:s28] =	ssyncset.done @!p1 $0x0  }
0xad: {  	s26 =	simm.s32 @!p1 $0x800;
	[sflag:s28] =	ssyncadd.s32 @!p1 $0xFFFFF800;
	s28 =	simm.s32 @!p1 $0x0  }
0xae: {  	[tilespmem:s0], [sflag:$0x7] =	stream.indirect.gather @!p1 [spmem:s2], $0x1, s28, s26, $0xb8;
	[tilespmem:$0x7900] =	vst v63  }
0xaf: {  	_ =	swait.ge @!p1 [sflag:s1], $0x800  }
0xb0: {  	[sflag:s1] =	ssyncset.done @!p1 $0x0;
	s30 =	rddreg [dreg:$0x5]  }
0xb1: {  	[sflag:s1] =	ssyncadd.s32 @!p1 $0xFFFFF800;
	s1 =	simm.s32 @!p1 $0x1800;
	p0 =	sge.u32 s25, s30  }
0xb2: {  	[spmem:s3] =	stream.indirect.scatter.add.f32 @!p1 [tilespmem:s0], [sflag:$0x4], $0x1, s1, s26, $0xb8;
	[tilespmem:$0x7900] =	vst v63  }
0xb3: {  	p1 =	seq.s32 @!p0 s23, $0x0  }
0xb4: {  	s0 =	sadd.s32 @!p0 $0xFFFFFFFF, s24;
	p1 =	por p1, p0  }
0xb5: {  	p2 =	sge.u32 @!p0 s0, s5;
	s0 =	simm.s32 @!p1 $0x6  }
0xb6: {  	p2 =	por p2, p0;
	_ =	swait.ge @!p1 [sflag:s0], $0x800  }
0xb7: {  	s1 =	sadd.s32 @!p2 s23, s14;
	s28 =	simm.s32 @!p2 $0x1000;
	[sflag:s0] =	ssyncset.done @!p1 $0x0  }
0xb8: {  	s26 =	sadd.s32 @!p2 $0x200, s1;
	[sflag:s0] =	ssyncadd.s32 @!p1 $0xFFFFF800;
	s0 =	simm.s32 @!p2 $0x0  }
0xb9: {  	[tilespmem:s28], [sflag:$0x3] =	stream.linear.gather @!p2 [hbm4b:s26+s0], $0x800, $0x38;
	[tilespmem:$0x7900] =	vst v63  }
0xba: {  	s1 =	sadd.s32 @!p2 $0xC3700, s1;
	s26 =	simm.s32 @!p2 $0x2800;
	s28 =	simm.s32 @!p0 $0x2  }
0xbb: {  	[tilespmem:s26], [sflag:$0x3] =	stream.linear.gather @!p2 [hbm4b:s1+s0], $0x800, $0x38;
	[tilespmem:$0x7900] =	vst v63  }
0xbc: {  	_ =	swait.ge @!p0 [sflag:s28], $0x800  }
0xbd: {  	[sflag:s28] =	ssyncset.done @!p0 $0x0  }
0xbe: {  	[sflag:s28] =	ssyncadd.s32 @!p0 $0xFFFFF800  }
0xbf: {  	_ =	swait.ge @!p0 [sflag:s28], $0x800  }
0xc0: {  	s0 =	simm.s32 @!p0 $0x7;
	[sflag:s28] =	ssyncset.done @!p0 $0x0  }
0xc1: {  	s1 =	simm.s32 @!p0 $0x800;
	s26 =	simm.s32 @!p0 $0x3800;
	[sflag:s28] =	ssyncadd.s32 @!p0 $0xFFFFF800  }
0xc2: {  	[tilespmem:s26], [sflag:$0x7] =	stream.indirect.gather @!p0 [spmem:s2], $0x1, s1, s1, $0xb8;
	[tilespmem:$0x7900] =	vst v63  }
0xc3: {  	_ =	swait.ge @!p0 [sflag:s0], $0x800  }
0xc4: {  	[sflag:s0] =	ssyncset.done @!p0 $0x0  }
0xc5: {  	s31 =	rddreg [dreg:$0x6];
	[sflag:s0] =	ssyncadd.s32 @!p0 $0xFFFFF800;
	s0 =	simm.s32 @!p0 $0x2000  }
0xc6: {  	[spmem:s3] =	stream.indirect.scatter.add.f32 @!p0 [tilespmem:s26], [sflag:$0x5], $0x1, s0, s1, $0xb8;
	[tilespmem:$0x7900] =	vst v63  }
0xc7: {  	p0 =	sge.u32 s25, s31  }
0xc8: {  	s0 =	simm.s32 @!p0 $0x4;
	p1 =	sge.u32 @!p0 s24, s5  }
0xc9: {  	_ =	swait.ge @!p0 [sflag:s0], $0x800;
	p1 =	por p1, p0  }
0xca: {  	[sflag:s0] =	ssyncset.done @!p0 $0x0;
	s1 =	sadd.s32 @!p1 s23, s14  }
0xcb: {  	s23 =	simm.s32 @!p1 $0x0;
	[sflag:s0] =	ssyncadd.s32 @!p0 $0xFFFFF800;
	s0 =	sadd.s32 @!p1 $0x300, s1  }
0xcc: {  	[tilespmem:s23], [sflag:$0x1] =	stream.linear.gather @!p1 [hbm4b:s0+s23], $0x800, $0x38;
	[tilespmem:$0x7900] =	vst v63  }
0xcd: {  	s24 =	simm.s32 @!p0 $0x3;
	s0 =	sadd.s32 @!p1 $0xC3800, s1;
	s1 =	simm.s32 @!p1 $0x1800  }
0xce: {  	[tilespmem:s1], [sflag:$0x1] =	stream.linear.gather @!p1 [hbm4b:s0+s23], $0x800, $0x38;
	[tilespmem:$0x7900] =	vst v63  }
0xcf: {  	_ =	swait.ge @!p0 [sflag:s24], $0x800  }
0xd0: {  	[sflag:s24] =	ssyncset.done @!p0 $0x0  }
0xd1: {  	[sflag:s24] =	ssyncadd.s32 @!p0 $0xFFFFF800  }
0xd2: {  	_ =	swait.ge @!p0 [sflag:s24], $0x800  }
0xd3: {  	s0 =	simm.s32 @!p0 $0x7;
	s1 =	simm.s32 @!p0 $0x4000;
	[sflag:s24] =	ssyncset.done @!p0 $0x0  }
0xd4: {  	s23 =	simm.s32 @!p0 $0x1000;
	[sflag:s24] =	ssyncadd.s32 @!p0 $0xFFFFF800;
	s24 =	simm.s32 @!p0 $0x800  }
0xd5: {  	[tilespmem:s1], [sflag:$0x7] =	stream.indirect.gather @!p0 [spmem:s2], $0x1, s23, s24, $0xb8;
	[tilespmem:$0x7900] =	vst v63  }
0xd6: {  	_ =	swait.ge @!p0 [sflag:s0], $0x800  }
0xd7: {  	[sflag:s0] =	ssyncset.done @!p0 $0x0  }
0xd8: {  	s23 =	simm.s32 @!p0 $0x2800;
	[sflag:s0] =	ssyncadd.s32 @!p0 $0xFFFFF800;
	s0 =	sand.u32 $0xFF, s11  }
0xd9: {  	[spmem:s3] =	stream.indirect.scatter.add.f32 @!p0 [tilespmem:s1], [sflag:$0x6], $0x1, s23, s24, $0xb8;
	[tilespmem:$0x7900] =	vst v63  }
0xda: {  	p0 =	sne.s32 s0, $0x0  }
.Ltmp3:
0xdb: {  	_ = 	snop;
	(pc) =	sbr.rel @!p0 .LBB2_4-.Ltmp3, $1  }
0xdc: {  	_ =	sdelay $0x3  }
0xdd: {  	p0 =	seq.s32 s0, $0x1  }
0xde: {  	s0 =	sand.u32 @!p0 $0xFF, s11  }
0xdf: {  	p1 =	seq.s32 @!p0 s0, $0x2  }
0xe0: {  	_ =	swait.ge [sflag:s21], $0x800;
	p1 =	por p0, !p1  }
.Ltmp4:
0xe1: {  	[sflag:s21] =	ssyncset.done $0x0;
	(pc) =	sbr.rel @!p1 .LBB2_7-.Ltmp4, $4  }
.Ltmp5:
0xe2: {  	s1 =	simm.s32 @!p0 $0x5;
	[sflag:s21] =	ssyncadd.s32 $0xFFFFF800;
	(pc) =	sbr.rel @p1 .LBB2_6-.Ltmp5, $4  }
0xe3: {  	_ =	swait.ge @!p0 [sflag:s1], $0x800  }
0xe4: {  	[sflag:s1] =	ssyncset.done @!p0 $0x0  }
0xe5: {  	[sflag:s1] =	ssyncadd.s32 @!p0 $0xFFFFF800  }
0xe6: {  	_ = 	snop  }
.LBB2_8:
0xe7: {  	_ =	sfence.sel $0x180000  }
0xe8: {  	[bflag:$0x0] =	sbarrier.arrive $0xFFFF  }
0xe9: {  	_ =	strace $0x9000004D  }
0xea: {  	s0 =	stileid.u32;
	[bflag:$0x2] =	sbarrier.arrive $0xFFFF  }
0xeb: {  	p0 =	sne.s32 s0, $0x0;
	s0 =	rddreg [dreg:$0x4]  }
0xec: {  	s0 =	sadd.s32 @!p0 $0x100000, s0  }
0xed: {  	[sflag:s0] =	ssyncadd.tile.s32 @!p0 $0x1;
	_ =	shalt  }
.Lfunc_end2:
_tile_overlayer_lowered:
.L_overlay_start_2:
0xee: {  	(tag) =	ssettag $0x2  }
0xef: {  	s0 =	rddreg [dreg:$0x0];
	s2 =	stileid.u32  }
0xf0: {  	s1 =	rddreg [dreg:$0x1];
	p0 =	sne.s32 s2, $0x0  }
0xf1: {  	s3 =	rddreg [dreg:$0x2];
	[bflag:$0x3] =	sbarrier.arrive $0xFFFF;
	s2 =	simm.s32 @!p0 $0x1C07  }
0xf2: {  	[timem:s3], [sflag:s2] =	dma.local @!p0 [hbm:s0], s1  }
0xf3: {  	s0 =	simm.s32 @!p0 $0x7  }
0xf4: {  	_ =	swait.ge @!p0 [sflag:s0], s1  }
0xf5: {  	s1 =	ssub.s32 @!p0 $0x0, s1;
	[sflag:s0] =	ssyncset.done @!p0 $0x0  }
0xf6: {  	[sflag:s0] =	ssyncadd.s32 @!p0 s1  }
0xf7: {  	[bflag:$0x3] =	sbarrier.arrive $0xFFFF  }
0xf8: {  	_ =	shalt  }

// kernel: kernel.14.cloned.1.call-start
scs
__scs_entry_jumppad:
0x0: {  	(pc) =	sbr.rel $0x88, $3  }
0x1: {  	(tag) =	ssettag $0x0;
	lr =	simm.s32 $0x1  }
0x2: {  	[smem:$0x3F9B] =	sst lr;
	_ =	strace $0xD0000000  }
0x3: {  	_ = 	snop  }
0x4: {  	_ = 	snop  }
0x5: {  	_ = 	snop  }
0x6: {  	_ = 	snop  }
0x7: {  	_ = 	snop  }
__scs_overlays_trampoline_lowered:
0x8: {  	[smem:$0x3FAA] =	sst s0  }
0x9: {  	[smem:$0x3FAB] =	sst s1  }
0xa: {  	[smem:$0x3FAC] =	sst s2  }
0xb: {  	[smem:$0x3FAD] =	sst s3  }
0xc: {  	[smem:$0x3FAE] =	sst s4  }
0xd: {  	[smem:$0x3FAF] =	sst s5  }
0xe: {  	[smem:$0x3FB0] =	sst s6  }
0xf: {  	[smem:$0x3FB1] =	sst s7  }
0x10: {  	[smem:$0x3FB2] =	sst s8  }
0x11: {  	[smem:$0x3FB3] =	sst s9;
	s0 =	simm.s32 @!p0 $0x0  }
0x12: {  	s1 =	sld [smem:$0x3F99];
	s0 =	simm.s32 @p0 $0x1  }
0x13: {  	[smem:$0x3FB4] =	sst s0;
	s0 =	simm.s32 @!p1 $0x0  }
0x14: {  	s2 =	sld [smem:$0x3F98];
	s0 =	simm.s32 @p1 $0x1  }
0x15: {  	[smem:$0x3FB5] =	sst s0;
	s0 =	simm.s32 @!p2 $0x0  }
0x16: {  	s3 =	sld [smem:$0x3FDB];
	s0 =	simm.s32 @p2 $0x1  }
0x17: {  	s4 =	simm.s32 $0x1BF5;
	[smem:$0x3FB7] =	sst s0  }
0x18: {  	s0 =	sld [smem:$0x3F9A];
	_ =	swait.ge [sflag:s4], $0x0  }
0x19: {  	s7 =	sld [smem:$0x3F9B]  }
0x1a: {  	s8 =	sadd.s32 $0xFFFFE003, lr  }
0x1b: {  	s9 =	sadd.s32 $0xFFFFFEF7, lr;
	s5 =	simm.s32 $0xFFFFFFFF;
	p2 =	slt.u32 s8, $0xFFFFF086  }
0x1c: {  	p1 =	slt.u32 s9, $0xF7A;
	s5 =	simm.s32 @!p2 $0x0  }
0x1d: {  	s5 =	simm.s32 @p1 $0x1;
	p0 =	seq.s32 s7, s2  }
0x1e: {  	s7 =	smul.u32 @!p0 $0xF7A, s2;
	p2 =	seq.s32 @!p0 s5, $0x0  }
0x1f: {  	s9 =	smul.u32 $0xF7A, s1;
	s8 =	simm.s32 @!p0 $0x1BF5;
	p2 =	por !p2, p0  }
0x20: {  	[sflag:s8] =	ssyncset.s32 @!p0 $0xFFFFF086;
	s6 =	sadd.s32 @!p0 s3, s7;
	s7 =	simm.s32 @!p0 $0x108  }
0x21: {  	s3 =	sadd.s32 s3, s9;
	s6 =	sadd.s32 @!p0 $0x88, s6;
	s7 =	simm.s32 @p2 $0x1082  }
0x22: {  	[simem:s7], [sflag:s8] =	dma.local @!p0 [hbm:s6], $0xF7A  }
0x23: {  	s9 =	sor.u32 $0xD0000000, s2;
	s6 =	simm.s32 $0x108;
	_ =	swait.ge @!p0 [sflag:s8], $0x0  }
0x24: {  	s3 =	sadd.s32 $0x88, s3;
	s6 =	simm.s32 @!p1 $0x1082;
	[sflag:s4] =	ssyncset.s32 $0xFFFFF086  }
0x25: {  	[simem:s6], [sflag:s4] =	dma.local [hbm:s3], $0xF7A  }
0x26: {  	[smem:$0x3F9B] =	sst s1;
	(tag) =	ssettag s2;
	_ =	strace s9  }
0x27: {  	s1 =	sld [smem:$0x3FAB]  }
0x28: {  	s2 =	sld [smem:$0x3FAC]  }
0x29: {  	s4 =	sld [smem:$0x3FAE]  }
0x2a: {  	p0 =	seq.s32 s5, $0x0;
	s5 =	sld [smem:$0x3FAF]  }
0x2b: {  	s6 =	sld [smem:$0x3FB0]  }
0x2c: {  	s7 =	sld [smem:$0x3FB1]  }
0x2d: {  	s3 =	simm.s32 $0x108;
	s8 =	sld [smem:$0x3FB2]  }
0x2e: {  	s3 =	simm.s32 @!p0 $0x1082;
	s9 =	sld [smem:$0x3FB3]  }
0x2f: {  	lr =	sadd.s32 s0, s3;
	s0 =	sld [smem:$0x3FAA]  }
0x30: {  	s3 =	sld [smem:$0x3FAD]  }
0x31: {  	[smem:$0x3FB6] =	sst s10  }
0x32: {  	s10 =	sld [smem:$0x3FB4];
	_ =	sdelay $0x3  }
0x33: {  	p0 =	seq.s32 s10, $0x1;
	s10 =	sld [smem:$0x3FB6];
	_ =	sdelay $0x3  }
0x34: {  	[smem:$0x3FB6] =	sst s10  }
0x35: {  	s10 =	sld [smem:$0x3FB5];
	_ =	sdelay $0x3  }
0x36: {  	p1 =	seq.s32 s10, $0x1;
	s10 =	sld [smem:$0x3FB6];
	_ =	sdelay $0x3  }
0x37: {  	[smem:$0x3FB6] =	sst s10  }
0x38: {  	s10 =	sld [smem:$0x3FB7]  }
0x39: {  	_ = 	snop;
	(pc) =	sbr.ind lr, $3  }
0x3a: {  	_ = 	snop  }
0x3b: {  	_ = 	snop  }
0x3c: {  	p2 =	seq.s32 s10, $0x1;
	s10 =	sld [smem:$0x3FB6]  }
0x3d: {  	_ =	shalt  }
0x3e: {  	_ =	shalt  }
0x3f: {  	_ =	shalt  }
0x40: {  	_ =	shalt  }
0x41: {  	_ =	shalt  }
0x42: {  	_ =	shalt  }
0x43: {  	_ =	shalt  }
0x44: {  	_ =	shalt  }
0x45: {  	_ =	shalt  }
0x46: {  	_ =	shalt  }
0x47: {  	_ =	shalt  }
0x48: {  	_ =	shalt  }
0x49: {  	_ =	shalt  }
0x4a: {  	_ =	shalt  }
0x4b: {  	_ =	shalt  }
0x4c: {  	_ =	shalt  }
0x4d: {  	_ =	shalt  }
0x4e: {  	_ =	shalt  }
0x4f: {  	_ =	shalt  }
0x50: {  	_ =	shalt  }
0x51: {  	_ =	shalt  }
0x52: {  	_ =	shalt  }
0x53: {  	_ =	shalt  }
0x54: {  	_ =	shalt  }
0x55: {  	_ =	shalt  }
0x56: {  	_ =	shalt  }
0x57: {  	_ =	shalt  }
0x58: {  	_ =	shalt  }
0x59: {  	_ =	shalt  }
0x5a: {  	_ =	shalt  }
0x5b: {  	_ =	shalt  }
0x5c: {  	_ =	shalt  }
0x5d: {  	_ =	shalt  }
0x5e: {  	_ =	shalt  }
0x5f: {  	_ =	shalt  }
0x60: {  	_ =	shalt  }
0x61: {  	_ =	shalt  }
0x62: {  	_ =	shalt  }
0x63: {  	_ =	shalt  }
0x64: {  	_ =	shalt  }
0x65: {  	_ =	shalt  }
0x66: {  	_ =	shalt  }
0x67: {  	_ =	shalt  }
0x68: {  	_ =	shalt  }
0x69: {  	_ =	shalt  }
0x6a: {  	_ =	shalt  }
0x6b: {  	_ =	shalt  }
0x6c: {  	_ =	shalt  }
0x6d: {  	_ =	shalt  }
0x6e: {  	_ =	shalt  }
0x6f: {  	_ =	shalt  }
0x70: {  	_ =	shalt  }
0x71: {  	_ =	shalt  }
0x72: {  	_ =	shalt  }
0x73: {  	_ =	shalt  }
0x74: {  	_ =	shalt  }
0x75: {  	_ =	shalt  }
0x76: {  	_ =	shalt  }
0x77: {  	_ =	shalt  }
0x78: {  	_ =	shalt  }
0x79: {  	_ =	shalt  }
0x7a: {  	_ =	shalt  }
0x7b: {  	_ =	shalt  }
0x7c: {  	_ =	shalt  }
0x7d: {  	_ =	shalt  }
0x7e: {  	_ =	shalt  }
0x7f: {  	_ =	shalt  }
0x80: {  	_ =	shalt  }
0x81: {  	_ =	shalt  }
0x82: {  	_ =	shalt  }
0x83: {  	_ =	shalt  }
0x84: {  	_ =	shalt  }
0x85: {  	_ =	shalt  }
0x86: {  	_ =	shalt  }
0x87: {  	_ =	shalt  }
.Lfunc_end0:
.L_simem_size_0:
called_computation.3_lowered:
.L_overlay_start_0:
0x88: {  	s2 =	sld [smem:$0x3FD9]  }
0x89: {  	s3 =	sld [smem:$0x3FFE];
	_ =	sdelay $0x1  }
0x8a: {  	s1 =	srdreg.scid  }
0x8b: {  	s0 =	sand.u32 $0x1, s1  }
0x8c: {  	s17 =	sshll.u32 s0, $0xA;
	s2 =	sadd.s32 s3, s2  }
0x8d: {  	s2 =	sadd.s32 s2, s17  }
0x8e: {  	[smem:$0x3FC2] =	sst s2  }
0x8f: {  	_ = 	snop  }
0x90: {  	s2 =	sld [smem:$0x3FD0];
	(tm) =	ssettm $0x1  }
0x91: {  	s18 =	sld [smem:$0x3FFB];
	_ =	sdelay $0x3  }
0x92: {  	_ =	strace s18  }
0x93: {  	s3 =	sld [smem:$0x3FFC];
	_ =	sdelay $0x3  }
0x94: {  	_ =	strace s3  }
0x95: {  	s3 =	sld [smem:$0x3FFD];
	_ =	sdelay $0x3  }
0x96: {  	_ =	strace s3  }
0x97: {  	_ =	strace $0x8FFFFFFF  }
0x98: {  	s19 =	sld [smem:$0x3FDB];
	_ =	sdelay $0x1  }
0x99: {  	s4 =	simm.s32 $_scs_section_size  }
0x9a: {  	s5 =	simm.s32 $_size__tile_overlayer_lowered;
	s6 =	simm.s32 $_tile_overlayer_lowered  }
0x9b: {  	s22 =	simm.s32 $0x1BFF;
	s21 =	sshll.u32 s6, $0x1;
	s3 =	sadd.s32 s4, s19  }
0x9c: {  	s7 =	simm.s32 $0x0;
	s20 =	sshll.u32 s5, $0x1;
	s5 =	sadd.s32 s21, s3  }
0x9d: {  	[timem:s7], [sflag:s22] =	dma.local [hbm:s5], s20  }
0x9e: {  	_ =	swait.ge [sflag:s22], s20  }
0x9f: {  	s4 =	ssub.s32 $0x0, s20;
	[sflag:s22] =	ssyncset.done $0x0  }
0xa0: {  	[sflag:s22] =	ssyncadd.s32 s4;
	_ =	sdelay $0x1  }
0xa1: {  	s23 =	simm.s32 $0x1B8B  }
0xa2: {  	_ =	swait.ge [sflag:s23], $0x1  }
0xa3: {  	[sflag:s23] =	ssyncset.done $0x0  }
0xa4: {  	s25 =	simm.s32 $0x1B8E;
	s24 =	sld [smem:$0x3FFE];
	[sflag:s23] =	ssyncadd.s32 $0xFFFFFFFF  }
0xa5: {  	s26 =	simm.s32 $execute0_lowered;
	[smem:$0x3FD2] =	sst s25  }
0xa6: {  	s5 =	sshll.u32 s26, $0x1;
	_ =	strace $0x8000004F;
	[dreg:$0x1] =	wrdreg $0xFFFFFFFF  }
0xa7: {  	s28 =	simm.s32 $_size_execute0_lowered;
	s3 =	sadd.s32 s3, s5;
	[dreg:$0x0] =	wrdreg $0x0  }
0xa8: {  	s5 =	sshll.u32 s28, $0x1;
	[dreg:$0x2] =	wrdreg s3  }
0xa9: {  	[dreg:$0x3] =	wrdreg s5  }
0xaa: {  	[dreg:$0x4] =	wrdreg $0xC0  }
0xab: {  	_ =	task [dreg:s7], $0x5FFFF  }
0xac: {  	[dreg:$0x1] =	wrdreg $0xFFFFFFFF  }
0xad: {  	[dreg:$0x0] =	wrdreg $0x60  }
0xae: {  	[dreg:$0x2] =	wrdreg s24  }
0xaf: {  	[dreg:$0x3] =	wrdreg s2  }
0xb0: {  	[dreg:$0x4] =	wrdreg $0x60000  }
0xb1: {  	[dreg:$0x5] =	wrdreg $0x78800  }
0xb2: {  	[dreg:$0x6] =	wrdreg $0x91000  }
0xb3: {  	[dreg:$0x7] =	wrdreg $0xA9800  }
0xb4: {  	[dreg:$0x8] =	wrdreg $0x9  }
0xb5: {  	_ =	task.clear_ibuf [dreg:s7], $0x9FFFF;
	_ =	strace $0x9000004F  }
0xb6: {  	s29 =	simm.s32 $0x9;
	_ =	strace $0x80000051  }
0xb7: {  	_ =	swait.ge [sflag:s29], $0x1  }
0xb8: {  	[sflag:s29] =	ssyncadd.s32 $0xFFFFFFFF  }
0xb9: {  	_ =	strace $0x90000051  }
0xba: {  	_ =	sfence  }
0xbb: {  	s30 =	sld [smem:$0x0];
	_ =	sdelay $0x2  }
0xbc: {  	s31 =	sshll.u32 s1, $0xD;
	s1 =	sshrl.u32 s1, $0x2  }
0xbd: {  	s3 =	sand.u32 $0x4000, s31;
	s1 =	sadd.s32 s1, s30  }
0xbe: {  	s0 =	sor.u32 s3, s0;
	s1 =	sshll.u32 s1, $0x11  }
0xbf: {  	s0 =	sor.u32 s1, s0  }
0xc0: {  	s0 =	sadd.s32 $0x8F2B, s0  }
0xc1: {  	[sflag:s0] =	ssyncadd.remote.s32 $0x1  }
0xc2: {  	_ =	sfence.sel $0xFFFF  }
0xc3: {  	[dreg:$0x0] =	wrdreg $0xFFFFFFFF;
	(pc) =	sbr.abs _section_cstart, $3  }
0xc4: {  	[dreg:$0x1] =	wrdreg $0xFFFFFFFF  }
0xc5: {  	_ =	task.clear_ibuf [dreg:s7], $0x2FFFF;
	_ =	strace $0x9FFFFFFF  }
0xc6: {  	(tm) =	ssettm $0x7FFFFFFF  }
0xc7: {  	_ =	shalt  }
tec
execute0_lowered:
.L_overlay_start_1:
0x0: {  	(tag) =	ssettag $0x1  }
0x1: {  	s0 =	rddreg [dreg:$0x0]  }
0x2: {  	s3 =	rddreg [dreg:$0x1]  }
0x3: {  	s1 =	rddreg [dreg:$0x2]  }
0x4: {  	s2 =	rddreg [dreg:$0x3]  }
0x5: {  	s4 =	rddreg [dreg:$0x4]  }
0x6: {  	s16 =	stileid.u32;
	s6 =	srdreg.scid  }
0x7: {  	s5 =	rddreg [dreg:$0x5];
	s9 =	simm.s32 $0x0;
	s7 =	smul.u32 $0x1880, s16  }
0x8: {  	s6 =	sand.u32 $0x1, s6;
	[smem:$0x7FF] =	sst s9;
	s15 =	smul.u32 $0x61, s16  }
0x9: {  	s10 =	sadd.s32 $0x2800, s0;
	s31 =	sshll.u32 s16, $0x6;
	s8 =	smul.u32 $0x31000, s6  }
0xa: {  	_ =	strace $0x80000050;
	s28 =	ssub.s32 $0x2, s6;
	s13 =	smul.u32 $0x61B, s6  }
0xb: {  	s14 =	sxor.u32 $0xB, s6;
	s9 =	sor.u32 $0x1C08, s31;
	s6 =	smul.u32 $0x61B00, s6  }
0xc: {  	s11 =	sshrl.u32 s7, $0x3;
	s29 =	sshrl.u32 s28, $0x1;
	s21 =	sadd.s32 s7, s1  }
0xd: {  	p0 =	slt.u32 s16, s14;
	s23 =	sadd.s32 s7, s2;
	s18 =	smin.u32 s16, s14  }
0xe: {  	s20 =	sadd.s32 s7, s4;
	s8 =	sadd.s32 s7, s8;
	s12 =	sadd.s32 s11, s0  }
0xf: {  	s19 =	ssub.s32 s28, s29;
	s13 =	sadd.s32 s15, s13;
	[dreg:$0xb] =	wrdreg s20  }
0x10: {  	s7 =	sadd.s32 s7, s5;
	s29 =	smul.u32 $0x6100, s16;
	s31 =	sshll.u32 s18, $0x8  }
0x11: {  	s21 =	sshrl.u32 s21, $0x3;
	s23 =	sshrl.u32 s23, $0x3;
	s8 =	sshrl.u32 s8, $0x3  }
0x12: {  	s30 =	sadd.s32 $0x189200, s12;
	s12 =	sadd.s32 $0x18C300, s12;
	[dreg:$0xc] =	wrdreg s7  }
0x13: {  	s13 =	sadd.s32 s18, s13;
	s19 =	smax.u32 s19, $0x1;
	[dreg:$0x9] =	wrdreg s30  }
0x14: {  	s0 =	sadd.s32 s8, s0;
	s8 =	simm.s32 $0x62;
	[dreg:$0xa] =	wrdreg s12  }
0x15: {  	s12 =	sadd.s32 s3, s11;
	s22 =	sshll.u32 s13, $0x8;
	s8 =	simm.s32 @!p0 $0x61  }
0x16: {  	s30 =	sadd.s32 s6, s10;
	s14 =	sadd.s32 s10, s22;
	s17 =	smul.u32 $0x56, s8  }
0x17: {  	s3 =	sadd.s32 s29, s30;
	s18 =	sadd.s32 $0x192500, s0;
	s22 =	simm.s32 $0x8  }
0x18: {  	s15 =	sadd.s32 $0xC3500, s14;
	s26 =	sadd.s32 $0xFFFFFFFF, s8;
	s24 =	sshrl.u32 s17, $0x8  }
0x19: {  	s28 =	sadd.s32 $0xFFFFFFFE, s8;
	[dreg:$0x7] =	wrdreg s26;
	s25 =	smul.u32 $0x3, s24  }
0x1a: {  	s20 =	sadd.s32 s31, s3;
	[dreg:$0x8] =	wrdreg s28;
	s26 =	simm.s32 $0x0  }
0x1b: {  	s17 =	sadd.s32 $0x18F400, s0;
	s16 =	ssub.s32 s8, s25;
	s25 =	simm.s32 $0x6  }
.LBB2_1:
0x1c: {  	s0 =	rddreg [dreg:$0x9]  }
0x1d: {  	[spmem:s21], [sflag:s9] =	dma.local [hbm:s0], $0x310  }
0x1e: {  	_ =	swait.ge [sflag:s22], $0x310  }
0x1f: {  	[sflag:s22] =	ssyncset.done $0x0  }
0x20: {  	s6 =	rddreg [dreg:$0xa];
	[sflag:s22] =	ssyncadd.s32 $0xFFFFFCF0  }
0x21: {  	[spmem:s23], [sflag:s9] =	dma.local [hbm:s6], $0x310  }
0x22: {  	_ =	swait.ge [sflag:s22], $0x310  }
0x23: {  	[sflag:s22] =	ssyncset.done $0x0;
	s7 =	rddreg [dreg:$0xb]  }
0x24: {  	[sflag:s22] =	ssyncadd.s32 $0xFFFFFCF0;
	s28 =	sshrl.u32 s7, $0x3  }
0x25: {  	[spmem:s28], [sflag:s9] =	dma.local [hbm:s12], $0x310  }
0x26: {  	_ =	swait.ge [sflag:s22], $0x310  }
0x27: {  	[sflag:s22] =	ssyncset.done $0x0;
	s10 =	rddreg [dreg:$0xc]  }
0x28: {  	[sflag:s22] =	ssyncadd.s32 $0xFFFFFCF0;
	s29 =	sshrl.u32 s10, $0x3  }
0x29: {  	[spmem:s29], [sflag:s9] =	dma.local [hbm:s12], $0x310  }
0x2a: {  	_ =	swait.ge [sflag:s22], $0x310  }
0x2b: {  	p0 =	sle.u32 s8, $0x0;
	[sflag:s22] =	ssyncset.done $0x0  }
0x2c: {  	p1 =	por @!p0 $0x1, $0x1;
	[sflag:s22] =	ssyncadd.s32 $0xFFFFFCF0  }
0x2d: {  	s11 =	simm.s32 $0x0;
	p1 =	por p1, p0;
	[bflag:$0x0] =	sbarrier.arrive $0xFFFF  }
0x2e: {  	[tilespmem:s11], [sflag:$0x1] =	stream.linear.gather [hbm4b:s14+s11], $0x800, $0x38;
	[tilespmem:$0xC200] =	vst v63  }
0x2f: {  	s3 =	simm.s32 $0x1800;
	s0 =	simm.s32 @!p1 $0x5  }
0x30: {  	[tilespmem:s3], [sflag:$0x1] =	stream.linear.gather [hbm4b:s15+s11], $0x800, $0x38;
	[tilespmem:$0xC200] =	vst v63  }
0x31: {  	_ =	swait.ge @!p1 [sflag:s0], $0x800  }
0x32: {  	[sflag:s0] =	ssyncset.done @!p1 $0x0  }
0x33: {  	p2 =	sle.u32 @!p0 s8, $0x1;
	[sflag:s0] =	ssyncadd.s32 @!p1 $0xFFFFF800  }
0x34: {  	p2 =	por p2, p0;
	_ =	swait.ge @!p1 [sflag:s0], $0x800  }
0x35: {  	s6 =	simm.s32 @!p2 $0x800;
	s3 =	sadd.s32 @!p2 $0x0, s20;
	[sflag:s0] =	ssyncset.done @!p1 $0x0  }
0x36: {  	s7 =	simm.s32 @!p2 $0x0;
	[sflag:s0] =	ssyncadd.s32 @!p1 $0xFFFFF800;
	s0 =	sadd.s32 @!p2 $0x100, s3  }
0x37: {  	[tilespmem:s6], [sflag:$0x2] =	stream.linear.gather @!p2 [hbm4b:s0+s7], $0x800, $0x38;
	[tilespmem:$0xC200] =	vst v63  }
0x38: {  	s0 =	sadd.s32 @!p2 $0xC3600, s3;
	s3 =	simm.s32 @!p2 $0x2000;
	s6 =	simm.s32 @!p0 $0x1  }
0x39: {  	[tilespmem:s3], [sflag:$0x2] =	stream.linear.gather @!p2 [hbm4b:s0+s7], $0x800, $0x38;
	[tilespmem:$0xC200] =	vst v63  }
0x3a: {  	_ =	swait.ge @!p0 [sflag:s6], $0x800  }
0x3b: {  	[sflag:s6] =	ssyncset.done @!p0 $0x0  }
0x3c: {  	[sflag:s6] =	ssyncadd.s32 @!p0 $0xFFFFF800  }
0x3d: {  	_ =	swait.ge @!p0 [sflag:s6], $0x800  }
0x3e: {  	s0 =	simm.s32 @!p0 $0x3000;
	[sflag:s6] =	ssyncset.done @!p0 $0x0  }
0x3f: {  	s3 =	simm.s32 @!p0 $0x800;
	[sflag:s6] =	ssyncadd.s32 @!p0 $0xFFFFF800;
	s6 =	simm.s32 @!p0 $0x0  }
0x40: {  	[tilespmem:s0], [sflag:$0x7] =	stream.indirect.gather @!p0 [spmem:s1], $0x1, s6, s3, $0xb8;
	[tilespmem:$0xC200] =	vst v63  }
0x41: {  	s10 =	simm.s32 @!p0 $0x7;
	s7 =	simm.s32 @!p0 $0x4800  }
0x42: {  	[tilespmem:s7], [sflag:$0x7] =	stream.indirect.gather @!p0 [spmem:s2], $0x1, s6, s3, $0xb8;
	[tilespmem:$0xC200] =	vst v63  }
0x43: {  	_ =	swait.ge @!p0 [sflag:s10], $0x800  }
0x44: {  	[sflag:s10] =	ssyncset.done @!p0 $0x0  }
0x45: {  	[sflag:s10] =	ssyncadd.s32 @!p0 $0xFFFFF800  }
0x46: {  	_ =	swait.ge @!p0 [sflag:s10], $0x800  }
0x47: {  	[sflag:s10] =	ssyncset.done @!p0 $0x0;
	s13 =	rddreg [dreg:$0x7]  }
0x48: {  	[sflag:s10] =	ssyncadd.s32 @!p0 $0xFFFFF800;
	s10 =	simm.s32 @!p0 $0x1800;
	p1 =	sle.u32 s13, $0x0  }
0x49: {  	[spmem:s4] =	stream.indirect.scatter.add.f32 @!p0 [tilespmem:s0], [sflag:$0x4], $0x1, s10, s3, $0xb8;
	[tilespmem:$0xC200] =	vst v63  }
0x4a: {  	p2 =	por @!p1 $0x1, $0x1  }
0x4b: {  	p2 =	por p2, p1  }
0x4c: {  	s0 =	simm.s32 @!p2 $0x6  }
0x4d: {  	[spmem:s5] =	stream.indirect.scatter.add.f32 @!p0 [tilespmem:s7], [sflag:$0x4], $0x1, s10, s3, $0xb8;
	[tilespmem:$0xC200] =	vst v63  }
0x4e: {  	_ =	swait.ge @!p2 [sflag:s0], $0x800  }
0x4f: {  	[sflag:s0] =	ssyncset.done @!p2 $0x0  }
0x50: {  	p0 =	sle.u32 @!p1 s8, $0x2;
	[sflag:s0] =	ssyncadd.s32 @!p2 $0xFFFFF800  }
0x51: {  	p0 =	por p0, p1;
	_ =	swait.ge @!p2 [sflag:s0], $0x800  }
0x52: {  	s3 =	sadd.s32 @!p0 $0x0, s20;
	s6 =	simm.s32 @!p0 $0x1000;
	[sflag:s0] =	ssyncset.done @!p2 $0x0  }
0x53: {  	s7 =	simm.s32 @!p0 $0x0;
	[sflag:s0] =	ssyncadd.s32 @!p2 $0xFFFFF800;
	s0 =	sadd.s32 @!p0 $0x200, s3  }
0x54: {  	[tilespmem:s6], [sflag:$0x3] =	stream.linear.gather @!p0 [hbm4b:s0+s7], $0x800, $0x38;
	[tilespmem:$0xC200] =	vst v63  }
0x55: {  	s0 =	sadd.s32 @!p0 $0xC3700, s3;
	s3 =	simm.s32 @!p0 $0x2800;
	s6 =	simm.s32 @!p1 $0x2  }
0x56: {  	[tilespmem:s3], [sflag:$0x3] =	stream.linear.gather @!p0 [hbm4b:s0+s7], $0x800, $0x38;
	[tilespmem:$0xC200] =	vst v63  }
0x57: {  	_ =	swait.ge @!p1 [sflag:s6], $0x800  }
0x58: {  	[sflag:s6] =	ssyncset.done @!p1 $0x0  }
0x59: {  	[sflag:s6] =	ssyncadd.s32 @!p1 $0xFFFFF800  }
0x5a: {  	_ =	swait.ge @!p1 [sflag:s6], $0x800  }
0x5b: {  	[sflag:s6] =	ssyncset.done @!p1 $0x0  }
0x5c: {  	s0 =	simm.s32 @!p1 $0x800;
	s3 =	simm.s32 @!p1 $0x3800;
	[sflag:s6] =	ssyncadd.s32 @!p1 $0xFFFFF800  }
0x5d: {  	[tilespmem:s3], [sflag:$0x7] =	stream.indirect.gather @!p1 [spmem:s1], $0x1, s0, s0, $0xb8;
	[tilespmem:$0xC200] =	vst v63  }
0x5e: {  	s7 =	simm.s32 @!p1 $0x7;
	s6 =	simm.s32 @!p1 $0x5000  }
0x5f: {  	[tilespmem:s6], [sflag:$0x7] =	stream.indirect.gather @!p1 [spmem:s2], $0x1, s0, s0, $0xb8;
	[tilespmem:$0xC200] =	vst v63  }
0x60: {  	_ =	swait.ge @!p1 [sflag:s7], $0x800  }
0x61: {  	[sflag:s7] =	ssyncset.done @!p1 $0x0  }
0x62: {  	[sflag:s7] =	ssyncadd.s32 @!p1 $0xFFFFF800  }
0x63: {  	_ =	swait.ge @!p1 [sflag:s7], $0x800  }
0x64: {  	[sflag:s7] =	ssyncset.done @!p1 $0x0  }
0x65: {  	s24 =	rddreg [dreg:$0x8];
	[sflag:s7] =	ssyncadd.s32 @!p1 $0xFFFFF800;
	s7 =	simm.s32 @!p1 $0x2000  }
0x66: {  	[spmem:s4] =	stream.indirect.scatter.add.f32 @!p1 [tilespmem:s3], [sflag:$0x5], $0x1, s7, s0, $0xb8;
	[tilespmem:$0xC200] =	vst v63  }
0x67: {  	p2 =	sle.u32 s24, $0x0  }
0x68: {  	[spmem:s5] =	stream.indirect.scatter.add.f32 @!p1 [tilespmem:s6], [sflag:$0x5], $0x1, s7, s0, $0xb8;
	[tilespmem:$0xC200] =	vst v63  }
0x69: {  	s0 =	simm.s32 @!p2 $0x4  }
0x6a: {  	_ =	swait.ge @!p2 [sflag:s0], $0x800  }
0x6b: {  	[sflag:s0] =	ssyncset.done @!p2 $0x0  }
0x6c: {  	p0 =	sle.u32 @!p2 s8, $0x3;
	[sflag:s0] =	ssyncadd.s32 @!p2 $0xFFFFF800  }
0x6d: {  	p0 =	por p0, p2;
	_ =	swait.ge @!p2 [sflag:s0], $0x800  }
0x6e: {  	s3 =	sadd.s32 @!p0 $0x0, s20;
	[sflag:s0] =	ssyncset.done @!p2 $0x0  }
0x6f: {  	s6 =	simm.s32 @!p0 $0x0;
	[sflag:s0] =	ssyncadd.s32 @!p2 $0xFFFFF800;
	s0 =	sadd.s32 @!p0 $0x300, s3  }
0x70: {  	[tilespmem:s6], [sflag:$0x1] =	stream.linear.gather @!p0 [hbm4b:s0+s6], $0x800, $0x38;
	[tilespmem:$0xC200] =	vst v63  }
0x71: {  	s10 =	simm.s32 @!p2 $0x3;
	s0 =	sadd.s32 @!p0 $0xC3800, s3;
	s3 =	simm.s32 @!p0 $0x1800  }
0x72: {  	[tilespmem:s3], [sflag:$0x1] =	stream.linear.gather @!p0 [hbm4b:s0+s6], $0x800, $0x38;
	[tilespmem:$0xC200] =	vst v63  }
0x73: {  	_ =	swait.ge @!p2 [sflag:s10], $0x800  }
0x74: {  	[sflag:s10] =	ssyncset.done @!p2 $0x0  }
0x75: {  	[sflag:s10] =	ssyncadd.s32 @!p2 $0xFFFFF800  }
0x76: {  	_ =	swait.ge @!p2 [sflag:s10], $0x800  }
0x77: {  	s7 =	simm.s32 @!p2 $0x4000;
	[sflag:s10] =	ssyncset.done @!p2 $0x0  }
0x78: {  	s6 =	simm.s32 @!p2 $0x800;
	s0 =	simm.s32 @!p2 $0x1000;
	[sflag:s10] =	ssyncadd.s32 @!p2 $0xFFFFF800  }
0x79: {  	[tilespmem:s7], [sflag:$0x7] =	stream.indirect.gather @!p2 [spmem:s1], $0x1, s0, s6, $0xb8;
	[tilespmem:$0xC200] =	vst v63  }
0x7a: {  	s11 =	simm.s32 @!p2 $0x7;
	s10 =	simm.s32 @!p2 $0x5800  }
0x7b: {  	[tilespmem:s10], [sflag:$0x7] =	stream.indirect.gather @!p2 [spmem:s2], $0x1, s0, s6, $0xb8;
	[tilespmem:$0xC200] =	vst v63  }
0x7c: {  	_ =	swait.ge @!p2 [sflag:s11], $0x800  }
0x7d: {  	s30 =	simm.s32 $0x300;
	[sflag:s11] =	ssyncset.done @!p2 $0x0  }
0x7e: {  	s31 =	simm.s32 $0x6;
	p1 =	sle.u32 s8, $0x3;
	[sflag:s11] =	ssyncadd.s32 @!p2 $0xFFFFF800  }
0x7f: {  	s3 =	simm.s32 $0x3;
	s0 =	simm.s32 $0x600;
	_ =	swait.ge @!p2 [sflag:s11], $0x800  }
.LBB2_2:
0x80: {  	p0 =	seq.s32 @!p1 s30, $0x0;
	[sflag:s11] =	ssyncset.done @!p2 $0x0  }
0x81: {  	p3 =	por p0, p1;
	[sflag:s11] =	ssyncadd.s32 @!p2 $0xFFFFF800;
	s11 =	simm.s32 @!p2 $0x2800  }
0x82: {  	[spmem:s4] =	stream.indirect.scatter.add.f32 @!p2 [tilespmem:s7], [sflag:$0x6], $0x1, s11, s6, $0xb8;
	[tilespmem:$0xC200] =	vst v63  }
0x83: {  	s7 =	simm.s32 @!p3 $0x5  }
0x84: {  	[spmem:s5] =	stream.indirect.scatter.add.f32 @!p2 [tilespmem:s10], [sflag:$0x6], $0x1, s11, s6, $0xb8;
	[tilespmem:$0xC200] =	vst v63  }
0x85: {  	_ =	swait.ge @!p3 [sflag:s7], $0x800  }
0x86: {  	s6 =	sadd.s32 @!p1 $0xFFFFFFFE, s31;
	[sflag:s7] =	ssyncset.done @!p3 $0x0  }
0x87: {  	p2 =	sge.u32 @!p1 s6, s8;
	[sflag:s7] =	ssyncadd.s32 @!p3 $0xFFFFF800  }
0x88: {  	p2 =	por p2, p1;
	_ =	swait.ge @!p3 [sflag:s7], $0x800  }
0x89: {  	s6 =	sadd.s32 @!p2 s30, s20;
	s10 =	simm.s32 @!p2 $0x800;
	[sflag:s7] =	ssyncset.done @!p3 $0x0  }
0x8a: {  	s11 =	simm.s32 @!p2 $0x0;
	[sflag:s7] =	ssyncadd.s32 @!p3 $0xFFFFF800;
	s7 =	sadd.s32 @!p2 $0x100, s6  }
0x8b: {  	[tilespmem:s10], [sflag:$0x2] =	stream.linear.gather @!p2 [hbm4b:s7+s11], $0x800, $0x38;
	[tilespmem:$0xC200] =	vst v63  }
0x8c: {  	s6 =	sadd.s32 @!p2 $0xC3600, s6;
	s7 =	simm.s32 @!p2 $0x2000;
	s10 =	simm.s32 @!p1 $0x1  }
0x8d: {  	[tilespmem:s7], [sflag:$0x2] =	stream.linear.gather @!p2 [hbm4b:s6+s11], $0x800, $0x38;
	[tilespmem:$0xC200] =	vst v63  }
0x8e: {  	_ =	swait.ge @!p1 [sflag:s10], $0x800  }
0x8f: {  	[sflag:s10] =	ssyncset.done @!p1 $0x0  }
0x90: {  	[sflag:s10] =	ssyncadd.s32 @!p1 $0xFFFFF800  }
0x91: {  	_ =	swait.ge @!p1 [sflag:s10], $0x800  }
0x92: {  	s6 =	simm.s32 @!p1 $0x3000;
	[sflag:s10] =	ssyncset.done @!p1 $0x0  }
0x93: {  	s7 =	simm.s32 @!p1 $0x800;
	[sflag:s10] =	ssyncadd.s32 @!p1 $0xFFFFF800;
	s10 =	simm.s32 @!p1 $0x0  }
0x94: {  	[tilespmem:s6], [sflag:$0x7] =	stream.indirect.gather @!p1 [spmem:s1], $0x1, s10, s7, $0xb8;
	[tilespmem:$0xC200] =	vst v63  }
0x95: {  	s13 =	simm.s32 @!p1 $0x7;
	s11 =	simm.s32 @!p1 $0x4800  }
0x96: {  	[tilespmem:s11], [sflag:$0x7] =	stream.indirect.gather @!p1 [spmem:s2], $0x1, s10, s7, $0xb8;
	[tilespmem:$0xC200] =	vst v63  }
0x97: {  	_ =	swait.ge @!p1 [sflag:s13], $0x800  }
0x98: {  	[sflag:s13] =	ssyncset.done @!p1 $0x0  }
0x99: {  	[sflag:s13] =	ssyncadd.s32 @!p1 $0xFFFFF800  }
0x9a: {  	_ =	swait.ge @!p1 [sflag:s13], $0x800  }
0x9b: {  	[sflag:s13] =	ssyncset.done @!p1 $0x0;
	s10 =	rddreg [dreg:$0x7]  }
0x9c: {  	[sflag:s13] =	ssyncadd.s32 @!p1 $0xFFFFF800;
	s13 =	simm.s32 @!p1 $0x1800;
	p3 =	sge.u32 s3, s10  }
0x9d: {  	[spmem:s4] =	stream.indirect.scatter.add.f32 @!p1 [tilespmem:s6], [sflag:$0x4], $0x1, s13, s7, $0xb8;
	[tilespmem:$0xC200] =	vst v63  }
0x9e: {  	p2 =	seq.s32 @!p3 s30, $0x0  }
0x9f: {  	s6 =	sadd.s32 @!p3 $0xFFFFFFFF, s31;
	p2 =	por p2, p3  }
0xa0: {  	p4 =	sge.u32 @!p3 s6, s8;
	s6 =	simm.s32 @!p2 $0x6  }
0xa1: {  	[spmem:s5] =	stream.indirect.scatter.add.f32 @!p1 [tilespmem:s11], [sflag:$0x4], $0x1, s13, s7, $0xb8;
	[tilespmem:$0xC200] =	vst v63  }
0xa2: {  	_ =	swait.ge @!p2 [sflag:s6], $0x800  }
0xa3: {  	[sflag:s6] =	ssyncset.done @!p2 $0x0  }
0xa4: {  	[sflag:s6] =	ssyncadd.s32 @!p2 $0xFFFFF800  }
0xa5: {  	p1 =	por p4, p3;
	_ =	swait.ge @!p2 [sflag:s6], $0x800  }
0xa6: {  	s7 =	sadd.s32 @!p1 s30, s20;
	s10 =	simm.s32 @!p1 $0x1000;
	[sflag:s6] =	ssyncset.done @!p2 $0x0  }
0xa7: {  	s11 =	simm.s32 @!p1 $0x0;
	[sflag:s6] =	ssyncadd.s32 @!p2 $0xFFFFF800;
	s6 =	sadd.s32 @!p1 $0x200, s7  }
0xa8: {  	[tilespmem:s10], [sflag:$0x3] =	stream.linear.gather @!p1 [hbm4b:s6+s11], $0x800, $0x38;
	[tilespmem:$0xC200] =	vst v63  }
0xa9: {  	s6 =	sadd.s32 @!p1 $0xC3700, s7;
	s7 =	simm.s32 @!p1 $0x2800;
	s10 =	simm.s32 @!p3 $0x2  }
0xaa: {  	[tilespmem:s7], [sflag:$0x3] =	stream.linear.gather @!p1 [hbm4b:s6+s11], $0x800, $0x38;
	[tilespmem:$0xC200] =	vst v63  }
0xab: {  	_ =	swait.ge @!p3 [sflag:s10], $0x800  }
0xac: {  	[sflag:s10] =	ssyncset.done @!p3 $0x0  }
0xad: {  	[sflag:s10] =	ssyncadd.s32 @!p3 $0xFFFFF800  }
0xae: {  	_ =	swait.ge @!p3 [sflag:s10], $0x800  }
0xaf: {  	[sflag:s10] =	ssyncset.done @!p3 $0x0  }
0xb0: {  	s6 =	simm.s32 @!p3 $0x800;
	s7 =	simm.s32 @!p3 $0x3800;
	[sflag:s10] =	ssyncadd.s32 @!p3 $0xFFFFF800  }
0xb1: {  	[tilespmem:s7], [sflag:$0x7] =	stream.indirect.gather @!p3 [spmem:s1], $0x1, s6, s6, $0xb8;
	[tilespmem:$0xC200] =	vst v63  }
0xb2: {  	s11 =	simm.s32 @!p3 $0x7;
	s10 =	simm.s32 @!p3 $0x5000  }
0xb3: {  	[tilespmem:s10], [sflag:$0x7] =	stream.indirect.gather @!p3 [spmem:s2], $0x1, s6, s6, $0xb8;
	[tilespmem:$0xC200] =	vst v63  }
0xb4: {  	_ =	swait.ge @!p3 [sflag:s11], $0x800  }
0xb5: {  	[sflag:s11] =	ssyncset.done @!p3 $0x0  }
0xb6: {  	[sflag:s11] =	ssyncadd.s32 @!p3 $0xFFFFF800  }
0xb7: {  	_ =	swait.ge @!p3 [sflag:s11], $0x800  }
0xb8: {  	[sflag:s11] =	ssyncset.done @!p3 $0x0;
	s13 =	rddreg [dreg:$0x8]  }
0xb9: {  	[sflag:s11] =	ssyncadd.s32 @!p3 $0xFFFFF800;
	s11 =	simm.s32 @!p3 $0x2000;
	p2 =	sge.u32 s3, s13  }
0xba: {  	[spmem:s4] =	stream.indirect.scatter.add.f32 @!p3 [tilespmem:s7], [sflag:$0x5], $0x1, s11, s6, $0xb8;
	[tilespmem:$0xC200] =	vst v63  }
0xbb: {  	s3 =	simm.s32 @!p2 $0x4  }
0xbc: {  	[spmem:s5] =	stream.indirect.scatter.add.f32 @!p3 [tilespmem:s10], [sflag:$0x5], $0x1, s11, s6, $0xb8;
	[tilespmem:$0xC200] =	vst v63  }
0xbd: {  	_ =	swait.ge @!p2 [sflag:s3], $0x800  }
0xbe: {  	[sflag:s3] =	ssyncset.done @!p2 $0x0  }
0xbf: {  	p1 =	sge.u32 @!p2 s31, s8;
	[sflag:s3] =	ssyncadd.s32 @!p2 $0xFFFFF800  }
0xc0: {  	p1 =	por p1, p2;
	_ =	swait.ge @!p2 [sflag:s3], $0x800  }
0xc1: {  	s6 =	sadd.s32 @!p1 s30, s20;
	[sflag:s3] =	ssyncset.done @!p2 $0x0  }
0xc2: {  	s7 =	simm.s32 @!p1 $0x0;
	[sflag:s3] =	ssyncadd.s32 @!p2 $0xFFFFF800;
	s3 =	sadd.s32 @!p1 $0x300, s6  }
0xc3: {  	[tilespmem:s7], [sflag:$0x1] =	stream.linear.gather @!p1 [hbm4b:s3+s7], $0x800, $0x38;
	[tilespmem:$0xC200] =	vst v63  }
0xc4: {  	s10 =	simm.s32 @!p2 $0x3;
	s3 =	sadd.s32 @!p1 $0xC3800, s6;
	s6 =	simm.s32 @!p1 $0x1800  }
0xc5: {  	[tilespmem:s6], [sflag:$0x1] =	stream.linear.gather @!p1 [hbm4b:s3+s7], $0x800, $0x38;
	[tilespmem:$0xC200] =	vst v63  }
0xc6: {  	_ =	swait.ge @!p2 [sflag:s10], $0x800  }
0xc7: {  	[sflag:s10] =	ssyncset.done @!p2 $0x0  }
0xc8: {  	[sflag:s10] =	ssyncadd.s32 @!p2 $0xFFFFF800  }
0xc9: {  	s24 =	smov.u32 s0;
	_ =	swait.ge @!p2 [sflag:s10], $0x800  }
0xca: {  	s0 =	sadd.s32 $0x300, s0;
	s7 =	simm.s32 @!p2 $0x4000;
	[sflag:s10] =	ssyncset.done @!p2 $0x0  }
0xcb: {  	s6 =	simm.s32 @!p2 $0x800;
	s3 =	simm.s32 @!p2 $0x1000;
	[sflag:s10] =	ssyncadd.s32 @!p2 $0xFFFFF800  }
0xcc: {  	[tilespmem:s7], [sflag:$0x7] =	stream.indirect.gather @!p2 [spmem:s1], $0x1, s3, s6, $0xb8;
	[tilespmem:$0xC200] =	vst v63  }
0xcd: {  	p0 =	sne.s32 s0, $0x6300;
	s10 =	simm.s32 @!p2 $0x5800  }
0xce: {  	[tilespmem:s10], [sflag:$0x7] =	stream.indirect.gather @!p2 [spmem:s2], $0x1, s3, s6, $0xb8;
	[tilespmem:$0xC200] =	vst v63  }
.Ltmp0:
0xcf: {  	s11 =	simm.s32 @!p2 $0x7;
	(pc) =	sbr.rel @p0 .LBB2_2-.Ltmp0, $4  }
0xd0: {  	_ =	swait.ge @!p2 [sflag:s11], $0x800  }
0xd1: {  	s31 =	sadd.s32 $0x3, s31;
	[sflag:s11] =	ssyncset.done @!p2 $0x0  }
0xd2: {  	s3 =	sadd.s32 $0xFFFFFFFD, s31;
	[sflag:s11] =	ssyncadd.s32 @!p2 $0xFFFFF800  }
0xd3: {  	s30 =	smov.u32 s24;
	p1 =	sge.u32 s3, s8;
	_ =	swait.ge @!p2 [sflag:s11], $0x800  }
0xd4: {  	p0 =	seq.s32 @!p1 s30, $0x0;
	[sflag:s11] =	ssyncset.done @!p2 $0x0  }
0xd5: {  	s0 =	simm.s32 @!p2 $0x2800;
	p0 =	por p0, p1;
	[sflag:s11] =	ssyncadd.s32 @!p2 $0xFFFFF800  }
0xd6: {  	[spmem:s4] =	stream.indirect.scatter.add.f32 @!p2 [tilespmem:s7], [sflag:$0x6], $0x1, s0, s6, $0xb8;
	[tilespmem:$0xC200] =	vst v63  }
0xd7: {  	s7 =	simm.s32 @!p0 $0x5  }
0xd8: {  	[spmem:s5] =	stream.indirect.scatter.add.f32 @!p2 [tilespmem:s10], [sflag:$0x6], $0x1, s0, s6, $0xb8;
	[tilespmem:$0xC200] =	vst v63  }
0xd9: {  	_ =	swait.ge @!p0 [sflag:s7], $0x800  }
0xda: {  	s0 =	sadd.s32 @!p1 $0xFFFFFFFE, s31;
	[sflag:s7] =	ssyncset.done @!p0 $0x0  }
0xdb: {  	p2 =	sge.u32 @!p1 s0, s8;
	[sflag:s7] =	ssyncadd.s32 @!p0 $0xFFFFF800  }
0xdc: {  	p2 =	por p2, p1;
	_ =	swait.ge @!p0 [sflag:s7], $0x800  }
0xdd: {  	s0 =	sadd.s32 @!p2 s30, s20;
	s6 =	simm.s32 @!p2 $0x800;
	[sflag:s7] =	ssyncset.done @!p0 $0x0  }
0xde: {  	s10 =	simm.s32 @!p2 $0x0;
	[sflag:s7] =	ssyncadd.s32 @!p0 $0xFFFFF800;
	s7 =	sadd.s32 @!p2 $0x100, s0  }
0xdf: {  	[tilespmem:s6], [sflag:$0x2] =	stream.linear.gather @!p2 [hbm4b:s7+s10], $0x800, $0x38;
	[tilespmem:$0xC200] =	vst v63  }
0xe0: {  	s0 =	sadd.s32 @!p2 $0xC3600, s0;
	s6 =	simm.s32 @!p2 $0x2000;
	s7 =	simm.s32 @!p1 $0x1  }
0xe1: {  	[tilespmem:s6], [sflag:$0x2] =	stream.linear.gather @!p2 [hbm4b:s0+s10], $0x800, $0x38;
	[tilespmem:$0xC200] =	vst v63  }
0xe2: {  	_ =	swait.ge @!p1 [sflag:s7], $0x800  }
0xe3: {  	[sflag:s7] =	ssyncset.done @!p1 $0x0  }
0xe4: {  	[sflag:s7] =	ssyncadd.s32 @!p1 $0xFFFFF800  }
0xe5: {  	_ =	swait.ge @!p1 [sflag:s7], $0x800  }
0xe6: {  	s0 =	simm.s32 @!p1 $0x3000;
	[sflag:s7] =	ssyncset.done @!p1 $0x0  }
0xe7: {  	s6 =	simm.s32 @!p1 $0x800;
	[sflag:s7] =	ssyncadd.s32 @!p1 $0xFFFFF800;
	s7 =	simm.s32 @!p1 $0x0  }
0xe8: {  	[tilespmem:s0], [sflag:$0x7] =	stream.indirect.gather @!p1 [spmem:s1], $0x1, s7, s6, $0xb8;
	[tilespmem:$0xC200] =	vst v63  }
0xe9: {  	s11 =	simm.s32 @!p1 $0x7;
	s10 =	simm.s32 @!p1 $0x4800  }
0xea: {  	[tilespmem:s10], [sflag:$0x7] =	stream.indirect.gather @!p1 [spmem:s2], $0x1, s7, s6, $0xb8;
	[tilespmem:$0xC200] =	vst v63  }
0xeb: {  	_ =	swait.ge @!p1 [sflag:s11], $0x800  }
0xec: {  	[sflag:s11] =	ssyncset.done @!p1 $0x0  }
0xed: {  	[sflag:s11] =	ssyncadd.s32 @!p1 $0xFFFFF800  }
0xee: {  	_ =	swait.ge @!p1 [sflag:s11], $0x800  }
0xef: {  	[sflag:s11] =	ssyncset.done @!p1 $0x0;
	s13 =	rddreg [dreg:$0x7]  }
0xf0: {  	[sflag:s11] =	ssyncadd.s32 @!p1 $0xFFFFF800;
	s11 =	simm.s32 @!p1 $0x1800;
	p0 =	sge.u32 s3, s13  }
0xf1: {  	[spmem:s4] =	stream.indirect.scatter.add.f32 @!p1 [tilespmem:s0], [sflag:$0x4], $0x1, s11, s6, $0xb8;
	[tilespmem:$0xC200] =	vst v63  }
0xf2: {  	p2 =	seq.s32 @!p0 s30, $0x0  }
0xf3: {  	p2 =	por p2, p0  }
0xf4: {  	s0 =	simm.s32 @!p2 $0x6  }
0xf5: {  	[spmem:s5] =	stream.indirect.scatter.add.f32 @!p1 [tilespmem:s10], [sflag:$0x4], $0x1, s11, s6, $0xb8;
	[tilespmem:$0xC200] =	vst v63  }
0xf6: {  	_ =	swait.ge @!p2 [sflag:s0], $0x800  }
0xf7: {  	s6 =	sadd.s32 @!p0 $0xFFFFFFFF, s31;
	[sflag:s0] =	ssyncset.done @!p2 $0x0  }
0xf8: {  	p1 =	sge.u32 @!p0 s6, s8;
	[sflag:s0] =	ssyncadd.s32 @!p2 $0xFFFFF800  }
0xf9: {  	p1 =	por p1, p0;
	_ =	swait.ge @!p2 [sflag:s0], $0x800  }
0xfa: {  	s6 =	sadd.s32 @!p1 s30, s20;
	s7 =	simm.s32 @!p1 $0x1000;
	[sflag:s0] =	ssyncset.done @!p2 $0x0  }
0xfb: {  	s10 =	simm.s32 @!p1 $0x0;
	[sflag:s0] =	ssyncadd.s32 @!p2 $0xFFFFF800;
	s0 =	sadd.s32 @!p1 $0x200, s6  }
0xfc: {  	[tilespmem:s7], [sflag:$0x3] =	stream.linear.gather @!p1 [hbm4b:s0+s10], $0x800, $0x38;
	[tilespmem:$0xC200] =	vst v63  }
0xfd: {  	s0 =	sadd.s32 @!p1 $0xC3700, s6;
	s6 =	simm.s32 @!p1 $0x2800;
	s7 =	simm.s32 @!p0 $0x2  }
0xfe: {  	[tilespmem:s6], [sflag:$0x3] =	stream.linear.gather @!p1 [hbm4b:s0+s10], $0x800, $0x38;
	[tilespmem:$0xC200] =	vst v63  }
0xff: {  	_ =	swait.ge @!p0 [sflag:s7], $0x800  }
0x100: {  	[sflag:s7] =	ssyncset.done @!p0 $0x0  }
0x101: {  	[sflag:s7] =	ssyncadd.s32 @!p0 $0xFFFFF800  }
0x102: {  	_ =	swait.ge @!p0 [sflag:s7], $0x800  }
0x103: {  	[sflag:s7] =	ssyncset.done @!p0 $0x0  }
0x104: {  	s0 =	simm.s32 @!p0 $0x800;
	s6 =	simm.s32 @!p0 $0x3800;
	[sflag:s7] =	ssyncadd.s32 @!p0 $0xFFFFF800  }
0x105: {  	[tilespmem:s6], [sflag:$0x7] =	stream.indirect.gather @!p0 [spmem:s1], $0x1, s0, s0, $0xb8;
	[tilespmem:$0xC200] =	vst v63  }
0x106: {  	s10 =	simm.s32 @!p0 $0x7;
	s7 =	simm.s32 @!p0 $0x5000  }
0x107: {  	[tilespmem:s7], [sflag:$0x7] =	stream.indirect.gather @!p0 [spmem:s2], $0x1, s0, s0, $0xb8;
	[tilespmem:$0xC200] =	vst v63  }
0x108: {  	_ =	swait.ge @!p0 [sflag:s10], $0x800  }
0x109: {  	[sflag:s10] =	ssyncset.done @!p0 $0x0  }
0x10a: {  	[sflag:s10] =	ssyncadd.s32 @!p0 $0xFFFFF800  }
0x10b: {  	_ =	swait.ge @!p0 [sflag:s10], $0x800  }
0x10c: {  	[sflag:s10] =	ssyncset.done @!p0 $0x0  }
0x10d: {  	s24 =	rddreg [dreg:$0x8];
	[sflag:s10] =	ssyncadd.s32 @!p0 $0xFFFFF800;
	s10 =	simm.s32 @!p0 $0x2000  }
0x10e: {  	[spmem:s4] =	stream.indirect.scatter.add.f32 @!p0 [tilespmem:s6], [sflag:$0x5], $0x1, s10, s0, $0xb8;
	[tilespmem:$0xC200] =	vst v63  }
0x10f: {  	p1 =	sge.u32 s3, s24  }
0x110: {  	[spmem:s5] =	stream.indirect.scatter.add.f32 @!p0 [tilespmem:s7], [sflag:$0x5], $0x1, s10, s0, $0xb8;
	[tilespmem:$0xC200] =	vst v63  }
0x111: {  	s0 =	simm.s32 @!p1 $0x4  }
0x112: {  	_ =	swait.ge @!p1 [sflag:s0], $0x800  }
0x113: {  	[sflag:s0] =	ssyncset.done @!p1 $0x0  }
0x114: {  	p0 =	sge.u32 @!p1 s31, s8;
	[sflag:s0] =	ssyncadd.s32 @!p1 $0xFFFFF800  }
0x115: {  	p0 =	por p0, p1;
	_ =	swait.ge @!p1 [sflag:s0], $0x800  }
0x116: {  	s3 =	sadd.s32 @!p0 s30, s20;
	[sflag:s0] =	ssyncset.done @!p1 $0x0  }
0x117: {  	s6 =	simm.s32 @!p0 $0x0;
	[sflag:s0] =	ssyncadd.s32 @!p1 $0xFFFFF800;
	s0 =	sadd.s32 @!p0 $0x300, s3  }
0x118: {  	[tilespmem:s6], [sflag:$0x1] =	stream.linear.gather @!p0 [hbm4b:s0+s6], $0x800, $0x38;
	[tilespmem:$0xC200] =	vst v63  }
0x119: {  	s7 =	simm.s32 @!p1 $0x3;
	s0 =	sadd.s32 @!p0 $0xC3800, s3;
	s3 =	simm.s32 @!p0 $0x1800  }
0x11a: {  	[tilespmem:s3], [sflag:$0x1] =	stream.linear.gather @!p0 [hbm4b:s0+s6], $0x800, $0x38;
	[tilespmem:$0xC200] =	vst v63  }
0x11b: {  	_ =	swait.ge @!p1 [sflag:s7], $0x800  }
0x11c: {  	[sflag:s7] =	ssyncset.done @!p1 $0x0  }
0x11d: {  	[sflag:s7] =	ssyncadd.s32 @!p1 $0xFFFFF800  }
0x11e: {  	_ =	swait.ge @!p1 [sflag:s7], $0x800  }
0x11f: {  	s0 =	simm.s32 @!p1 $0x4000;
	[sflag:s7] =	ssyncset.done @!p1 $0x0  }
0x120: {  	s3 =	simm.s32 @!p1 $0x800;
	s6 =	simm.s32 @!p1 $0x1000;
	[sflag:s7] =	ssyncadd.s32 @!p1 $0xFFFFF800  }
0x121: {  	[tilespmem:s0], [sflag:$0x7] =	stream.indirect.gather @!p1 [spmem:s1], $0x1, s6, s3, $0xb8;
	[tilespmem:$0xC200] =	vst v63  }
0x122: {  	s10 =	simm.s32 @!p1 $0x7;
	s7 =	simm.s32 @!p1 $0x5800  }
0x123: {  	[tilespmem:s7], [sflag:$0x7] =	stream.indirect.gather @!p1 [spmem:s2], $0x1, s6, s3, $0xb8;
	[tilespmem:$0xC200] =	vst v63  }
0x124: {  	_ =	swait.ge @!p1 [sflag:s10], $0x800  }
0x125: {  	[sflag:s10] =	ssyncset.done @!p1 $0x0  }
0x126: {  	[sflag:s10] =	ssyncadd.s32 @!p1 $0xFFFFF800  }
0x127: {  	_ =	swait.ge @!p1 [sflag:s10], $0x800  }
0x128: {  	s31 =	sand.u32 $0xFF, s16;
	[sflag:s10] =	ssyncset.done @!p1 $0x0  }
0x129: {  	p0 =	seq.s32 s31, $0x0;
	s6 =	simm.s32 @!p1 $0x2800;
	[sflag:s10] =	ssyncadd.s32 @!p1 $0xFFFFF800  }
0x12a: {  	[spmem:s4] =	stream.indirect.scatter.add.f32 @!p1 [tilespmem:s0], [sflag:$0x6], $0x1, s6, s3, $0xb8;
	[tilespmem:$0xC200] =	vst v63  }
0x12b: {  	s0 =	simm.s32 @!p0 $0x4  }
0x12c: {  	[spmem:s5] =	stream.indirect.scatter.add.f32 @!p1 [tilespmem:s7], [sflag:$0x6], $0x1, s6, s3, $0xb8;
	[tilespmem:$0xC200] =	vst v63  }
0x12d: {  	_ =	swait.ge @!p0 [sflag:s0], $0x800  }
0x12e: {  	[sflag:s0] =	ssyncset.done @!p0 $0x0  }
0x12f: {  	s3 =	sand.u32 @!p0 $0xFF, s16;
	[sflag:s0] =	ssyncadd.s32 @!p0 $0xFFFFF800  }
0x130: {  	p1 =	seq.s32 @!p0 s3, $0x1;
	_ =	swait.ge @!p0 [sflag:s0], $0x800  }
0x131: {  	p1 =	por p0, !p1;
	[sflag:s0] =	ssyncset.done @!p0 $0x0  }
0x132: {  	[sflag:s0] =	ssyncadd.s32 @!p0 $0xFFFFF800;
	s0 =	simm.s32 @p1 $0x5  }
0x133: {  	_ =	swait.ge @p1 [sflag:s0], $0x800  }
0x134: {  	[sflag:s0] =	ssyncset.done @p1 $0x0  }
0x135: {  	[sflag:s0] =	ssyncadd.s32 @p1 $0xFFFFF800  }
0x136: {  	s3 =	sand.u32 @p1 $0xFF, s16;
	_ =	swait.ge @p1 [sflag:s0], $0x800  }
0x137: {  	p0 =	seq.s32 @p1 s3, $0x2;
	[sflag:s0] =	ssyncset.done @p1 $0x0  }
0x138: {  	p0 =	por !p1, !p0;
	[sflag:s0] =	ssyncadd.s32 @p1 $0xFFFFF800  }
0x139: {  	_ =	swait.ge @p0 [sflag:s25], $0x800  }
0x13a: {  	[sflag:s25] =	ssyncset.done @p0 $0x0  }
0x13b: {  	[sflag:s25] =	ssyncadd.s32 @p0 $0xFFFFF800  }
0x13c: {  	_ =	swait.ge @p0 [sflag:s25], $0x800  }
0x13d: {  	[sflag:s25] =	ssyncset.done @p0 $0x0  }
0x13e: {  	[sflag:s25] =	ssyncadd.s32 @p0 $0xFFFFF800  }
0x13f: {  	[bflag:$0x0] =	sbarrier.arrive $0xFFFF  }
0x140: {  	[hbm:s17], [sflag:s9] =	dma.local [spmem:s28], $0x310  }
0x141: {  	s26 =	sadd.s32 $0x1, s26;
	_ =	swait.ge [sflag:s22], $0x310  }
0x142: {  	p0 =	sne.s32 s26, s19;
	[sflag:s22] =	ssyncset.done $0x0  }
.Ltmp1:
0x143: {  	[sflag:s22] =	ssyncadd.s32 $0xFFFFFCF0;
	(pc) =	sbr.rel @p0 .LBB2_1-.Ltmp1, $4  }
0x144: {  	[hbm:s18], [sflag:s9] =	dma.local [spmem:s29], $0x310  }
0x145: {  	_ =	swait.ge [sflag:s22], $0x310  }
0x146: {  	[sflag:s22] =	ssyncset.done $0x0  }
0x147: {  	[sflag:s22] =	ssyncadd.s32 $0xFFFFFCF0  }
0x148: {  	_ =	sfence.sel $0x180000  }
0x149: {  	[bflag:$0x0] =	sbarrier.arrive $0xFFFF  }
0x14a: {  	_ =	strace $0x90000050  }
0x14b: {  	s0 =	stileid.u32;
	[bflag:$0x2] =	sbarrier.arrive $0xFFFF  }
0x14c: {  	p0 =	sne.s32 s0, $0x0;
	s0 =	rddreg [dreg:$0x6]  }
0x14d: {  	s0 =	sadd.s32 @!p0 $0x100000, s0  }
0x14e: {  	[sflag:s0] =	ssyncadd.tile.s32 @!p0 $0x1;
	_ =	shalt  }
.Lfunc_end2:
_tile_overlayer_lowered:
.L_overlay_start_2:
0x14f: {  	(tag) =	ssettag $0x2  }
0x150: {  	s0 =	rddreg [dreg:$0x0];
	s2 =	stileid.u32  }
0x151: {  	s1 =	rddreg [dreg:$0x1];
	p0 =	sne.s32 s2, $0x0  }
0x152: {  	s3 =	rddreg [dreg:$0x2];
	[bflag:$0x3] =	sbarrier.arrive $0xFFFF;
	s2 =	simm.s32 @!p0 $0x1C08  }
0x153: {  	[timem:s3], [sflag:s2] =	dma.local @!p0 [hbm:s0], s1  }
0x154: {  	s0 =	simm.s32 @!p0 $0x8  }
0x155: {  	_ =	swait.ge @!p0 [sflag:s0], s1  }
0x156: {  	s1 =	ssub.s32 @!p0 $0x0, s1;
	[sflag:s0] =	ssyncset.done @!p0 $0x0  }
0x157: {  	[sflag:s0] =	ssyncadd.s32 @!p0 s1  }
0x158: {  	[bflag:$0x3] =	sbarrier.arrive $0xFFFF  }
0x159: {  	_ =	shalt  }

// kernel: kernel.8.cloned.1.call-start
scs
__scs_entry_jumppad:
0x0: {  	(pc) =	sbr.rel $0x88, $3  }
0x1: {  	(tag) =	ssettag $0x0;
	lr =	simm.s32 $0x1  }
0x2: {  	[smem:$0x3F9B] =	sst lr;
	_ =	strace $0xD0000000  }
0x3: {  	_ = 	snop  }
0x4: {  	_ = 	snop  }
0x5: {  	_ = 	snop  }
0x6: {  	_ = 	snop  }
0x7: {  	_ = 	snop  }
__scs_overlays_trampoline_lowered:
0x8: {  	[smem:$0x3FAA] =	sst s0  }
0x9: {  	[smem:$0x3FAB] =	sst s1  }
0xa: {  	[smem:$0x3FAC] =	sst s2  }
0xb: {  	[smem:$0x3FAD] =	sst s3  }
0xc: {  	[smem:$0x3FAE] =	sst s4  }
0xd: {  	[smem:$0x3FAF] =	sst s5  }
0xe: {  	[smem:$0x3FB0] =	sst s6  }
0xf: {  	[smem:$0x3FB1] =	sst s7  }
0x10: {  	[smem:$0x3FB2] =	sst s8  }
0x11: {  	[smem:$0x3FB3] =	sst s9;
	s0 =	simm.s32 @!p0 $0x0  }
0x12: {  	s1 =	sld [smem:$0x3F99];
	s0 =	simm.s32 @p0 $0x1  }
0x13: {  	[smem:$0x3FB4] =	sst s0;
	s0 =	simm.s32 @!p1 $0x0  }
0x14: {  	s2 =	sld [smem:$0x3F98];
	s0 =	simm.s32 @p1 $0x1  }
0x15: {  	[smem:$0x3FB5] =	sst s0;
	s0 =	simm.s32 @!p2 $0x0  }
0x16: {  	s3 =	sld [smem:$0x3FDB];
	s0 =	simm.s32 @p2 $0x1  }
0x17: {  	s4 =	simm.s32 $0x1BF5;
	[smem:$0x3FB7] =	sst s0  }
0x18: {  	s0 =	sld [smem:$0x3F9A];
	_ =	swait.ge [sflag:s4], $0x0  }
0x19: {  	s7 =	sld [smem:$0x3F9B]  }
0x1a: {  	s8 =	sadd.s32 $0xFFFFE003, lr  }
0x1b: {  	s9 =	sadd.s32 $0xFFFFFEF7, lr;
	s5 =	simm.s32 $0xFFFFFFFF;
	p2 =	slt.u32 s8, $0xFFFFF086  }
0x1c: {  	p1 =	slt.u32 s9, $0xF7A;
	s5 =	simm.s32 @!p2 $0x0  }
0x1d: {  	s5 =	simm.s32 @p1 $0x1;
	p0 =	seq.s32 s7, s2  }
0x1e: {  	s7 =	smul.u32 @!p0 $0xF7A, s2;
	p2 =	seq.s32 @!p0 s5, $0x0  }
0x1f: {  	s9 =	smul.u32 $0xF7A, s1;
	s8 =	simm.s32 @!p0 $0x1BF5;
	p2 =	por !p2, p0  }
0x20: {  	[sflag:s8] =	ssyncset.s32 @!p0 $0xFFFFF086;
	s6 =	sadd.s32 @!p0 s3, s7;
	s7 =	simm.s32 @!p0 $0x108  }
0x21: {  	s3 =	sadd.s32 s3, s9;
	s6 =	sadd.s32 @!p0 $0x88, s6;
	s7 =	simm.s32 @p2 $0x1082  }
0x22: {  	[simem:s7], [sflag:s8] =	dma.local @!p0 [hbm:s6], $0xF7A  }
0x23: {  	s9 =	sor.u32 $0xD0000000, s2;
	s6 =	simm.s32 $0x108;
	_ =	swait.ge @!p0 [sflag:s8], $0x0  }
0x24: {  	s3 =	sadd.s32 $0x88, s3;
	s6 =	simm.s32 @!p1 $0x1082;
	[sflag:s4] =	ssyncset.s32 $0xFFFFF086  }
0x25: {  	[simem:s6], [sflag:s4] =	dma.local [hbm:s3], $0xF7A  }
0x26: {  	[smem:$0x3F9B] =	sst s1;
	(tag) =	ssettag s2;
	_ =	strace s9  }
0x27: {  	s1 =	sld [smem:$0x3FAB]  }
0x28: {  	s2 =	sld [smem:$0x3FAC]  }
0x29: {  	s4 =	sld [smem:$0x3FAE]  }
0x2a: {  	p0 =	seq.s32 s5, $0x0;
	s5 =	sld [smem:$0x3FAF]  }
0x2b: {  	s6 =	sld [smem:$0x3FB0]  }
0x2c: {  	s7 =	sld [smem:$0x3FB1]  }
0x2d: {  	s3 =	simm.s32 $0x108;
	s8 =	sld [smem:$0x3FB2]  }
0x2e: {  	s3 =	simm.s32 @!p0 $0x1082;
	s9 =	sld [smem:$0x3FB3]  }
0x2f: {  	lr =	sadd.s32 s0, s3;
	s0 =	sld [smem:$0x3FAA]  }
0x30: {  	s3 =	sld [smem:$0x3FAD]  }
0x31: {  	[smem:$0x3FB6] =	sst s10  }
0x32: {  	s10 =	sld [smem:$0x3FB4];
	_ =	sdelay $0x3  }
0x33: {  	p0 =	seq.s32 s10, $0x1;
	s10 =	sld [smem:$0x3FB6];
	_ =	sdelay $0x3  }
0x34: {  	[smem:$0x3FB6] =	sst s10  }
0x35: {  	s10 =	sld [smem:$0x3FB5];
	_ =	sdelay $0x3  }
0x36: {  	p1 =	seq.s32 s10, $0x1;
	s10 =	sld [smem:$0x3FB6];
	_ =	sdelay $0x3  }
0x37: {  	[smem:$0x3FB6] =	sst s10  }
0x38: {  	s10 =	sld [smem:$0x3FB7]  }
0x39: {  	_ = 	snop;
	(pc) =	sbr.ind lr, $3  }
0x3a: {  	_ = 	snop  }
0x3b: {  	_ = 	snop  }
0x3c: {  	p2 =	seq.s32 s10, $0x1;
	s10 =	sld [smem:$0x3FB6]  }
0x3d: {  	_ =	shalt  }
0x3e: {  	_ =	shalt  }
0x3f: {  	_ =	shalt  }
0x40: {  	_ =	shalt  }
0x41: {  	_ =	shalt  }
0x42: {  	_ =	shalt  }
0x43: {  	_ =	shalt  }
0x44: {  	_ =	shalt  }
0x45: {  	_ =	shalt  }
0x46: {  	_ =	shalt  }
0x47: {  	_ =	shalt  }
0x48: {  	_ =	shalt  }
0x49: {  	_ =	shalt  }
0x4a: {  	_ =	shalt  }
0x4b: {  	_ =	shalt  }
0x4c: {  	_ =	shalt  }
0x4d: {  	_ =	shalt  }
0x4e: {  	_ =	shalt  }
0x4f: {  	_ =	shalt  }
0x50: {  	_ =	shalt  }
0x51: {  	_ =	shalt  }
0x52: {  	_ =	shalt  }
0x53: {  	_ =	shalt  }
0x54: {  	_ =	shalt  }
0x55: {  	_ =	shalt  }
0x56: {  	_ =	shalt  }
0x57: {  	_ =	shalt  }
0x58: {  	_ =	shalt  }
0x59: {  	_ =	shalt  }
0x5a: {  	_ =	shalt  }
0x5b: {  	_ =	shalt  }
0x5c: {  	_ =	shalt  }
0x5d: {  	_ =	shalt  }
0x5e: {  	_ =	shalt  }
0x5f: {  	_ =	shalt  }
0x60: {  	_ =	shalt  }
0x61: {  	_ =	shalt  }
0x62: {  	_ =	shalt  }
0x63: {  	_ =	shalt  }
0x64: {  	_ =	shalt  }
0x65: {  	_ =	shalt  }
0x66: {  	_ =	shalt  }
0x67: {  	_ =	shalt  }
0x68: {  	_ =	shalt  }
0x69: {  	_ =	shalt  }
0x6a: {  	_ =	shalt  }
0x6b: {  	_ =	shalt  }
0x6c: {  	_ =	shalt  }
0x6d: {  	_ =	shalt  }
0x6e: {  	_ =	shalt  }
0x6f: {  	_ =	shalt  }
0x70: {  	_ =	shalt  }
0x71: {  	_ =	shalt  }
0x72: {  	_ =	shalt  }
0x73: {  	_ =	shalt  }
0x74: {  	_ =	shalt  }
0x75: {  	_ =	shalt  }
0x76: {  	_ =	shalt  }
0x77: {  	_ =	shalt  }
0x78: {  	_ =	shalt  }
0x79: {  	_ =	shalt  }
0x7a: {  	_ =	shalt  }
0x7b: {  	_ =	shalt  }
0x7c: {  	_ =	shalt  }
0x7d: {  	_ =	shalt  }
0x7e: {  	_ =	shalt  }
0x7f: {  	_ =	shalt  }
0x80: {  	_ =	shalt  }
0x81: {  	_ =	shalt  }
0x82: {  	_ =	shalt  }
0x83: {  	_ =	shalt  }
0x84: {  	_ =	shalt  }
0x85: {  	_ =	shalt  }
0x86: {  	_ =	shalt  }
0x87: {  	_ =	shalt  }
.Lfunc_end0:
.L_simem_size_0:
called_computation.1_lowered:
.L_overlay_start_0:
0x88: {  	s2 =	sld [smem:$0x3FD9]  }
0x89: {  	s3 =	sld [smem:$0x3FFE];
	_ =	sdelay $0x1  }
0x8a: {  	s1 =	srdreg.scid  }
0x8b: {  	s0 =	sand.u32 $0x1, s1  }
0x8c: {  	s17 =	sshll.u32 s0, $0xA;
	s2 =	sadd.s32 s3, s2  }
0x8d: {  	s2 =	sadd.s32 s2, s17  }
0x8e: {  	[smem:$0x3FC2] =	sst s2  }
0x8f: {  	_ = 	snop  }
0x90: {  	s2 =	sld [smem:$0x3FD0];
	(tm) =	ssettm $0x1  }
0x91: {  	s18 =	sld [smem:$0x3FFB];
	_ =	sdelay $0x3  }
0x92: {  	_ =	strace s18  }
0x93: {  	s3 =	sld [smem:$0x3FFC];
	_ =	sdelay $0x3  }
0x94: {  	_ =	strace s3  }
0x95: {  	s3 =	sld [smem:$0x3FFD];
	_ =	sdelay $0x3  }
0x96: {  	_ =	strace s3  }
0x97: {  	_ =	strace $0x8FFFFFFF  }
0x98: {  	s19 =	sld [smem:$0x3FDB];
	_ =	sdelay $0x1  }
0x99: {  	s4 =	simm.s32 $_scs_section_size  }
0x9a: {  	s5 =	simm.s32 $_size__tile_overlayer_lowered;
	s6 =	simm.s32 $_tile_overlayer_lowered  }
0x9b: {  	s22 =	simm.s32 $0x1BFF;
	s21 =	sshll.u32 s6, $0x1;
	s3 =	sadd.s32 s4, s19  }
0x9c: {  	s7 =	simm.s32 $0x0;
	s20 =	sshll.u32 s5, $0x1;
	s5 =	sadd.s32 s21, s3  }
0x9d: {  	[timem:s7], [sflag:s22] =	dma.local [hbm:s5], s20  }
0x9e: {  	_ =	swait.ge [sflag:s22], s20  }
0x9f: {  	s4 =	ssub.s32 $0x0, s20;
	[sflag:s22] =	ssyncset.done $0x0  }
0xa0: {  	[sflag:s22] =	ssyncadd.s32 s4;
	_ =	sdelay $0x1  }
0xa1: {  	s23 =	simm.s32 $0x1B8B  }
0xa2: {  	_ =	swait.ge [sflag:s23], $0x1  }
0xa3: {  	[sflag:s23] =	ssyncset.done $0x0  }
0xa4: {  	s25 =	simm.s32 $0x1B8E;
	s24 =	sld [smem:$0x3FFE];
	[sflag:s23] =	ssyncadd.s32 $0xFFFFFFFF  }
0xa5: {  	s26 =	simm.s32 $execute0_lowered;
	[smem:$0x3FD2] =	sst s25  }
0xa6: {  	s5 =	sshll.u32 s26, $0x1;
	_ =	strace $0x80000049;
	[dreg:$0x1] =	wrdreg $0xFFFFFFFF  }
0xa7: {  	s28 =	simm.s32 $_size_execute0_lowered;
	s3 =	sadd.s32 s3, s5;
	[dreg:$0x0] =	wrdreg $0x0  }
0xa8: {  	s5 =	sshll.u32 s28, $0x1;
	[dreg:$0x2] =	wrdreg s3  }
0xa9: {  	[dreg:$0x3] =	wrdreg s5  }
0xaa: {  	[dreg:$0x4] =	wrdreg $0xC0  }
0xab: {  	_ =	task [dreg:s7], $0x5FFFF  }
0xac: {  	[dreg:$0x1] =	wrdreg $0xFFFFFFFF  }
0xad: {  	[dreg:$0x0] =	wrdreg $0x60  }
0xae: {  	[dreg:$0x2] =	wrdreg s24  }
0xaf: {  	[dreg:$0x3] =	wrdreg s2  }
0xb0: {  	[dreg:$0x4] =	wrdreg $0x20000  }
0xb1: {  	[dreg:$0x5] =	wrdreg $0x9  }
0xb2: {  	_ =	task.clear_ibuf [dreg:s7], $0x6FFFF;
	_ =	strace $0x90000049  }
0xb3: {  	s29 =	simm.s32 $0x9;
	_ =	strace $0x8000004B  }
0xb4: {  	_ =	swait.ge [sflag:s29], $0x1  }
0xb5: {  	[sflag:s29] =	ssyncadd.s32 $0xFFFFFFFF  }
0xb6: {  	_ =	strace $0x9000004B  }
0xb7: {  	_ =	sfence  }
0xb8: {  	s30 =	sld [smem:$0x0];
	_ =	sdelay $0x2  }
0xb9: {  	s31 =	sshll.u32 s1, $0xD;
	s1 =	sshrl.u32 s1, $0x2  }
0xba: {  	s3 =	sand.u32 $0x4000, s31;
	s1 =	sadd.s32 s1, s30  }
0xbb: {  	s0 =	sor.u32 s3, s0;
	s1 =	sshll.u32 s1, $0x11  }
0xbc: {  	s0 =	sor.u32 s1, s0  }
0xbd: {  	s0 =	sadd.s32 $0x8F2B, s0  }
0xbe: {  	[sflag:s0] =	ssyncadd.remote.s32 $0x1  }
0xbf: {  	_ =	sfence.sel $0xFFFF  }
0xc0: {  	[dreg:$0x0] =	wrdreg $0xFFFFFFFF;
	(pc) =	sbr.abs _section_cstart, $3  }
0xc1: {  	[dreg:$0x1] =	wrdreg $0xFFFFFFFF  }
0xc2: {  	_ =	task.clear_ibuf [dreg:s7], $0x2FFFF;
	_ =	strace $0x9FFFFFFF  }
0xc3: {  	(tm) =	ssettm $0x7FFFFFFF  }
tec
execute0_lowered:
.L_overlay_start_1:
0x0: {  	(tag) =	ssettag $0x1  }
0x1: {  	s0 =	rddreg [dreg:$0x0]  }
0x2: {  	s1 =	srdreg.scid;
	s5 =	rddreg [dreg:$0x1]  }
0x3: {  	s13 =	stileid.u32;
	s2 =	rddreg [dreg:$0x2]  }
0x4: {  	s3 =	simm.s32 $0x0;
	s28 =	simm.s32 $0x6;
	s6 =	smul.u32 $0x1880, s13  }
0x5: {  	s29 =	simm.s32 $0x0;
	s1 =	sand.u32 $0x1, s1;
	s12 =	smul.u32 $0x61, s13  }
0x6: {  	[smem:$0x7FF] =	sst s3;
	s7 =	sadd.s32 $0x2800, s0;
	s4 =	smul.u32 $0x18800, s1  }
0x7: {  	s21 =	sshll.u32 s13, $0x6;
	_ =	strace $0x8000004A;
	s10 =	smul.u32 $0x61B, s1  }
0x8: {  	s8 =	ssub.s32 $0x2, s1;
	s9 =	sxor.u32 $0xB, s1;
	s1 =	smul.u32 $0x61B00, s1  }
0x9: {  	p0 =	slt.u32 s13, s9;
	s11 =	sshrl.u32 s8, $0x1;
	s16 =	sadd.s32 s6, s2  }
0xa: {  	s18 =	smin.u32 s13, s9;
	s13 =	smul.u32 $0x6100, s13;
	s4 =	sadd.s32 s6, s4  }
0xb: {  	s11 =	ssub.s32 s8, s11;
	s6 =	sshrl.u32 s6, $0x3;
	s10 =	sadd.s32 s12, s10  }
0xc: {  	s1 =	sadd.s32 s1, s7;
	s25 =	sshll.u32 s18, $0x8;
	s4 =	sshrl.u32 s4, $0x3  }
0xd: {  	s5 =	sadd.s32 s5, s6;
	s19 =	sadd.s32 s18, s10;
	s6 =	sor.u32 $0x1C07, s21  }
0xe: {  	s24 =	sadd.s32 s13, s1;
	s26 =	smax.u32 s11, $0x1;
	s18 =	simm.s32 $0x7  }
0xf: {  	s21 =	simm.s32 $0x1800;
	s0 =	sadd.s32 s4, s0;
	[dreg:$0x4] =	wrdreg s5  }
0x10: {  	s4 =	simm.s32 $0x62;
	s5 =	sshll.u32 s19, $0x8;
	[dreg:$0x7] =	wrdreg s26  }
0x11: {  	s19 =	simm.s32 $0x800;
	s4 =	simm.s32 @!p0 $0x61;
	s5 =	sadd.s32 s5, s7  }
0x12: {  	s0 =	sadd.s32 $0x189200, s0;
	s17 =	smul.u32 $0x56, s4;
	s23 =	sadd.s32 $0xC3500, s5  }
0x13: {  	s8 =	sadd.s32 $0xFFFFFFFF, s4;
	s9 =	sadd.s32 $0xFFFFFFFE, s4;
	[dreg:$0x6] =	wrdreg s0  }
0x14: {  	s30 =	sadd.s32 $0xC3600, s5;
	s0 =	sadd.s32 s25, s24;
	s31 =	sadd.s32 $0xC3700, s5  }
.Ltmp0:
0x15: {  	s15 =	sadd.s32 $0xC3800, s5;
	[dreg:$0x5] =	wrdreg s23;
	(pc) =	sbr.rel .LBB2_1-.Ltmp0, $4  }
0x16: {  	s24 =	simm.s32 $0x4;
	[dreg:$0x8] =	wrdreg s30;
	s20 =	sshrl.u32 s17, $0x8  }
0x17: {  	s25 =	simm.s32 $0x3;
	[dreg:$0x9] =	wrdreg s31;
	s22 =	smul.u32 $0x3, s20  }
0x18: {  	s26 =	sadd.s32 $0xC3B00, s0;
	s23 =	simm.s32 $0x2;
	s17 =	sshrl.u32 s16, $0x3  }
0x19: {  	v0 =	vimm.f32 $1.000000000e+00;
	s20 =	simm.s32 $0x1;
	s10 =	ssub.s32 s4, s22;
	s22 =	simm.s32 $0x1000  }
.LBB2_4:
0x1a: {  	s0 =	simm.s32 $0x5  }
0x1b: {  	_ =	swait.ge [sflag:s0], $0x800  }
0x1c: {  	[sflag:s0] =	ssyncset.done $0x0  }
0x1d: {  	[sflag:s0] =	ssyncadd.s32 $0xFFFFF800  }
.LBB2_6:
0x1e: {  	_ =	swait.ge [sflag:s28], $0x800  }
0x1f: {  	[sflag:s28] =	ssyncset.done $0x0  }
0x20: {  	[sflag:s28] =	ssyncadd.s32 $0xFFFFF800  }
.LBB2_7:
0x21: {  	[bflag:$0x0] =	sbarrier.arrive $0xFFFF  }
0x22: {  	s0 =	rddreg [dreg:$0x6]  }
0x23: {  	[hbm:s0], [sflag:s6] =	dma.local [spmem:s17], $0x310  }
0x24: {  	_ =	swait.ge [sflag:s18], $0x310  }
0x25: {  	s29 =	sadd.s32 $0x1, s29;
	s31 =	rddreg [dreg:$0x7]  }
0x26: {  	p0 =	sne.s32 s29, s31  }
.Ltmp1:
0x27: {  	_ = 	snop;
	(pc) =	sbr.rel @!p0 .LBB2_8-.Ltmp1, $3  }
0x28: {  	_ =	sdelay $0x1  }
0x29: {  	[sflag:s18] =	ssyncset.done $0x0  }
0x2a: {  	[sflag:s18] =	ssyncadd.s32 $0xFFFFFCF0  }
.LBB2_1:
0x2b: {  	[tilespmem:$0x1800] =	vst v0  }
0x2c: {  	[tilespmem:$0x1810] =	vst v0  }
0x2d: {  	[tilespmem:$0x1820] =	vst v0  }
0x2e: {  	[tilespmem:$0x1830] =	vst v0  }
0x2f: {  	[tilespmem:$0x1840] =	vst v0  }
0x30: {  	[tilespmem:$0x1850] =	vst v0  }
0x31: {  	[tilespmem:$0x1860] =	vst v0  }
0x32: {  	[tilespmem:$0x1870] =	vst v0  }
0x33: {  	[tilespmem:$0x1880] =	vst v0  }
0x34: {  	[tilespmem:$0x1890] =	vst v0  }
0x35: {  	[tilespmem:$0x18A0] =	vst v0  }
0x36: {  	[tilespmem:$0x18B0] =	vst v0  }
0x37: {  	[tilespmem:$0x18C0] =	vst v0  }
0x38: {  	[tilespmem:$0x18D0] =	vst v0  }
0x39: {  	[tilespmem:$0x18E0] =	vst v0  }
0x3a: {  	[tilespmem:$0x18F0] =	vst v0  }
0x3b: {  	[tilespmem:$0x1900] =	vst v0  }
0x3c: {  	[tilespmem:$0x1910] =	vst v0  }
0x3d: {  	[tilespmem:$0x1920] =	vst v0  }
0x3e: {  	[tilespmem:$0x1930] =	vst v0  }
0x3f: {  	[tilespmem:$0x1940] =	vst v0  }
0x40: {  	[tilespmem:$0x1950] =	vst v0  }
0x41: {  	[tilespmem:$0x1960] =	vst v0  }
0x42: {  	[tilespmem:$0x1970] =	vst v0  }
0x43: {  	[tilespmem:$0x1980] =	vst v0  }
0x44: {  	[tilespmem:$0x1990] =	vst v0  }
0x45: {  	[tilespmem:$0x19A0] =	vst v0  }
0x46: {  	[tilespmem:$0x19B0] =	vst v0  }
0x47: {  	[tilespmem:$0x19C0] =	vst v0  }
0x48: {  	[tilespmem:$0x19D0] =	vst v0  }
0x49: {  	[tilespmem:$0x19E0] =	vst v0  }
0x4a: {  	[tilespmem:$0x19F0] =	vst v0  }
0x4b: {  	[tilespmem:$0x1A00] =	vst v0  }
0x4c: {  	[tilespmem:$0x1A10] =	vst v0  }
0x4d: {  	[tilespmem:$0x1A20] =	vst v0  }
0x4e: {  	[tilespmem:$0x1A30] =	vst v0  }
0x4f: {  	[tilespmem:$0x1A40] =	vst v0  }
0x50: {  	[tilespmem:$0x1A50] =	vst v0  }
0x51: {  	[tilespmem:$0x1A60] =	vst v0  }
0x52: {  	[tilespmem:$0x1A70] =	vst v0  }
0x53: {  	[tilespmem:$0x1A80] =	vst v0  }
0x54: {  	[tilespmem:$0x1A90] =	vst v0  }
0x55: {  	[tilespmem:$0x1AA0] =	vst v0  }
0x56: {  	[tilespmem:$0x1AB0] =	vst v0  }
0x57: {  	[tilespmem:$0x1AC0] =	vst v0  }
0x58: {  	[tilespmem:$0x1AD0] =	vst v0  }
0x59: {  	[tilespmem:$0x1AE0] =	vst v0  }
0x5a: {  	[tilespmem:$0x1AF0] =	vst v0  }
0x5b: {  	[tilespmem:$0x1B00] =	vst v0  }
0x5c: {  	[tilespmem:$0x1B10] =	vst v0  }
0x5d: {  	[tilespmem:$0x1B20] =	vst v0  }
0x5e: {  	[tilespmem:$0x1B30] =	vst v0  }
0x5f: {  	[tilespmem:$0x1B40] =	vst v0  }
0x60: {  	[tilespmem:$0x1B50] =	vst v0  }
0x61: {  	[tilespmem:$0x1B60] =	vst v0  }
0x62: {  	[tilespmem:$0x1B70] =	vst v0  }
0x63: {  	[tilespmem:$0x1B80] =	vst v0  }
0x64: {  	[tilespmem:$0x1B90] =	vst v0  }
0x65: {  	[tilespmem:$0x1BA0] =	vst v0  }
0x66: {  	[tilespmem:$0x1BB0] =	vst v0  }
0x67: {  	[tilespmem:$0x1BC0] =	vst v0  }
0x68: {  	[tilespmem:$0x1BD0] =	vst v0  }
0x69: {  	[tilespmem:$0x1BE0] =	vst v0  }
0x6a: {  	[tilespmem:$0x1BF0] =	vst v0  }
0x6b: {  	[tilespmem:$0x1C00] =	vst v0  }
0x6c: {  	[tilespmem:$0x1C10] =	vst v0  }
0x6d: {  	[tilespmem:$0x1C20] =	vst v0  }
0x6e: {  	[tilespmem:$0x1C30] =	vst v0  }
0x6f: {  	[tilespmem:$0x1C40] =	vst v0  }
0x70: {  	[tilespmem:$0x1C50] =	vst v0  }
0x71: {  	[tilespmem:$0x1C60] =	vst v0  }
0x72: {  	[tilespmem:$0x1C70] =	vst v0  }
0x73: {  	[tilespmem:$0x1C80] =	vst v0  }
0x74: {  	[tilespmem:$0x1C90] =	vst v0  }
0x75: {  	[tilespmem:$0x1CA0] =	vst v0  }
0x76: {  	[tilespmem:$0x1CB0] =	vst v0  }
0x77: {  	[tilespmem:$0x1CC0] =	vst v0  }
0x78: {  	[tilespmem:$0x1CD0] =	vst v0  }
0x79: {  	[tilespmem:$0x1CE0] =	vst v0  }
0x7a: {  	[tilespmem:$0x1CF0] =	vst v0  }
0x7b: {  	[tilespmem:$0x1D00] =	vst v0  }
0x7c: {  	[tilespmem:$0x1D10] =	vst v0  }
0x7d: {  	[tilespmem:$0x1D20] =	vst v0  }
0x7e: {  	[tilespmem:$0x1D30] =	vst v0  }
0x7f: {  	[tilespmem:$0x1D40] =	vst v0  }
0x80: {  	[tilespmem:$0x1D50] =	vst v0  }
0x81: {  	[tilespmem:$0x1D60] =	vst v0  }
0x82: {  	[tilespmem:$0x1D70] =	vst v0  }
0x83: {  	[tilespmem:$0x1D80] =	vst v0  }
0x84: {  	[tilespmem:$0x1D90] =	vst v0  }
0x85: {  	[tilespmem:$0x1DA0] =	vst v0  }
0x86: {  	[tilespmem:$0x1DB0] =	vst v0  }
0x87: {  	[tilespmem:$0x1DC0] =	vst v0  }
0x88: {  	[tilespmem:$0x1DD0] =	vst v0  }
0x89: {  	[tilespmem:$0x1DE0] =	vst v0  }
0x8a: {  	[tilespmem:$0x1DF0] =	vst v0  }
0x8b: {  	[tilespmem:$0x1E00] =	vst v0  }
0x8c: {  	[tilespmem:$0x1E10] =	vst v0  }
0x8d: {  	[tilespmem:$0x1E20] =	vst v0  }
0x8e: {  	[tilespmem:$0x1E30] =	vst v0  }
0x8f: {  	[tilespmem:$0x1E40] =	vst v0  }
0x90: {  	[tilespmem:$0x1E50] =	vst v0  }
0x91: {  	[tilespmem:$0x1E60] =	vst v0  }
0x92: {  	[tilespmem:$0x1E70] =	vst v0  }
0x93: {  	[tilespmem:$0x1E80] =	vst v0  }
0x94: {  	[tilespmem:$0x1E90] =	vst v0  }
0x95: {  	[tilespmem:$0x1EA0] =	vst v0  }
0x96: {  	[tilespmem:$0x1EB0] =	vst v0  }
0x97: {  	[tilespmem:$0x1EC0] =	vst v0  }
0x98: {  	[tilespmem:$0x1ED0] =	vst v0  }
0x99: {  	[tilespmem:$0x1EE0] =	vst v0  }
0x9a: {  	[tilespmem:$0x1EF0] =	vst v0  }
0x9b: {  	[tilespmem:$0x1F00] =	vst v0  }
0x9c: {  	[tilespmem:$0x1F10] =	vst v0  }
0x9d: {  	[tilespmem:$0x1F20] =	vst v0  }
0x9e: {  	[tilespmem:$0x1F30] =	vst v0  }
0x9f: {  	[tilespmem:$0x1F40] =	vst v0  }
0xa0: {  	[tilespmem:$0x1F50] =	vst v0  }
0xa1: {  	[tilespmem:$0x1F60] =	vst v0  }
0xa2: {  	[tilespmem:$0x1F70] =	vst v0  }
0xa3: {  	[tilespmem:$0x1F80] =	vst v0  }
0xa4: {  	[tilespmem:$0x1F90] =	vst v0  }
0xa5: {  	[tilespmem:$0x1FA0] =	vst v0  }
0xa6: {  	[tilespmem:$0x1FB0] =	vst v0  }
0xa7: {  	[tilespmem:$0x1FC0] =	vst v0  }
0xa8: {  	[tilespmem:$0x1FD0] =	vst v0  }
0xa9: {  	[tilespmem:$0x1FE0] =	vst v0  }
0xaa: {  	[tilespmem:$0x1FF0] =	vst v0;
	s0 =	rddreg [dreg:$0x4]  }
0xab: {  	[spmem:s17], [sflag:s6] =	dma.local [hbm:s0], $0x310  }
0xac: {  	_ =	swait.ge [sflag:s18], $0x310  }
0xad: {  	[sflag:s18] =	ssyncset.done $0x0  }
0xae: {  	[sflag:s18] =	ssyncadd.s32 $0xFFFFFCF0  }
0xaf: {  	[bflag:$0x0] =	sbarrier.arrive $0xFFFF  }
0xb0: {  	s13 =	rddreg [dreg:$0x5]  }
0xb1: {  	[tilespmem:s3], [sflag:$0x1] =	stream.linear.gather [hbm4b:s13+s3], $0x800, $0x38;
	[tilespmem:$0x3880] =	vst v63  }
0xb2: {  	s14 =	rddreg [dreg:$0x8]  }
0xb3: {  	[tilespmem:s19], [sflag:$0x2] =	stream.linear.gather [hbm4b:s14+s3], $0x800, $0x38;
	[tilespmem:$0x3880] =	vst v63  }
0xb4: {  	_ =	swait.ge [sflag:s20], $0x800  }
0xb5: {  	[sflag:s20] =	ssyncset.done $0x0  }
0xb6: {  	[sflag:s20] =	ssyncadd.s32 $0xFFFFF800  }
0xb7: {  	[spmem:s2] =	stream.indirect.scatter.add.f32 [tilespmem:s21], [sflag:$0x4], $0x1, s3, s19, $0xb8;
	[tilespmem:$0x3880] =	vst v63  }
0xb8: {  	s16 =	rddreg [dreg:$0x9]  }
0xb9: {  	[tilespmem:s22], [sflag:$0x3] =	stream.linear.gather [hbm4b:s16+s3], $0x800, $0x38;
	[tilespmem:$0x3880] =	vst v63  }
0xba: {  	_ =	swait.ge [sflag:s23], $0x800  }
0xbb: {  	[sflag:s23] =	ssyncset.done $0x0  }
0xbc: {  	[sflag:s23] =	ssyncadd.s32 $0xFFFFF800  }
0xbd: {  	[spmem:s2] =	stream.indirect.scatter.add.f32 [tilespmem:s21], [sflag:$0x5], $0x1, s19, s19, $0xb8;
	[tilespmem:$0x3880] =	vst v63  }
0xbe: {  	_ =	swait.ge [sflag:s24], $0x800  }
0xbf: {  	[sflag:s24] =	ssyncset.done $0x0  }
0xc0: {  	[sflag:s24] =	ssyncadd.s32 $0xFFFFF800  }
0xc1: {  	[tilespmem:s3], [sflag:$0x1] =	stream.linear.gather [hbm4b:s15+s3], $0x800, $0x38;
	[tilespmem:$0x3880] =	vst v63  }
0xc2: {  	_ =	swait.ge [sflag:s25], $0x800  }
0xc3: {  	p0 =	sle.u32 s4, $0x3;
	[sflag:s25] =	ssyncset.done $0x0  }
0xc4: {  	s0 =	simm.s32 @!p0 $0x5;
	p1 =	sle.u32 @!p0 s4, $0x4;
	[sflag:s25] =	ssyncadd.s32 $0xFFFFF800  }
0xc5: {  	[spmem:s2] =	stream.indirect.scatter.add.f32 [tilespmem:s21], [sflag:$0x6], $0x1, s22, s19, $0xb8;
	[tilespmem:$0x3880] =	vst v63  }
0xc6: {  	p1 =	por p1, p0;
	_ =	swait.ge @!p0 [sflag:s0], $0x800  }
0xc7: {  	s5 =	simm.s32 @!p0 $0x1;
	s1 =	simm.s32 @!p1 $0x800;
	[sflag:s0] =	ssyncset.done @!p0 $0x0  }
0xc8: {  	s7 =	simm.s32 @!p1 $0x0;
	[sflag:s0] =	ssyncadd.s32 @!p0 $0xFFFFF800;
	s0 =	sadd.s32 @!p1 $0xFFFFFE00, s26  }
0xc9: {  	[tilespmem:s1], [sflag:$0x2] =	stream.linear.gather @!p1 [hbm4b:s0+s7], $0x800, $0x38;
	[tilespmem:$0x3880] =	vst v63  }
0xca: {  	_ =	swait.ge @!p0 [sflag:s5], $0x800  }
0xcb: {  	s0 =	simm.s32 @!p0 $0x0;
	s1 =	simm.s32 @!p0 $0x1800;
	[sflag:s5] =	ssyncset.done @!p0 $0x0  }
0xcc: {  	p1 =	sle.u32 s8, $0x3;
	[sflag:s5] =	ssyncadd.s32 @!p0 $0xFFFFF800;
	s5 =	simm.s32 @!p0 $0x800  }
0xcd: {  	[spmem:s2] =	stream.indirect.scatter.add.f32 @!p0 [tilespmem:s1], [sflag:$0x4], $0x1, s0, s5, $0xb8;
	[tilespmem:$0x3880] =	vst v63  }
0xce: {  	s0 =	simm.s32 @!p1 $0x6;
	p0 =	sle.u32 @!p1 s4, $0x5  }
0xcf: {  	s30 =	simm.s32 $0x9;
	_ =	swait.ge @!p1 [sflag:s0], $0x800;
	p0 =	por p0, p1  }
0xd0: {  	s5 =	simm.s32 @!p1 $0x2;
	[sflag:s0] =	ssyncset.done @!p1 $0x0;
	s1 =	simm.s32 @!p0 $0x1000  }
0xd1: {  	s7 =	simm.s32 @!p0 $0x0;
	[sflag:s0] =	ssyncadd.s32 @!p1 $0xFFFFF800;
	s0 =	sadd.s32 @!p0 $0xFFFFFF00, s26  }
0xd2: {  	[tilespmem:s1], [sflag:$0x3] =	stream.linear.gather @!p0 [hbm4b:s0+s7], $0x800, $0x38;
	[tilespmem:$0x3880] =	vst v63  }
0xd3: {  	s31 =	sadd.s32 $0x300, s26;
	s16 =	smov.u32 s26;
	_ =	swait.ge @!p1 [sflag:s5], $0x800  }
0xd4: {  	s0 =	simm.s32 @!p1 $0x1800;
	p0 =	sle.u32 s9, $0x3;
	[sflag:s5] =	ssyncset.done @!p1 $0x0  }
0xd5: {  	s7 =	simm.s32 @!p0 $0x4;
	[sflag:s5] =	ssyncadd.s32 @!p1 $0xFFFFF800;
	s5 =	simm.s32 @!p1 $0x800  }
0xd6: {  	[spmem:s2] =	stream.indirect.scatter.add.f32 @!p1 [tilespmem:s0], [sflag:$0x5], $0x1, s5, s5, $0xb8;
	[tilespmem:$0x3880] =	vst v63  }
0xd7: {  	s1 =	simm.s32 $0x6;
	p1 =	sle.u32 @!p0 s4, $0x6;
	_ =	swait.ge @!p0 [sflag:s7], $0x800  }
0xd8: {  	s11 =	simm.s32 @!p0 $0x3;
	p2 =	por p1, p0;
	[sflag:s7] =	ssyncset.done @!p0 $0x0  }
0xd9: {  	s0 =	simm.s32 $0xC;
	s5 =	simm.s32 @!p2 $0x0;
	[sflag:s7] =	ssyncadd.s32 @!p0 $0xFFFFF800  }
.LBB2_2:
0xda: {  	[tilespmem:s5], [sflag:$0x1] =	stream.linear.gather @!p2 [hbm4b:s16+s5], $0x800, $0x38;
	[tilespmem:$0x3880] =	vst v63  }
0xdb: {  	s7 =	smov.u32 s30;
	s30 =	smov.u32 s0;
	s16 =	smov.u32 s31  }
0xdc: {  	s5 =	sadd.s32 $0xFFFFFFFD, s0;
	p2 =	sge.u32 s1, s4;
	_ =	swait.ge @!p0 [sflag:s11], $0x800  }
0xdd: {  	s12 =	simm.s32 @!p2 $0x5;
	s13 =	sadd.s32 @!p2 $0xFFFFFFFE, s7;
	[sflag:s11] =	ssyncset.done @!p0 $0x0  }
0xde: {  	p1 =	sge.u32 @!p2 s13, s4;
	[sflag:s11] =	ssyncadd.s32 @!p0 $0xFFFFF800;
	s11 =	simm.s32 @!p0 $0x1800  }
0xdf: {  	s14 =	simm.s32 @!p0 $0x1000;
	s13 =	simm.s32 @!p0 $0x800;
	p3 =	por p1, p2  }
0xe0: {  	[spmem:s2] =	stream.indirect.scatter.add.f32 @!p0 [tilespmem:s11], [sflag:$0x6], $0x1, s14, s13, $0xb8;
	[tilespmem:$0x3880] =	vst v63  }
0xe1: {  	s0 =	sadd.s32 $0x3, s0;
	s11 =	simm.s32 @!p3 $0x800;
	_ =	swait.ge @!p2 [sflag:s12], $0x800  }
0xe2: {  	p1 =	sne.s32 s0, $0x66;
	s13 =	simm.s32 @!p2 $0x1;
	[sflag:s12] =	ssyncset.done @!p2 $0x0  }
0xe3: {  	s14 =	simm.s32 @!p3 $0x0;
	[sflag:s12] =	ssyncadd.s32 @!p2 $0xFFFFF800;
	s12 =	sadd.s32 @!p3 $0xFFFFFE00, s31  }
0xe4: {  	[tilespmem:s11], [sflag:$0x2] =	stream.linear.gather @!p3 [hbm4b:s12+s14], $0x800, $0x38;
	[tilespmem:$0x3880] =	vst v63  }
0xe5: {  	s11 =	simm.s32 @!p2 $0x0;
	_ =	swait.ge @!p2 [sflag:s13], $0x800  }
0xe6: {  	s12 =	simm.s32 @!p2 $0x1800;
	p3 =	sge.u32 s1, s8;
	[sflag:s13] =	ssyncset.done @!p2 $0x0  }
0xe7: {  	s14 =	sadd.s32 @!p3 $0xFFFFFFFF, s7;
	[sflag:s13] =	ssyncadd.s32 @!p2 $0xFFFFF800;
	s13 =	simm.s32 @!p2 $0x800  }
0xe8: {  	[spmem:s2] =	stream.indirect.scatter.add.f32 @!p2 [tilespmem:s12], [sflag:$0x4], $0x1, s11, s13, $0xb8;
	[tilespmem:$0x3880] =	vst v63  }
0xe9: {  	p0 =	sge.u32 @!p3 s14, s4;
	s11 =	simm.s32 @!p3 $0x6  }
0xea: {  	p0 =	por p0, p3;
	_ =	swait.ge @!p3 [sflag:s11], $0x800  }
0xeb: {  	s12 =	simm.s32 @!p0 $0x1000;
	s13 =	simm.s32 @!p3 $0x2;
	[sflag:s11] =	ssyncset.done @!p3 $0x0  }
0xec: {  	s14 =	simm.s32 @!p0 $0x0;
	[sflag:s11] =	ssyncadd.s32 @!p3 $0xFFFFF800;
	s11 =	sadd.s32 @!p0 $0xFFFFFF00, s31  }
0xed: {  	[tilespmem:s12], [sflag:$0x3] =	stream.linear.gather @!p0 [hbm4b:s11+s14], $0x800, $0x38;
	[tilespmem:$0x3880] =	vst v63  }
0xee: {  	s11 =	simm.s32 @!p3 $0x1800;
	_ =	swait.ge @!p3 [sflag:s13], $0x800  }
0xef: {  	p0 =	sge.u32 s1, s9;
	s1 =	simm.s32 @!p3 $0x800;
	[sflag:s13] =	ssyncset.done @!p3 $0x0  }
.Ltmp2:
0xf0: {  	s12 =	simm.s32 @!p0 $0x4;
	[sflag:s13] =	ssyncadd.s32 @!p3 $0xFFFFF800;
	(pc) =	sbr.rel @p1 .LBB2_2-.Ltmp2, $4  }
0xf1: {  	[spmem:s2] =	stream.indirect.scatter.add.f32 @!p3 [tilespmem:s11], [sflag:$0x5], $0x1, s1, s1, $0xb8;
	[tilespmem:$0x3880] =	vst v63  }
0xf2: {  	p2 =	sge.u32 @!p0 s7, s4;
	s11 =	simm.s32 @!p0 $0x3;
	_ =	swait.ge @!p0 [sflag:s12], $0x800  }
0xf3: {  	p2 =	por p2, p0;
	s1 =	smov.u32 s5;
	[sflag:s12] =	ssyncset.done @!p0 $0x0  }
0xf4: {  	s31 =	sadd.s32 $0x300, s31;
	s5 =	simm.s32 @!p2 $0x0;
	[sflag:s12] =	ssyncadd.s32 @!p0 $0xFFFFF800  }
0xf5: {  	[tilespmem:s5], [sflag:$0x1] =	stream.linear.gather @!p2 [hbm4b:s16+s5], $0x800, $0x38;
	[tilespmem:$0x3880] =	vst v63  }
0xf6: {  	p1 =	sge.u32 s1, s4  }
0xf7: {  	s7 =	simm.s32 @!p0 $0x800;
	_ =	swait.ge @!p0 [sflag:s11], $0x800;
	s0 =	sadd.s32 @!p1 $0xFFFFFFFE, s30  }
0xf8: {  	s5 =	simm.s32 @!p1 $0x5;
	[sflag:s11] =	ssyncset.done @!p0 $0x0;
	p2 =	sge.u32 @!p1 s0, s4  }
0xf9: {  	s0 =	simm.s32 @!p0 $0x1800;
	[sflag:s11] =	ssyncadd.s32 @!p0 $0xFFFFF800;
	s11 =	simm.s32 @!p0 $0x1000  }
0xfa: {  	[spmem:s2] =	stream.indirect.scatter.add.f32 @!p0 [tilespmem:s0], [sflag:$0x6], $0x1, s11, s7, $0xb8;
	[tilespmem:$0x3880] =	vst v63  }
0xfb: {  	p0 =	por p2, p1;
	_ =	swait.ge @!p1 [sflag:s5], $0x800  }
0xfc: {  	s7 =	simm.s32 @!p1 $0x1;
	s0 =	simm.s32 @!p0 $0x800;
	[sflag:s5] =	ssyncset.done @!p1 $0x0  }
0xfd: {  	s11 =	simm.s32 @!p0 $0x0;
	[sflag:s5] =	ssyncadd.s32 @!p1 $0xFFFFF800;
	s5 =	sadd.s32 @!p0 $0xFFFFFE00, s31  }
0xfe: {  	[tilespmem:s0], [sflag:$0x2] =	stream.linear.gather @!p0 [hbm4b:s5+s11], $0x800, $0x38;
	[tilespmem:$0x3880] =	vst v63  }
0xff: {  	s0 =	simm.s32 @!p1 $0x0;
	_ =	swait.ge @!p1 [sflag:s7], $0x800  }
0x100: {  	s5 =	simm.s32 @!p1 $0x1800;
	p0 =	sge.u32 s1, s8;
	[sflag:s7] =	ssyncset.done @!p1 $0x0  }
0x101: {  	s11 =	sadd.s32 @!p0 $0xFFFFFFFF, s30;
	[sflag:s7] =	ssyncadd.s32 @!p1 $0xFFFFF800;
	s7 =	simm.s32 @!p1 $0x800  }
0x102: {  	[spmem:s2] =	stream.indirect.scatter.add.f32 @!p1 [tilespmem:s5], [sflag:$0x4], $0x1, s0, s7, $0xb8;
	[tilespmem:$0x3880] =	vst v63  }
0x103: {  	s0 =	simm.s32 @!p0 $0x6;
	p1 =	sge.u32 @!p0 s11, s4  }
0x104: {  	_ =	swait.ge @!p0 [sflag:s0], $0x800;
	p1 =	por p1, p0  }
0x105: {  	s7 =	simm.s32 @!p0 $0x2;
	[sflag:s0] =	ssyncset.done @!p0 $0x0;
	s5 =	simm.s32 @!p1 $0x1000  }
0x106: {  	s11 =	simm.s32 @!p1 $0x0;
	[sflag:s0] =	ssyncadd.s32 @!p0 $0xFFFFF800;
	s0 =	sadd.s32 @!p1 $0xFFFFFF00, s31  }
0x107: {  	[tilespmem:s5], [sflag:$0x3] =	stream.linear.gather @!p1 [hbm4b:s0+s11], $0x800, $0x38;
	[tilespmem:$0x3880] =	vst v63  }
0x108: {  	_ =	swait.ge @!p0 [sflag:s7], $0x800  }
0x109: {  	s0 =	simm.s32 @!p0 $0x1800;
	p1 =	sge.u32 s1, s9;
	[sflag:s7] =	ssyncset.done @!p0 $0x0  }
0x10a: {  	s1 =	simm.s32 @!p0 $0x800;
	s5 =	simm.s32 @!p1 $0x4;
	[sflag:s7] =	ssyncadd.s32 @!p0 $0xFFFFF800  }
0x10b: {  	[spmem:s2] =	stream.indirect.scatter.add.f32 @!p0 [tilespmem:s0], [sflag:$0x5], $0x1, s1, s1, $0xb8;
	[tilespmem:$0x3880] =	vst v63  }
0x10c: {  	p0 =	sge.u32 @!p1 s30, s4;
	_ =	swait.ge @!p1 [sflag:s5], $0x800  }
0x10d: {  	p0 =	por p0, p1;
	[sflag:s5] =	ssyncset.done @!p1 $0x0  }
0x10e: {  	s0 =	simm.s32 @!p1 $0x3;
	s1 =	simm.s32 @!p0 $0x0;
	[sflag:s5] =	ssyncadd.s32 @!p1 $0xFFFFF800  }
0x10f: {  	[tilespmem:s1], [sflag:$0x1] =	stream.linear.gather @!p0 [hbm4b:s31+s1], $0x800, $0x38;
	[tilespmem:$0x3880] =	vst v63  }
0x110: {  	_ =	swait.ge @!p1 [sflag:s0], $0x800  }
0x111: {  	s5 =	simm.s32 @!p1 $0x1000;
	[sflag:s0] =	ssyncset.done @!p1 $0x0  }
0x112: {  	s1 =	simm.s32 @!p1 $0x800;
	[sflag:s0] =	ssyncadd.s32 @!p1 $0xFFFFF800;
	s0 =	simm.s32 @!p1 $0x1800  }
0x113: {  	[spmem:s2] =	stream.indirect.scatter.add.f32 @!p1 [tilespmem:s0], [sflag:$0x6], $0x1, s5, s1, $0xb8;
	[tilespmem:$0x3880] =	vst v63  }
0x114: {  	s0 =	sand.u32 $0xFF, s10  }
0x115: {  	p0 =	sne.s32 s0, $0x0  }
.Ltmp3:
0x116: {  	_ = 	snop;
	(pc) =	sbr.rel @!p0 .LBB2_4-.Ltmp3, $1  }
0x117: {  	_ =	sdelay $0x3  }
0x118: {  	p0 =	seq.s32 s0, $0x1  }
0x119: {  	s0 =	sand.u32 @!p0 $0xFF, s10  }
0x11a: {  	p1 =	seq.s32 @!p0 s0, $0x2  }
0x11b: {  	_ =	swait.ge [sflag:s24], $0x800;
	p1 =	por p0, !p1  }
.Ltmp4:
0x11c: {  	[sflag:s24] =	ssyncset.done $0x0;
	(pc) =	sbr.rel @!p1 .LBB2_7-.Ltmp4, $4  }
.Ltmp5:
0x11d: {  	s1 =	simm.s32 @!p0 $0x5;
	[sflag:s24] =	ssyncadd.s32 $0xFFFFF800;
	(pc) =	sbr.rel @p1 .LBB2_6-.Ltmp5, $4  }
0x11e: {  	_ =	swait.ge @!p0 [sflag:s1], $0x800  }
0x11f: {  	[sflag:s1] =	ssyncset.done @!p0 $0x0  }
0x120: {  	[sflag:s1] =	ssyncadd.s32 @!p0 $0xFFFFF800  }
0x121: {  	_ = 	snop  }
.LBB2_8:
0x122: {  	_ =	sfence.sel $0x180000  }
0x123: {  	[bflag:$0x0] =	sbarrier.arrive $0xFFFF  }
0x124: {  	_ =	strace $0x9000004A  }
0x125: {  	s0 =	stileid.u32;
	[bflag:$0x2] =	sbarrier.arrive $0xFFFF  }
0x126: {  	p0 =	sne.s32 s0, $0x0;
	s0 =	rddreg [dreg:$0x3]  }
0x127: {  	s0 =	sadd.s32 @!p0 $0x100000, s0  }
0x128: {  	[sflag:s0] =	ssyncadd.tile.s32 @!p0 $0x1;
	_ =	shalt  }
.Lfunc_end2:
_tile_overlayer_lowered:
.L_overlay_start_2:
0x129: {  	(tag) =	ssettag $0x2  }
0x12a: {  	s0 =	rddreg [dreg:$0x0];
	s2 =	stileid.u32  }
0x12b: {  	s1 =	rddreg [dreg:$0x1];
	p0 =	sne.s32 s2, $0x0  }
0x12c: {  	s3 =	rddreg [dreg:$0x2];
	[bflag:$0x3] =	sbarrier.arrive $0xFFFF;
	s2 =	simm.s32 @!p0 $0x1C07  }
0x12d: {  	[timem:s3], [sflag:s2] =	dma.local @!p0 [hbm:s0], s1  }
0x12e: {  	s0 =	simm.s32 @!p0 $0x7  }
0x12f: {  	_ =	swait.ge @!p0 [sflag:s0], s1  }
0x130: {  	s1 =	ssub.s32 @!p0 $0x0, s1;
	[sflag:s0] =	ssyncset.done @!p0 $0x0  }
0x131: {  	[sflag:s0] =	ssyncadd.s32 @!p0 s1  }
0x132: {  	[bflag:$0x3] =	sbarrier.arrive $0xFFFF  }
0x133: {  	_ =	shalt  }

// kernel: sparse-core-data-format-call.cloned.1.call-start
scs
called_computation_lowered:
.L_overlay_start_0:
0x0: {  	s2 =	sld [smem:$0x3FD9]  }
0x1: {  	s3 =	sld [smem:$0x3FFE];
	_ =	sdelay $0x1  }
0x2: {  	s1 =	srdreg.scid  }
0x3: {  	s0 =	sand.u32 $0x1, s1  }
0x4: {  	s18 =	sshll.u32 s0, $0xA;
	s2 =	sadd.s32 s3, s2  }
0x5: {  	s2 =	sadd.s32 s2, s18  }
0x6: {  	[smem:$0x3FC2] =	sst s2  }
0x7: {  	_ = 	snop  }
0x8: {  	s2 =	sld [smem:$0x3FC8];
	(tm) =	ssettm $0x1  }
0x9: {  	s19 =	sld [smem:$0x3FFB];
	_ =	sdelay $0x3  }
0xa: {  	_ =	strace s19  }
0xb: {  	s3 =	sld [smem:$0x3FFC];
	_ =	sdelay $0x3  }
0xc: {  	_ =	strace s3  }
0xd: {  	s3 =	sld [smem:$0x3FFD];
	_ =	sdelay $0x3  }
0xe: {  	_ =	strace s3  }
0xf: {  	_ =	strace $0x8FFFFFFF  }
0x10: {  	s20 =	sld [smem:$0x3FDB];
	_ =	sdelay $0x1  }
0x11: {  	s4 =	simm.s32 $_scs_section_size  }
0x12: {  	s5 =	simm.s32 $_size__tile_overlayer_lowered;
	s6 =	simm.s32 $_tile_overlayer_lowered  }
0x13: {  	s23 =	simm.s32 $0x1BFF;
	s22 =	sshll.u32 s6, $0x1;
	s3 =	sadd.s32 s4, s20  }
0x14: {  	s7 =	simm.s32 $0x0;
	s21 =	sshll.u32 s5, $0x1;
	s5 =	sadd.s32 s22, s3  }
0x15: {  	[timem:s7], [sflag:s23] =	dma.local [hbm:s5], s21  }
0x16: {  	_ =	swait.ge [sflag:s23], s21  }
0x17: {  	s4 =	ssub.s32 $0x0, s21;
	[sflag:s23] =	ssyncset.done $0x0  }
0x18: {  	[sflag:s23] =	ssyncadd.s32 s4;
	_ =	sdelay $0x1  }
0x19: {  	s24 =	simm.s32 $0x1B8B  }
0x1a: {  	_ =	swait.ge [sflag:s24], $0x1  }
0x1b: {  	[sflag:s24] =	ssyncset.done $0x0  }
0x1c: {  	s26 =	simm.s32 $0x1B8E;
	s25 =	sld [smem:$0x3FFE];
	[sflag:s24] =	ssyncadd.s32 $0xFFFFFFFF  }
0x1d: {  	s27 =	simm.s32 $execute0_lowered;
	[smem:$0x3FD2] =	sst s26  }
0x1e: {  	s5 =	sshll.u32 s27, $0x1;
	_ =	strace $0x80000046;
	[dreg:$0x1] =	wrdreg $0xFFFFFFFF  }
0x1f: {  	s28 =	simm.s32 $_size_execute0_lowered;
	s3 =	sadd.s32 s3, s5;
	[dreg:$0x0] =	wrdreg $0x0  }
0x20: {  	s5 =	sshll.u32 s28, $0x1;
	[dreg:$0x2] =	wrdreg s3  }
0x21: {  	[dreg:$0x3] =	wrdreg s5  }
0x22: {  	[dreg:$0x4] =	wrdreg $0xC0  }
0x23: {  	_ =	task [dreg:s7], $0x5FFFF  }
0x24: {  	[dreg:$0x1] =	wrdreg $0xFFFFFFFF  }
0x25: {  	[dreg:$0x0] =	wrdreg $0x60  }
0x26: {  	[dreg:$0x2] =	wrdreg s2  }
0x27: {  	[dreg:$0x3] =	wrdreg s25  }
0x28: {  	[dreg:$0x4] =	wrdreg $0x9  }
0x29: {  	_ =	task.clear_ibuf [dreg:s7], $0x5FFFF;
	_ =	strace $0x90000046  }
0x2a: {  	s29 =	simm.s32 $0x9;
	_ =	strace $0x80000048  }
0x2b: {  	_ =	swait.ge [sflag:s29], $0x1  }
0x2c: {  	[sflag:s29] =	ssyncadd.s32 $0xFFFFFFFF  }
0x2d: {  	_ =	strace $0x90000048  }
0x2e: {  	_ =	sfence  }
0x2f: {  	s30 =	sld [smem:$0x0];
	_ =	sdelay $0x2  }
0x30: {  	s31 =	sshll.u32 s1, $0xD;
	s1 =	sshrl.u32 s1, $0x2  }
0x31: {  	s3 =	sand.u32 $0x4000, s31;
	s1 =	sadd.s32 s1, s30  }
0x32: {  	s0 =	sor.u32 s3, s0;
	s1 =	sshll.u32 s1, $0x11  }
0x33: {  	s0 =	sor.u32 s1, s0  }
0x34: {  	s0 =	sadd.s32 $0x8F2B, s0  }
0x35: {  	[sflag:s0] =	ssyncadd.remote.s32 $0x1  }
0x36: {  	_ =	sfence.sel $0xFFFF  }
0x37: {  	[dreg:$0x0] =	wrdreg $0xFFFFFFFF;
	(pc) =	sbr.abs _section_cstart, $3  }
0x38: {  	[dreg:$0x1] =	wrdreg $0xFFFFFFFF  }
0x39: {  	_ =	task.clear_ibuf [dreg:s7], $0x2FFFF;
	_ =	strace $0x9FFFFFFF  }
0x3a: {  	(tm) =	ssettm $0x7FFFFFFF  }
0x3b: {  	_ =	shalt  }
tec
execute0_lowered:
.L_overlay_start_1:
0x0: {  	(tag) =	ssettag $0x1  }
0x1: {  	s0 =	stileid.u32;
	s7 =	rddreg [dreg:$0x0]  }
0x2: {  	s1 =	srdreg.scid;
	s4 =	rddreg [dreg:$0x1]  }
0x3: {  	s30 =	simm.s32 $0x2;
	s10 =	simm.s32 $0x0;
	s14 =	simm.s32 $0x0  }
0x4: {  	s15 =	simm.s32 $0x0;
	s11 =	simm.s32 $0x0;
	s13 =	simm.s32 $0x0  }
0x5: {  	s2 =	sand.u32 $0x1, s1;
	s3 =	sshll.u32 s0, $0x7;
	s1 =	rddreg [dreg:$0x2]  }
0x6: {  	_ =	strace $0x80000047;
	s5 =	ssub.s32 $0xC300, s3;
	s6 =	ssub.s32 $0x2, s2  }
.Ltmp0:
0x7: {  	s5 =	sshrl.u32 s5, $0xB;
	s8 =	sshrl.u32 s6, $0x1;
	(pc) =	sbr.rel .LBB1_1-.Ltmp0, $4  }
0x8: {  	s4 =	sadd.s32 $0x2800, s4;
	s9 =	sadd.s32 $0x1, s5;
	s6 =	ssub.s32 s6, s8  }
0x9: {  	s31 =	sshll.u32 s2, $0x4;
	s5 =	simm.s32 $0x1;
	s6 =	smul.u32 s9, s6  }
0xa: {  	s12 =	smov.u32 s3;
	s7 =	sadd.s32 s7, s31;
	[sflag:s5] =	ssyncpa.u1 $0x0  }
0xb: {  	s9 =	simm.s32 $0x0;
	[sflag:s30] =	ssyncpa.u1 $0x0;
	s8 =	sadd.s32 $0x1, s6  }
.LBB1_4:
0xc: {  	s21 =	simm.s32 $0x0  }
.LBB1_8:
0xd: {  	_ =	sdelay $0x3  }
0xe: {  	v6 =	vld [tilespmem:s18+$0xFFFFFFC0];
	[tilespmem:v0+s20+$0x30 ss:$0x1] =	vst.idx.msk @p0 $0xffff, v2  }
0xf: {  	v58 =	vld [tilespmem:s18+$0xFFFFFFD0];
	[tilespmem:v0+s20+$0x40 ss:$0x1] =	vst.idx.msk @p0 $0xffff, v3;
	s21 =	sadd.s32 @p0 $0x80, s21  }
0x10: {  	v59 =	vld [tilespmem:s18+$0xFFFFFFE0];
	[tilespmem:v0+s20+$0x50 ss:$0x1] =	vst.idx.msk @p0 $0xffff, v5;
	s19 =	smov.u32 @p0 s21  }
0x11: {  	v60 =	vld [tilespmem:s18+$0xFFFFFFF0];
	[tilespmem:v0+s20+$0x60 ss:$0x1] =	vst.idx.msk @p0 $0xffff, v4;
	s19 =	sand.u32 $0x3F80, s19  }
0x12: {  	v61 =	vld [tilespmem:s18+$0x0];
	[tilespmem:v0+s19+$0x70 ss:$0x1] =	vst.idx.msk $0xffff, v1  }
0x13: {  	v62 =	vld [tilespmem:s18+$0x10];
	[tilespmem:v0+s19+$0x0 ss:$0x1] =	vst.idx.msk $0xffff, v6  }
0x14: {  	v63 =	vld [tilespmem:s18+$0x20];
	[tilespmem:v0+s19+$0x10 ss:$0x1] =	vst.idx.msk $0xffff, v58  }
0x15: {  	[tilespmem:v0+s19+$0x20 ss:$0x1] =	vst.idx.msk $0xffff, v59  }
0x16: {  	[tilespmem:v0+s19+$0x30 ss:$0x1] =	vst.idx.msk $0xffff, v60  }
0x17: {  	[tilespmem:v0+s19+$0x40 ss:$0x1] =	vst.idx.msk $0xffff, v61  }
0x18: {  	[tilespmem:v0+s19+$0x50 ss:$0x1] =	vst.idx.msk $0xffff, v62  }
0x19: {  	[tilespmem:v0+s19+$0x60 ss:$0x1] =	vst.idx.msk $0xffff, v63  }
.LBB1_9:
0x1a: {  	s18 =	sand.u32 $0x1FFFFFF, s11  }
0x1b: {  	s19 =	smulhi.u32 $0x14F8B59, s18;
	_ =	sdelay $0x1  }
0x1c: {  	s19 =	sshrl.u32 s19, $0x8  }
0x1d: {  	s19 =	smul.u32 $0xC350, s19  }
0x1e: {  	s15 =	smul.u32 $0xC3500, s15  }
0x1f: {  	s18 =	ssub.s32 s18, s19  }
0x20: {  	s15 =	sadd.s32 s4, s15;
	s18 =	sshll.u32 s18, $0x4  }
0x21: {  	s15 =	sadd.s32 s18, s15  }
0x22: {  	[hbm4b:s15+s9] =	stream.linear.scatter [tilespmem:s17], [sflag:$0x2], s16, $0x38;
	[tilespmem:$0x10000] =	vst v63  }
.LBB1_10:
0x23: {  	p0 =	slt.u32 s13, $0x2  }
0x24: {  	p1 =	sgt.s32 @!p0 s14, $0xC2D0  }
0x25: {  	s15 =	smov.u32 s14;
	s16 =	sshra.s32 @!p0 s14, $0x1F;
	p1 =	por !p1, p0  }
0x26: {  	s14 =	sand.u32 @!p0 s16, s14;
	s15 =	simm.s32 @p1 $0xC2D0  }
0x27: {  	s14 =	ssub.s32 @!p0 s15, s14  }
0x28: {  	s14 =	sadd.s32 @!p0 $0xFFFF3D30, s14  }
0x29: {  	s15 =	sshll.u32 @!p0 s14, $0x7  }
0x2a: {  	p1 =	sgt.s32 @!p0 s14, $0x7F;
	s14 =	ssub.s32 @!p0 $0x4000, s15  }
0x2b: {  	s16 =	sadd.s32 $0x800, s12;
	p1 =	por !p1, p0;
	s14 =	sand.u32 @!p0 $0x3FFFFF80, s14  }
0x2c: {  	s14 =	simm.s32 @!p1 $0x0;
	p1 =	sgt.s32 s16, $0xC34F  }
0x2d: {  	s16 =	smov.u32 @p1 s3;
	p1 =	sne.s32 s13, s8  }
.Ltmp1:
0x2e: {  	_ = 	snop;
	(pc) =	sbr.rel @!p1 .LBB1_11-.Ltmp1, $4  }
0x2f: {  	s10 =	sadd.s32 $0x4000, s10;
	s15 =	simm.s32 @!p0 $0x2  }
0x30: {  	_ =	swait.ge @!p0 [sflag:s15], s14;
	s17 =	ssub.s32 @!p0 $0x0, s14;
	s14 =	smov.u32 s11  }
0x31: {  	s13 =	sadd.s32 $0x1, s13;
	s11 =	smov.u32 s12;
	[sflag:s15] =	ssyncset.done @!p0 $0x0  }
0x32: {  	s12 =	smov.u32 s16;
	[sflag:s15] =	ssyncadd.s32 @!p0 s17;
	s15 =	smov.u32 s2  }
.LBB1_1:
0x33: {  	p0 =	sge.u32 s13, s6  }
0x34: {  	p1 =	sgt.s32 @!p0 s12, $0xC2D0  }
0x35: {  	s16 =	smov.u32 s12;
	s17 =	sshra.s32 @!p0 s12, $0x1F;
	p1 =	por !p1, p0  }
0x36: {  	s17 =	sand.u32 @!p0 s17, s12;
	s16 =	simm.s32 @p1 $0xC2D0  }
0x37: {  	s16 =	ssub.s32 @!p0 s16, s17  }
0x38: {  	s31 =	sadd.s32 $0xFFFFFFFF, s13;
	s18 =	sxor.u32 @!p0 $0xFFFFFFFF, s13;
	s16 =	sadd.s32 @!p0 $0xFFFF3D30, s16  }
0x39: {  	s19 =	simm.s32 @!p0 $0x80;
	s20 =	simm.s32 @!p0 $0x100;
	s17 =	sshll.u32 @!p0 s16, $0x7  }
0x3a: {  	p1 =	sgt.s32 @!p0 s16, $0x7F;
	s16 =	ssub.s32 @!p0 $0x4000, s17;
	s17 =	sshll.u32 @!p0 s18, $0xE  }
0x3b: {  	p1 =	por !p1, p0;
	s18 =	sshll.u32 @!p0 s12, $0x5;
	s16 =	sand.u32 @!p0 $0x3FFFFF80, s16  }
0x3c: {  	s17 =	sand.u32 @!p0 $0x4000, s17;
	s18 =	sadd.s32 @!p0 s18, s7;
	s16 =	simm.s32 @!p1 $0x0  }
0x3d: {  	[tilespmem:s17], [sflag:$0x1] =	stream.strided.gather @!p0 [hbm4b:s18+s19], s16, s20, s19, $0x38;
	[tilespmem:$0x10000] =	vst v63  }
0x3e: {  	p0 =	sge.u32 s31, s6  }
.Ltmp2:
0x3f: {  	_ = 	snop;
	(pc) =	sbr.rel @p0 .LBB1_10-.Ltmp2, $1  }
0x40: {  	_ =	sdelay $0x3  }
0x41: {  	p0 =	sgt.s32 s11, $0xC2D0;
	s16 =	smov.u32 s11;
	s17 =	sshra.s32 s11, $0x1F  }
0x42: {  	s16 =	simm.s32 @!p0 $0xC2D0;
	s17 =	sand.u32 s17, s11  }
0x43: {  	s16 =	ssub.s32 s16, s17  }
0x44: {  	s16 =	sadd.s32 $0xFFFF3D30, s16  }
0x45: {  	s30 =	sshll.u32 s16, $0x7  }
0x46: {  	s17 =	ssub.s32 $0x4000, s30  }
0x47: {  	p0 =	sgt.s32 s16, $0x7F;
	s16 =	sand.u32 $0x3FFFFF80, s17;
	s17 =	sadd.s32 $0x80, s11  }
0x48: {  	s16 =	simm.s32 @p0 $0x0;
	p0 =	slt.s32 s17, $0xC350  }
0x49: {  	s17 =	simm.s32 @!p0 $0xC350  }
0x4a: {  	s20 =	ssub.s32 s17, s11  }
0x4b: {  	p0 =	slt.s32 s20, $0x1  }
.Ltmp3:
0x4c: {  	_ = 	snop;
	(pc) =	sbr.rel @p0 .LBB1_9-.Ltmp3, $4  }
0x4d: {  	_ = 	snop  }
0x4e: {  	s19 =	sshll.u32 s13, $0xE;
	_ =	swait.ge [sflag:s5], s16  }
0x4f: {  	s31 =	sand.u32 $0x4000, s19;
	s18 =	ssub.s32 $0x0, s16;
	[sflag:s5] =	ssyncset.done $0x0  }
0x50: {  	s17 =	sor.u32 $0x8000, s31;
	[sflag:s5] =	ssyncadd.s32 s18  }
0x51: {  	p1 =	sne.s32 s20, $0x1  }
.Ltmp4:
0x52: {  	v0 =	vmov s17;
	(pc) =	sbr.rel @!p1 .LBB1_4-.Ltmp4, $4  }
0x53: {  	_ = 	snop  }
0x54: {  	s18 =	sand.u32 $0x4000, s10  }
0x55: {  	s18 =	sor.u32 $0x40, s18  }
0x56: {  	s19 =	simm.s32 $0x0;
	s21 =	sadd.s32 $0xFFFFFFFF, s20;
	p0 =	por $0x0, $0x0;
	v1 =	vld [tilespmem:s18+$0x30]  }
0x57: {  	v4 =	vld [tilespmem:s18+$0xFFFFFFC0]  }
0x58: {  	v6 =	vld [tilespmem:s18+$0xFFFFFFD0]  }
0x59: {  	v7 =	vld [tilespmem:s18+$0xFFFFFFE0];
	p1 =	sne.s32 s21, $0x1  }
.Ltmp5:
0x5a: {  	v2 =	vld [tilespmem:s18+$0xFFFFFFF0];
	s20 =	sand.u32 $0x3F80, s19;
	(pc) =	sbr.rel @!p1 .LBB1_6-.Ltmp5, $4  }
0x5b: {  	v3 =	vld [tilespmem:s18+$0x0];
	[tilespmem:v0+s20+$0x70 ss:$0x1] =	vst.idx.msk $0xffff, v1  }
0x5c: {  	v5 =	vld [tilespmem:s18+$0x10];
	[tilespmem:v0+s20+$0x0 ss:$0x1] =	vst.idx.msk $0xffff, v4  }
0x5d: {  	v4 =	vld [tilespmem:s18+$0x20];
	[tilespmem:v0+s20+$0x10 ss:$0x1] =	vst.idx.msk $0xffff, v6;
	s18 =	sadd.s32 $0x80, s18  }
0x5e: {  	s22 =	sadd.s32 $0xFFFFFFFF, s21;
	p0 =	por $0x1, $0x1;
	s21 =	simm.s32 $0x0;
	[tilespmem:v0+s20+$0x20 ss:$0x1] =	vst.idx.msk $0xffff, v7;
	v1 =	vld [tilespmem:s18+$0x30]  }
.LBB1_7:
0x5f: {  	p1 =	sne.s32 s22, $0x1;
	v6 =	vld [tilespmem:s18+$0xFFFFFFC0];
	[tilespmem:v0+s20+$0x30 ss:$0x1] =	vst.idx.msk $0xffff, v2  }
0x60: {  	v7 =	vld [tilespmem:s18+$0xFFFFFFD0];
	[tilespmem:v0+s20+$0x40 ss:$0x1] =	vst.idx.msk $0xffff, v3  }
0x61: {  	s21 =	sadd.s32 $0x80, s21;
	v8 =	vld [tilespmem:s18+$0xFFFFFFE0];
	[tilespmem:v0+s20+$0x50 ss:$0x1] =	vst.idx.msk $0xffff, v5  }
.Ltmp6:
0x62: {  	v2 =	vld [tilespmem:s18+$0xFFFFFFF0];
	[tilespmem:v0+s20+$0x60 ss:$0x1] =	vst.idx.msk $0xffff, v4;
	s20 =	sand.u32 $0x3F80, s21;
	(pc) =	sbr.rel @p1 .LBB1_7-.Ltmp6, $4  }
0x63: {  	v3 =	vld [tilespmem:s18+$0x0];
	[tilespmem:v0+s20+$0x70 ss:$0x1] =	vst.idx.msk $0xffff, v1  }
0x64: {  	[tilespmem:v0+s20+$0x0 ss:$0x1] =	vst.idx.msk $0xffff, v6;
	v5 =	vld [tilespmem:s18+$0x10]  }
0x65: {  	[tilespmem:v0+s20+$0x10 ss:$0x1] =	vst.idx.msk $0xffff, v7;
	v4 =	vld [tilespmem:s18+$0x20];
	s18 =	sadd.s32 $0x80, s18  }
0x66: {  	s22 =	sadd.s32 $0xFFFFFFFF, s22;
	v1 =	vld [tilespmem:s18+$0x30];
	[tilespmem:v0+s20+$0x20 ss:$0x1] =	vst.idx.msk $0xffff, v8  }
.Ltmp7:
0x67: {  	_ = 	snop;
	(pc) =	sbr.rel .LBB1_8-.Ltmp7, $1  }
0x68: {  	_ =	sdelay $0x3  }
.LBB1_6:
.Ltmp8:
0x69: {  	(pc) =	sbr.rel .LBB1_8-.Ltmp8, $2  }
0x6a: {  	_ =	sdelay $0x2  }
0x6b: {  	s21 =	simm.s32 $0x0  }
.LBB1_11:
0x6c: {  	_ =	sfence.sel $0x180000  }
0x6d: {  	s2 =	simm.s32 $0x1;
	[bflag:$0x0] =	sbarrier.arrive $0xFFFF  }
0x6e: {  	s31 =	simm.s32 $0x2;
	[sflag:s2] =	ssyncpa.u1 $0x1  }
0x6f: {  	[sflag:s31] =	ssyncpa.u1 $0x1  }
0x70: {  	p0 =	sne.s32 s0, $0x0;
	_ =	strace $0x90000047  }
0x71: {  	s0 =	sadd.s32 @!p0 $0x100000, s1;
	[bflag:$0x2] =	sbarrier.arrive $0xFFFF  }
0x72: {  	[sflag:s0] =	ssyncadd.tile.s32 @!p0 $0x1;
	_ =	shalt  }
.Lfunc_end1:
_tile_overlayer_lowered:
.L_overlay_start_2:
0x73: {  	(tag) =	ssettag $0x2  }
0x74: {  	s0 =	rddreg [dreg:$0x0];
	s2 =	stileid.u32  }
0x75: {  	s1 =	rddreg [dreg:$0x1];
	p0 =	sne.s32 s2, $0x0  }
0x76: {  	s3 =	rddreg [dreg:$0x2];
	[bflag:$0x3] =	sbarrier.arrive $0xFFFF;
	s2 =	simm.s32 @!p0 $0x1C01  }
0x77: {  	[timem:s3], [sflag:s2] =	dma.local @!p0 [hbm:s0], s1  }
0x78: {  	s0 =	simm.s32 @!p0 $0x1  }
0x79: {  	_ =	swait.ge @!p0 [sflag:s0], s1  }
0x7a: {  	s1 =	ssub.s32 @!p0 $0x0, s1;
	[sflag:s0] =	ssyncset.done @!p0 $0x0  }
0x7b: {  	[sflag:s0] =	ssyncadd.s32 @!p0 s1  }
0x7c: {  	[bflag:$0x3] =	sbarrier.arrive $0xFFFF  }
0x7d: {  	_ =	shalt  }

</sc_bundles>
